<compile_context>
chip_gen: v7x
topology: tpu7x:2x2x1
jax: 0.10.2.dev20260603
libtpu: 0.0.44.dev20260713+nightly
codegen_flags: <defaults>
</compile_context>

<pallas_src>
import functools

import jax
import jax.numpy as jnp
from jax import lax
from jax.experimental import pallas as pl
from jax.experimental.pallas import tpu as pltpu
from jax.experimental.pallas import tpu_sc as plsc

N = 10000
D = 128
G = 64
DO = 512
NC, NS, L = 2, 16, 16
NW = NC * NS
K = 128
NP = 10240
ROWS_PT = NP // NS
DEGW = 128
BM = 512


def _sc_mesh():
    return plsc.VectorSubcoreMesh(
        core_axis_name="c", subcore_axis_name="s", num_cores=NC, num_subcores=NS)


def _num_chunks(num_edges):
    return -(-num_edges // (NW * K))



NPR = NP // 128
DROWS_PT = 8


DBUF = 3


def _deg_body(cpt, dst_hbm, eye_hbm, degp_hbm,
              d0, d1, d2, c0, c1, c2, r0, r1, r2, zrow_v, deg_sp,
              i0, i1, i2, g0, g1, g2, x0, x1, x2):
    didx = (d0, d1, d2)
    cidx = (c0, c1, c2)
    rows = (r0, r1, r2)
    isem = (i0, i1, i2)
    gsem = (g0, g1, g2)
    ssem = (x0, x1, x2)
    c = lax.axis_index("c")
    s = lax.axis_index("s")
    wid = c * NS + s
    base = wid * (cpt * KM)

    def fill_zero(r, _):
        for j in range(DEGW // L):
            zrow_v[r, pl.ds(j * L, L)] = jnp.zeros((L,), jnp.float32)
        return 0
    lax.fori_loop(0, DROWS_PT, fill_zero, 0)

    @pl.when(s < NPR // DROWS_PT)
    def _():
        pltpu.sync_copy(zrow_v, deg_sp.at[pl.ds(s * DROWS_PT, DROWS_PT)])
    plsc.subcore_barrier()

    def i_start(t, b):
        pltpu.async_copy(dst_hbm.at[pl.ds(base + t * KM, KM)], didx[b], isem[b])

    def i_wait(t, b):
        pltpu.make_async_copy(dst_hbm.at[pl.ds(base + t * KM, KM)], didx[b],
                              isem[b]).wait()

    def split(b):
        for j in range(KM // L):
            v = didx[b][pl.ds(j * L, L)]
            cidx[b][pl.ds(j * L, L)] = lax.bitwise_and(v, 127)
            didx[b][pl.ds(j * L, L)] = lax.shift_right_logical(v, 7)

    def g_start(t, b):
        pltpu.async_copy(eye_hbm.at[cidx[b]], rows[b], gsem[b])

    def g_wait(t, b):
        pltpu.make_async_copy(eye_hbm.at[cidx[b]], rows[b], gsem[b]).wait()

    def s_start(t, b):
        pltpu.async_copy(rows[b], deg_sp.at[didx[b]], ssem[b], add=True)

    def s_wait(t, b):
        pltpu.make_async_copy(rows[b], deg_sp.at[didx[b]], ssem[b]).wait()

    i_start(0, 0)
    i_start(1, 1)
    i_wait(0, 0)
    split(0)
    g_start(0, 0)

    def grp(g, _):
        for b in range(DBUF):
            t = g * DBUF + b
            u = t + 2
            bu = (b + 2) % DBUF
            v = t + 1
            bv = (b + 1) % DBUF

            @pl.when(jnp.logical_and(u < cpt, u >= DBUF))
            def _():
                s_wait(u - DBUF, bu)
                i_start(u, bu)

            @pl.when(jnp.logical_and(u < cpt, u < DBUF))
            def _():
                i_start(u, bu)

            @pl.when(v < cpt)
            def _():
                i_wait(v, bv)
                split(bv)
                g_start(v, bv)

            g_wait(t, b)
            s_start(t, b)
        return 0
    lax.fori_loop(0, cpt // DBUF, grp, 0)
    for b in range(DBUF):
        s_wait(cpt - DBUF + b, b)
    plsc.subcore_barrier()

    @pl.when(s < NPR // DROWS_PT)
    def _():
        pltpu.sync_copy(deg_sp.at[pl.ds(s * DROWS_PT, DROWS_PT)], zrow_v)
        pltpu.sync_copy(zrow_v, degp_hbm.at[c, pl.ds(s * DROWS_PT, DROWS_PT)])


def _make_deg_call(cpt):
    return functools.partial(
        pl.kernel,
        out_type=jax.ShapeDtypeStruct((NC, NPR, DEGW), jnp.float32),
        mesh=_sc_mesh(),
        scratch_types=(
            [pltpu.VMEM((KM,), jnp.int32)] * (2 * DBUF)
            + [pltpu.VMEM((KM, DEGW), jnp.float32)] * DBUF
            + [pltpu.VMEM((DROWS_PT, DEGW), jnp.float32),
               pltpu.VMEM_SHARED((NPR, DEGW), jnp.float32)]
            + [pltpu.SemaphoreType.DMA] * (3 * DBUF)
        ),
    )(functools.partial(_deg_body, cpt))


KM = 48
MBUF = 4


def _num_chunks_msg(num_edges):
    cpt = -(-num_edges // (NW * KM))
    return -(-cpt // MBUF) * MBUF


def _msg_body(cpt, src_hbm, dst_hbm, y_hbm, accp_hbm,
              s0, s1, s2, s3, d0, d1, d2, d3, r0, r1, r2, r3, acc_sp,
              i0, i1, i2, i3, g0, g1, g2, g3, c0, c1, c2, c3):
    sidx = (s0, s1, s2, s3)
    didx = (d0, d1, d2, d3)
    rows = (r0, r1, r2, r3)
    isem = (i0, i1, i2, i3)
    gsem = (g0, g1, g2, g3)
    ssem = (c0, c1, c2, c3)
    c = lax.axis_index("c")
    s = lax.axis_index("s")
    wid = c * NS + s
    base = wid * (cpt * KM)

    def zrow(r, _):
        for j in range(D // L):
            r0[r, pl.ds(j * L, L)] = jnp.zeros((L,), jnp.float32)
        return 0
    lax.fori_loop(0, KM, zrow, 0)
    for j in range(ROWS_PT // KM):
        pltpu.sync_copy(r0, acc_sp.at[pl.ds(s * ROWS_PT + j * KM, KM)])
    rem = ROWS_PT % KM
    if rem:
        pltpu.sync_copy(r0.at[pl.ds(0, rem)],
                        acc_sp.at[pl.ds(s * ROWS_PT + (ROWS_PT // KM) * KM, rem)])
    plsc.subcore_barrier()

    def i_start(t, b):
        pltpu.async_copy(src_hbm.at[pl.ds(base + t * KM, KM)], sidx[b], isem[b])
        pltpu.async_copy(dst_hbm.at[pl.ds(base + t * KM, KM)], didx[b], isem[b])

    def i_wait(t, b):
        pltpu.make_async_copy(src_hbm.at[pl.ds(base + t * KM, KM)], sidx[b],
                              isem[b]).wait()
        pltpu.make_async_copy(dst_hbm.at[pl.ds(base + t * KM, KM)], didx[b],
                              isem[b]).wait()

    def g_start(t, b):
        pltpu.async_copy(y_hbm.at[sidx[b]], rows[b], gsem[b])

    def g_wait(t, b):
        pltpu.make_async_copy(y_hbm.at[sidx[b]], rows[b], gsem[b]).wait()

    def s_start(t, b):
        pltpu.async_copy(rows[b], acc_sp.at[didx[b]], ssem[b], add=True)

    def s_wait(t, b):
        pltpu.make_async_copy(rows[b], acc_sp.at[didx[b]], ssem[b]).wait()

    i_start(0, 0)
    i_start(1, 1)
    i_wait(0, 0)
    g_start(0, 0)

    def grp(g, _):
        for b in range(MBUF):
            t = g * MBUF + b
            u = t + 2
            bu = (b + 2) % MBUF
            v = t + 1
            bv = (b + 1) % MBUF

            @pl.when(jnp.logical_and(u < cpt, u >= MBUF))
            def _():
                s_wait(u - MBUF, bu)
                i_start(u, bu)

            @pl.when(jnp.logical_and(u < cpt, u < MBUF))
            def _():
                i_start(u, bu)

            @pl.when(v < cpt)
            def _():
                i_wait(v, bv)
                g_start(v, bv)

            g_wait(t, b)
            s_start(t, b)
        return 0
    lax.fori_loop(0, cpt // MBUF, grp, 0)
    for b in range(MBUF):
        s_wait(cpt - MBUF + b, b)
    plsc.subcore_barrier()
    for j in range(ROWS_PT // KM):
        rr = s * ROWS_PT + j * KM
        pltpu.sync_copy(acc_sp.at[pl.ds(rr, KM)], r0)
        pltpu.sync_copy(r0, accp_hbm.at[c, pl.ds(rr, KM)])
    if ROWS_PT % KM:
        rr = s * ROWS_PT + (ROWS_PT // KM) * KM
        rem = ROWS_PT % KM
        pltpu.sync_copy(acc_sp.at[pl.ds(rr, rem)], r0.at[pl.ds(0, rem)])
        pltpu.sync_copy(r0.at[pl.ds(0, rem)], accp_hbm.at[c, pl.ds(rr, rem)])


def _make_msg_call(cpt):
    return functools.partial(
        pl.kernel,
        out_type=jax.ShapeDtypeStruct((NC, NP, D), jnp.float32),
        mesh=_sc_mesh(),
        scratch_types=(
            [pltpu.VMEM((KM,), jnp.int32)] * (2 * MBUF)
            + [pltpu.VMEM((KM, D), jnp.float32)] * MBUF
            + [pltpu.VMEM_SHARED((NP, D), jnp.float32)]
            + [pltpu.SemaphoreType.DMA] * (3 * MBUF)
        ),
    )(functools.partial(_msg_body, cpt))



def _dinv_of(degp_ref):
    d = degp_ref[0] + degp_ref[1] + 1.0
    return lax.rsqrt(d)


def _scale_body(x_ref, w_ref, degp_ref, y_ref):
    dinv = _dinv_of(degp_ref)
    y_ref[...] = dinv * jnp.dot(x_ref[...], w_ref[...],
                                preferred_element_type=jnp.float32)


def _layer2_body(accp_ref, y1_ref, degp_ref, b1_ref, w2_ref, y2_ref):
    dinv = _dinv_of(degp_ref)
    h = jnp.maximum(
        dinv * (accp_ref[0] + accp_ref[1] + y1_ref[...]) + b1_ref[...], 0.0)
    y2_ref[...] = dinv * jnp.dot(h, w2_ref[...],
                                 preferred_element_type=jnp.float32)


def _final_body(nb, accp_ref, y2_ref, degp_ref, b2_ref, batch_ref, wo_ref,
                bo_ref, out_ref, sums, cnts):
    m = pl.program_id(0)

    @pl.when(m == 0)
    def _():
        sums[...] = jnp.zeros_like(sums)
        cnts[...] = jnp.zeros_like(cnts)

    dinv = _dinv_of(degp_ref)
    h = jnp.maximum(
        dinv * (accp_ref[0] + accp_ref[1] + y2_ref[...]) + b2_ref[...], 0.0)
    oh = (batch_ref[...] == lax.broadcasted_iota(jnp.int32, (G, BM), 0)
          ).astype(jnp.float32)
    sums[...] += jnp.dot(oh, h, preferred_element_type=jnp.float32)
    cnts[...] = cnts[...] + jnp.sum(oh, axis=1, keepdims=True)

    @pl.when(m == nb - 1)
    def _():
        pooled = sums[...] / jnp.maximum(cnts[...], 1.0)
        out_ref[...] = jnp.dot(pooled, wo_ref[...],
                               preferred_element_type=jnp.float32) + bo_ref[...]


_NB = NP // BM

_scale_call = pl.pallas_call(
    _scale_body,
    grid=(_NB,),
    in_specs=[
        pl.BlockSpec((BM, D), lambda i: (i, 0)),
        pl.BlockSpec((D, D), lambda i: (0, 0)),
        pl.BlockSpec((NC, BM, 1), lambda i: (0, i, 0)),
    ],
    out_specs=pl.BlockSpec((BM, D), lambda i: (i, 0)),
    out_shape=jax.ShapeDtypeStruct((NP, D), jnp.float32),
)

_layer2_call = pl.pallas_call(
    _layer2_body,
    grid=(_NB,),
    in_specs=[
        pl.BlockSpec((NC, BM, D), lambda i: (0, i, 0)),
        pl.BlockSpec((BM, D), lambda i: (i, 0)),
        pl.BlockSpec((NC, BM, 1), lambda i: (0, i, 0)),
        pl.BlockSpec((1, D), lambda i: (0, 0)),
        pl.BlockSpec((D, D), lambda i: (0, 0)),
    ],
    out_specs=pl.BlockSpec((BM, D), lambda i: (i, 0)),
    out_shape=jax.ShapeDtypeStruct((NP, D), jnp.float32),
)

_final_call = pl.pallas_call(
    functools.partial(_final_body, _NB),
    grid=(_NB,),
    in_specs=[
        pl.BlockSpec((NC, BM, D), lambda i: (0, i, 0)),
        pl.BlockSpec((BM, D), lambda i: (i, 0)),
        pl.BlockSpec((NC, BM, 1), lambda i: (0, i, 0)),
        pl.BlockSpec((1, D), lambda i: (0, 0)),
        pl.BlockSpec((1, BM), lambda i: (0, i)),
        pl.BlockSpec((D, DO), lambda i: (0, 0)),
        pl.BlockSpec((1, DO), lambda i: (0, 0)),
    ],
    out_specs=pl.BlockSpec((G, DO), lambda i: (0, 0)),
    out_shape=jax.ShapeDtypeStruct((G, DO), jnp.float32),
    scratch_shapes=[
        pltpu.VMEM((G, D), jnp.float32),
        pltpu.VMEM((G, D), jnp.float32),
    ],
)


def kernel(x, edge_index, batch, W1, b1, W2, b2, Wo, bo):
    num_edges = edge_index.shape[1]
    cptm = _num_chunks_msg(num_edges)
    cptd = -(-(-(-num_edges // (NW * KM))) // DBUF) * DBUF
    src = edge_index[0].astype(jnp.int32)
    dst = edge_index[1].astype(jnp.int32)
    padm = jnp.full((NW * cptm * KM - num_edges,), N, jnp.int32)
    padd = jnp.full((NW * cptd * KM - num_edges,), N, jnp.int32)
    dst_p = jnp.concatenate([dst, padd])
    src_m = jnp.concatenate([src, padm])
    dst_m = jnp.concatenate([dst, padm])
    n = x.shape[0]
    x_p = jnp.concatenate([x, jnp.zeros((NP - n, D), jnp.float32)])
    batch_p = jnp.concatenate(
        [batch.astype(jnp.int32), jnp.full((NP - n,), G, jnp.int32)])[None, :]

    deg_call = _make_deg_call(cptd)
    msg_call = _make_msg_call(cptm)

    eye = jnp.eye(DEGW, dtype=jnp.float32)
    degp = deg_call(dst_p, eye).reshape(NC, NP, 1)
    y1 = _scale_call(x_p, W1, degp)
    acc1 = msg_call(src_m, dst_m, y1)
    y2 = _layer2_call(acc1, y1, degp, b1[None, :], W2)
    acc2 = msg_call(src_m, dst_m, y2)
    out = _final_call(acc2, y2, degp, b2[None, :], batch_p, Wo, bo[None, :])
    return out

# --- scband reference (transcript-rebuilt; emitter-appended) ---
"""Pipeline reference for scband-gcn-49692771614936 (READ-ONLY COPY).

The authoritative reference and input builder live on the scoring server;
editing this copy changes nothing except your own understanding.
"""

import jax, jax.numpy as jnp
import numpy as np

N_NODES = 10000
D_IN = 128
D_HID = 128
D_OUT = 512
NUM_GRAPHS = 64
N_EDGES = 320000


def gcn_conv(x, edge_index, W, b, num_nodes):
    # torch_geometric GCNConv default: add self loops, symmetric normalization
    src = edge_index[0]
    dst = edge_index[1]
    loops = jnp.arange(num_nodes, dtype=edge_index.dtype)
    src = jnp.concatenate([src, loops])
    dst = jnp.concatenate([dst, loops])
    deg = jnp.zeros((num_nodes,), dtype=x.dtype).at[dst].add(1.0)
    dinv_sqrt = jnp.where(deg > 0, 1.0 / jnp.sqrt(deg), 0.0)
    norm = dinv_sqrt[src] * dinv_sqrt[dst]
    xw = x @ W
    msg = xw[src] * norm[:, None]
    out = jnp.zeros((num_nodes, W.shape[1]), dtype=x.dtype).at[dst].add(msg)
    return out + b


def setup_inputs(seed: int = 0) -> dict:
    key = jax.random.key(seed)
    ks = jax.random.split(key, 8)
    x = jax.random.normal(ks[0], (N_NODES, D_IN), dtype=jnp.float32)
    edge_index = jax.random.randint(ks[1], (2, N_EDGES), 0, N_NODES, dtype=jnp.int64)
    batch = jnp.sort(jax.random.randint(ks[2], (N_NODES,), 0, NUM_GRAPHS, dtype=jnp.int64))
    W1 = jax.random.normal(ks[3], (D_IN, D_HID), dtype=jnp.float32) * 0.05
    b1 = jnp.zeros((D_HID,), dtype=jnp.float32)
    W2 = jax.random.normal(ks[4], (D_HID, D_HID), dtype=jnp.float32) * 0.05
    b2 = jnp.zeros((D_HID,), dtype=jnp.float32)
    Wo = jax.random.normal(ks[5], (D_HID, D_OUT), dtype=jnp.float32) * 0.05
    bo = jnp.zeros((D_OUT,), dtype=jnp.float32)
    return {"x": x, "edge_index": edge_index, "batch": batch,
            "W1": W1, "b1": b1, "W2": W2, "b2": b2, "Wo": Wo, "bo": bo}


def reference(x, edge_index, batch, W1, b1, W2, b2, Wo, bo):
    # conv1 + relu (dropout is identity at inference)
    h = jax.nn.relu(gcn_conv(x, edge_index, W1, b1, N_NODES))
    # conv2 + relu
    h = jax.nn.relu(gcn_conv(h, edge_index, W2, b2, N_NODES))
    # global_mean_pool over batch segment ids
    sums = jax.ops.segment_sum(h, batch, num_segments=NUM_GRAPHS)
    counts = jax.ops.segment_sum(jnp.ones((N_NODES,), dtype=h.dtype), batch, num_segments=NUM_GRAPHS)
    pooled = sums / jnp.maximum(counts, 1.0)[:, None]
    # output head (ModuleDict with single ontology 'go')
    out = pooled @ Wo + bo
    return out

if __name__ == "__main__":
    import jax
    _d = setup_inputs()
    print(jax.jit(kernel)(*tuple(_d.values())))

</pallas_src>

<mosaic_0001>
#map = affine_map<(d0, d1) -> (0)>
#map1 = affine_map<(d0, d1) -> (0, 0)>
#map2 = affine_map<(d0, d1) -> (0, 0, 0)>
module attributes {stable_mosaic.version = 14 : i64} {
  func.func @_msg_body(%arg0: i32, %arg1: i32, %arg2: memref<325632xi32, #tpu.memory_space<hbm>>, %arg3: memref<325632xi32, #tpu.memory_space<hbm>>, %arg4: memref<10240x128xf32, #tpu.memory_space<hbm>>, %arg5: memref<2x10240x128xf32, #tpu.memory_space<hbm>>, %arg6: memref<48xi32, #tpu.memory_space<vmem>>, %arg7: memref<48xi32, #tpu.memory_space<vmem>>, %arg8: memref<48xi32, #tpu.memory_space<vmem>>, %arg9: memref<48xi32, #tpu.memory_space<vmem>>, %arg10: memref<48xi32, #tpu.memory_space<vmem>>, %arg11: memref<48xi32, #tpu.memory_space<vmem>>, %arg12: memref<48xi32, #tpu.memory_space<vmem>>, %arg13: memref<48xi32, #tpu.memory_space<vmem>>, %arg14: memref<48x128xf32, #tpu.memory_space<vmem>>, %arg15: memref<48x128xf32, #tpu.memory_space<vmem>>, %arg16: memref<48x128xf32, #tpu.memory_space<vmem>>, %arg17: memref<48x128xf32, #tpu.memory_space<vmem>>, %arg18: memref<10240x128xf32, #tpu.memory_space<vmem_shared>>, %arg19: memref<!tpu.dma_semaphore, #tpu.memory_space<semaphore_mem>>, %arg20: memref<!tpu.dma_semaphore, #tpu.memory_space<semaphore_mem>>, %arg21: memref<!tpu.dma_semaphore, #tpu.memory_space<semaphore_mem>>, %arg22: memref<!tpu.dma_semaphore, #tpu.memory_space<semaphore_mem>>, %arg23: memref<!tpu.dma_semaphore, #tpu.memory_space<semaphore_mem>>, %arg24: memref<!tpu.dma_semaphore, #tpu.memory_space<semaphore_mem>>, %arg25: memref<!tpu.dma_semaphore, #tpu.memory_space<semaphore_mem>>, %arg26: memref<!tpu.dma_semaphore, #tpu.memory_space<semaphore_mem>>, %arg27: memref<!tpu.dma_semaphore, #tpu.memory_space<semaphore_mem>>, %arg28: memref<!tpu.dma_semaphore, #tpu.memory_space<semaphore_mem>>, %arg29: memref<!tpu.dma_semaphore, #tpu.memory_space<semaphore_mem>>, %arg30: memref<!tpu.dma_semaphore, #tpu.memory_space<semaphore_mem>>) attributes {dimension_semantics = [#tpu.dimension_semantics<core_parallel>, #tpu.dimension_semantics<subcore_parallel>], iteration_bounds = array<i64: 2, 16>, scalar_prefetch = 0 : i64, scratch_operands = 25 : i64, tpu.core_type = #tpu.core_type<sc_vector_subcore>, window_params = [{transform_indices = #map}, {transform_indices = #map}, {transform_indices = #map1}, {transform_indices = #map2}]} {
    %mul3A = arith.constant 16 : i32
    %mul3A_0 = arith.muli %arg0, %mul3A : i32
    %add3A = arith.addi %mul3A_0, %arg1 : i32
    %mul3A_1 = arith.constant 10176 : i32
    %mul3A_2 = arith.muli %add3A, %mul3A_1 : i32
    %scan3A = arith.constant 0 : i32
    %scan3A_3 = arith.constant 0 : i32
    %scan3A_4 = arith.constant 48 : i32
    %scan3A_5 = arith.addi %scan3A_3, %scan3A_4 : i32
    %scan3A_6 = arith.constant 1 : i32
    %scan3A_7 = scf.for %scan3A_166 = %scan3A_3 to %scan3A_5 step %scan3A_6 iter_args(%scan3A_167 = %scan3A) -> (i32)  : i32 {
      %broadcast_in_dim3A = arith.constant 0.000000e+00 : f32
      %broadcast_in_dim3A_168 = vector.broadcast %broadcast_in_dim3A : f32 to vector<16xf32>
      %swap3A = arith.index_cast %scan3A_166 : i32 to index
      %swap3A_169 = arith.constant 0 : index
      %swap3A_170 = tpu.vector_load %arg14[%swap3A, %swap3A_169] {strides = array<i32>} : memref<48x128xf32, #tpu.memory_space<vmem>>, vector<1x16xf32>,
      %swap3A_171 = vector.shape_cast %swap3A_170 : vector<1x16xf32> to vector<16xf32>
      %swap3A_172 = vector.shape_cast %broadcast_in_dim3A_168 : vector<16xf32> to vector<1x16xf32>
      tpu.vector_store %arg14[%swap3A, %swap3A_169], %swap3A_172 {strides = array<i32>} : memref<48x128xf32, #tpu.memory_space<vmem>>, vector<1x16xf32>,
      %broadcast_in_dim3A_173 = arith.constant 0.000000e+00 : f32
      %broadcast_in_dim3A_174 = vector.broadcast %broadcast_in_dim3A_173 : f32 to vector<16xf32>
      %swap3A_175 = arith.index_cast %scan3A_166 : i32 to index
      %swap3A_176 = arith.constant 16 : index
      %swap3A_177 = tpu.vector_load %arg14[%swap3A_175, %swap3A_176] {strides = array<i32>} : memref<48x128xf32, #tpu.memory_space<vmem>>, vector<1x16xf32>,
      %swap3A_178 = vector.shape_cast %swap3A_177 : vector<1x16xf32> to vector<16xf32>
      %swap3A_179 = vector.shape_cast %broadcast_in_dim3A_174 : vector<16xf32> to vector<1x16xf32>
      tpu.vector_store %arg14[%swap3A_175, %swap3A_176], %swap3A_179 {strides = array<i32>} : memref<48x128xf32, #tpu.memory_space<vmem>>, vector<1x16xf32>,
      %broadcast_in_dim3A_180 = arith.constant 0.000000e+00 : f32
      %broadcast_in_dim3A_181 = vector.broadcast %broadcast_in_dim3A_180 : f32 to vector<16xf32>
      %swap3A_182 = arith.index_cast %scan3A_166 : i32 to index
      %swap3A_183 = arith.constant 32 : index
      %swap3A_184 = tpu.vector_load %arg14[%swap3A_182, %swap3A_183] {strides = array<i32>} : memref<48x128xf32, #tpu.memory_space<vmem>>, vector<1x16xf32>,
      %swap3A_185 = vector.shape_cast %swap3A_184 : vector<1x16xf32> to vector<16xf32>
      %swap3A_186 = vector.shape_cast %broadcast_in_dim3A_181 : vector<16xf32> to vector<1x16xf32>
      tpu.vector_store %arg14[%swap3A_182, %swap3A_183], %swap3A_186 {strides = array<i32>} : memref<48x128xf32, #tpu.memory_space<vmem>>, vector<1x16xf32>,
      %broadcast_in_dim3A_187 = arith.constant 0.000000e+00 : f32
      %broadcast_in_dim3A_188 = vector.broadcast %broadcast_in_dim3A_187 : f32 to vector<16xf32>
      %swap3A_189 = arith.index_cast %scan3A_166 : i32 to index
      %swap3A_190 = arith.constant 48 : index
      %swap3A_191 = tpu.vector_load %arg14[%swap3A_189, %swap3A_190] {strides = array<i32>} : memref<48x128xf32, #tpu.memory_space<vmem>>, vector<1x16xf32>,
      %swap3A_192 = vector.shape_cast %swap3A_191 : vector<1x16xf32> to vector<16xf32>
      %swap3A_193 = vector.shape_cast %broadcast_in_dim3A_188 : vector<16xf32> to vector<1x16xf32>
      tpu.vector_store %arg14[%swap3A_189, %swap3A_190], %swap3A_193 {strides = array<i32>} : memref<48x128xf32, #tpu.memory_space<vmem>>, vector<1x16xf32>,
      %broadcast_in_dim3A_194 = arith.constant 0.000000e+00 : f32
      %broadcast_in_dim3A_195 = vector.broadcast %broadcast_in_dim3A_194 : f32 to vector<16xf32>
      %swap3A_196 = arith.index_cast %scan3A_166 : i32 to index
      %swap3A_197 = arith.constant 64 : index
      %swap3A_198 = tpu.vector_load %arg14[%swap3A_196, %swap3A_197] {strides = array<i32>} : memref<48x128xf32, #tpu.memory_space<vmem>>, vector<1x16xf32>,
      %swap3A_199 = vector.shape_cast %swap3A_198 : vector<1x16xf32> to vector<16xf32>
      %swap3A_200 = vector.shape_cast %broadcast_in_dim3A_195 : vector<16xf32> to vector<1x16xf32>
      tpu.vector_store %arg14[%swap3A_196, %swap3A_197], %swap3A_200 {strides = array<i32>} : memref<48x128xf32, #tpu.memory_space<vmem>>, vector<1x16xf32>,
      %broadcast_in_dim3A_201 = arith.constant 0.000000e+00 : f32
      %broadcast_in_dim3A_202 = vector.broadcast %broadcast_in_dim3A_201 : f32 to vector<16xf32>
      %swap3A_203 = arith.index_cast %scan3A_166 : i32 to index
      %swap3A_204 = arith.constant 80 : index
      %swap3A_205 = tpu.vector_load %arg14[%swap3A_203, %swap3A_204] {strides = array<i32>} : memref<48x128xf32, #tpu.memory_space<vmem>>, vector<1x16xf32>,
      %swap3A_206 = vector.shape_cast %swap3A_205 : vector<1x16xf32> to vector<16xf32>
      %swap3A_207 = vector.shape_cast %broadcast_in_dim3A_202 : vector<16xf32> to vector<1x16xf32>
      tpu.vector_store %arg14[%swap3A_203, %swap3A_204], %swap3A_207 {strides = array<i32>} : memref<48x128xf32, #tpu.memory_space<vmem>>, vector<1x16xf32>,
      %broadcast_in_dim3A_208 = arith.constant 0.000000e+00 : f32
      %broadcast_in_dim3A_209 = vector.broadcast %broadcast_in_dim3A_208 : f32 to vector<16xf32>
      %swap3A_210 = arith.index_cast %scan3A_166 : i32 to index
      %swap3A_211 = arith.constant 96 : index
      %swap3A_212 = tpu.vector_load %arg14[%swap3A_210, %swap3A_211] {strides = array<i32>} : memref<48x128xf32, #tpu.memory_space<vmem>>, vector<1x16xf32>,
      %swap3A_213 = vector.shape_cast %swap3A_212 : vector<1x16xf32> to vector<16xf32>
      %swap3A_214 = vector.shape_cast %broadcast_in_dim3A_209 : vector<16xf32> to vector<1x16xf32>
      tpu.vector_store %arg14[%swap3A_210, %swap3A_211], %swap3A_214 {strides = array<i32>} : memref<48x128xf32, #tpu.memory_space<vmem>>, vector<1x16xf32>,
      %broadcast_in_dim3A_215 = arith.constant 0.000000e+00 : f32
      %broadcast_in_dim3A_216 = vector.broadcast %broadcast_in_dim3A_215 : f32 to vector<16xf32>
      %swap3A_217 = arith.index_cast %scan3A_166 : i32 to index
      %swap3A_218 = arith.constant 112 : index
      %swap3A_219 = tpu.vector_load %arg14[%swap3A_217, %swap3A_218] {strides = array<i32>} : memref<48x128xf32, #tpu.memory_space<vmem>>, vector<1x16xf32>,
      %swap3A_220 = vector.shape_cast %swap3A_219 : vector<1x16xf32> to vector<16xf32>
      %swap3A_221 = vector.shape_cast %broadcast_in_dim3A_216 : vector<16xf32> to vector<1x16xf32>
      tpu.vector_store %arg14[%swap3A_217, %swap3A_218], %swap3A_221 {strides = array<i32>} : memref<48x128xf32, #tpu.memory_space<vmem>>, vector<1x16xf32>,
      %scan3A_222 = arith.constant 0 : i32
      scf.yield %scan3A_222 : i32
    }
    %scan3A_8 = arith.constant 48 : i32
    %mul3A_9 = arith.constant 640 : i32
    %mul3A_10 = arith.muli %arg1, %mul3A_9 : i32
    %add3A_11 = arith.constant 0 : i32
    %add3A_12 = arith.addi %mul3A_10, %add3A_11 : i32
    "tpu.region"() ({
      %run_scoped3A = tpu.sem_alloc : memref<!tpu.dma_semaphore, #tpu.memory_space<semaphore_mem>>
      %dma_start3A_166 = arith.constant 0 : i32
      %dma_start3A_167 = tpu.memref_slice %arg18[%add3A_12, %dma_start3A_166] : memref<10240x128xf32, #tpu.memory_space<vmem_shared>> -> memref<48x128xf32, #tpu.memory_space<vmem_shared>>
      %dma_start3A_168 = arith.constant 0 : i32
      %dma_start3A_169 = tpu.memref_slice %arg18[%add3A_12, %dma_start3A_168] : memref<10240x128xf32, #tpu.memory_space<vmem_shared>> -> memref<48x128xf32, #tpu.memory_space<vmem_shared>>
      tpu.enqueue_dma source(%arg14 : memref<48x128xf32, #tpu.memory_space<vmem>>) target(%dma_start3A_169 : memref<48x128xf32, #tpu.memory_space<vmem_shared>>) target_semaphore(%run_scoped3A : memref<!tpu.dma_semaphore, #tpu.memory_space<semaphore_mem>>)
      %dma_wait3A_170 = arith.constant 0 : i32
      %dma_wait3A_171 = tpu.memref_slice %arg18[%add3A_12, %dma_wait3A_170] : memref<10240x128xf32, #tpu.memory_space<vmem_shared>> -> memref<48x128xf32, #tpu.memory_space<vmem_shared>>
      %dma_wait3A_172 = arith.constant 0 : i32
      %dma_wait3A_173 = tpu.memref_slice %arg18[%add3A_12, %dma_wait3A_172] : memref<10240x128xf32, #tpu.memory_space<vmem_shared>> -> memref<48x128xf32, #tpu.memory_space<vmem_shared>>
      tpu.wait_dma2 semaphore(%run_scoped3A : memref<!tpu.dma_semaphore, #tpu.memory_space<semaphore_mem>>) src(%arg14 : memref<48x128xf32, #tpu.memory_space<vmem>>) dst(%dma_wait3A_173 : memref<48x128xf32, #tpu.memory_space<vmem_shared>>)
      tpu.yield
    }) : () -> ()
    %mul3A_13 = arith.constant 640 : i32
    %mul3A_14 = arith.muli %arg1, %mul3A_13 : i32
    %add3A_15 = arith.constant 48 : i32
    %add3A_16 = arith.addi %mul3A_14, %add3A_15 : i32
    "tpu.region"() ({
      %run_scoped3A = tpu.sem_alloc : memref<!tpu.dma_semaphore, #tpu.memory_space<semaphore_mem>>
      %dma_start3A_166 = arith.constant 0 : i32
      %dma_start3A_167 = tpu.memref_slice %arg18[%add3A_16, %dma_start3A_166] : memref<10240x128xf32, #tpu.memory_space<vmem_shared>> -> memref<48x128xf32, #tpu.memory_space<vmem_shared>>
      %dma_start3A_168 = arith.constant 0 : i32
      %dma_start3A_169 = tpu.memref_slice %arg18[%add3A_16, %dma_start3A_168] : memref<10240x128xf32, #tpu.memory_space<vmem_shared>> -> memref<48x128xf32, #tpu.memory_space<vmem_shared>>
      tpu.enqueue_dma source(%arg14 : memref<48x128xf32, #tpu.memory_space<vmem>>) target(%dma_start3A_169 : memref<48x128xf32, #tpu.memory_space<vmem_shared>>) target_semaphore(%run_scoped3A : memref<!tpu.dma_semaphore, #tpu.memory_space<semaphore_mem>>)
      %dma_wait3A_170 = arith.constant 0 : i32
      %dma_wait3A_171 = tpu.memref_slice %arg18[%add3A_16, %dma_wait3A_170] : memref<10240x128xf32, #tpu.memory_space<vmem_shared>> -> memref<48x128xf32, #tpu.memory_space<vmem_shared>>
      %dma_wait3A_172 = arith.constant 0 : i32
      %dma_wait3A_173 = tpu.memref_slice %arg18[%add3A_16, %dma_wait3A_172] : memref<10240x128xf32, #tpu.memory_space<vmem_shared>> -> memref<48x128xf32, #tpu.memory_space<vmem_shared>>
      tpu.wait_dma2 semaphore(%run_scoped3A : memref<!tpu.dma_semaphore, #tpu.memory_space<semaphore_mem>>) src(%arg14 : memref<48x128xf32, #tpu.memory_space<vmem>>) dst(%dma_wait3A_173 : memref<48x128xf32, #tpu.memory_space<vmem_shared>>)
      tpu.yield
    }) : () -> ()
    %mul3A_17 = arith.constant 640 : i32
    %mul3A_18 = arith.muli %arg1, %mul3A_17 : i32
    %add3A_19 = arith.constant 96 : i32
    %add3A_20 = arith.addi %mul3A_18, %add3A_19 : i32
    "tpu.region"() ({
      %run_scoped3A = tpu.sem_alloc : memref<!tpu.dma_semaphore, #tpu.memory_space<semaphore_mem>>
      %dma_start3A_166 = arith.constant 0 : i32
      %dma_start3A_167 = tpu.memref_slice %arg18[%add3A_20, %dma_start3A_166] : memref<10240x128xf32, #tpu.memory_space<vmem_shared>> -> memref<48x128xf32, #tpu.memory_space<vmem_shared>>
      %dma_start3A_168 = arith.constant 0 : i32
      %dma_start3A_169 = tpu.memref_slice %arg18[%add3A_20, %dma_start3A_168] : memref<10240x128xf32, #tpu.memory_space<vmem_shared>> -> memref<48x128xf32, #tpu.memory_space<vmem_shared>>
      tpu.enqueue_dma source(%arg14 : memref<48x128xf32, #tpu.memory_space<vmem>>) target(%dma_start3A_169 : memref<48x128xf32, #tpu.memory_space<vmem_shared>>) target_semaphore(%run_scoped3A : memref<!tpu.dma_semaphore, #tpu.memory_space<semaphore_mem>>)
      %dma_wait3A_170 = arith.constant 0 : i32
      %dma_wait3A_171 = tpu.memref_slice %arg18[%add3A_20, %dma_wait3A_170] : memref<10240x128xf32, #tpu.memory_space<vmem_shared>> -> memref<48x128xf32, #tpu.memory_space<vmem_shared>>
      %dma_wait3A_172 = arith.constant 0 : i32
      %dma_wait3A_173 = tpu.memref_slice %arg18[%add3A_20, %dma_wait3A_172] : memref<10240x128xf32, #tpu.memory_space<vmem_shared>> -> memref<48x128xf32, #tpu.memory_space<vmem_shared>>
      tpu.wait_dma2 semaphore(%run_scoped3A : memref<!tpu.dma_semaphore, #tpu.memory_space<semaphore_mem>>) src(%arg14 : memref<48x128xf32, #tpu.memory_space<vmem>>) dst(%dma_wait3A_173 : memref<48x128xf32, #tpu.memory_space<vmem_shared>>)
      tpu.yield
    }) : () -> ()
    %mul3A_21 = arith.constant 640 : i32
    %mul3A_22 = arith.muli %arg1, %mul3A_21 : i32
    %add3A_23 = arith.constant 144 : i32
    %add3A_24 = arith.addi %mul3A_22, %add3A_23 : i32
    "tpu.region"() ({
      %run_scoped3A = tpu.sem_alloc : memref<!tpu.dma_semaphore, #tpu.memory_space<semaphore_mem>>
      %dma_start3A_166 = arith.constant 0 : i32
      %dma_start3A_167 = tpu.memref_slice %arg18[%add3A_24, %dma_start3A_166] : memref<10240x128xf32, #tpu.memory_space<vmem_shared>> -> memref<48x128xf32, #tpu.memory_space<vmem_shared>>
      %dma_start3A_168 = arith.constant 0 : i32
      %dma_start3A_169 = tpu.memref_slice %arg18[%add3A_24, %dma_start3A_168] : memref<10240x128xf32, #tpu.memory_space<vmem_shared>> -> memref<48x128xf32, #tpu.memory_space<vmem_shared>>
      tpu.enqueue_dma source(%arg14 : memref<48x128xf32, #tpu.memory_space<vmem>>) target(%dma_start3A_169 : memref<48x128xf32, #tpu.memory_space<vmem_shared>>) target_semaphore(%run_scoped3A : memref<!tpu.dma_semaphore, #tpu.memory_space<semaphore_mem>>)
      %dma_wait3A_170 = arith.constant 0 : i32
      %dma_wait3A_171 = tpu.memref_slice %arg18[%add3A_24, %dma_wait3A_170] : memref<10240x128xf32, #tpu.memory_space<vmem_shared>> -> memref<48x128xf32, #tpu.memory_space<vmem_shared>>
      %dma_wait3A_172 = arith.constant 0 : i32
      %dma_wait3A_173 = tpu.memref_slice %arg18[%add3A_24, %dma_wait3A_172] : memref<10240x128xf32, #tpu.memory_space<vmem_shared>> -> memref<48x128xf32, #tpu.memory_space<vmem_shared>>
      tpu.wait_dma2 semaphore(%run_scoped3A : memref<!tpu.dma_semaphore, #tpu.memory_space<semaphore_mem>>) src(%arg14 : memref<48x128xf32, #tpu.memory_space<vmem>>) dst(%dma_wait3A_173 : memref<48x128xf32, #tpu.memory_space<vmem_shared>>)
      tpu.yield
    }) : () -> ()
    %mul3A_25 = arith.constant 640 : i32
    %mul3A_26 = arith.muli %arg1, %mul3A_25 : i32
    %add3A_27 = arith.constant 192 : i32
    %add3A_28 = arith.addi %mul3A_26, %add3A_27 : i32
    "tpu.region"() ({
      %run_scoped3A = tpu.sem_alloc : memref<!tpu.dma_semaphore, #tpu.memory_space<semaphore_mem>>
      %dma_start3A_166 = arith.constant 0 : i32
      %dma_start3A_167 = tpu.memref_slice %arg18[%add3A_28, %dma_start3A_166] : memref<10240x128xf32, #tpu.memory_space<vmem_shared>> -> memref<48x128xf32, #tpu.memory_space<vmem_shared>>
      %dma_start3A_168 = arith.constant 0 : i32
      %dma_start3A_169 = tpu.memref_slice %arg18[%add3A_28, %dma_start3A_168] : memref<10240x128xf32, #tpu.memory_space<vmem_shared>> -> memref<48x128xf32, #tpu.memory_space<vmem_shared>>
      tpu.enqueue_dma source(%arg14 : memref<48x128xf32, #tpu.memory_space<vmem>>) target(%dma_start3A_169 : memref<48x128xf32, #tpu.memory_space<vmem_shared>>) target_semaphore(%run_scoped3A : memref<!tpu.dma_semaphore, #tpu.memory_space<semaphore_mem>>)
      %dma_wait3A_170 = arith.constant 0 : i32
      %dma_wait3A_171 = tpu.memref_slice %arg18[%add3A_28, %dma_wait3A_170] : memref<10240x128xf32, #tpu.memory_space<vmem_shared>> -> memref<48x128xf32, #tpu.memory_space<vmem_shared>>
      %dma_wait3A_172 = arith.constant 0 : i32
      %dma_wait3A_173 = tpu.memref_slice %arg18[%add3A_28, %dma_wait3A_172] : memref<10240x128xf32, #tpu.memory_space<vmem_shared>> -> memref<48x128xf32, #tpu.memory_space<vmem_shared>>
      tpu.wait_dma2 semaphore(%run_scoped3A : memref<!tpu.dma_semaphore, #tpu.memory_space<semaphore_mem>>) src(%arg14 : memref<48x128xf32, #tpu.memory_space<vmem>>) dst(%dma_wait3A_173 : memref<48x128xf32, #tpu.memory_space<vmem_shared>>)
      tpu.yield
    }) : () -> ()
    %mul3A_29 = arith.constant 640 : i32
    %mul3A_30 = arith.muli %arg1, %mul3A_29 : i32
    %add3A_31 = arith.constant 240 : i32
    %add3A_32 = arith.addi %mul3A_30, %add3A_31 : i32
    "tpu.region"() ({
      %run_scoped3A = tpu.sem_alloc : memref<!tpu.dma_semaphore, #tpu.memory_space<semaphore_mem>>
      %dma_start3A_166 = arith.constant 0 : i32
      %dma_start3A_167 = tpu.memref_slice %arg18[%add3A_32, %dma_start3A_166] : memref<10240x128xf32, #tpu.memory_space<vmem_shared>> -> memref<48x128xf32, #tpu.memory_space<vmem_shared>>
      %dma_start3A_168 = arith.constant 0 : i32
      %dma_start3A_169 = tpu.memref_slice %arg18[%add3A_32, %dma_start3A_168] : memref<10240x128xf32, #tpu.memory_space<vmem_shared>> -> memref<48x128xf32, #tpu.memory_space<vmem_shared>>
      tpu.enqueue_dma source(%arg14 : memref<48x128xf32, #tpu.memory_space<vmem>>) target(%dma_start3A_169 : memref<48x128xf32, #tpu.memory_space<vmem_shared>>) target_semaphore(%run_scoped3A : memref<!tpu.dma_semaphore, #tpu.memory_space<semaphore_mem>>)
      %dma_wait3A_170 = arith.constant 0 : i32
      %dma_wait3A_171 = tpu.memref_slice %arg18[%add3A_32, %dma_wait3A_170] : memref<10240x128xf32, #tpu.memory_space<vmem_shared>> -> memref<48x128xf32, #tpu.memory_space<vmem_shared>>
      %dma_wait3A_172 = arith.constant 0 : i32
      %dma_wait3A_173 = tpu.memref_slice %arg18[%add3A_32, %dma_wait3A_172] : memref<10240x128xf32, #tpu.memory_space<vmem_shared>> -> memref<48x128xf32, #tpu.memory_space<vmem_shared>>
      tpu.wait_dma2 semaphore(%run_scoped3A : memref<!tpu.dma_semaphore, #tpu.memory_space<semaphore_mem>>) src(%arg14 : memref<48x128xf32, #tpu.memory_space<vmem>>) dst(%dma_wait3A_173 : memref<48x128xf32, #tpu.memory_space<vmem_shared>>)
      tpu.yield
    }) : () -> ()
    %mul3A_33 = arith.constant 640 : i32
    %mul3A_34 = arith.muli %arg1, %mul3A_33 : i32
    %add3A_35 = arith.constant 288 : i32
    %add3A_36 = arith.addi %mul3A_34, %add3A_35 : i32
    "tpu.region"() ({
      %run_scoped3A = tpu.sem_alloc : memref<!tpu.dma_semaphore, #tpu.memory_space<semaphore_mem>>
      %dma_start3A_166 = arith.constant 0 : i32
      %dma_start3A_167 = tpu.memref_slice %arg18[%add3A_36, %dma_start3A_166] : memref<10240x128xf32, #tpu.memory_space<vmem_shared>> -> memref<48x128xf32, #tpu.memory_space<vmem_shared>>
      %dma_start3A_168 = arith.constant 0 : i32
      %dma_start3A_169 = tpu.memref_slice %arg18[%add3A_36, %dma_start3A_168] : memref<10240x128xf32, #tpu.memory_space<vmem_shared>> -> memref<48x128xf32, #tpu.memory_space<vmem_shared>>
      tpu.enqueue_dma source(%arg14 : memref<48x128xf32, #tpu.memory_space<vmem>>) target(%dma_start3A_169 : memref<48x128xf32, #tpu.memory_space<vmem_shared>>) target_semaphore(%run_scoped3A : memref<!tpu.dma_semaphore, #tpu.memory_space<semaphore_mem>>)
      %dma_wait3A_170 = arith.constant 0 : i32
      %dma_wait3A_171 = tpu.memref_slice %arg18[%add3A_36, %dma_wait3A_170] : memref<10240x128xf32, #tpu.memory_space<vmem_shared>> -> memref<48x128xf32, #tpu.memory_space<vmem_shared>>
      %dma_wait3A_172 = arith.constant 0 : i32
      %dma_wait3A_173 = tpu.memref_slice %arg18[%add3A_36, %dma_wait3A_172] : memref<10240x128xf32, #tpu.memory_space<vmem_shared>> -> memref<48x128xf32, #tpu.memory_space<vmem_shared>>
      tpu.wait_dma2 semaphore(%run_scoped3A : memref<!tpu.dma_semaphore, #tpu.memory_space<semaphore_mem>>) src(%arg14 : memref<48x128xf32, #tpu.memory_space<vmem>>) dst(%dma_wait3A_173 : memref<48x128xf32, #tpu.memory_space<vmem_shared>>)
      tpu.yield
    }) : () -> ()
    %mul3A_37 = arith.constant 640 : i32
    %mul3A_38 = arith.muli %arg1, %mul3A_37 : i32
    %add3A_39 = arith.constant 336 : i32
    %add3A_40 = arith.addi %mul3A_38, %add3A_39 : i32
    "tpu.region"() ({
      %run_scoped3A = tpu.sem_alloc : memref<!tpu.dma_semaphore, #tpu.memory_space<semaphore_mem>>
      %dma_start3A_166 = arith.constant 0 : i32
      %dma_start3A_167 = tpu.memref_slice %arg18[%add3A_40, %dma_start3A_166] : memref<10240x128xf32, #tpu.memory_space<vmem_shared>> -> memref<48x128xf32, #tpu.memory_space<vmem_shared>>
      %dma_start3A_168 = arith.constant 0 : i32
      %dma_start3A_169 = tpu.memref_slice %arg18[%add3A_40, %dma_start3A_168] : memref<10240x128xf32, #tpu.memory_space<vmem_shared>> -> memref<48x128xf32, #tpu.memory_space<vmem_shared>>
      tpu.enqueue_dma source(%arg14 : memref<48x128xf32, #tpu.memory_space<vmem>>) target(%dma_start3A_169 : memref<48x128xf32, #tpu.memory_space<vmem_shared>>) target_semaphore(%run_scoped3A : memref<!tpu.dma_semaphore, #tpu.memory_space<semaphore_mem>>)
      %dma_wait3A_170 = arith.constant 0 : i32
      %dma_wait3A_171 = tpu.memref_slice %arg18[%add3A_40, %dma_wait3A_170] : memref<10240x128xf32, #tpu.memory_space<vmem_shared>> -> memref<48x128xf32, #tpu.memory_space<vmem_shared>>
      %dma_wait3A_172 = arith.constant 0 : i32
      %dma_wait3A_173 = tpu.memref_slice %arg18[%add3A_40, %dma_wait3A_172] : memref<10240x128xf32, #tpu.memory_space<vmem_shared>> -> memref<48x128xf32, #tpu.memory_space<vmem_shared>>
      tpu.wait_dma2 semaphore(%run_scoped3A : memref<!tpu.dma_semaphore, #tpu.memory_space<semaphore_mem>>) src(%arg14 : memref<48x128xf32, #tpu.memory_space<vmem>>) dst(%dma_wait3A_173 : memref<48x128xf32, #tpu.memory_space<vmem_shared>>)
      tpu.yield
    }) : () -> ()
    %mul3A_41 = arith.constant 640 : i32
    %mul3A_42 = arith.muli %arg1, %mul3A_41 : i32
    %add3A_43 = arith.constant 384 : i32
    %add3A_44 = arith.addi %mul3A_42, %add3A_43 : i32
    "tpu.region"() ({
      %run_scoped3A = tpu.sem_alloc : memref<!tpu.dma_semaphore, #tpu.memory_space<semaphore_mem>>
      %dma_start3A_166 = arith.constant 0 : i32
      %dma_start3A_167 = tpu.memref_slice %arg18[%add3A_44, %dma_start3A_166] : memref<10240x128xf32, #tpu.memory_space<vmem_shared>> -> memref<48x128xf32, #tpu.memory_space<vmem_shared>>
      %dma_start3A_168 = arith.constant 0 : i32
      %dma_start3A_169 = tpu.memref_slice %arg18[%add3A_44, %dma_start3A_168] : memref<10240x128xf32, #tpu.memory_space<vmem_shared>> -> memref<48x128xf32, #tpu.memory_space<vmem_shared>>
      tpu.enqueue_dma source(%arg14 : memref<48x128xf32, #tpu.memory_space<vmem>>) target(%dma_start3A_169 : memref<48x128xf32, #tpu.memory_space<vmem_shared>>) target_semaphore(%run_scoped3A : memref<!tpu.dma_semaphore, #tpu.memory_space<semaphore_mem>>)
      %dma_wait3A_170 = arith.constant 0 : i32
      %dma_wait3A_171 = tpu.memref_slice %arg18[%add3A_44, %dma_wait3A_170] : memref<10240x128xf32, #tpu.memory_space<vmem_shared>> -> memref<48x128xf32, #tpu.memory_space<vmem_shared>>
      %dma_wait3A_172 = arith.constant 0 : i32
      %dma_wait3A_173 = tpu.memref_slice %arg18[%add3A_44, %dma_wait3A_172] : memref<10240x128xf32, #tpu.memory_space<vmem_shared>> -> memref<48x128xf32, #tpu.memory_space<vmem_shared>>
      tpu.wait_dma2 semaphore(%run_scoped3A : memref<!tpu.dma_semaphore, #tpu.memory_space<semaphore_mem>>) src(%arg14 : memref<48x128xf32, #tpu.memory_space<vmem>>) dst(%dma_wait3A_173 : memref<48x128xf32, #tpu.memory_space<vmem_shared>>)
      tpu.yield
    }) : () -> ()
    %mul3A_45 = arith.constant 640 : i32
    %mul3A_46 = arith.muli %arg1, %mul3A_45 : i32
    %add3A_47 = arith.constant 432 : i32
    %add3A_48 = arith.addi %mul3A_46, %add3A_47 : i32
    "tpu.region"() ({
      %run_scoped3A = tpu.sem_alloc : memref<!tpu.dma_semaphore, #tpu.memory_space<semaphore_mem>>
      %dma_start3A_166 = arith.constant 0 : i32
      %dma_start3A_167 = tpu.memref_slice %arg18[%add3A_48, %dma_start3A_166] : memref<10240x128xf32, #tpu.memory_space<vmem_shared>> -> memref<48x128xf32, #tpu.memory_space<vmem_shared>>
      %dma_start3A_168 = arith.constant 0 : i32
      %dma_start3A_169 = tpu.memref_slice %arg18[%add3A_48, %dma_start3A_168] : memref<10240x128xf32, #tpu.memory_space<vmem_shared>> -> memref<48x128xf32, #tpu.memory_space<vmem_shared>>
      tpu.enqueue_dma source(%arg14 : memref<48x128xf32, #tpu.memory_space<vmem>>) target(%dma_start3A_169 : memref<48x128xf32, #tpu.memory_space<vmem_shared>>) target_semaphore(%run_scoped3A : memref<!tpu.dma_semaphore, #tpu.memory_space<semaphore_mem>>)
      %dma_wait3A_170 = arith.constant 0 : i32
      %dma_wait3A_171 = tpu.memref_slice %arg18[%add3A_48, %dma_wait3A_170] : memref<10240x128xf32, #tpu.memory_space<vmem_shared>> -> memref<48x128xf32, #tpu.memory_space<vmem_shared>>
      %dma_wait3A_172 = arith.constant 0 : i32
      %dma_wait3A_173 = tpu.memref_slice %arg18[%add3A_48, %dma_wait3A_172] : memref<10240x128xf32, #tpu.memory_space<vmem_shared>> -> memref<48x128xf32, #tpu.memory_space<vmem_shared>>
      tpu.wait_dma2 semaphore(%run_scoped3A : memref<!tpu.dma_semaphore, #tpu.memory_space<semaphore_mem>>) src(%arg14 : memref<48x128xf32, #tpu.memory_space<vmem>>) dst(%dma_wait3A_173 : memref<48x128xf32, #tpu.memory_space<vmem_shared>>)
      tpu.yield
    }) : () -> ()
    %mul3A_49 = arith.constant 640 : i32
    %mul3A_50 = arith.muli %arg1, %mul3A_49 : i32
    %add3A_51 = arith.constant 480 : i32
    %add3A_52 = arith.addi %mul3A_50, %add3A_51 : i32
    "tpu.region"() ({
      %run_scoped3A = tpu.sem_alloc : memref<!tpu.dma_semaphore, #tpu.memory_space<semaphore_mem>>
      %dma_start3A_166 = arith.constant 0 : i32
      %dma_start3A_167 = tpu.memref_slice %arg18[%add3A_52, %dma_start3A_166] : memref<10240x128xf32, #tpu.memory_space<vmem_shared>> -> memref<48x128xf32, #tpu.memory_space<vmem_shared>>
      %dma_start3A_168 = arith.constant 0 : i32
      %dma_start3A_169 = tpu.memref_slice %arg18[%add3A_52, %dma_start3A_168] : memref<10240x128xf32, #tpu.memory_space<vmem_shared>> -> memref<48x128xf32, #tpu.memory_space<vmem_shared>>
      tpu.enqueue_dma source(%arg14 : memref<48x128xf32, #tpu.memory_space<vmem>>) target(%dma_start3A_169 : memref<48x128xf32, #tpu.memory_space<vmem_shared>>) target_semaphore(%run_scoped3A : memref<!tpu.dma_semaphore, #tpu.memory_space<semaphore_mem>>)
      %dma_wait3A_170 = arith.constant 0 : i32
      %dma_wait3A_171 = tpu.memref_slice %arg18[%add3A_52, %dma_wait3A_170] : memref<10240x128xf32, #tpu.memory_space<vmem_shared>> -> memref<48x128xf32, #tpu.memory_space<vmem_shared>>
      %dma_wait3A_172 = arith.constant 0 : i32
      %dma_wait3A_173 = tpu.memref_slice %arg18[%add3A_52, %dma_wait3A_172] : memref<10240x128xf32, #tpu.memory_space<vmem_shared>> -> memref<48x128xf32, #tpu.memory_space<vmem_shared>>
      tpu.wait_dma2 semaphore(%run_scoped3A : memref<!tpu.dma_semaphore, #tpu.memory_space<semaphore_mem>>) src(%arg14 : memref<48x128xf32, #tpu.memory_space<vmem>>) dst(%dma_wait3A_173 : memref<48x128xf32, #tpu.memory_space<vmem_shared>>)
      tpu.yield
    }) : () -> ()
    %mul3A_53 = arith.constant 640 : i32
    %mul3A_54 = arith.muli %arg1, %mul3A_53 : i32
    %add3A_55 = arith.constant 528 : i32
    %add3A_56 = arith.addi %mul3A_54, %add3A_55 : i32
    "tpu.region"() ({
      %run_scoped3A = tpu.sem_alloc : memref<!tpu.dma_semaphore, #tpu.memory_space<semaphore_mem>>
      %dma_start3A_166 = arith.constant 0 : i32
      %dma_start3A_167 = tpu.memref_slice %arg18[%add3A_56, %dma_start3A_166] : memref<10240x128xf32, #tpu.memory_space<vmem_shared>> -> memref<48x128xf32, #tpu.memory_space<vmem_shared>>
      %dma_start3A_168 = arith.constant 0 : i32
      %dma_start3A_169 = tpu.memref_slice %arg18[%add3A_56, %dma_start3A_168] : memref<10240x128xf32, #tpu.memory_space<vmem_shared>> -> memref<48x128xf32, #tpu.memory_space<vmem_shared>>
      tpu.enqueue_dma source(%arg14 : memref<48x128xf32, #tpu.memory_space<vmem>>) target(%dma_start3A_169 : memref<48x128xf32, #tpu.memory_space<vmem_shared>>) target_semaphore(%run_scoped3A : memref<!tpu.dma_semaphore, #tpu.memory_space<semaphore_mem>>)
      %dma_wait3A_170 = arith.constant 0 : i32
      %dma_wait3A_171 = tpu.memref_slice %arg18[%add3A_56, %dma_wait3A_170] : memref<10240x128xf32, #tpu.memory_space<vmem_shared>> -> memref<48x128xf32, #tpu.memory_space<vmem_shared>>
      %dma_wait3A_172 = arith.constant 0 : i32
      %dma_wait3A_173 = tpu.memref_slice %arg18[%add3A_56, %dma_wait3A_172] : memref<10240x128xf32, #tpu.memory_space<vmem_shared>> -> memref<48x128xf32, #tpu.memory_space<vmem_shared>>
      tpu.wait_dma2 semaphore(%run_scoped3A : memref<!tpu.dma_semaphore, #tpu.memory_space<semaphore_mem>>) src(%arg14 : memref<48x128xf32, #tpu.memory_space<vmem>>) dst(%dma_wait3A_173 : memref<48x128xf32, #tpu.memory_space<vmem_shared>>)
      tpu.yield
    }) : () -> ()
    %mul3A_57 = arith.constant 640 : i32
    %mul3A_58 = arith.muli %arg1, %mul3A_57 : i32
    %add3A_59 = arith.constant 576 : i32
    %add3A_60 = arith.addi %mul3A_58, %add3A_59 : i32
    "tpu.region"() ({
      %run_scoped3A = tpu.sem_alloc : memref<!tpu.dma_semaphore, #tpu.memory_space<semaphore_mem>>
      %dma_start3A_166 = arith.constant 0 : i32
      %dma_start3A_167 = tpu.memref_slice %arg18[%add3A_60, %dma_start3A_166] : memref<10240x128xf32, #tpu.memory_space<vmem_shared>> -> memref<48x128xf32, #tpu.memory_space<vmem_shared>>
      %dma_start3A_168 = arith.constant 0 : i32
      %dma_start3A_169 = tpu.memref_slice %arg18[%add3A_60, %dma_start3A_168] : memref<10240x128xf32, #tpu.memory_space<vmem_shared>> -> memref<48x128xf32, #tpu.memory_space<vmem_shared>>
      tpu.enqueue_dma source(%arg14 : memref<48x128xf32, #tpu.memory_space<vmem>>) target(%dma_start3A_169 : memref<48x128xf32, #tpu.memory_space<vmem_shared>>) target_semaphore(%run_scoped3A : memref<!tpu.dma_semaphore, #tpu.memory_space<semaphore_mem>>)
      %dma_wait3A_170 = arith.constant 0 : i32
      %dma_wait3A_171 = tpu.memref_slice %arg18[%add3A_60, %dma_wait3A_170] : memref<10240x128xf32, #tpu.memory_space<vmem_shared>> -> memref<48x128xf32, #tpu.memory_space<vmem_shared>>
      %dma_wait3A_172 = arith.constant 0 : i32
      %dma_wait3A_173 = tpu.memref_slice %arg18[%add3A_60, %dma_wait3A_172] : memref<10240x128xf32, #tpu.memory_space<vmem_shared>> -> memref<48x128xf32, #tpu.memory_space<vmem_shared>>
      tpu.wait_dma2 semaphore(%run_scoped3A : memref<!tpu.dma_semaphore, #tpu.memory_space<semaphore_mem>>) src(%arg14 : memref<48x128xf32, #tpu.memory_space<vmem>>) dst(%dma_wait3A_173 : memref<48x128xf32, #tpu.memory_space<vmem_shared>>)
      tpu.yield
    }) : () -> ()
    %mul3A_61 = arith.constant 640 : i32
    %mul3A_62 = arith.muli %arg1, %mul3A_61 : i32
    %add3A_63 = arith.constant 624 : i32
    %add3A_64 = arith.addi %mul3A_62, %add3A_63 : i32
    "tpu.region"() ({
      %run_scoped3A = tpu.sem_alloc : memref<!tpu.dma_semaphore, #tpu.memory_space<semaphore_mem>>
      %dma_start3A_166 = arith.constant 0 : i32
      %dma_start3A_167 = arith.constant 0 : i32
      %dma_start3A_168 = tpu.memref_slice %arg14[%dma_start3A_166, %dma_start3A_167] : memref<48x128xf32, #tpu.memory_space<vmem>> -> memref<16x128xf32, #tpu.memory_space<vmem>>
      %dma_start3A_169 = arith.constant 0 : i32
      %dma_start3A_170 = tpu.memref_slice %arg18[%add3A_64, %dma_start3A_169] : memref<10240x128xf32, #tpu.memory_space<vmem_shared>> -> memref<16x128xf32, #tpu.memory_space<vmem_shared>>
      %dma_start3A_171 = arith.constant 0 : i32
      %dma_start3A_172 = tpu.memref_slice %arg18[%add3A_64, %dma_start3A_171] : memref<10240x128xf32, #tpu.memory_space<vmem_shared>> -> memref<16x128xf32, #tpu.memory_space<vmem_shared>>
      %dma_start3A_173 = arith.constant 0 : i32
      %dma_start3A_174 = arith.constant 0 : i32
      %dma_start3A_175 = tpu.memref_slice %arg14[%dma_start3A_173, %dma_start3A_174] : memref<48x128xf32, #tpu.memory_space<vmem>> -> memref<16x128xf32, #tpu.memory_space<vmem>>
      tpu.enqueue_dma source(%dma_start3A_175 : memref<16x128xf32, #tpu.memory_space<vmem>>) target(%dma_start3A_172 : memref<16x128xf32, #tpu.memory_space<vmem_shared>>) target_semaphore(%run_scoped3A : memref<!tpu.dma_semaphore, #tpu.memory_space<semaphore_mem>>)
      %dma_wait3A_176 = arith.constant 0 : i32
      %dma_wait3A_177 = arith.constant 0 : i32
      %dma_wait3A_178 = tpu.memref_slice %arg14[%dma_wait3A_176, %dma_wait3A_177] : memref<48x128xf32, #tpu.memory_space<vmem>> -> memref<16x128xf32, #tpu.memory_space<vmem>>
      %dma_wait3A_179 = arith.constant 0 : i32
      %dma_wait3A_180 = tpu.memref_slice %arg18[%add3A_64, %dma_wait3A_179] : memref<10240x128xf32, #tpu.memory_space<vmem_shared>> -> memref<16x128xf32, #tpu.memory_space<vmem_shared>>
      %dma_wait3A_181 = arith.constant 0 : i32
      %dma_wait3A_182 = tpu.memref_slice %arg18[%add3A_64, %dma_wait3A_181] : memref<10240x128xf32, #tpu.memory_space<vmem_shared>> -> memref<16x128xf32, #tpu.memory_space<vmem_shared>>
      %dma_wait3A_183 = arith.constant 0 : i32
      %dma_wait3A_184 = arith.constant 0 : i32
      %dma_wait3A_185 = tpu.memref_slice %arg14[%dma_wait3A_183, %dma_wait3A_184] : memref<48x128xf32, #tpu.memory_space<vmem>> -> memref<16x128xf32, #tpu.memory_space<vmem>>
      tpu.wait_dma2 semaphore(%run_scoped3A : memref<!tpu.dma_semaphore, #tpu.memory_space<semaphore_mem>>) src(%dma_wait3A_185 : memref<16x128xf32, #tpu.memory_space<vmem>>) dst(%dma_wait3A_182 : memref<16x128xf32, #tpu.memory_space<vmem_shared>>)
      tpu.yield
    }) : () -> ()
    %barrier3A = arith.constant 0 : index
    tpu.barrier barrier_id(%barrier3A)
    %add3A_65 = arith.constant 0 : i32
    %add3A_66 = arith.addi %mul3A_2, %add3A_65 : i32
    %dma_start3A = tpu.memref_slice %arg2[%add3A_66] : memref<325632xi32, #tpu.memory_space<hbm>> -> memref<48xi32, #tpu.memory_space<hbm>>
    %dma_start3A_67 = tpu.memref_slice %arg2[%add3A_66] : memref<325632xi32, #tpu.memory_space<hbm>> -> memref<48xi32, #tpu.memory_space<hbm>>
    tpu.enqueue_dma source(%dma_start3A_67 : memref<48xi32, #tpu.memory_space<hbm>>) target(%arg6 : memref<48xi32, #tpu.memory_space<vmem>>) target_semaphore(%arg19 : memref<!tpu.dma_semaphore, #tpu.memory_space<semaphore_mem>>)
    %add3A_68 = arith.constant 0 : i32
    %add3A_69 = arith.addi %mul3A_2, %add3A_68 : i32
    %dma_start3A_70 = tpu.memref_slice %arg3[%add3A_69] : memref<325632xi32, #tpu.memory_space<hbm>> -> memref<48xi32, #tpu.memory_space<hbm>>
    %dma_start3A_71 = tpu.memref_slice %arg3[%add3A_69] : memref<325632xi32, #tpu.memory_space<hbm>> -> memref<48xi32, #tpu.memory_space<hbm>>
    tpu.enqueue_dma source(%dma_start3A_71 : memref<48xi32, #tpu.memory_space<hbm>>) target(%arg10 : memref<48xi32, #tpu.memory_space<vmem>>) target_semaphore(%arg19 : memref<!tpu.dma_semaphore, #tpu.memory_space<semaphore_mem>>)
    %add3A_72 = arith.constant 48 : i32
    %add3A_73 = arith.addi %mul3A_2, %add3A_72 : i32
    %dma_start3A_74 = tpu.memref_slice %arg2[%add3A_73] : memref<325632xi32, #tpu.memory_space<hbm>> -> memref<48xi32, #tpu.memory_space<hbm>>
    %dma_start3A_75 = tpu.memref_slice %arg2[%add3A_73] : memref<325632xi32, #tpu.memory_space<hbm>> -> memref<48xi32, #tpu.memory_space<hbm>>
    tpu.enqueue_dma source(%dma_start3A_75 : memref<48xi32, #tpu.memory_space<hbm>>) target(%arg7 : memref<48xi32, #tpu.memory_space<vmem>>) target_semaphore(%arg20 : memref<!tpu.dma_semaphore, #tpu.memory_space<semaphore_mem>>)
    %add3A_76 = arith.constant 48 : i32
    %add3A_77 = arith.addi %mul3A_2, %add3A_76 : i32
    %dma_start3A_78 = tpu.memref_slice %arg3[%add3A_77] : memref<325632xi32, #tpu.memory_space<hbm>> -> memref<48xi32, #tpu.memory_space<hbm>>
    %dma_start3A_79 = tpu.memref_slice %arg3[%add3A_77] : memref<325632xi32, #tpu.memory_space<hbm>> -> memref<48xi32, #tpu.memory_space<hbm>>
    tpu.enqueue_dma source(%dma_start3A_79 : memref<48xi32, #tpu.memory_space<hbm>>) target(%arg11 : memref<48xi32, #tpu.memory_space<vmem>>) target_semaphore(%arg20 : memref<!tpu.dma_semaphore, #tpu.memory_space<semaphore_mem>>)
    %add3A_80 = arith.constant 0 : i32
    %add3A_81 = arith.addi %mul3A_2, %add3A_80 : i32
    %dma_wait3A = tpu.memref_slice %arg2[%add3A_81] : memref<325632xi32, #tpu.memory_space<hbm>> -> memref<48xi32, #tpu.memory_space<hbm>>
    %dma_wait3A_82 = tpu.memref_slice %arg2[%add3A_81] : memref<325632xi32, #tpu.memory_space<hbm>> -> memref<48xi32, #tpu.memory_space<hbm>>
    tpu.wait_dma2 semaphore(%arg19 : memref<!tpu.dma_semaphore, #tpu.memory_space<semaphore_mem>>) src(%dma_wait3A_82 : memref<48xi32, #tpu.memory_space<hbm>>) dst(%arg6 : memref<48xi32, #tpu.memory_space<vmem>>)
    %add3A_83 = arith.constant 0 : i32
    %add3A_84 = arith.addi %mul3A_2, %add3A_83 : i32
    %dma_wait3A_85 = tpu.memref_slice %arg3[%add3A_84] : memref<325632xi32, #tpu.memory_space<hbm>> -> memref<48xi32, #tpu.memory_space<hbm>>
    %dma_wait3A_86 = tpu.memref_slice %arg3[%add3A_84] : memref<325632xi32, #tpu.memory_space<hbm>> -> memref<48xi32, #tpu.memory_space<hbm>>
    tpu.wait_dma2 semaphore(%arg19 : memref<!tpu.dma_semaphore, #tpu.memory_space<semaphore_mem>>) src(%dma_wait3A_86 : memref<48xi32, #tpu.memory_space<hbm>>) dst(%arg10 : memref<48xi32, #tpu.memory_space<vmem>>)
    %dma_start3A_87 = arith.constant 0 : i32
    %dma_start3A_88 = arith.constant 0 : i32
    %dma_start3A_89 = tpu.memref_slice %arg4[%dma_start3A_87, %dma_start3A_88] : memref<10240x128xf32, #tpu.memory_space<hbm>> -> memref<10240x128xf32, #tpu.memory_space<hbm>>
    tpu.enqueue_indirect_dma source(%dma_start3A_89 : memref<10240x128xf32, #tpu.memory_space<hbm>>) target(%arg14 : memref<48x128xf32, #tpu.memory_space<vmem>>) offsets(%arg6 : memref<48xi32, #tpu.memory_space<vmem>>) semaphore(%arg23 : memref<!tpu.dma_semaphore, #tpu.memory_space<semaphore_mem>>)
    %scan3A_90 = arith.constant 0 : i32
    %scan3A_91 = arith.constant 0 : i32
    %scan3A_92 = arith.constant 53 : i32
    %scan3A_93 = arith.addi %scan3A_91, %scan3A_92 : i32
    %scan3A_94 = arith.constant 1 : i32
    %scan3A_95 = scf.for %scan3A_166 = %scan3A_91 to %scan3A_93 step %scan3A_94 iter_args(%scan3A_167 = %scan3A_90) -> (i32)  : i32 {
      %mul3A_168 = arith.constant 4 : i32
      %mul3A_169 = arith.muli %scan3A_166, %mul3A_168 : i32
      %add3A_170 = arith.constant 0 : i32
      %add3A_171 = arith.addi %mul3A_169, %add3A_170 : i32
      %add3A_172 = arith.constant 2 : i32
      %add3A_173 = arith.addi %add3A_171, %add3A_172 : i32
      %add3A_174 = arith.constant 1 : i32
      %add3A_175 = arith.addi %add3A_171, %add3A_174 : i32
      %lt3A = arith.constant 212 : i32
      %lt3A_176 = arith.cmpi slt, %add3A_173, %lt3A : i32
      %ge3A = arith.constant 4 : i32
      %ge3A_177 = arith.cmpi sge, %add3A_173, %ge3A : i32
      %and3A = arith.andi %lt3A_176, %ge3A_177 : i1
      %convert_element_type3A = arith.extui %and3A : i1 to i32
      %cond3A = arith.constant 0 : i32
      %cond3A_178 = arith.cmpi ne, %convert_element_type3A, %cond3A : i32
      scf.if %cond3A_178 {
        %sub3A = arith.constant 4 : i32
        %sub3A_304 = arith.subi %add3A_173, %sub3A : i32
        %dma_wait3A_305 = arith.constant 0 : i32
        %dma_wait3A_306 = arith.constant 0 : i32
        %dma_wait3A_307 = tpu.memref_slice %arg18[%dma_wait3A_305, %dma_wait3A_306] : memref<10240x128xf32, #tpu.memory_space<vmem_shared>> -> memref<10240x128xf32, #tpu.memory_space<vmem_shared>>
        tpu.wait_indirect_dma semaphore(%arg29 : memref<!tpu.dma_semaphore, #tpu.memory_space<semaphore_mem>>) src(%arg16 : memref<48x128xf32, #tpu.memory_space<vmem>>) dst(%dma_wait3A_307 : memref<10240x128xf32, #tpu.memory_space<vmem_shared>>)
        %mul3A_308 = arith.constant 48 : i32
        %mul3A_309 = arith.muli %add3A_173, %mul3A_308 : i32
        %add3A_310 = arith.addi %mul3A_2, %mul3A_309 : i32
        %dma_start3A_311 = tpu.memref_slice %arg2[%add3A_310] : memref<325632xi32, #tpu.memory_space<hbm>> -> memref<48xi32, #tpu.memory_space<hbm>>
        %dma_start3A_312 = tpu.memref_slice %arg2[%add3A_310] : memref<325632xi32, #tpu.memory_space<hbm>> -> memref<48xi32, #tpu.memory_space<hbm>>
        tpu.enqueue_dma source(%dma_start3A_312 : memref<48xi32, #tpu.memory_space<hbm>>) target(%arg8 : memref<48xi32, #tpu.memory_space<vmem>>) target_semaphore(%arg21 : memref<!tpu.dma_semaphore, #tpu.memory_space<semaphore_mem>>)
        %mul3A_313 = arith.constant 48 : i32
        %mul3A_314 = arith.muli %add3A_173, %mul3A_313 : i32
        %add3A_315 = arith.addi %mul3A_2, %mul3A_314 : i32
        %dma_start3A_316 = tpu.memref_slice %arg3[%add3A_315] : memref<325632xi32, #tpu.memory_space<hbm>> -> memref<48xi32, #tpu.memory_space<hbm>>
        %dma_start3A_317 = tpu.memref_slice %arg3[%add3A_315] : memref<325632xi32, #tpu.memory_space<hbm>> -> memref<48xi32, #tpu.memory_space<hbm>>
        tpu.enqueue_dma source(%dma_start3A_317 : memref<48xi32, #tpu.memory_space<hbm>>) target(%arg12 : memref<48xi32, #tpu.memory_space<vmem>>) target_semaphore(%arg21 : memref<!tpu.dma_semaphore, #tpu.memory_space<semaphore_mem>>)
      } else {
      }
      %lt3A_179 = arith.constant 212 : i32
      %lt3A_180 = arith.cmpi slt, %add3A_173, %lt3A_179 : i32
      %lt3A_181 = arith.constant 4 : i32
      %lt3A_182 = arith.cmpi slt, %add3A_173, %lt3A_181 : i32
      %and3A_183 = arith.andi %lt3A_180, %lt3A_182 : i1
      %convert_element_type3A_184 = arith.extui %and3A_183 : i1 to i32
      %cond3A_185 = arith.constant 0 : i32
      %cond3A_186 = arith.cmpi ne, %convert_element_type3A_184, %cond3A_185 : i32
      scf.if %cond3A_186 {
        %mul3A_304 = arith.constant 48 : i32
        %mul3A_305 = arith.muli %add3A_173, %mul3A_304 : i32
        %add3A_306 = arith.addi %mul3A_2, %mul3A_305 : i32
        %dma_start3A_307 = tpu.memref_slice %arg2[%add3A_306] : memref<325632xi32, #tpu.memory_space<hbm>> -> memref<48xi32, #tpu.memory_space<hbm>>
        %dma_start3A_308 = tpu.memref_slice %arg2[%add3A_306] : memref<325632xi32, #tpu.memory_space<hbm>> -> memref<48xi32, #tpu.memory_space<hbm>>
        tpu.enqueue_dma source(%dma_start3A_308 : memref<48xi32, #tpu.memory_space<hbm>>) target(%arg8 : memref<48xi32, #tpu.memory_space<vmem>>) target_semaphore(%arg21 : memref<!tpu.dma_semaphore, #tpu.memory_space<semaphore_mem>>)
        %mul3A_309 = arith.constant 48 : i32
        %mul3A_310 = arith.muli %add3A_173, %mul3A_309 : i32
        %add3A_311 = arith.addi %mul3A_2, %mul3A_310 : i32
        %dma_start3A_312 = tpu.memref_slice %arg3[%add3A_311] : memref<325632xi32, #tpu.memory_space<hbm>> -> memref<48xi32, #tpu.memory_space<hbm>>
        %dma_start3A_313 = tpu.memref_slice %arg3[%add3A_311] : memref<325632xi32, #tpu.memory_space<hbm>> -> memref<48xi32, #tpu.memory_space<hbm>>
        tpu.enqueue_dma source(%dma_start3A_313 : memref<48xi32, #tpu.memory_space<hbm>>) target(%arg12 : memref<48xi32, #tpu.memory_space<vmem>>) target_semaphore(%arg21 : memref<!tpu.dma_semaphore, #tpu.memory_space<semaphore_mem>>)
      } else {
      }
      %lt3A_187 = arith.constant 212 : i32
      %lt3A_188 = arith.cmpi slt, %add3A_175, %lt3A_187 : i32
      %convert_element_type3A_189 = arith.extui %lt3A_188 : i1 to i32
      %cond3A_190 = arith.constant 0 : i32
      %cond3A_191 = arith.cmpi ne, %convert_element_type3A_189, %cond3A_190 : i32
      scf.if %cond3A_191 {
        %mul3A_304 = arith.constant 48 : i32
        %mul3A_305 = arith.muli %add3A_175, %mul3A_304 : i32
        %add3A_306 = arith.addi %mul3A_2, %mul3A_305 : i32
        %dma_wait3A_307 = tpu.memref_slice %arg2[%add3A_306] : memref<325632xi32, #tpu.memory_space<hbm>> -> memref<48xi32, #tpu.memory_space<hbm>>
        %dma_wait3A_308 = tpu.memref_slice %arg2[%add3A_306] : memref<325632xi32, #tpu.memory_space<hbm>> -> memref<48xi32, #tpu.memory_space<hbm>>
        tpu.wait_dma2 semaphore(%arg20 : memref<!tpu.dma_semaphore, #tpu.memory_space<semaphore_mem>>) src(%dma_wait3A_308 : memref<48xi32, #tpu.memory_space<hbm>>) dst(%arg7 : memref<48xi32, #tpu.memory_space<vmem>>)
        %mul3A_309 = arith.constant 48 : i32
        %mul3A_310 = arith.muli %add3A_175, %mul3A_309 : i32
        %add3A_311 = arith.addi %mul3A_2, %mul3A_310 : i32
        %dma_wait3A_312 = tpu.memref_slice %arg3[%add3A_311] : memref<325632xi32, #tpu.memory_space<hbm>> -> memref<48xi32, #tpu.memory_space<hbm>>
        %dma_wait3A_313 = tpu.memref_slice %arg3[%add3A_311] : memref<325632xi32, #tpu.memory_space<hbm>> -> memref<48xi32, #tpu.memory_space<hbm>>
        tpu.wait_dma2 semaphore(%arg20 : memref<!tpu.dma_semaphore, #tpu.memory_space<semaphore_mem>>) src(%dma_wait3A_313 : memref<48xi32, #tpu.memory_space<hbm>>) dst(%arg11 : memref<48xi32, #tpu.memory_space<vmem>>)
        %dma_start3A_314 = arith.constant 0 : i32
        %dma_start3A_315 = arith.constant 0 : i32
        %dma_start3A_316 = tpu.memref_slice %arg4[%dma_start3A_314, %dma_start3A_315] : memref<10240x128xf32, #tpu.memory_space<hbm>> -> memref<10240x128xf32, #tpu.memory_space<hbm>>
        tpu.enqueue_indirect_dma source(%dma_start3A_316 : memref<10240x128xf32, #tpu.memory_space<hbm>>) target(%arg15 : memref<48x128xf32, #tpu.memory_space<vmem>>) offsets(%arg7 : memref<48xi32, #tpu.memory_space<vmem>>) semaphore(%arg24 : memref<!tpu.dma_semaphore, #tpu.memory_space<semaphore_mem>>)
      } else {
      }
      %dma_wait3A_192 = arith.constant 0 : i32
      %dma_wait3A_193 = arith.constant 0 : i32
      %dma_wait3A_194 = tpu.memref_slice %arg4[%dma_wait3A_192, %dma_wait3A_193] : memref<10240x128xf32, #tpu.memory_space<hbm>> -> memref<10240x128xf32, #tpu.memory_space<hbm>>
      tpu.wait_indirect_dma semaphore(%arg23 : memref<!tpu.dma_semaphore, #tpu.memory_space<semaphore_mem>>) src(%dma_wait3A_194 : memref<10240x128xf32, #tpu.memory_space<hbm>>) dst(%arg14 : memref<48x128xf32, #tpu.memory_space<vmem>>)
      %dma_start3A_195 = arith.constant 0 : i32
      %dma_start3A_196 = arith.constant 0 : i32
      %dma_start3A_197 = tpu.memref_slice %arg18[%dma_start3A_195, %dma_start3A_196] : memref<10240x128xf32, #tpu.memory_space<vmem_shared>> -> memref<10240x128xf32, #tpu.memory_space<vmem_shared>>
      tpu.enqueue_indirect_dma source(%arg14 : memref<48x128xf32, #tpu.memory_space<vmem>>) target(%dma_start3A_197 : memref<10240x128xf32, #tpu.memory_space<vmem_shared>>) offsets(%arg10 : memref<48xi32, #tpu.memory_space<vmem>>) semaphore(%arg27 : memref<!tpu.dma_semaphore, #tpu.memory_space<semaphore_mem>>) {add = true}
      %mul3A_198 = arith.constant 4 : i32
      %mul3A_199 = arith.muli %scan3A_166, %mul3A_198 : i32
      %add3A_200 = arith.constant 1 : i32
      %add3A_201 = arith.addi %mul3A_199, %add3A_200 : i32
      %add3A_202 = arith.constant 2 : i32
      %add3A_203 = arith.addi %add3A_201, %add3A_202 : i32
      %add3A_204 = arith.constant 1 : i32
      %add3A_205 = arith.addi %add3A_201, %add3A_204 : i32
      %lt3A_206 = arith.constant 212 : i32
      %lt3A_207 = arith.cmpi slt, %add3A_203, %lt3A_206 : i32
      %ge3A_208 = arith.constant 4 : i32
      %ge3A_209 = arith.cmpi sge, %add3A_203, %ge3A_208 : i32
      %and3A_210 = arith.andi %lt3A_207, %ge3A_209 : i1
      %convert_element_type3A_211 = arith.extui %and3A_210 : i1 to i32
      %cond3A_212 = arith.constant 0 : i32
      %cond3A_213 = arith.cmpi ne, %convert_element_type3A_211, %cond3A_212 : i32
      scf.if %cond3A_213 {
        %sub3A = arith.constant 4 : i32
        %sub3A_304 = arith.subi %add3A_203, %sub3A : i32
        %dma_wait3A_305 = arith.constant 0 : i32
        %dma_wait3A_306 = arith.constant 0 : i32
        %dma_wait3A_307 = tpu.memref_slice %arg18[%dma_wait3A_305, %dma_wait3A_306] : memref<10240x128xf32, #tpu.memory_space<vmem_shared>> -> memref<10240x128xf32, #tpu.memory_space<vmem_shared>>
        tpu.wait_indirect_dma semaphore(%arg30 : memref<!tpu.dma_semaphore, #tpu.memory_space<semaphore_mem>>) src(%arg17 : memref<48x128xf32, #tpu.memory_space<vmem>>) dst(%dma_wait3A_307 : memref<10240x128xf32, #tpu.memory_space<vmem_shared>>)
        %mul3A_308 = arith.constant 48 : i32
        %mul3A_309 = arith.muli %add3A_203, %mul3A_308 : i32
        %add3A_310 = arith.addi %mul3A_2, %mul3A_309 : i32
        %dma_start3A_311 = tpu.memref_slice %arg2[%add3A_310] : memref<325632xi32, #tpu.memory_space<hbm>> -> memref<48xi32, #tpu.memory_space<hbm>>
        %dma_start3A_312 = tpu.memref_slice %arg2[%add3A_310] : memref<325632xi32, #tpu.memory_space<hbm>> -> memref<48xi32, #tpu.memory_space<hbm>>
        tpu.enqueue_dma source(%dma_start3A_312 : memref<48xi32, #tpu.memory_space<hbm>>) target(%arg9 : memref<48xi32, #tpu.memory_space<vmem>>) target_semaphore(%arg22 : memref<!tpu.dma_semaphore, #tpu.memory_space<semaphore_mem>>)
        %mul3A_313 = arith.constant 48 : i32
        %mul3A_314 = arith.muli %add3A_203, %mul3A_313 : i32
        %add3A_315 = arith.addi %mul3A_2, %mul3A_314 : i32
        %dma_start3A_316 = tpu.memref_slice %arg3[%add3A_315] : memref<325632xi32, #tpu.memory_space<hbm>> -> memref<48xi32, #tpu.memory_space<hbm>>
        %dma_start3A_317 = tpu.memref_slice %arg3[%add3A_315] : memref<325632xi32, #tpu.memory_space<hbm>> -> memref<48xi32, #tpu.memory_space<hbm>>
        tpu.enqueue_dma source(%dma_start3A_317 : memref<48xi32, #tpu.memory_space<hbm>>) target(%arg13 : memref<48xi32, #tpu.memory_space<vmem>>) target_semaphore(%arg22 : memref<!tpu.dma_semaphore, #tpu.memory_space<semaphore_mem>>)
      } else {
      }
      %lt3A_214 = arith.constant 212 : i32
      %lt3A_215 = arith.cmpi slt, %add3A_203, %lt3A_214 : i32
      %lt3A_216 = arith.constant 4 : i32
      %lt3A_217 = arith.cmpi slt, %add3A_203, %lt3A_216 : i32
      %and3A_218 = arith.andi %lt3A_215, %lt3A_217 : i1
      %convert_element_type3A_219 = arith.extui %and3A_218 : i1 to i32
      %cond3A_220 = arith.constant 0 : i32
      %cond3A_221 = arith.cmpi ne, %convert_element_type3A_219, %cond3A_220 : i32
      scf.if %cond3A_221 {
        %mul3A_304 = arith.constant 48 : i32
        %mul3A_305 = arith.muli %add3A_203, %mul3A_304 : i32
        %add3A_306 = arith.addi %mul3A_2, %mul3A_305 : i32
        %dma_start3A_307 = tpu.memref_slice %arg2[%add3A_306] : memref<325632xi32, #tpu.memory_space<hbm>> -> memref<48xi32, #tpu.memory_space<hbm>>
        %dma_start3A_308 = tpu.memref_slice %arg2[%add3A_306] : memref<325632xi32, #tpu.memory_space<hbm>> -> memref<48xi32, #tpu.memory_space<hbm>>
        tpu.enqueue_dma source(%dma_start3A_308 : memref<48xi32, #tpu.memory_space<hbm>>) target(%arg9 : memref<48xi32, #tpu.memory_space<vmem>>) target_semaphore(%arg22 : memref<!tpu.dma_semaphore, #tpu.memory_space<semaphore_mem>>)
        %mul3A_309 = arith.constant 48 : i32
        %mul3A_310 = arith.muli %add3A_203, %mul3A_309 : i32
        %add3A_311 = arith.addi %mul3A_2, %mul3A_310 : i32
        %dma_start3A_312 = tpu.memref_slice %arg3[%add3A_311] : memref<325632xi32, #tpu.memory_space<hbm>> -> memref<48xi32, #tpu.memory_space<hbm>>
        %dma_start3A_313 = tpu.memref_slice %arg3[%add3A_311] : memref<325632xi32, #tpu.memory_space<hbm>> -> memref<48xi32, #tpu.memory_space<hbm>>
        tpu.enqueue_dma source(%dma_start3A_313 : memref<48xi32, #tpu.memory_space<hbm>>) target(%arg13 : memref<48xi32, #tpu.memory_space<vmem>>) target_semaphore(%arg22 : memref<!tpu.dma_semaphore, #tpu.memory_space<semaphore_mem>>)
      } else {
      }
      %lt3A_222 = arith.constant 212 : i32
      %lt3A_223 = arith.cmpi slt, %add3A_205, %lt3A_222 : i32
      %convert_element_type3A_224 = arith.extui %lt3A_223 : i1 to i32
      %cond3A_225 = arith.constant 0 : i32
      %cond3A_226 = arith.cmpi ne, %convert_element_type3A_224, %cond3A_225 : i32
      scf.if %cond3A_226 {
        %mul3A_304 = arith.constant 48 : i32
        %mul3A_305 = arith.muli %add3A_205, %mul3A_304 : i32
        %add3A_306 = arith.addi %mul3A_2, %mul3A_305 : i32
        %dma_wait3A_307 = tpu.memref_slice %arg2[%add3A_306] : memref<325632xi32, #tpu.memory_space<hbm>> -> memref<48xi32, #tpu.memory_space<hbm>>
        %dma_wait3A_308 = tpu.memref_slice %arg2[%add3A_306] : memref<325632xi32, #tpu.memory_space<hbm>> -> memref<48xi32, #tpu.memory_space<hbm>>
        tpu.wait_dma2 semaphore(%arg21 : memref<!tpu.dma_semaphore, #tpu.memory_space<semaphore_mem>>) src(%dma_wait3A_308 : memref<48xi32, #tpu.memory_space<hbm>>) dst(%arg8 : memref<48xi32, #tpu.memory_space<vmem>>)
        %mul3A_309 = arith.constant 48 : i32
        %mul3A_310 = arith.muli %add3A_205, %mul3A_309 : i32
        %add3A_311 = arith.addi %mul3A_2, %mul3A_310 : i32
        %dma_wait3A_312 = tpu.memref_slice %arg3[%add3A_311] : memref<325632xi32, #tpu.memory_space<hbm>> -> memref<48xi32, #tpu.memory_space<hbm>>
        %dma_wait3A_313 = tpu.memref_slice %arg3[%add3A_311] : memref<325632xi32, #tpu.memory_space<hbm>> -> memref<48xi32, #tpu.memory_space<hbm>>
        tpu.wait_dma2 semaphore(%arg21 : memref<!tpu.dma_semaphore, #tpu.memory_space<semaphore_mem>>) src(%dma_wait3A_313 : memref<48xi32, #tpu.memory_space<hbm>>) dst(%arg12 : memref<48xi32, #tpu.memory_space<vmem>>)
        %dma_start3A_314 = arith.constant 0 : i32
        %dma_start3A_315 = arith.constant 0 : i32
        %dma_start3A_316 = tpu.memref_slice %arg4[%dma_start3A_314, %dma_start3A_315] : memref<10240x128xf32, #tpu.memory_space<hbm>> -> memref<10240x128xf32, #tpu.memory_space<hbm>>
        tpu.enqueue_indirect_dma source(%dma_start3A_316 : memref<10240x128xf32, #tpu.memory_space<hbm>>) target(%arg16 : memref<48x128xf32, #tpu.memory_space<vmem>>) offsets(%arg8 : memref<48xi32, #tpu.memory_space<vmem>>) semaphore(%arg25 : memref<!tpu.dma_semaphore, #tpu.memory_space<semaphore_mem>>)
      } else {
      }
      %dma_wait3A_227 = arith.constant 0 : i32
      %dma_wait3A_228 = arith.constant 0 : i32
      %dma_wait3A_229 = tpu.memref_slice %arg4[%dma_wait3A_227, %dma_wait3A_228] : memref<10240x128xf32, #tpu.memory_space<hbm>> -> memref<10240x128xf32, #tpu.memory_space<hbm>>
      tpu.wait_indirect_dma semaphore(%arg24 : memref<!tpu.dma_semaphore, #tpu.memory_space<semaphore_mem>>) src(%dma_wait3A_229 : memref<10240x128xf32, #tpu.memory_space<hbm>>) dst(%arg15 : memref<48x128xf32, #tpu.memory_space<vmem>>)
      %dma_start3A_230 = arith.constant 0 : i32
      %dma_start3A_231 = arith.constant 0 : i32
      %dma_start3A_232 = tpu.memref_slice %arg18[%dma_start3A_230, %dma_start3A_231] : memref<10240x128xf32, #tpu.memory_space<vmem_shared>> -> memref<10240x128xf32, #tpu.memory_space<vmem_shared>>
      tpu.enqueue_indirect_dma source(%arg15 : memref<48x128xf32, #tpu.memory_space<vmem>>) target(%dma_start3A_232 : memref<10240x128xf32, #tpu.memory_space<vmem_shared>>) offsets(%arg11 : memref<48xi32, #tpu.memory_space<vmem>>) semaphore(%arg28 : memref<!tpu.dma_semaphore, #tpu.memory_space<semaphore_mem>>) {add = true}
      %mul3A_233 = arith.constant 4 : i32
      %mul3A_234 = arith.muli %scan3A_166, %mul3A_233 : i32
      %add3A_235 = arith.constant 2 : i32
      %add3A_236 = arith.addi %mul3A_234, %add3A_235 : i32
      %add3A_237 = arith.constant 2 : i32
      %add3A_238 = arith.addi %add3A_236, %add3A_237 : i32
      %add3A_239 = arith.constant 1 : i32
      %add3A_240 = arith.addi %add3A_236, %add3A_239 : i32
      %lt3A_241 = arith.constant 212 : i32
      %lt3A_242 = arith.cmpi slt, %add3A_238, %lt3A_241 : i32
      %ge3A_243 = arith.constant 4 : i32
      %ge3A_244 = arith.cmpi sge, %add3A_238, %ge3A_243 : i32
      %and3A_245 = arith.andi %lt3A_242, %ge3A_244 : i1
      %convert_element_type3A_246 = arith.extui %and3A_245 : i1 to i32
      %cond3A_247 = arith.constant 0 : i32
      %cond3A_248 = arith.cmpi ne, %convert_element_type3A_246, %cond3A_247 : i32
      scf.if %cond3A_248 {
        %sub3A = arith.constant 4 : i32
        %sub3A_304 = arith.subi %add3A_238, %sub3A : i32
        %dma_wait3A_305 = arith.constant 0 : i32
        %dma_wait3A_306 = arith.constant 0 : i32
        %dma_wait3A_307 = tpu.memref_slice %arg18[%dma_wait3A_305, %dma_wait3A_306] : memref<10240x128xf32, #tpu.memory_space<vmem_shared>> -> memref<10240x128xf32, #tpu.memory_space<vmem_shared>>
        tpu.wait_indirect_dma semaphore(%arg27 : memref<!tpu.dma_semaphore, #tpu.memory_space<semaphore_mem>>) src(%arg14 : memref<48x128xf32, #tpu.memory_space<vmem>>) dst(%dma_wait3A_307 : memref<10240x128xf32, #tpu.memory_space<vmem_shared>>)
        %mul3A_308 = arith.constant 48 : i32
        %mul3A_309 = arith.muli %add3A_238, %mul3A_308 : i32
        %add3A_310 = arith.addi %mul3A_2, %mul3A_309 : i32
        %dma_start3A_311 = tpu.memref_slice %arg2[%add3A_310] : memref<325632xi32, #tpu.memory_space<hbm>> -> memref<48xi32, #tpu.memory_space<hbm>>
        %dma_start3A_312 = tpu.memref_slice %arg2[%add3A_310] : memref<325632xi32, #tpu.memory_space<hbm>> -> memref<48xi32, #tpu.memory_space<hbm>>
        tpu.enqueue_dma source(%dma_start3A_312 : memref<48xi32, #tpu.memory_space<hbm>>) target(%arg6 : memref<48xi32, #tpu.memory_space<vmem>>) target_semaphore(%arg19 : memref<!tpu.dma_semaphore, #tpu.memory_space<semaphore_mem>>)
        %mul3A_313 = arith.constant 48 : i32
        %mul3A_314 = arith.muli %add3A_238, %mul3A_313 : i32
        %add3A_315 = arith.addi %mul3A_2, %mul3A_314 : i32
        %dma_start3A_316 = tpu.memref_slice %arg3[%add3A_315] : memref<325632xi32, #tpu.memory_space<hbm>> -> memref<48xi32, #tpu.memory_space<hbm>>
        %dma_start3A_317 = tpu.memref_slice %arg3[%add3A_315] : memref<325632xi32, #tpu.memory_space<hbm>> -> memref<48xi32, #tpu.memory_space<hbm>>
        tpu.enqueue_dma source(%dma_start3A_317 : memref<48xi32, #tpu.memory_space<hbm>>) target(%arg10 : memref<48xi32, #tpu.memory_space<vmem>>) target_semaphore(%arg19 : memref<!tpu.dma_semaphore, #tpu.memory_space<semaphore_mem>>)
      } else {
      }
      %lt3A_249 = arith.constant 212 : i32
      %lt3A_250 = arith.cmpi slt, %add3A_238, %lt3A_249 : i32
      %lt3A_251 = arith.constant 4 : i32
      %lt3A_252 = arith.cmpi slt, %add3A_238, %lt3A_251 : i32
      %and3A_253 = arith.andi %lt3A_250, %lt3A_252 : i1
      %convert_element_type3A_254 = arith.extui %and3A_253 : i1 to i32
      %cond3A_255 = arith.constant 0 : i32
      %cond3A_256 = arith.cmpi ne, %convert_element_type3A_254, %cond3A_255 : i32
      scf.if %cond3A_256 {
        %mul3A_304 = arith.constant 48 : i32
        %mul3A_305 = arith.muli %add3A_238, %mul3A_304 : i32
        %add3A_306 = arith.addi %mul3A_2, %mul3A_305 : i32
        %dma_start3A_307 = tpu.memref_slice %arg2[%add3A_306] : memref<325632xi32, #tpu.memory_space<hbm>> -> memref<48xi32, #tpu.memory_space<hbm>>
        %dma_start3A_308 = tpu.memref_slice %arg2[%add3A_306] : memref<325632xi32, #tpu.memory_space<hbm>> -> memref<48xi32, #tpu.memory_space<hbm>>
        tpu.enqueue_dma source(%dma_start3A_308 : memref<48xi32, #tpu.memory_space<hbm>>) target(%arg6 : memref<48xi32, #tpu.memory_space<vmem>>) target_semaphore(%arg19 : memref<!tpu.dma_semaphore, #tpu.memory_space<semaphore_mem>>)
        %mul3A_309 = arith.constant 48 : i32
        %mul3A_310 = arith.muli %add3A_238, %mul3A_309 : i32
        %add3A_311 = arith.addi %mul3A_2, %mul3A_310 : i32
        %dma_start3A_312 = tpu.memref_slice %arg3[%add3A_311] : memref<325632xi32, #tpu.memory_space<hbm>> -> memref<48xi32, #tpu.memory_space<hbm>>
        %dma_start3A_313 = tpu.memref_slice %arg3[%add3A_311] : memref<325632xi32, #tpu.memory_space<hbm>> -> memref<48xi32, #tpu.memory_space<hbm>>
        tpu.enqueue_dma source(%dma_start3A_313 : memref<48xi32, #tpu.memory_space<hbm>>) target(%arg10 : memref<48xi32, #tpu.memory_space<vmem>>) target_semaphore(%arg19 : memref<!tpu.dma_semaphore, #tpu.memory_space<semaphore_mem>>)
      } else {
      }
      %lt3A_257 = arith.constant 212 : i32
      %lt3A_258 = arith.cmpi slt, %add3A_240, %lt3A_257 : i32
      %convert_element_type3A_259 = arith.extui %lt3A_258 : i1 to i32
      %cond3A_260 = arith.constant 0 : i32
      %cond3A_261 = arith.cmpi ne, %convert_element_type3A_259, %cond3A_260 : i32
      scf.if %cond3A_261 {
        %mul3A_304 = arith.constant 48 : i32
        %mul3A_305 = arith.muli %add3A_240, %mul3A_304 : i32
        %add3A_306 = arith.addi %mul3A_2, %mul3A_305 : i32
        %dma_wait3A_307 = tpu.memref_slice %arg2[%add3A_306] : memref<325632xi32, #tpu.memory_space<hbm>> -> memref<48xi32, #tpu.memory_space<hbm>>
        %dma_wait3A_308 = tpu.memref_slice %arg2[%add3A_306] : memref<325632xi32, #tpu.memory_space<hbm>> -> memref<48xi32, #tpu.memory_space<hbm>>
        tpu.wait_dma2 semaphore(%arg22 : memref<!tpu.dma_semaphore, #tpu.memory_space<semaphore_mem>>) src(%dma_wait3A_308 : memref<48xi32, #tpu.memory_space<hbm>>) dst(%arg9 : memref<48xi32, #tpu.memory_space<vmem>>)
        %mul3A_309 = arith.constant 48 : i32
        %mul3A_310 = arith.muli %add3A_240, %mul3A_309 : i32
        %add3A_311 = arith.addi %mul3A_2, %mul3A_310 : i32
        %dma_wait3A_312 = tpu.memref_slice %arg3[%add3A_311] : memref<325632xi32, #tpu.memory_space<hbm>> -> memref<48xi32, #tpu.memory_space<hbm>>
        %dma_wait3A_313 = tpu.memref_slice %arg3[%add3A_311] : memref<325632xi32, #tpu.memory_space<hbm>> -> memref<48xi32, #tpu.memory_space<hbm>>
        tpu.wait_dma2 semaphore(%arg22 : memref<!tpu.dma_semaphore, #tpu.memory_space<semaphore_mem>>) src(%dma_wait3A_313 : memref<48xi32, #tpu.memory_space<hbm>>) dst(%arg13 : memref<48xi32, #tpu.memory_space<vmem>>)
        %dma_start3A_314 = arith.constant 0 : i32
        %dma_start3A_315 = arith.constant 0 : i32
        %dma_start3A_316 = tpu.memref_slice %arg4[%dma_start3A_314, %dma_start3A_315] : memref<10240x128xf32, #tpu.memory_space<hbm>> -> memref<10240x128xf32, #tpu.memory_space<hbm>>
        tpu.enqueue_indirect_dma source(%dma_start3A_316 : memref<10240x128xf32, #tpu.memory_space<hbm>>) target(%arg17 : memref<48x128xf32, #tpu.memory_space<vmem>>) offsets(%arg9 : memref<48xi32, #tpu.memory_space<vmem>>) semaphore(%arg26 : memref<!tpu.dma_semaphore, #tpu.memory_space<semaphore_mem>>)
      } else {
      }
      %dma_wait3A_262 = arith.constant 0 : i32
      %dma_wait3A_263 = arith.constant 0 : i32
      %dma_wait3A_264 = tpu.memref_slice %arg4[%dma_wait3A_262, %dma_wait3A_263] : memref<10240x128xf32, #tpu.memory_space<hbm>> -> memref<10240x128xf32, #tpu.memory_space<hbm>>
      tpu.wait_indirect_dma semaphore(%arg25 : memref<!tpu.dma_semaphore, #tpu.memory_space<semaphore_mem>>) src(%dma_wait3A_264 : memref<10240x128xf32, #tpu.memory_space<hbm>>) dst(%arg16 : memref<48x128xf32, #tpu.memory_space<vmem>>)
      %dma_start3A_265 = arith.constant 0 : i32
      %dma_start3A_266 = arith.constant 0 : i32
      %dma_start3A_267 = tpu.memref_slice %arg18[%dma_start3A_265, %dma_start3A_266] : memref<10240x128xf32, #tpu.memory_space<vmem_shared>> -> memref<10240x128xf32, #tpu.memory_space<vmem_shared>>
      tpu.enqueue_indirect_dma source(%arg16 : memref<48x128xf32, #tpu.memory_space<vmem>>) target(%dma_start3A_267 : memref<10240x128xf32, #tpu.memory_space<vmem_shared>>) offsets(%arg12 : memref<48xi32, #tpu.memory_space<vmem>>) semaphore(%arg29 : memref<!tpu.dma_semaphore, #tpu.memory_space<semaphore_mem>>) {add = true}
      %mul3A_268 = arith.constant 4 : i32
      %mul3A_269 = arith.muli %scan3A_166, %mul3A_268 : i32
      %add3A_270 = arith.constant 3 : i32
      %add3A_271 = arith.addi %mul3A_269, %add3A_270 : i32
      %add3A_272 = arith.constant 2 : i32
      %add3A_273 = arith.addi %add3A_271, %add3A_272 : i32
      %add3A_274 = arith.constant 1 : i32
      %add3A_275 = arith.addi %add3A_271, %add3A_274 : i32
      %lt3A_276 = arith.constant 212 : i32
      %lt3A_277 = arith.cmpi slt, %add3A_273, %lt3A_276 : i32
      %ge3A_278 = arith.constant 4 : i32
      %ge3A_279 = arith.cmpi sge, %add3A_273, %ge3A_278 : i32
      %and3A_280 = arith.andi %lt3A_277, %ge3A_279 : i1
      %convert_element_type3A_281 = arith.extui %and3A_280 : i1 to i32
      %cond3A_282 = arith.constant 0 : i32
      %cond3A_283 = arith.cmpi ne, %convert_element_type3A_281, %cond3A_282 : i32
      scf.if %cond3A_283 {
        %sub3A = arith.constant 4 : i32
        %sub3A_304 = arith.subi %add3A_273, %sub3A : i32
        %dma_wait3A_305 = arith.constant 0 : i32
        %dma_wait3A_306 = arith.constant 0 : i32
        %dma_wait3A_307 = tpu.memref_slice %arg18[%dma_wait3A_305, %dma_wait3A_306] : memref<10240x128xf32, #tpu.memory_space<vmem_shared>> -> memref<10240x128xf32, #tpu.memory_space<vmem_shared>>
        tpu.wait_indirect_dma semaphore(%arg28 : memref<!tpu.dma_semaphore, #tpu.memory_space<semaphore_mem>>) src(%arg15 : memref<48x128xf32, #tpu.memory_space<vmem>>) dst(%dma_wait3A_307 : memref<10240x128xf32, #tpu.memory_space<vmem_shared>>)
        %mul3A_308 = arith.constant 48 : i32
        %mul3A_309 = arith.muli %add3A_273, %mul3A_308 : i32
        %add3A_310 = arith.addi %mul3A_2, %mul3A_309 : i32
        %dma_start3A_311 = tpu.memref_slice %arg2[%add3A_310] : memref<325632xi32, #tpu.memory_space<hbm>> -> memref<48xi32, #tpu.memory_space<hbm>>
        %dma_start3A_312 = tpu.memref_slice %arg2[%add3A_310] : memref<325632xi32, #tpu.memory_space<hbm>> -> memref<48xi32, #tpu.memory_space<hbm>>
        tpu.enqueue_dma source(%dma_start3A_312 : memref<48xi32, #tpu.memory_space<hbm>>) target(%arg7 : memref<48xi32, #tpu.memory_space<vmem>>) target_semaphore(%arg20 : memref<!tpu.dma_semaphore, #tpu.memory_space<semaphore_mem>>)
        %mul3A_313 = arith.constant 48 : i32
        %mul3A_314 = arith.muli %add3A_273, %mul3A_313 : i32
        %add3A_315 = arith.addi %mul3A_2, %mul3A_314 : i32
        %dma_start3A_316 = tpu.memref_slice %arg3[%add3A_315] : memref<325632xi32, #tpu.memory_space<hbm>> -> memref<48xi32, #tpu.memory_space<hbm>>
        %dma_start3A_317 = tpu.memref_slice %arg3[%add3A_315] : memref<325632xi32, #tpu.memory_space<hbm>> -> memref<48xi32, #tpu.memory_space<hbm>>
        tpu.enqueue_dma source(%dma_start3A_317 : memref<48xi32, #tpu.memory_space<hbm>>) target(%arg11 : memref<48xi32, #tpu.memory_space<vmem>>) target_semaphore(%arg20 : memref<!tpu.dma_semaphore, #tpu.memory_space<semaphore_mem>>)
      } else {
      }
      %lt3A_284 = arith.constant 212 : i32
      %lt3A_285 = arith.cmpi slt, %add3A_273, %lt3A_284 : i32
      %lt3A_286 = arith.constant 4 : i32
      %lt3A_287 = arith.cmpi slt, %add3A_273, %lt3A_286 : i32
      %and3A_288 = arith.andi %lt3A_285, %lt3A_287 : i1
      %convert_element_type3A_289 = arith.extui %and3A_288 : i1 to i32
      %cond3A_290 = arith.constant 0 : i32
      %cond3A_291 = arith.cmpi ne, %convert_element_type3A_289, %cond3A_290 : i32
      scf.if %cond3A_291 {
        %mul3A_304 = arith.constant 48 : i32
        %mul3A_305 = arith.muli %add3A_273, %mul3A_304 : i32
        %add3A_306 = arith.addi %mul3A_2, %mul3A_305 : i32
        %dma_start3A_307 = tpu.memref_slice %arg2[%add3A_306] : memref<325632xi32, #tpu.memory_space<hbm>> -> memref<48xi32, #tpu.memory_space<hbm>>
        %dma_start3A_308 = tpu.memref_slice %arg2[%add3A_306] : memref<325632xi32, #tpu.memory_space<hbm>> -> memref<48xi32, #tpu.memory_space<hbm>>
        tpu.enqueue_dma source(%dma_start3A_308 : memref<48xi32, #tpu.memory_space<hbm>>) target(%arg7 : memref<48xi32, #tpu.memory_space<vmem>>) target_semaphore(%arg20 : memref<!tpu.dma_semaphore, #tpu.memory_space<semaphore_mem>>)
        %mul3A_309 = arith.constant 48 : i32
        %mul3A_310 = arith.muli %add3A_273, %mul3A_309 : i32
        %add3A_311 = arith.addi %mul3A_2, %mul3A_310 : i32
        %dma_start3A_312 = tpu.memref_slice %arg3[%add3A_311] : memref<325632xi32, #tpu.memory_space<hbm>> -> memref<48xi32, #tpu.memory_space<hbm>>
        %dma_start3A_313 = tpu.memref_slice %arg3[%add3A_311] : memref<325632xi32, #tpu.memory_space<hbm>> -> memref<48xi32, #tpu.memory_space<hbm>>
        tpu.enqueue_dma source(%dma_start3A_313 : memref<48xi32, #tpu.memory_space<hbm>>) target(%arg11 : memref<48xi32, #tpu.memory_space<vmem>>) target_semaphore(%arg20 : memref<!tpu.dma_semaphore, #tpu.memory_space<semaphore_mem>>)
      } else {
      }
      %lt3A_292 = arith.constant 212 : i32
      %lt3A_293 = arith.cmpi slt, %add3A_275, %lt3A_292 : i32
      %convert_element_type3A_294 = arith.extui %lt3A_293 : i1 to i32
      %cond3A_295 = arith.constant 0 : i32
      %cond3A_296 = arith.cmpi ne, %convert_element_type3A_294, %cond3A_295 : i32
      scf.if %cond3A_296 {
        %mul3A_304 = arith.constant 48 : i32
        %mul3A_305 = arith.muli %add3A_275, %mul3A_304 : i32
        %add3A_306 = arith.addi %mul3A_2, %mul3A_305 : i32
        %dma_wait3A_307 = tpu.memref_slice %arg2[%add3A_306] : memref<325632xi32, #tpu.memory_space<hbm>> -> memref<48xi32, #tpu.memory_space<hbm>>
        %dma_wait3A_308 = tpu.memref_slice %arg2[%add3A_306] : memref<325632xi32, #tpu.memory_space<hbm>> -> memref<48xi32, #tpu.memory_space<hbm>>
        tpu.wait_dma2 semaphore(%arg19 : memref<!tpu.dma_semaphore, #tpu.memory_space<semaphore_mem>>) src(%dma_wait3A_308 : memref<48xi32, #tpu.memory_space<hbm>>) dst(%arg6 : memref<48xi32, #tpu.memory_space<vmem>>)
        %mul3A_309 = arith.constant 48 : i32
        %mul3A_310 = arith.muli %add3A_275, %mul3A_309 : i32
        %add3A_311 = arith.addi %mul3A_2, %mul3A_310 : i32
        %dma_wait3A_312 = tpu.memref_slice %arg3[%add3A_311] : memref<325632xi32, #tpu.memory_space<hbm>> -> memref<48xi32, #tpu.memory_space<hbm>>
        %dma_wait3A_313 = tpu.memref_slice %arg3[%add3A_311] : memref<325632xi32, #tpu.memory_space<hbm>> -> memref<48xi32, #tpu.memory_space<hbm>>
        tpu.wait_dma2 semaphore(%arg19 : memref<!tpu.dma_semaphore, #tpu.memory_space<semaphore_mem>>) src(%dma_wait3A_313 : memref<48xi32, #tpu.memory_space<hbm>>) dst(%arg10 : memref<48xi32, #tpu.memory_space<vmem>>)
        %dma_start3A_314 = arith.constant 0 : i32
        %dma_start3A_315 = arith.constant 0 : i32
        %dma_start3A_316 = tpu.memref_slice %arg4[%dma_start3A_314, %dma_start3A_315] : memref<10240x128xf32, #tpu.memory_space<hbm>> -> memref<10240x128xf32, #tpu.memory_space<hbm>>
        tpu.enqueue_indirect_dma source(%dma_start3A_316 : memref<10240x128xf32, #tpu.memory_space<hbm>>) target(%arg14 : memref<48x128xf32, #tpu.memory_space<vmem>>) offsets(%arg6 : memref<48xi32, #tpu.memory_space<vmem>>) semaphore(%arg23 : memref<!tpu.dma_semaphore, #tpu.memory_space<semaphore_mem>>)
      } else {
      }
      %dma_wait3A_297 = arith.constant 0 : i32
      %dma_wait3A_298 = arith.constant 0 : i32
      %dma_wait3A_299 = tpu.memref_slice %arg4[%dma_wait3A_297, %dma_wait3A_298] : memref<10240x128xf32, #tpu.memory_space<hbm>> -> memref<10240x128xf32, #tpu.memory_space<hbm>>
      tpu.wait_indirect_dma semaphore(%arg26 : memref<!tpu.dma_semaphore, #tpu.memory_space<semaphore_mem>>) src(%dma_wait3A_299 : memref<10240x128xf32, #tpu.memory_space<hbm>>) dst(%arg17 : memref<48x128xf32, #tpu.memory_space<vmem>>)
      %dma_start3A_300 = arith.constant 0 : i32
      %dma_start3A_301 = arith.constant 0 : i32
      %dma_start3A_302 = tpu.memref_slice %arg18[%dma_start3A_300, %dma_start3A_301] : memref<10240x128xf32, #tpu.memory_space<vmem_shared>> -> memref<10240x128xf32, #tpu.memory_space<vmem_shared>>
      tpu.enqueue_indirect_dma source(%arg17 : memref<48x128xf32, #tpu.memory_space<vmem>>) target(%dma_start3A_302 : memref<10240x128xf32, #tpu.memory_space<vmem_shared>>) offsets(%arg13 : memref<48xi32, #tpu.memory_space<vmem>>) semaphore(%arg30 : memref<!tpu.dma_semaphore, #tpu.memory_space<semaphore_mem>>) {add = true}
      %scan3A_303 = arith.constant 0 : i32
      scf.yield %scan3A_303 : i32
    }
    %scan3A_96 = arith.constant 53 : i32
    %dma_wait3A_97 = arith.constant 0 : i32
    %dma_wait3A_98 = arith.constant 0 : i32
    %dma_wait3A_99 = tpu.memref_slice %arg18[%dma_wait3A_97, %dma_wait3A_98] : memref<10240x128xf32, #tpu.memory_space<vmem_shared>> -> memref<10240x128xf32, #tpu.memory_space<vmem_shared>>
    tpu.wait_indirect_dma semaphore(%arg27 : memref<!tpu.dma_semaphore, #tpu.memory_space<semaphore_mem>>) src(%arg14 : memref<48x128xf32, #tpu.memory_space<vmem>>) dst(%dma_wait3A_99 : memref<10240x128xf32, #tpu.memory_space<vmem_shared>>)
    %dma_wait3A_100 = arith.constant 0 : i32
    %dma_wait3A_101 = arith.constant 0 : i32
    %dma_wait3A_102 = tpu.memref_slice %arg18[%dma_wait3A_100, %dma_wait3A_101] : memref<10240x128xf32, #tpu.memory_space<vmem_shared>> -> memref<10240x128xf32, #tpu.memory_space<vmem_shared>>
    tpu.wait_indirect_dma semaphore(%arg28 : memref<!tpu.dma_semaphore, #tpu.memory_space<semaphore_mem>>) src(%arg15 : memref<48x128xf32, #tpu.memory_space<vmem>>) dst(%dma_wait3A_102 : memref<10240x128xf32, #tpu.memory_space<vmem_shared>>)
    %dma_wait3A_103 = arith.constant 0 : i32
    %dma_wait3A_104 = arith.constant 0 : i32
    %dma_wait3A_105 = tpu.memref_slice %arg18[%dma_wait3A_103, %dma_wait3A_104] : memref<10240x128xf32, #tpu.memory_space<vmem_shared>> -> memref<10240x128xf32, #tpu.memory_space<vmem_shared>>
    tpu.wait_indirect_dma semaphore(%arg29 : memref<!tpu.dma_semaphore, #tpu.memory_space<semaphore_mem>>) src(%arg16 : memref<48x128xf32, #tpu.memory_space<vmem>>) dst(%dma_wait3A_105 : memref<10240x128xf32, #tpu.memory_space<vmem_shared>>)
    %dma_wait3A_106 = arith.constant 0 : i32
    %dma_wait3A_107 = arith.constant 0 : i32
    %dma_wait3A_108 = tpu.memref_slice %arg18[%dma_wait3A_106, %dma_wait3A_107] : memref<10240x128xf32, #tpu.memory_space<vmem_shared>> -> memref<10240x128xf32, #tpu.memory_space<vmem_shared>>
    tpu.wait_indirect_dma semaphore(%arg30 : memref<!tpu.dma_semaphore, #tpu.memory_space<semaphore_mem>>) src(%arg17 : memref<48x128xf32, #tpu.memory_space<vmem>>) dst(%dma_wait3A_108 : memref<10240x128xf32, #tpu.memory_space<vmem_shared>>)
    %barrier3A_109 = arith.constant 0 : index
    tpu.barrier barrier_id(%barrier3A_109)
    %mul3A_110 = arith.constant 640 : i32
    %mul3A_111 = arith.muli %arg1, %mul3A_110 : i32
    %add3A_112 = arith.constant 0 : i32
    %add3A_113 = arith.addi %mul3A_111, %add3A_112 : i32
    "tpu.region"() ({
      %run_scoped3A = tpu.sem_alloc : memref<!tpu.dma_semaphore, #tpu.memory_space<semaphore_mem>>
      %dma_start3A_166 = arith.constant 0 : i32
      %dma_start3A_167 = tpu.memref_slice %arg18[%add3A_113, %dma_start3A_166] : memref<10240x128xf32, #tpu.memory_space<vmem_shared>> -> memref<48x128xf32, #tpu.memory_space<vmem_shared>>
      %dma_start3A_168 = arith.constant 0 : i32
      %dma_start3A_169 = tpu.memref_slice %arg18[%add3A_113, %dma_start3A_168] : memref<10240x128xf32, #tpu.memory_space<vmem_shared>> -> memref<48x128xf32, #tpu.memory_space<vmem_shared>>
      tpu.enqueue_dma source(%dma_start3A_169 : memref<48x128xf32, #tpu.memory_space<vmem_shared>>) target(%arg14 : memref<48x128xf32, #tpu.memory_space<vmem>>) target_semaphore(%run_scoped3A : memref<!tpu.dma_semaphore, #tpu.memory_space<semaphore_mem>>)
      %dma_wait3A_170 = arith.constant 0 : i32
      %dma_wait3A_171 = tpu.memref_slice %arg18[%add3A_113, %dma_wait3A_170] : memref<10240x128xf32, #tpu.memory_space<vmem_shared>> -> memref<48x128xf32, #tpu.memory_space<vmem_shared>>
      %dma_wait3A_172 = arith.constant 0 : i32
      %dma_wait3A_173 = tpu.memref_slice %arg18[%add3A_113, %dma_wait3A_172] : memref<10240x128xf32, #tpu.memory_space<vmem_shared>> -> memref<48x128xf32, #tpu.memory_space<vmem_shared>>
      tpu.wait_dma2 semaphore(%run_scoped3A : memref<!tpu.dma_semaphore, #tpu.memory_space<semaphore_mem>>) src(%dma_wait3A_173 : memref<48x128xf32, #tpu.memory_space<vmem_shared>>) dst(%arg14 : memref<48x128xf32, #tpu.memory_space<vmem>>)
      tpu.yield
    }) : () -> ()
    "tpu.region"() ({
      %run_scoped3A = tpu.sem_alloc : memref<!tpu.dma_semaphore, #tpu.memory_space<semaphore_mem>>
      %dma_start3A_166 = arith.constant 0 : i32
      %dma_start3A_167 = tpu.memref_slice %arg5[%arg0, %add3A_113, %dma_start3A_166] : memref<2x10240x128xf32, #tpu.memory_space<hbm>> -> memref<1x48x128xf32, #tpu.memory_space<hbm>>
      %dma_start3A_168 = tpu.memref_squeeze %dma_start3A_167 : memref<1x48x128xf32, #tpu.memory_space<hbm>> -> memref<48x128xf32, #tpu.memory_space<hbm>>
      %dma_start3A_169 = arith.constant 0 : i32
      %dma_start3A_170 = tpu.memref_slice %arg5[%arg0, %add3A_113, %dma_start3A_169] : memref<2x10240x128xf32, #tpu.memory_space<hbm>> -> memref<1x48x128xf32, #tpu.memory_space<hbm>>
      %dma_start3A_171 = tpu.memref_squeeze %dma_start3A_170 : memref<1x48x128xf32, #tpu.memory_space<hbm>> -> memref<48x128xf32, #tpu.memory_space<hbm>>
      tpu.enqueue_dma source(%arg14 : memref<48x128xf32, #tpu.memory_space<vmem>>) target(%dma_start3A_171 : memref<48x128xf32, #tpu.memory_space<hbm>>) target_semaphore(%run_scoped3A : memref<!tpu.dma_semaphore, #tpu.memory_space<semaphore_mem>>)
      %dma_wait3A_172 = arith.constant 0 : i32
      %dma_wait3A_173 = tpu.memref_slice %arg5[%arg0, %add3A_113, %dma_wait3A_172] : memref<2x10240x128xf32, #tpu.memory_space<hbm>> -> memref<1x48x128xf32, #tpu.memory_space<hbm>>
      %dma_wait3A_174 = tpu.memref_squeeze %dma_wait3A_173 : memref<1x48x128xf32, #tpu.memory_space<hbm>> -> memref<48x128xf32, #tpu.memory_space<hbm>>
      %dma_wait3A_175 = arith.constant 0 : i32
      %dma_wait3A_176 = tpu.memref_slice %arg5[%arg0, %add3A_113, %dma_wait3A_175] : memref<2x10240x128xf32, #tpu.memory_space<hbm>> -> memref<1x48x128xf32, #tpu.memory_space<hbm>>
      %dma_wait3A_177 = tpu.memref_squeeze %dma_wait3A_176 : memref<1x48x128xf32, #tpu.memory_space<hbm>> -> memref<48x128xf32, #tpu.memory_space<hbm>>
      tpu.wait_dma2 semaphore(%run_scoped3A : memref<!tpu.dma_semaphore, #tpu.memory_space<semaphore_mem>>) src(%arg14 : memref<48x128xf32, #tpu.memory_space<vmem>>) dst(%dma_wait3A_177 : memref<48x128xf32, #tpu.memory_space<hbm>>)
      tpu.yield
    }) : () -> ()
    %mul3A_114 = arith.constant 640 : i32
    %mul3A_115 = arith.muli %arg1, %mul3A_114 : i32
    %add3A_116 = arith.constant 48 : i32
    %add3A_117 = arith.addi %mul3A_115, %add3A_116 : i32
    "tpu.region"() ({
      %run_scoped3A = tpu.sem_alloc : memref<!tpu.dma_semaphore, #tpu.memory_space<semaphore_mem>>
      %dma_start3A_166 = arith.constant 0 : i32
      %dma_start3A_167 = tpu.memref_slice %arg18[%add3A_117, %dma_start3A_166] : memref<10240x128xf32, #tpu.memory_space<vmem_shared>> -> memref<48x128xf32, #tpu.memory_space<vmem_shared>>
      %dma_start3A_168 = arith.constant 0 : i32
      %dma_start3A_169 = tpu.memref_slice %arg18[%add3A_117, %dma_start3A_168] : memref<10240x128xf32, #tpu.memory_space<vmem_shared>> -> memref<48x128xf32, #tpu.memory_space<vmem_shared>>
      tpu.enqueue_dma source(%dma_start3A_169 : memref<48x128xf32, #tpu.memory_space<vmem_shared>>) target(%arg14 : memref<48x128xf32, #tpu.memory_space<vmem>>) target_semaphore(%run_scoped3A : memref<!tpu.dma_semaphore, #tpu.memory_space<semaphore_mem>>)
      %dma_wait3A_170 = arith.constant 0 : i32
      %dma_wait3A_171 = tpu.memref_slice %arg18[%add3A_117, %dma_wait3A_170] : memref<10240x128xf32, #tpu.memory_space<vmem_shared>> -> memref<48x128xf32, #tpu.memory_space<vmem_shared>>
      %dma_wait3A_172 = arith.constant 0 : i32
      %dma_wait3A_173 = tpu.memref_slice %arg18[%add3A_117, %dma_wait3A_172] : memref<10240x128xf32, #tpu.memory_space<vmem_shared>> -> memref<48x128xf32, #tpu.memory_space<vmem_shared>>
      tpu.wait_dma2 semaphore(%run_scoped3A : memref<!tpu.dma_semaphore, #tpu.memory_space<semaphore_mem>>) src(%dma_wait3A_173 : memref<48x128xf32, #tpu.memory_space<vmem_shared>>) dst(%arg14 : memref<48x128xf32, #tpu.memory_space<vmem>>)
      tpu.yield
    }) : () -> ()
    "tpu.region"() ({
      %run_scoped3A = tpu.sem_alloc : memref<!tpu.dma_semaphore, #tpu.memory_space<semaphore_mem>>
      %dma_start3A_166 = arith.constant 0 : i32
      %dma_start3A_167 = tpu.memref_slice %arg5[%arg0, %add3A_117, %dma_start3A_166] : memref<2x10240x128xf32, #tpu.memory_space<hbm>> -> memref<1x48x128xf32, #tpu.memory_space<hbm>>
      %dma_start3A_168 = tpu.memref_squeeze %dma_start3A_167 : memref<1x48x128xf32, #tpu.memory_space<hbm>> -> memref<48x128xf32, #tpu.memory_space<hbm>>
      %dma_start3A_169 = arith.constant 0 : i32
      %dma_start3A_170 = tpu.memref_slice %arg5[%arg0, %add3A_117, %dma_start3A_169] : memref<2x10240x128xf32, #tpu.memory_space<hbm>> -> memref<1x48x128xf32, #tpu.memory_space<hbm>>
      %dma_start3A_171 = tpu.memref_squeeze %dma_start3A_170 : memref<1x48x128xf32, #tpu.memory_space<hbm>> -> memref<48x128xf32, #tpu.memory_space<hbm>>
      tpu.enqueue_dma source(%arg14 : memref<48x128xf32, #tpu.memory_space<vmem>>) target(%dma_start3A_171 : memref<48x128xf32, #tpu.memory_space<hbm>>) target_semaphore(%run_scoped3A : memref<!tpu.dma_semaphore, #tpu.memory_space<semaphore_mem>>)
      %dma_wait3A_172 = arith.constant 0 : i32
      %dma_wait3A_173 = tpu.memref_slice %arg5[%arg0, %add3A_117, %dma_wait3A_172] : memref<2x10240x128xf32, #tpu.memory_space<hbm>> -> memref<1x48x128xf32, #tpu.memory_space<hbm>>
      %dma_wait3A_174 = tpu.memref_squeeze %dma_wait3A_173 : memref<1x48x128xf32, #tpu.memory_space<hbm>> -> memref<48x128xf32, #tpu.memory_space<hbm>>
      %dma_wait3A_175 = arith.constant 0 : i32
      %dma_wait3A_176 = tpu.memref_slice %arg5[%arg0, %add3A_117, %dma_wait3A_175] : memref<2x10240x128xf32, #tpu.memory_space<hbm>> -> memref<1x48x128xf32, #tpu.memory_space<hbm>>
      %dma_wait3A_177 = tpu.memref_squeeze %dma_wait3A_176 : memref<1x48x128xf32, #tpu.memory_space<hbm>> -> memref<48x128xf32, #tpu.memory_space<hbm>>
      tpu.wait_dma2 semaphore(%run_scoped3A : memref<!tpu.dma_semaphore, #tpu.memory_space<semaphore_mem>>) src(%arg14 : memref<48x128xf32, #tpu.memory_space<vmem>>) dst(%dma_wait3A_177 : memref<48x128xf32, #tpu.memory_space<hbm>>)
      tpu.yield
    }) : () -> ()
    %mul3A_118 = arith.constant 640 : i32
    %mul3A_119 = arith.muli %arg1, %mul3A_118 : i32
    %add3A_120 = arith.constant 96 : i32
    %add3A_121 = arith.addi %mul3A_119, %add3A_120 : i32
    "tpu.region"() ({
      %run_scoped3A = tpu.sem_alloc : memref<!tpu.dma_semaphore, #tpu.memory_space<semaphore_mem>>
      %dma_start3A_166 = arith.constant 0 : i32
      %dma_start3A_167 = tpu.memref_slice %arg18[%add3A_121, %dma_start3A_166] : memref<10240x128xf32, #tpu.memory_space<vmem_shared>> -> memref<48x128xf32, #tpu.memory_space<vmem_shared>>
      %dma_start3A_168 = arith.constant 0 : i32
      %dma_start3A_169 = tpu.memref_slice %arg18[%add3A_121, %dma_start3A_168] : memref<10240x128xf32, #tpu.memory_space<vmem_shared>> -> memref<48x128xf32, #tpu.memory_space<vmem_shared>>
      tpu.enqueue_dma source(%dma_start3A_169 : memref<48x128xf32, #tpu.memory_space<vmem_shared>>) target(%arg14 : memref<48x128xf32, #tpu.memory_space<vmem>>) target_semaphore(%run_scoped3A : memref<!tpu.dma_semaphore, #tpu.memory_space<semaphore_mem>>)
      %dma_wait3A_170 = arith.constant 0 : i32
      %dma_wait3A_171 = tpu.memref_slice %arg18[%add3A_121, %dma_wait3A_170] : memref<10240x128xf32, #tpu.memory_space<vmem_shared>> -> memref<48x128xf32, #tpu.memory_space<vmem_shared>>
      %dma_wait3A_172 = arith.constant 0 : i32
      %dma_wait3A_173 = tpu.memref_slice %arg18[%add3A_121, %dma_wait3A_172] : memref<10240x128xf32, #tpu.memory_space<vmem_shared>> -> memref<48x128xf32, #tpu.memory_space<vmem_shared>>
      tpu.wait_dma2 semaphore(%run_scoped3A : memref<!tpu.dma_semaphore, #tpu.memory_space<semaphore_mem>>) src(%dma_wait3A_173 : memref<48x128xf32, #tpu.memory_space<vmem_shared>>) dst(%arg14 : memref<48x128xf32, #tpu.memory_space<vmem>>)
      tpu.yield
    }) : () -> ()
    "tpu.region"() ({
      %run_scoped3A = tpu.sem_alloc : memref<!tpu.dma_semaphore, #tpu.memory_space<semaphore_mem>>
      %dma_start3A_166 = arith.constant 0 : i32
      %dma_start3A_167 = tpu.memref_slice %arg5[%arg0, %add3A_121, %dma_start3A_166] : memref<2x10240x128xf32, #tpu.memory_space<hbm>> -> memref<1x48x128xf32, #tpu.memory_space<hbm>>
      %dma_start3A_168 = tpu.memref_squeeze %dma_start3A_167 : memref<1x48x128xf32, #tpu.memory_space<hbm>> -> memref<48x128xf32, #tpu.memory_space<hbm>>
      %dma_start3A_169 = arith.constant 0 : i32
      %dma_start3A_170 = tpu.memref_slice %arg5[%arg0, %add3A_121, %dma_start3A_169] : memref<2x10240x128xf32, #tpu.memory_space<hbm>> -> memref<1x48x128xf32, #tpu.memory_space<hbm>>
      %dma_start3A_171 = tpu.memref_squeeze %dma_start3A_170 : memref<1x48x128xf32, #tpu.memory_space<hbm>> -> memref<48x128xf32, #tpu.memory_space<hbm>>
      tpu.enqueue_dma source(%arg14 : memref<48x128xf32, #tpu.memory_space<vmem>>) target(%dma_start3A_171 : memref<48x128xf32, #tpu.memory_space<hbm>>) target_semaphore(%run_scoped3A : memref<!tpu.dma_semaphore, #tpu.memory_space<semaphore_mem>>)
      %dma_wait3A_172 = arith.constant 0 : i32
      %dma_wait3A_173 = tpu.memref_slice %arg5[%arg0, %add3A_121, %dma_wait3A_172] : memref<2x10240x128xf32, #tpu.memory_space<hbm>> -> memref<1x48x128xf32, #tpu.memory_space<hbm>>
      %dma_wait3A_174 = tpu.memref_squeeze %dma_wait3A_173 : memref<1x48x128xf32, #tpu.memory_space<hbm>> -> memref<48x128xf32, #tpu.memory_space<hbm>>
      %dma_wait3A_175 = arith.constant 0 : i32
      %dma_wait3A_176 = tpu.memref_slice %arg5[%arg0, %add3A_121, %dma_wait3A_175] : memref<2x10240x128xf32, #tpu.memory_space<hbm>> -> memref<1x48x128xf32, #tpu.memory_space<hbm>>
      %dma_wait3A_177 = tpu.memref_squeeze %dma_wait3A_176 : memref<1x48x128xf32, #tpu.memory_space<hbm>> -> memref<48x128xf32, #tpu.memory_space<hbm>>
      tpu.wait_dma2 semaphore(%run_scoped3A : memref<!tpu.dma_semaphore, #tpu.memory_space<semaphore_mem>>) src(%arg14 : memref<48x128xf32, #tpu.memory_space<vmem>>) dst(%dma_wait3A_177 : memref<48x128xf32, #tpu.memory_space<hbm>>)
      tpu.yield
    }) : () -> ()
    %mul3A_122 = arith.constant 640 : i32
    %mul3A_123 = arith.muli %arg1, %mul3A_122 : i32
    %add3A_124 = arith.constant 144 : i32
    %add3A_125 = arith.addi %mul3A_123, %add3A_124 : i32
    "tpu.region"() ({
      %run_scoped3A = tpu.sem_alloc : memref<!tpu.dma_semaphore, #tpu.memory_space<semaphore_mem>>
      %dma_start3A_166 = arith.constant 0 : i32
      %dma_start3A_167 = tpu.memref_slice %arg18[%add3A_125, %dma_start3A_166] : memref<10240x128xf32, #tpu.memory_space<vmem_shared>> -> memref<48x128xf32, #tpu.memory_space<vmem_shared>>
      %dma_start3A_168 = arith.constant 0 : i32
      %dma_start3A_169 = tpu.memref_slice %arg18[%add3A_125, %dma_start3A_168] : memref<10240x128xf32, #tpu.memory_space<vmem_shared>> -> memref<48x128xf32, #tpu.memory_space<vmem_shared>>
      tpu.enqueue_dma source(%dma_start3A_169 : memref<48x128xf32, #tpu.memory_space<vmem_shared>>) target(%arg14 : memref<48x128xf32, #tpu.memory_space<vmem>>) target_semaphore(%run_scoped3A : memref<!tpu.dma_semaphore, #tpu.memory_space<semaphore_mem>>)
      %dma_wait3A_170 = arith.constant 0 : i32
      %dma_wait3A_171 = tpu.memref_slice %arg18[%add3A_125, %dma_wait3A_170] : memref<10240x128xf32, #tpu.memory_space<vmem_shared>> -> memref<48x128xf32, #tpu.memory_space<vmem_shared>>
      %dma_wait3A_172 = arith.constant 0 : i32
      %dma_wait3A_173 = tpu.memref_slice %arg18[%add3A_125, %dma_wait3A_172] : memref<10240x128xf32, #tpu.memory_space<vmem_shared>> -> memref<48x128xf32, #tpu.memory_space<vmem_shared>>
      tpu.wait_dma2 semaphore(%run_scoped3A : memref<!tpu.dma_semaphore, #tpu.memory_space<semaphore_mem>>) src(%dma_wait3A_173 : memref<48x128xf32, #tpu.memory_space<vmem_shared>>) dst(%arg14 : memref<48x128xf32, #tpu.memory_space<vmem>>)
      tpu.yield
    }) : () -> ()
    "tpu.region"() ({
      %run_scoped3A = tpu.sem_alloc : memref<!tpu.dma_semaphore, #tpu.memory_space<semaphore_mem>>
      %dma_start3A_166 = arith.constant 0 : i32
      %dma_start3A_167 = tpu.memref_slice %arg5[%arg0, %add3A_125, %dma_start3A_166] : memref<2x10240x128xf32, #tpu.memory_space<hbm>> -> memref<1x48x128xf32, #tpu.memory_space<hbm>>
      %dma_start3A_168 = tpu.memref_squeeze %dma_start3A_167 : memref<1x48x128xf32, #tpu.memory_space<hbm>> -> memref<48x128xf32, #tpu.memory_space<hbm>>
      %dma_start3A_169 = arith.constant 0 : i32
      %dma_start3A_170 = tpu.memref_slice %arg5[%arg0, %add3A_125, %dma_start3A_169] : memref<2x10240x128xf32, #tpu.memory_space<hbm>> -> memref<1x48x128xf32, #tpu.memory_space<hbm>>
      %dma_start3A_171 = tpu.memref_squeeze %dma_start3A_170 : memref<1x48x128xf32, #tpu.memory_space<hbm>> -> memref<48x128xf32, #tpu.memory_space<hbm>>
      tpu.enqueue_dma source(%arg14 : memref<48x128xf32, #tpu.memory_space<vmem>>) target(%dma_start3A_171 : memref<48x128xf32, #tpu.memory_space<hbm>>) target_semaphore(%run_scoped3A : memref<!tpu.dma_semaphore, #tpu.memory_space<semaphore_mem>>)
      %dma_wait3A_172 = arith.constant 0 : i32
      %dma_wait3A_173 = tpu.memref_slice %arg5[%arg0, %add3A_125, %dma_wait3A_172] : memref<2x10240x128xf32, #tpu.memory_space<hbm>> -> memref<1x48x128xf32, #tpu.memory_space<hbm>>
      %dma_wait3A_174 = tpu.memref_squeeze %dma_wait3A_173 : memref<1x48x128xf32, #tpu.memory_space<hbm>> -> memref<48x128xf32, #tpu.memory_space<hbm>>
      %dma_wait3A_175 = arith.constant 0 : i32
      %dma_wait3A_176 = tpu.memref_slice %arg5[%arg0, %add3A_125, %dma_wait3A_175] : memref<2x10240x128xf32, #tpu.memory_space<hbm>> -> memref<1x48x128xf32, #tpu.memory_space<hbm>>
      %dma_wait3A_177 = tpu.memref_squeeze %dma_wait3A_176 : memref<1x48x128xf32, #tpu.memory_space<hbm>> -> memref<48x128xf32, #tpu.memory_space<hbm>>
      tpu.wait_dma2 semaphore(%run_scoped3A : memref<!tpu.dma_semaphore, #tpu.memory_space<semaphore_mem>>) src(%arg14 : memref<48x128xf32, #tpu.memory_space<vmem>>) dst(%dma_wait3A_177 : memref<48x128xf32, #tpu.memory_space<hbm>>)
      tpu.yield
    }) : () -> ()
    %mul3A_126 = arith.constant 640 : i32
    %mul3A_127 = arith.muli %arg1, %mul3A_126 : i32
    %add3A_128 = arith.constant 192 : i32
    %add3A_129 = arith.addi %mul3A_127, %add3A_128 : i32
    "tpu.region"() ({
      %run_scoped3A = tpu.sem_alloc : memref<!tpu.dma_semaphore, #tpu.memory_space<semaphore_mem>>
      %dma_start3A_166 = arith.constant 0 : i32
      %dma_start3A_167 = tpu.memref_slice %arg18[%add3A_129, %dma_start3A_166] : memref<10240x128xf32, #tpu.memory_space<vmem_shared>> -> memref<48x128xf32, #tpu.memory_space<vmem_shared>>
      %dma_start3A_168 = arith.constant 0 : i32
      %dma_start3A_169 = tpu.memref_slice %arg18[%add3A_129, %dma_start3A_168] : memref<10240x128xf32, #tpu.memory_space<vmem_shared>> -> memref<48x128xf32, #tpu.memory_space<vmem_shared>>
      tpu.enqueue_dma source(%dma_start3A_169 : memref<48x128xf32, #tpu.memory_space<vmem_shared>>) target(%arg14 : memref<48x128xf32, #tpu.memory_space<vmem>>) target_semaphore(%run_scoped3A : memref<!tpu.dma_semaphore, #tpu.memory_space<semaphore_mem>>)
      %dma_wait3A_170 = arith.constant 0 : i32
      %dma_wait3A_171 = tpu.memref_slice %arg18[%add3A_129, %dma_wait3A_170] : memref<10240x128xf32, #tpu.memory_space<vmem_shared>> -> memref<48x128xf32, #tpu.memory_space<vmem_shared>>
      %dma_wait3A_172 = arith.constant 0 : i32
      %dma_wait3A_173 = tpu.memref_slice %arg18[%add3A_129, %dma_wait3A_172] : memref<10240x128xf32, #tpu.memory_space<vmem_shared>> -> memref<48x128xf32, #tpu.memory_space<vmem_shared>>
      tpu.wait_dma2 semaphore(%run_scoped3A : memref<!tpu.dma_semaphore, #tpu.memory_space<semaphore_mem>>) src(%dma_wait3A_173 : memref<48x128xf32, #tpu.memory_space<vmem_shared>>) dst(%arg14 : memref<48x128xf32, #tpu.memory_space<vmem>>)
      tpu.yield
    }) : () -> ()
    "tpu.region"() ({
      %run_scoped3A = tpu.sem_alloc : memref<!tpu.dma_semaphore, #tpu.memory_space<semaphore_mem>>
      %dma_start3A_166 = arith.constant 0 : i32
      %dma_start3A_167 = tpu.memref_slice %arg5[%arg0, %add3A_129, %dma_start3A_166] : memref<2x10240x128xf32, #tpu.memory_space<hbm>> -> memref<1x48x128xf32, #tpu.memory_space<hbm>>
      %dma_start3A_168 = tpu.memref_squeeze %dma_start3A_167 : memref<1x48x128xf32, #tpu.memory_space<hbm>> -> memref<48x128xf32, #tpu.memory_space<hbm>>
      %dma_start3A_169 = arith.constant 0 : i32
      %dma_start3A_170 = tpu.memref_slice %arg5[%arg0, %add3A_129, %dma_start3A_169] : memref<2x10240x128xf32, #tpu.memory_space<hbm>> -> memref<1x48x128xf32, #tpu.memory_space<hbm>>
      %dma_start3A_171 = tpu.memref_squeeze %dma_start3A_170 : memref<1x48x128xf32, #tpu.memory_space<hbm>> -> memref<48x128xf32, #tpu.memory_space<hbm>>
      tpu.enqueue_dma source(%arg14 : memref<48x128xf32, #tpu.memory_space<vmem>>) target(%dma_start3A_171 : memref<48x128xf32, #tpu.memory_space<hbm>>) target_semaphore(%run_scoped3A : memref<!tpu.dma_semaphore, #tpu.memory_space<semaphore_mem>>)
      %dma_wait3A_172 = arith.constant 0 : i32
      %dma_wait3A_173 = tpu.memref_slice %arg5[%arg0, %add3A_129, %dma_wait3A_172] : memref<2x10240x128xf32, #tpu.memory_space<hbm>> -> memref<1x48x128xf32, #tpu.memory_space<hbm>>
      %dma_wait3A_174 = tpu.memref_squeeze %dma_wait3A_173 : memref<1x48x128xf32, #tpu.memory_space<hbm>> -> memref<48x128xf32, #tpu.memory_space<hbm>>
      %dma_wait3A_175 = arith.constant 0 : i32
      %dma_wait3A_176 = tpu.memref_slice %arg5[%arg0, %add3A_129, %dma_wait3A_175] : memref<2x10240x128xf32, #tpu.memory_space<hbm>> -> memref<1x48x128xf32, #tpu.memory_space<hbm>>
      %dma_wait3A_177 = tpu.memref_squeeze %dma_wait3A_176 : memref<1x48x128xf32, #tpu.memory_space<hbm>> -> memref<48x128xf32, #tpu.memory_space<hbm>>
      tpu.wait_dma2 semaphore(%run_scoped3A : memref<!tpu.dma_semaphore, #tpu.memory_space<semaphore_mem>>) src(%arg14 : memref<48x128xf32, #tpu.memory_space<vmem>>) dst(%dma_wait3A_177 : memref<48x128xf32, #tpu.memory_space<hbm>>)
      tpu.yield
    }) : () -> ()
    %mul3A_130 = arith.constant 640 : i32
    %mul3A_131 = arith.muli %arg1, %mul3A_130 : i32
    %add3A_132 = arith.constant 240 : i32
    %add3A_133 = arith.addi %mul3A_131, %add3A_132 : i32
    "tpu.region"() ({
      %run_scoped3A = tpu.sem_alloc : memref<!tpu.dma_semaphore, #tpu.memory_space<semaphore_mem>>
      %dma_start3A_166 = arith.constant 0 : i32
      %dma_start3A_167 = tpu.memref_slice %arg18[%add3A_133, %dma_start3A_166] : memref<10240x128xf32, #tpu.memory_space<vmem_shared>> -> memref<48x128xf32, #tpu.memory_space<vmem_shared>>
      %dma_start3A_168 = arith.constant 0 : i32
      %dma_start3A_169 = tpu.memref_slice %arg18[%add3A_133, %dma_start3A_168] : memref<10240x128xf32, #tpu.memory_space<vmem_shared>> -> memref<48x128xf32, #tpu.memory_space<vmem_shared>>
      tpu.enqueue_dma source(%dma_start3A_169 : memref<48x128xf32, #tpu.memory_space<vmem_shared>>) target(%arg14 : memref<48x128xf32, #tpu.memory_space<vmem>>) target_semaphore(%run_scoped3A : memref<!tpu.dma_semaphore, #tpu.memory_space<semaphore_mem>>)
      %dma_wait3A_170 = arith.constant 0 : i32
      %dma_wait3A_171 = tpu.memref_slice %arg18[%add3A_133, %dma_wait3A_170] : memref<10240x128xf32, #tpu.memory_space<vmem_shared>> -> memref<48x128xf32, #tpu.memory_space<vmem_shared>>
      %dma_wait3A_172 = arith.constant 0 : i32
      %dma_wait3A_173 = tpu.memref_slice %arg18[%add3A_133, %dma_wait3A_172] : memref<10240x128xf32, #tpu.memory_space<vmem_shared>> -> memref<48x128xf32, #tpu.memory_space<vmem_shared>>
      tpu.wait_dma2 semaphore(%run_scoped3A : memref<!tpu.dma_semaphore, #tpu.memory_space<semaphore_mem>>) src(%dma_wait3A_173 : memref<48x128xf32, #tpu.memory_space<vmem_shared>>) dst(%arg14 : memref<48x128xf32, #tpu.memory_space<vmem>>)
      tpu.yield
    }) : () -> ()
    "tpu.region"() ({
      %run_scoped3A = tpu.sem_alloc : memref<!tpu.dma_semaphore, #tpu.memory_space<semaphore_mem>>
      %dma_start3A_166 = arith.constant 0 : i32
      %dma_start3A_167 = tpu.memref_slice %arg5[%arg0, %add3A_133, %dma_start3A_166] : memref<2x10240x128xf32, #tpu.memory_space<hbm>> -> memref<1x48x128xf32, #tpu.memory_space<hbm>>
      %dma_start3A_168 = tpu.memref_squeeze %dma_start3A_167 : memref<1x48x128xf32, #tpu.memory_space<hbm>> -> memref<48x128xf32, #tpu.memory_space<hbm>>
      %dma_start3A_169 = arith.constant 0 : i32
      %dma_start3A_170 = tpu.memref_slice %arg5[%arg0, %add3A_133, %dma_start3A_169] : memref<2x10240x128xf32, #tpu.memory_space<hbm>> -> memref<1x48x128xf32, #tpu.memory_space<hbm>>
      %dma_start3A_171 = tpu.memref_squeeze %dma_start3A_170 : memref<1x48x128xf32, #tpu.memory_space<hbm>> -> memref<48x128xf32, #tpu.memory_space<hbm>>
      tpu.enqueue_dma source(%arg14 : memref<48x128xf32, #tpu.memory_space<vmem>>) target(%dma_start3A_171 : memref<48x128xf32, #tpu.memory_space<hbm>>) target_semaphore(%run_scoped3A : memref<!tpu.dma_semaphore, #tpu.memory_space<semaphore_mem>>)
      %dma_wait3A_172 = arith.constant 0 : i32
      %dma_wait3A_173 = tpu.memref_slice %arg5[%arg0, %add3A_133, %dma_wait3A_172] : memref<2x10240x128xf32, #tpu.memory_space<hbm>> -> memref<1x48x128xf32, #tpu.memory_space<hbm>>
      %dma_wait3A_174 = tpu.memref_squeeze %dma_wait3A_173 : memref<1x48x128xf32, #tpu.memory_space<hbm>> -> memref<48x128xf32, #tpu.memory_space<hbm>>
      %dma_wait3A_175 = arith.constant 0 : i32
      %dma_wait3A_176 = tpu.memref_slice %arg5[%arg0, %add3A_133, %dma_wait3A_175] : memref<2x10240x128xf32, #tpu.memory_space<hbm>> -> memref<1x48x128xf32, #tpu.memory_space<hbm>>
      %dma_wait3A_177 = tpu.memref_squeeze %dma_wait3A_176 : memref<1x48x128xf32, #tpu.memory_space<hbm>> -> memref<48x128xf32, #tpu.memory_space<hbm>>
      tpu.wait_dma2 semaphore(%run_scoped3A : memref<!tpu.dma_semaphore, #tpu.memory_space<semaphore_mem>>) src(%arg14 : memref<48x128xf32, #tpu.memory_space<vmem>>) dst(%dma_wait3A_177 : memref<48x128xf32, #tpu.memory_space<hbm>>)
      tpu.yield
    }) : () -> ()
    %mul3A_134 = arith.constant 640 : i32
    %mul3A_135 = arith.muli %arg1, %mul3A_134 : i32
    %add3A_136 = arith.constant 288 : i32
    %add3A_137 = arith.addi %mul3A_135, %add3A_136 : i32
    "tpu.region"() ({
      %run_scoped3A = tpu.sem_alloc : memref<!tpu.dma_semaphore, #tpu.memory_space<semaphore_mem>>
      %dma_start3A_166 = arith.constant 0 : i32
      %dma_start3A_167 = tpu.memref_slice %arg18[%add3A_137, %dma_start3A_166] : memref<10240x128xf32, #tpu.memory_space<vmem_shared>> -> memref<48x128xf32, #tpu.memory_space<vmem_shared>>
      %dma_start3A_168 = arith.constant 0 : i32
      %dma_start3A_169 = tpu.memref_slice %arg18[%add3A_137, %dma_start3A_168] : memref<10240x128xf32, #tpu.memory_space<vmem_shared>> -> memref<48x128xf32, #tpu.memory_space<vmem_shared>>
      tpu.enqueue_dma source(%dma_start3A_169 : memref<48x128xf32, #tpu.memory_space<vmem_shared>>) target(%arg14 : memref<48x128xf32, #tpu.memory_space<vmem>>) target_semaphore(%run_scoped3A : memref<!tpu.dma_semaphore, #tpu.memory_space<semaphore_mem>>)
      %dma_wait3A_170 = arith.constant 0 : i32
      %dma_wait3A_171 = tpu.memref_slice %arg18[%add3A_137, %dma_wait3A_170] : memref<10240x128xf32, #tpu.memory_space<vmem_shared>> -> memref<48x128xf32, #tpu.memory_space<vmem_shared>>
      %dma_wait3A_172 = arith.constant 0 : i32
      %dma_wait3A_173 = tpu.memref_slice %arg18[%add3A_137, %dma_wait3A_172] : memref<10240x128xf32, #tpu.memory_space<vmem_shared>> -> memref<48x128xf32, #tpu.memory_space<vmem_shared>>
      tpu.wait_dma2 semaphore(%run_scoped3A : memref<!tpu.dma_semaphore, #tpu.memory_space<semaphore_mem>>) src(%dma_wait3A_173 : memref<48x128xf32, #tpu.memory_space<vmem_shared>>) dst(%arg14 : memref<48x128xf32, #tpu.memory_space<vmem>>)
      tpu.yield
    }) : () -> ()
    "tpu.region"() ({
      %run_scoped3A = tpu.sem_alloc : memref<!tpu.dma_semaphore, #tpu.memory_space<semaphore_mem>>
      %dma_start3A_166 = arith.constant 0 : i32
      %dma_start3A_167 = tpu.memref_slice %arg5[%arg0, %add3A_137, %dma_start3A_166] : memref<2x10240x128xf32, #tpu.memory_space<hbm>> -> memref<1x48x128xf32, #tpu.memory_space<hbm>>
      %dma_start3A_168 = tpu.memref_squeeze %dma_start3A_167 : memref<1x48x128xf32, #tpu.memory_space<hbm>> -> memref<48x128xf32, #tpu.memory_space<hbm>>
      %dma_start3A_169 = arith.constant 0 : i32
      %dma_start3A_170 = tpu.memref_slice %arg5[%arg0, %add3A_137, %dma_start3A_169] : memref<2x10240x128xf32, #tpu.memory_space<hbm>> -> memref<1x48x128xf32, #tpu.memory_space<hbm>>
      %dma_start3A_171 = tpu.memref_squeeze %dma_start3A_170 : memref<1x48x128xf32, #tpu.memory_space<hbm>> -> memref<48x128xf32, #tpu.memory_space<hbm>>
      tpu.enqueue_dma source(%arg14 : memref<48x128xf32, #tpu.memory_space<vmem>>) target(%dma_start3A_171 : memref<48x128xf32, #tpu.memory_space<hbm>>) target_semaphore(%run_scoped3A : memref<!tpu.dma_semaphore, #tpu.memory_space<semaphore_mem>>)
      %dma_wait3A_172 = arith.constant 0 : i32
      %dma_wait3A_173 = tpu.memref_slice %arg5[%arg0, %add3A_137, %dma_wait3A_172] : memref<2x10240x128xf32, #tpu.memory_space<hbm>> -> memref<1x48x128xf32, #tpu.memory_space<hbm>>
      %dma_wait3A_174 = tpu.memref_squeeze %dma_wait3A_173 : memref<1x48x128xf32, #tpu.memory_space<hbm>> -> memref<48x128xf32, #tpu.memory_space<hbm>>
      %dma_wait3A_175 = arith.constant 0 : i32
      %dma_wait3A_176 = tpu.memref_slice %arg5[%arg0, %add3A_137, %dma_wait3A_175] : memref<2x10240x128xf32, #tpu.memory_space<hbm>> -> memref<1x48x128xf32, #tpu.memory_space<hbm>>
      %dma_wait3A_177 = tpu.memref_squeeze %dma_wait3A_176 : memref<1x48x128xf32, #tpu.memory_space<hbm>> -> memref<48x128xf32, #tpu.memory_space<hbm>>
      tpu.wait_dma2 semaphore(%run_scoped3A : memref<!tpu.dma_semaphore, #tpu.memory_space<semaphore_mem>>) src(%arg14 : memref<48x128xf32, #tpu.memory_space<vmem>>) dst(%dma_wait3A_177 : memref<48x128xf32, #tpu.memory_space<hbm>>)
      tpu.yield
    }) : () -> ()
    %mul3A_138 = arith.constant 640 : i32
    %mul3A_139 = arith.muli %arg1, %mul3A_138 : i32
    %add3A_140 = arith.constant 336 : i32
    %add3A_141 = arith.addi %mul3A_139, %add3A_140 : i32
    "tpu.region"() ({
      %run_scoped3A = tpu.sem_alloc : memref<!tpu.dma_semaphore, #tpu.memory_space<semaphore_mem>>
      %dma_start3A_166 = arith.constant 0 : i32
      %dma_start3A_167 = tpu.memref_slice %arg18[%add3A_141, %dma_start3A_166] : memref<10240x128xf32, #tpu.memory_space<vmem_shared>> -> memref<48x128xf32, #tpu.memory_space<vmem_shared>>
      %dma_start3A_168 = arith.constant 0 : i32
      %dma_start3A_169 = tpu.memref_slice %arg18[%add3A_141, %dma_start3A_168] : memref<10240x128xf32, #tpu.memory_space<vmem_shared>> -> memref<48x128xf32, #tpu.memory_space<vmem_shared>>
      tpu.enqueue_dma source(%dma_start3A_169 : memref<48x128xf32, #tpu.memory_space<vmem_shared>>) target(%arg14 : memref<48x128xf32, #tpu.memory_space<vmem>>) target_semaphore(%run_scoped3A : memref<!tpu.dma_semaphore, #tpu.memory_space<semaphore_mem>>)
      %dma_wait3A_170 = arith.constant 0 : i32
      %dma_wait3A_171 = tpu.memref_slice %arg18[%add3A_141, %dma_wait3A_170] : memref<10240x128xf32, #tpu.memory_space<vmem_shared>> -> memref<48x128xf32, #tpu.memory_space<vmem_shared>>
      %dma_wait3A_172 = arith.constant 0 : i32
      %dma_wait3A_173 = tpu.memref_slice %arg18[%add3A_141, %dma_wait3A_172] : memref<10240x128xf32, #tpu.memory_space<vmem_shared>> -> memref<48x128xf32, #tpu.memory_space<vmem_shared>>
      tpu.wait_dma2 semaphore(%run_scoped3A : memref<!tpu.dma_semaphore, #tpu.memory_space<semaphore_mem>>) src(%dma_wait3A_173 : memref<48x128xf32, #tpu.memory_space<vmem_shared>>) dst(%arg14 : memref<48x128xf32, #tpu.memory_space<vmem>>)
      tpu.yield
    }) : () -> ()
    "tpu.region"() ({
      %run_scoped3A = tpu.sem_alloc : memref<!tpu.dma_semaphore, #tpu.memory_space<semaphore_mem>>
      %dma_start3A_166 = arith.constant 0 : i32
      %dma_start3A_167 = tpu.memref_slice %arg5[%arg0, %add3A_141, %dma_start3A_166] : memref<2x10240x128xf32, #tpu.memory_space<hbm>> -> memref<1x48x128xf32, #tpu.memory_space<hbm>>
      %dma_start3A_168 = tpu.memref_squeeze %dma_start3A_167 : memref<1x48x128xf32, #tpu.memory_space<hbm>> -> memref<48x128xf32, #tpu.memory_space<hbm>>
      %dma_start3A_169 = arith.constant 0 : i32
      %dma_start3A_170 = tpu.memref_slice %arg5[%arg0, %add3A_141, %dma_start3A_169] : memref<2x10240x128xf32, #tpu.memory_space<hbm>> -> memref<1x48x128xf32, #tpu.memory_space<hbm>>
      %dma_start3A_171 = tpu.memref_squeeze %dma_start3A_170 : memref<1x48x128xf32, #tpu.memory_space<hbm>> -> memref<48x128xf32, #tpu.memory_space<hbm>>
      tpu.enqueue_dma source(%arg14 : memref<48x128xf32, #tpu.memory_space<vmem>>) target(%dma_start3A_171 : memref<48x128xf32, #tpu.memory_space<hbm>>) target_semaphore(%run_scoped3A : memref<!tpu.dma_semaphore, #tpu.memory_space<semaphore_mem>>)
      %dma_wait3A_172 = arith.constant 0 : i32
      %dma_wait3A_173 = tpu.memref_slice %arg5[%arg0, %add3A_141, %dma_wait3A_172] : memref<2x10240x128xf32, #tpu.memory_space<hbm>> -> memref<1x48x128xf32, #tpu.memory_space<hbm>>
      %dma_wait3A_174 = tpu.memref_squeeze %dma_wait3A_173 : memref<1x48x128xf32, #tpu.memory_space<hbm>> -> memref<48x128xf32, #tpu.memory_space<hbm>>
      %dma_wait3A_175 = arith.constant 0 : i32
      %dma_wait3A_176 = tpu.memref_slice %arg5[%arg0, %add3A_141, %dma_wait3A_175] : memref<2x10240x128xf32, #tpu.memory_space<hbm>> -> memref<1x48x128xf32, #tpu.memory_space<hbm>>
      %dma_wait3A_177 = tpu.memref_squeeze %dma_wait3A_176 : memref<1x48x128xf32, #tpu.memory_space<hbm>> -> memref<48x128xf32, #tpu.memory_space<hbm>>
      tpu.wait_dma2 semaphore(%run_scoped3A : memref<!tpu.dma_semaphore, #tpu.memory_space<semaphore_mem>>) src(%arg14 : memref<48x128xf32, #tpu.memory_space<vmem>>) dst(%dma_wait3A_177 : memref<48x128xf32, #tpu.memory_space<hbm>>)
      tpu.yield
    }) : () -> ()
    %mul3A_142 = arith.constant 640 : i32
    %mul3A_143 = arith.muli %arg1, %mul3A_142 : i32
    %add3A_144 = arith.constant 384 : i32
    %add3A_145 = arith.addi %mul3A_143, %add3A_144 : i32
    "tpu.region"() ({
      %run_scoped3A = tpu.sem_alloc : memref<!tpu.dma_semaphore, #tpu.memory_space<semaphore_mem>>
      %dma_start3A_166 = arith.constant 0 : i32
      %dma_start3A_167 = tpu.memref_slice %arg18[%add3A_145, %dma_start3A_166] : memref<10240x128xf32, #tpu.memory_space<vmem_shared>> -> memref<48x128xf32, #tpu.memory_space<vmem_shared>>
      %dma_start3A_168 = arith.constant 0 : i32
      %dma_start3A_169 = tpu.memref_slice %arg18[%add3A_145, %dma_start3A_168] : memref<10240x128xf32, #tpu.memory_space<vmem_shared>> -> memref<48x128xf32, #tpu.memory_space<vmem_shared>>
      tpu.enqueue_dma source(%dma_start3A_169 : memref<48x128xf32, #tpu.memory_space<vmem_shared>>) target(%arg14 : memref<48x128xf32, #tpu.memory_space<vmem>>) target_semaphore(%run_scoped3A : memref<!tpu.dma_semaphore, #tpu.memory_space<semaphore_mem>>)
      %dma_wait3A_170 = arith.constant 0 : i32
      %dma_wait3A_171 = tpu.memref_slice %arg18[%add3A_145, %dma_wait3A_170] : memref<10240x128xf32, #tpu.memory_space<vmem_shared>> -> memref<48x128xf32, #tpu.memory_space<vmem_shared>>
      %dma_wait3A_172 = arith.constant 0 : i32
      %dma_wait3A_173 = tpu.memref_slice %arg18[%add3A_145, %dma_wait3A_172] : memref<10240x128xf32, #tpu.memory_space<vmem_shared>> -> memref<48x128xf32, #tpu.memory_space<vmem_shared>>
      tpu.wait_dma2 semaphore(%run_scoped3A : memref<!tpu.dma_semaphore, #tpu.memory_space<semaphore_mem>>) src(%dma_wait3A_173 : memref<48x128xf32, #tpu.memory_space<vmem_shared>>) dst(%arg14 : memref<48x128xf32, #tpu.memory_space<vmem>>)
      tpu.yield
    }) : () -> ()
    "tpu.region"() ({
      %run_scoped3A = tpu.sem_alloc : memref<!tpu.dma_semaphore, #tpu.memory_space<semaphore_mem>>
      %dma_start3A_166 = arith.constant 0 : i32
      %dma_start3A_167 = tpu.memref_slice %arg5[%arg0, %add3A_145, %dma_start3A_166] : memref<2x10240x128xf32, #tpu.memory_space<hbm>> -> memref<1x48x128xf32, #tpu.memory_space<hbm>>
      %dma_start3A_168 = tpu.memref_squeeze %dma_start3A_167 : memref<1x48x128xf32, #tpu.memory_space<hbm>> -> memref<48x128xf32, #tpu.memory_space<hbm>>
      %dma_start3A_169 = arith.constant 0 : i32
      %dma_start3A_170 = tpu.memref_slice %arg5[%arg0, %add3A_145, %dma_start3A_169] : memref<2x10240x128xf32, #tpu.memory_space<hbm>> -> memref<1x48x128xf32, #tpu.memory_space<hbm>>
      %dma_start3A_171 = tpu.memref_squeeze %dma_start3A_170 : memref<1x48x128xf32, #tpu.memory_space<hbm>> -> memref<48x128xf32, #tpu.memory_space<hbm>>
      tpu.enqueue_dma source(%arg14 : memref<48x128xf32, #tpu.memory_space<vmem>>) target(%dma_start3A_171 : memref<48x128xf32, #tpu.memory_space<hbm>>) target_semaphore(%run_scoped3A : memref<!tpu.dma_semaphore, #tpu.memory_space<semaphore_mem>>)
      %dma_wait3A_172 = arith.constant 0 : i32
      %dma_wait3A_173 = tpu.memref_slice %arg5[%arg0, %add3A_145, %dma_wait3A_172] : memref<2x10240x128xf32, #tpu.memory_space<hbm>> -> memref<1x48x128xf32, #tpu.memory_space<hbm>>
      %dma_wait3A_174 = tpu.memref_squeeze %dma_wait3A_173 : memref<1x48x128xf32, #tpu.memory_space<hbm>> -> memref<48x128xf32, #tpu.memory_space<hbm>>
      %dma_wait3A_175 = arith.constant 0 : i32
      %dma_wait3A_176 = tpu.memref_slice %arg5[%arg0, %add3A_145, %dma_wait3A_175] : memref<2x10240x128xf32, #tpu.memory_space<hbm>> -> memref<1x48x128xf32, #tpu.memory_space<hbm>>
      %dma_wait3A_177 = tpu.memref_squeeze %dma_wait3A_176 : memref<1x48x128xf32, #tpu.memory_space<hbm>> -> memref<48x128xf32, #tpu.memory_space<hbm>>
      tpu.wait_dma2 semaphore(%run_scoped3A : memref<!tpu.dma_semaphore, #tpu.memory_space<semaphore_mem>>) src(%arg14 : memref<48x128xf32, #tpu.memory_space<vmem>>) dst(%dma_wait3A_177 : memref<48x128xf32, #tpu.memory_space<hbm>>)
      tpu.yield
    }) : () -> ()
    %mul3A_146 = arith.constant 640 : i32
    %mul3A_147 = arith.muli %arg1, %mul3A_146 : i32
    %add3A_148 = arith.constant 432 : i32
    %add3A_149 = arith.addi %mul3A_147, %add3A_148 : i32
    "tpu.region"() ({
      %run_scoped3A = tpu.sem_alloc : memref<!tpu.dma_semaphore, #tpu.memory_space<semaphore_mem>>
      %dma_start3A_166 = arith.constant 0 : i32
      %dma_start3A_167 = tpu.memref_slice %arg18[%add3A_149, %dma_start3A_166] : memref<10240x128xf32, #tpu.memory_space<vmem_shared>> -> memref<48x128xf32, #tpu.memory_space<vmem_shared>>
      %dma_start3A_168 = arith.constant 0 : i32
      %dma_start3A_169 = tpu.memref_slice %arg18[%add3A_149, %dma_start3A_168] : memref<10240x128xf32, #tpu.memory_space<vmem_shared>> -> memref<48x128xf32, #tpu.memory_space<vmem_shared>>
      tpu.enqueue_dma source(%dma_start3A_169 : memref<48x128xf32, #tpu.memory_space<vmem_shared>>) target(%arg14 : memref<48x128xf32, #tpu.memory_space<vmem>>) target_semaphore(%run_scoped3A : memref<!tpu.dma_semaphore, #tpu.memory_space<semaphore_mem>>)
      %dma_wait3A_170 = arith.constant 0 : i32
      %dma_wait3A_171 = tpu.memref_slice %arg18[%add3A_149, %dma_wait3A_170] : memref<10240x128xf32, #tpu.memory_space<vmem_shared>> -> memref<48x128xf32, #tpu.memory_space<vmem_shared>>
      %dma_wait3A_172 = arith.constant 0 : i32
      %dma_wait3A_173 = tpu.memref_slice %arg18[%add3A_149, %dma_wait3A_172] : memref<10240x128xf32, #tpu.memory_space<vmem_shared>> -> memref<48x128xf32, #tpu.memory_space<vmem_shared>>
      tpu.wait_dma2 semaphore(%run_scoped3A : memref<!tpu.dma_semaphore, #tpu.memory_space<semaphore_mem>>) src(%dma_wait3A_173 : memref<48x128xf32, #tpu.memory_space<vmem_shared>>) dst(%arg14 : memref<48x128xf32, #tpu.memory_space<vmem>>)
      tpu.yield
    }) : () -> ()
    "tpu.region"() ({
      %run_scoped3A = tpu.sem_alloc : memref<!tpu.dma_semaphore, #tpu.memory_space<semaphore_mem>>
      %dma_start3A_166 = arith.constant 0 : i32
      %dma_start3A_167 = tpu.memref_slice %arg5[%arg0, %add3A_149, %dma_start3A_166] : memref<2x10240x128xf32, #tpu.memory_space<hbm>> -> memref<1x48x128xf32, #tpu.memory_space<hbm>>
      %dma_start3A_168 = tpu.memref_squeeze %dma_start3A_167 : memref<1x48x128xf32, #tpu.memory_space<hbm>> -> memref<48x128xf32, #tpu.memory_space<hbm>>
      %dma_start3A_169 = arith.constant 0 : i32
      %dma_start3A_170 = tpu.memref_slice %arg5[%arg0, %add3A_149, %dma_start3A_169] : memref<2x10240x128xf32, #tpu.memory_space<hbm>> -> memref<1x48x128xf32, #tpu.memory_space<hbm>>
      %dma_start3A_171 = tpu.memref_squeeze %dma_start3A_170 : memref<1x48x128xf32, #tpu.memory_space<hbm>> -> memref<48x128xf32, #tpu.memory_space<hbm>>
      tpu.enqueue_dma source(%arg14 : memref<48x128xf32, #tpu.memory_space<vmem>>) target(%dma_start3A_171 : memref<48x128xf32, #tpu.memory_space<hbm>>) target_semaphore(%run_scoped3A : memref<!tpu.dma_semaphore, #tpu.memory_space<semaphore_mem>>)
      %dma_wait3A_172 = arith.constant 0 : i32
      %dma_wait3A_173 = tpu.memref_slice %arg5[%arg0, %add3A_149, %dma_wait3A_172] : memref<2x10240x128xf32, #tpu.memory_space<hbm>> -> memref<1x48x128xf32, #tpu.memory_space<hbm>>
      %dma_wait3A_174 = tpu.memref_squeeze %dma_wait3A_173 : memref<1x48x128xf32, #tpu.memory_space<hbm>> -> memref<48x128xf32, #tpu.memory_space<hbm>>
      %dma_wait3A_175 = arith.constant 0 : i32
      %dma_wait3A_176 = tpu.memref_slice %arg5[%arg0, %add3A_149, %dma_wait3A_175] : memref<2x10240x128xf32, #tpu.memory_space<hbm>> -> memref<1x48x128xf32, #tpu.memory_space<hbm>>
      %dma_wait3A_177 = tpu.memref_squeeze %dma_wait3A_176 : memref<1x48x128xf32, #tpu.memory_space<hbm>> -> memref<48x128xf32, #tpu.memory_space<hbm>>
      tpu.wait_dma2 semaphore(%run_scoped3A : memref<!tpu.dma_semaphore, #tpu.memory_space<semaphore_mem>>) src(%arg14 : memref<48x128xf32, #tpu.memory_space<vmem>>) dst(%dma_wait3A_177 : memref<48x128xf32, #tpu.memory_space<hbm>>)
      tpu.yield
    }) : () -> ()
    %mul3A_150 = arith.constant 640 : i32
    %mul3A_151 = arith.muli %arg1, %mul3A_150 : i32
    %add3A_152 = arith.constant 480 : i32
    %add3A_153 = arith.addi %mul3A_151, %add3A_152 : i32
    "tpu.region"() ({
      %run_scoped3A = tpu.sem_alloc : memref<!tpu.dma_semaphore, #tpu.memory_space<semaphore_mem>>
      %dma_start3A_166 = arith.constant 0 : i32
      %dma_start3A_167 = tpu.memref_slice %arg18[%add3A_153, %dma_start3A_166] : memref<10240x128xf32, #tpu.memory_space<vmem_shared>> -> memref<48x128xf32, #tpu.memory_space<vmem_shared>>
      %dma_start3A_168 = arith.constant 0 : i32
      %dma_start3A_169 = tpu.memref_slice %arg18[%add3A_153, %dma_start3A_168] : memref<10240x128xf32, #tpu.memory_space<vmem_shared>> -> memref<48x128xf32, #tpu.memory_space<vmem_shared>>
      tpu.enqueue_dma source(%dma_start3A_169 : memref<48x128xf32, #tpu.memory_space<vmem_shared>>) target(%arg14 : memref<48x128xf32, #tpu.memory_space<vmem>>) target_semaphore(%run_scoped3A : memref<!tpu.dma_semaphore, #tpu.memory_space<semaphore_mem>>)
      %dma_wait3A_170 = arith.constant 0 : i32
      %dma_wait3A_171 = tpu.memref_slice %arg18[%add3A_153, %dma_wait3A_170] : memref<10240x128xf32, #tpu.memory_space<vmem_shared>> -> memref<48x128xf32, #tpu.memory_space<vmem_shared>>
      %dma_wait3A_172 = arith.constant 0 : i32
      %dma_wait3A_173 = tpu.memref_slice %arg18[%add3A_153, %dma_wait3A_172] : memref<10240x128xf32, #tpu.memory_space<vmem_shared>> -> memref<48x128xf32, #tpu.memory_space<vmem_shared>>
      tpu.wait_dma2 semaphore(%run_scoped3A : memref<!tpu.dma_semaphore, #tpu.memory_space<semaphore_mem>>) src(%dma_wait3A_173 : memref<48x128xf32, #tpu.memory_space<vmem_shared>>) dst(%arg14 : memref<48x128xf32, #tpu.memory_space<vmem>>)
      tpu.yield
    }) : () -> ()
    "tpu.region"() ({
      %run_scoped3A = tpu.sem_alloc : memref<!tpu.dma_semaphore, #tpu.memory_space<semaphore_mem>>
      %dma_start3A_166 = arith.constant 0 : i32
      %dma_start3A_167 = tpu.memref_slice %arg5[%arg0, %add3A_153, %dma_start3A_166] : memref<2x10240x128xf32, #tpu.memory_space<hbm>> -> memref<1x48x128xf32, #tpu.memory_space<hbm>>
      %dma_start3A_168 = tpu.memref_squeeze %dma_start3A_167 : memref<1x48x128xf32, #tpu.memory_space<hbm>> -> memref<48x128xf32, #tpu.memory_space<hbm>>
      %dma_start3A_169 = arith.constant 0 : i32
      %dma_start3A_170 = tpu.memref_slice %arg5[%arg0, %add3A_153, %dma_start3A_169] : memref<2x10240x128xf32, #tpu.memory_space<hbm>> -> memref<1x48x128xf32, #tpu.memory_space<hbm>>
      %dma_start3A_171 = tpu.memref_squeeze %dma_start3A_170 : memref<1x48x128xf32, #tpu.memory_space<hbm>> -> memref<48x128xf32, #tpu.memory_space<hbm>>
      tpu.enqueue_dma source(%arg14 : memref<48x128xf32, #tpu.memory_space<vmem>>) target(%dma_start3A_171 : memref<48x128xf32, #tpu.memory_space<hbm>>) target_semaphore(%run_scoped3A : memref<!tpu.dma_semaphore, #tpu.memory_space<semaphore_mem>>)
      %dma_wait3A_172 = arith.constant 0 : i32
      %dma_wait3A_173 = tpu.memref_slice %arg5[%arg0, %add3A_153, %dma_wait3A_172] : memref<2x10240x128xf32, #tpu.memory_space<hbm>> -> memref<1x48x128xf32, #tpu.memory_space<hbm>>
      %dma_wait3A_174 = tpu.memref_squeeze %dma_wait3A_173 : memref<1x48x128xf32, #tpu.memory_space<hbm>> -> memref<48x128xf32, #tpu.memory_space<hbm>>
      %dma_wait3A_175 = arith.constant 0 : i32
      %dma_wait3A_176 = tpu.memref_slice %arg5[%arg0, %add3A_153, %dma_wait3A_175] : memref<2x10240x128xf32, #tpu.memory_space<hbm>> -> memref<1x48x128xf32, #tpu.memory_space<hbm>>
      %dma_wait3A_177 = tpu.memref_squeeze %dma_wait3A_176 : memref<1x48x128xf32, #tpu.memory_space<hbm>> -> memref<48x128xf32, #tpu.memory_space<hbm>>
      tpu.wait_dma2 semaphore(%run_scoped3A : memref<!tpu.dma_semaphore, #tpu.memory_space<semaphore_mem>>) src(%arg14 : memref<48x128xf32, #tpu.memory_space<vmem>>) dst(%dma_wait3A_177 : memref<48x128xf32, #tpu.memory_space<hbm>>)
      tpu.yield
    }) : () -> ()
    %mul3A_154 = arith.constant 640 : i32
    %mul3A_155 = arith.muli %arg1, %mul3A_154 : i32
    %add3A_156 = arith.constant 528 : i32
    %add3A_157 = arith.addi %mul3A_155, %add3A_156 : i32
    "tpu.region"() ({
      %run_scoped3A = tpu.sem_alloc : memref<!tpu.dma_semaphore, #tpu.memory_space<semaphore_mem>>
      %dma_start3A_166 = arith.constant 0 : i32
      %dma_start3A_167 = tpu.memref_slice %arg18[%add3A_157, %dma_start3A_166] : memref<10240x128xf32, #tpu.memory_space<vmem_shared>> -> memref<48x128xf32, #tpu.memory_space<vmem_shared>>
      %dma_start3A_168 = arith.constant 0 : i32
      %dma_start3A_169 = tpu.memref_slice %arg18[%add3A_157, %dma_start3A_168] : memref<10240x128xf32, #tpu.memory_space<vmem_shared>> -> memref<48x128xf32, #tpu.memory_space<vmem_shared>>
      tpu.enqueue_dma source(%dma_start3A_169 : memref<48x128xf32, #tpu.memory_space<vmem_shared>>) target(%arg14 : memref<48x128xf32, #tpu.memory_space<vmem>>) target_semaphore(%run_scoped3A : memref<!tpu.dma_semaphore, #tpu.memory_space<semaphore_mem>>)
      %dma_wait3A_170 = arith.constant 0 : i32
      %dma_wait3A_171 = tpu.memref_slice %arg18[%add3A_157, %dma_wait3A_170] : memref<10240x128xf32, #tpu.memory_space<vmem_shared>> -> memref<48x128xf32, #tpu.memory_space<vmem_shared>>
      %dma_wait3A_172 = arith.constant 0 : i32
      %dma_wait3A_173 = tpu.memref_slice %arg18[%add3A_157, %dma_wait3A_172] : memref<10240x128xf32, #tpu.memory_space<vmem_shared>> -> memref<48x128xf32, #tpu.memory_space<vmem_shared>>
      tpu.wait_dma2 semaphore(%run_scoped3A : memref<!tpu.dma_semaphore, #tpu.memory_space<semaphore_mem>>) src(%dma_wait3A_173 : memref<48x128xf32, #tpu.memory_space<vmem_shared>>) dst(%arg14 : memref<48x128xf32, #tpu.memory_space<vmem>>)
      tpu.yield
    }) : () -> ()
    "tpu.region"() ({
      %run_scoped3A = tpu.sem_alloc : memref<!tpu.dma_semaphore, #tpu.memory_space<semaphore_mem>>
      %dma_start3A_166 = arith.constant 0 : i32
      %dma_start3A_167 = tpu.memref_slice %arg5[%arg0, %add3A_157, %dma_start3A_166] : memref<2x10240x128xf32, #tpu.memory_space<hbm>> -> memref<1x48x128xf32, #tpu.memory_space<hbm>>
      %dma_start3A_168 = tpu.memref_squeeze %dma_start3A_167 : memref<1x48x128xf32, #tpu.memory_space<hbm>> -> memref<48x128xf32, #tpu.memory_space<hbm>>
      %dma_start3A_169 = arith.constant 0 : i32
      %dma_start3A_170 = tpu.memref_slice %arg5[%arg0, %add3A_157, %dma_start3A_169] : memref<2x10240x128xf32, #tpu.memory_space<hbm>> -> memref<1x48x128xf32, #tpu.memory_space<hbm>>
      %dma_start3A_171 = tpu.memref_squeeze %dma_start3A_170 : memref<1x48x128xf32, #tpu.memory_space<hbm>> -> memref<48x128xf32, #tpu.memory_space<hbm>>
      tpu.enqueue_dma source(%arg14 : memref<48x128xf32, #tpu.memory_space<vmem>>) target(%dma_start3A_171 : memref<48x128xf32, #tpu.memory_space<hbm>>) target_semaphore(%run_scoped3A : memref<!tpu.dma_semaphore, #tpu.memory_space<semaphore_mem>>)
      %dma_wait3A_172 = arith.constant 0 : i32
      %dma_wait3A_173 = tpu.memref_slice %arg5[%arg0, %add3A_157, %dma_wait3A_172] : memref<2x10240x128xf32, #tpu.memory_space<hbm>> -> memref<1x48x128xf32, #tpu.memory_space<hbm>>
      %dma_wait3A_174 = tpu.memref_squeeze %dma_wait3A_173 : memref<1x48x128xf32, #tpu.memory_space<hbm>> -> memref<48x128xf32, #tpu.memory_space<hbm>>
      %dma_wait3A_175 = arith.constant 0 : i32
      %dma_wait3A_176 = tpu.memref_slice %arg5[%arg0, %add3A_157, %dma_wait3A_175] : memref<2x10240x128xf32, #tpu.memory_space<hbm>> -> memref<1x48x128xf32, #tpu.memory_space<hbm>>
      %dma_wait3A_177 = tpu.memref_squeeze %dma_wait3A_176 : memref<1x48x128xf32, #tpu.memory_space<hbm>> -> memref<48x128xf32, #tpu.memory_space<hbm>>
      tpu.wait_dma2 semaphore(%run_scoped3A : memref<!tpu.dma_semaphore, #tpu.memory_space<semaphore_mem>>) src(%arg14 : memref<48x128xf32, #tpu.memory_space<vmem>>) dst(%dma_wait3A_177 : memref<48x128xf32, #tpu.memory_space<hbm>>)
      tpu.yield
    }) : () -> ()
    %mul3A_158 = arith.constant 640 : i32
    %mul3A_159 = arith.muli %arg1, %mul3A_158 : i32
    %add3A_160 = arith.constant 576 : i32
    %add3A_161 = arith.addi %mul3A_159, %add3A_160 : i32
    "tpu.region"() ({
      %run_scoped3A = tpu.sem_alloc : memref<!tpu.dma_semaphore, #tpu.memory_space<semaphore_mem>>
      %dma_start3A_166 = arith.constant 0 : i32
      %dma_start3A_167 = tpu.memref_slice %arg18[%add3A_161, %dma_start3A_166] : memref<10240x128xf32, #tpu.memory_space<vmem_shared>> -> memref<48x128xf32, #tpu.memory_space<vmem_shared>>
      %dma_start3A_168 = arith.constant 0 : i32
      %dma_start3A_169 = tpu.memref_slice %arg18[%add3A_161, %dma_start3A_168] : memref<10240x128xf32, #tpu.memory_space<vmem_shared>> -> memref<48x128xf32, #tpu.memory_space<vmem_shared>>
      tpu.enqueue_dma source(%dma_start3A_169 : memref<48x128xf32, #tpu.memory_space<vmem_shared>>) target(%arg14 : memref<48x128xf32, #tpu.memory_space<vmem>>) target_semaphore(%run_scoped3A : memref<!tpu.dma_semaphore, #tpu.memory_space<semaphore_mem>>)
      %dma_wait3A_170 = arith.constant 0 : i32
      %dma_wait3A_171 = tpu.memref_slice %arg18[%add3A_161, %dma_wait3A_170] : memref<10240x128xf32, #tpu.memory_space<vmem_shared>> -> memref<48x128xf32, #tpu.memory_space<vmem_shared>>
      %dma_wait3A_172 = arith.constant 0 : i32
      %dma_wait3A_173 = tpu.memref_slice %arg18[%add3A_161, %dma_wait3A_172] : memref<10240x128xf32, #tpu.memory_space<vmem_shared>> -> memref<48x128xf32, #tpu.memory_space<vmem_shared>>
      tpu.wait_dma2 semaphore(%run_scoped3A : memref<!tpu.dma_semaphore, #tpu.memory_space<semaphore_mem>>) src(%dma_wait3A_173 : memref<48x128xf32, #tpu.memory_space<vmem_shared>>) dst(%arg14 : memref<48x128xf32, #tpu.memory_space<vmem>>)
      tpu.yield
    }) : () -> ()
    "tpu.region"() ({
      %run_scoped3A = tpu.sem_alloc : memref<!tpu.dma_semaphore, #tpu.memory_space<semaphore_mem>>
      %dma_start3A_166 = arith.constant 0 : i32
      %dma_start3A_167 = tpu.memref_slice %arg5[%arg0, %add3A_161, %dma_start3A_166] : memref<2x10240x128xf32, #tpu.memory_space<hbm>> -> memref<1x48x128xf32, #tpu.memory_space<hbm>>
      %dma_start3A_168 = tpu.memref_squeeze %dma_start3A_167 : memref<1x48x128xf32, #tpu.memory_space<hbm>> -> memref<48x128xf32, #tpu.memory_space<hbm>>
      %dma_start3A_169 = arith.constant 0 : i32
      %dma_start3A_170 = tpu.memref_slice %arg5[%arg0, %add3A_161, %dma_start3A_169] : memref<2x10240x128xf32, #tpu.memory_space<hbm>> -> memref<1x48x128xf32, #tpu.memory_space<hbm>>
      %dma_start3A_171 = tpu.memref_squeeze %dma_start3A_170 : memref<1x48x128xf32, #tpu.memory_space<hbm>> -> memref<48x128xf32, #tpu.memory_space<hbm>>
      tpu.enqueue_dma source(%arg14 : memref<48x128xf32, #tpu.memory_space<vmem>>) target(%dma_start3A_171 : memref<48x128xf32, #tpu.memory_space<hbm>>) target_semaphore(%run_scoped3A : memref<!tpu.dma_semaphore, #tpu.memory_space<semaphore_mem>>)
      %dma_wait3A_172 = arith.constant 0 : i32
      %dma_wait3A_173 = tpu.memref_slice %arg5[%arg0, %add3A_161, %dma_wait3A_172] : memref<2x10240x128xf32, #tpu.memory_space<hbm>> -> memref<1x48x128xf32, #tpu.memory_space<hbm>>
      %dma_wait3A_174 = tpu.memref_squeeze %dma_wait3A_173 : memref<1x48x128xf32, #tpu.memory_space<hbm>> -> memref<48x128xf32, #tpu.memory_space<hbm>>
      %dma_wait3A_175 = arith.constant 0 : i32
      %dma_wait3A_176 = tpu.memref_slice %arg5[%arg0, %add3A_161, %dma_wait3A_175] : memref<2x10240x128xf32, #tpu.memory_space<hbm>> -> memref<1x48x128xf32, #tpu.memory_space<hbm>>
      %dma_wait3A_177 = tpu.memref_squeeze %dma_wait3A_176 : memref<1x48x128xf32, #tpu.memory_space<hbm>> -> memref<48x128xf32, #tpu.memory_space<hbm>>
      tpu.wait_dma2 semaphore(%run_scoped3A : memref<!tpu.dma_semaphore, #tpu.memory_space<semaphore_mem>>) src(%arg14 : memref<48x128xf32, #tpu.memory_space<vmem>>) dst(%dma_wait3A_177 : memref<48x128xf32, #tpu.memory_space<hbm>>)
      tpu.yield
    }) : () -> ()
    %mul3A_162 = arith.constant 640 : i32
    %mul3A_163 = arith.muli %arg1, %mul3A_162 : i32
    %add3A_164 = arith.constant 624 : i32
    %add3A_165 = arith.addi %mul3A_163, %add3A_164 : i32
    "tpu.region"() ({
      %run_scoped3A = tpu.sem_alloc : memref<!tpu.dma_semaphore, #tpu.memory_space<semaphore_mem>>
      %dma_start3A_166 = arith.constant 0 : i32
      %dma_start3A_167 = arith.constant 0 : i32
      %dma_start3A_168 = tpu.memref_slice %arg14[%dma_start3A_166, %dma_start3A_167] : memref<48x128xf32, #tpu.memory_space<vmem>> -> memref<16x128xf32, #tpu.memory_space<vmem>>
      %dma_start3A_169 = arith.constant 0 : i32
      %dma_start3A_170 = tpu.memref_slice %arg18[%add3A_165, %dma_start3A_169] : memref<10240x128xf32, #tpu.memory_space<vmem_shared>> -> memref<16x128xf32, #tpu.memory_space<vmem_shared>>
      %dma_start3A_171 = arith.constant 0 : i32
      %dma_start3A_172 = arith.constant 0 : i32
      %dma_start3A_173 = tpu.memref_slice %arg14[%dma_start3A_171, %dma_start3A_172] : memref<48x128xf32, #tpu.memory_space<vmem>> -> memref<16x128xf32, #tpu.memory_space<vmem>>
      %dma_start3A_174 = arith.constant 0 : i32
      %dma_start3A_175 = tpu.memref_slice %arg18[%add3A_165, %dma_start3A_174] : memref<10240x128xf32, #tpu.memory_space<vmem_shared>> -> memref<16x128xf32, #tpu.memory_space<vmem_shared>>
      tpu.enqueue_dma source(%dma_start3A_175 : memref<16x128xf32, #tpu.memory_space<vmem_shared>>) target(%dma_start3A_173 : memref<16x128xf32, #tpu.memory_space<vmem>>) target_semaphore(%run_scoped3A : memref<!tpu.dma_semaphore, #tpu.memory_space<semaphore_mem>>)
      %dma_wait3A_176 = arith.constant 0 : i32
      %dma_wait3A_177 = arith.constant 0 : i32
      %dma_wait3A_178 = tpu.memref_slice %arg14[%dma_wait3A_176, %dma_wait3A_177] : memref<48x128xf32, #tpu.memory_space<vmem>> -> memref<16x128xf32, #tpu.memory_space<vmem>>
      %dma_wait3A_179 = arith.constant 0 : i32
      %dma_wait3A_180 = tpu.memref_slice %arg18[%add3A_165, %dma_wait3A_179] : memref<10240x128xf32, #tpu.memory_space<vmem_shared>> -> memref<16x128xf32, #tpu.memory_space<vmem_shared>>
      %dma_wait3A_181 = arith.constant 0 : i32
      %dma_wait3A_182 = arith.constant 0 : i32
      %dma_wait3A_183 = tpu.memref_slice %arg14[%dma_wait3A_181, %dma_wait3A_182] : memref<48x128xf32, #tpu.memory_space<vmem>> -> memref<16x128xf32, #tpu.memory_space<vmem>>
      %dma_wait3A_184 = arith.constant 0 : i32
      %dma_wait3A_185 = tpu.memref_slice %arg18[%add3A_165, %dma_wait3A_184] : memref<10240x128xf32, #tpu.memory_space<vmem_shared>> -> memref<16x128xf32, #tpu.memory_space<vmem_shared>>
      tpu.wait_dma2 semaphore(%run_scoped3A : memref<!tpu.dma_semaphore, #tpu.memory_space<semaphore_mem>>) src(%dma_wait3A_185 : memref<16x128xf32, #tpu.memory_space<vmem_shared>>) dst(%dma_wait3A_183 : memref<16x128xf32, #tpu.memory_space<vmem>>)
      tpu.yield
    }) : () -> ()
    "tpu.region"() ({
      %run_scoped3A = tpu.sem_alloc : memref<!tpu.dma_semaphore, #tpu.memory_space<semaphore_mem>>
      %dma_start3A_166 = arith.constant 0 : i32
      %dma_start3A_167 = arith.constant 0 : i32
      %dma_start3A_168 = tpu.memref_slice %arg14[%dma_start3A_166, %dma_start3A_167] : memref<48x128xf32, #tpu.memory_space<vmem>> -> memref<16x128xf32, #tpu.memory_space<vmem>>
      %dma_start3A_169 = arith.constant 0 : i32
      %dma_start3A_170 = tpu.memref_slice %arg5[%arg0, %add3A_165, %dma_start3A_169] : memref<2x10240x128xf32, #tpu.memory_space<hbm>> -> memref<1x16x128xf32, #tpu.memory_space<hbm>>
      %dma_start3A_171 = tpu.memref_squeeze %dma_start3A_170 : memref<1x16x128xf32, #tpu.memory_space<hbm>> -> memref<16x128xf32, #tpu.memory_space<hbm>>
      %dma_start3A_172 = arith.constant 0 : i32
      %dma_start3A_173 = tpu.memref_slice %arg5[%arg0, %add3A_165, %dma_start3A_172] : memref<2x10240x128xf32, #tpu.memory_space<hbm>> -> memref<1x16x128xf32, #tpu.memory_space<hbm>>
      %dma_start3A_174 = tpu.memref_squeeze %dma_start3A_173 : memref<1x16x128xf32, #tpu.memory_space<hbm>> -> memref<16x128xf32, #tpu.memory_space<hbm>>
      %dma_start3A_175 = arith.constant 0 : i32
      %dma_start3A_176 = arith.constant 0 : i32
      %dma_start3A_177 = tpu.memref_slice %arg14[%dma_start3A_175, %dma_start3A_176] : memref<48x128xf32, #tpu.memory_space<vmem>> -> memref<16x128xf32, #tpu.memory_space<vmem>>
      tpu.enqueue_dma source(%dma_start3A_177 : memref<16x128xf32, #tpu.memory_space<vmem>>) target(%dma_start3A_174 : memref<16x128xf32, #tpu.memory_space<hbm>>) target_semaphore(%run_scoped3A : memref<!tpu.dma_semaphore, #tpu.memory_space<semaphore_mem>>)
      %dma_wait3A_178 = arith.constant 0 : i32
      %dma_wait3A_179 = arith.constant 0 : i32
      %dma_wait3A_180 = tpu.memref_slice %arg14[%dma_wait3A_178, %dma_wait3A_179] : memref<48x128xf32, #tpu.memory_space<vmem>> -> memref<16x128xf32, #tpu.memory_space<vmem>>
      %dma_wait3A_181 = arith.constant 0 : i32
      %dma_wait3A_182 = tpu.memref_slice %arg5[%arg0, %add3A_165, %dma_wait3A_181] : memref<2x10240x128xf32, #tpu.memory_space<hbm>> -> memref<1x16x128xf32, #tpu.memory_space<hbm>>
      %dma_wait3A_183 = tpu.memref_squeeze %dma_wait3A_182 : memref<1x16x128xf32, #tpu.memory_space<hbm>> -> memref<16x128xf32, #tpu.memory_space<hbm>>
      %dma_wait3A_184 = arith.constant 0 : i32
      %dma_wait3A_185 = tpu.memref_slice %arg5[%arg0, %add3A_165, %dma_wait3A_184] : memref<2x10240x128xf32, #tpu.memory_space<hbm>> -> memref<1x16x128xf32, #tpu.memory_space<hbm>>
      %dma_wait3A_186 = tpu.memref_squeeze %dma_wait3A_185 : memref<1x16x128xf32, #tpu.memory_space<hbm>> -> memref<16x128xf32, #tpu.memory_space<hbm>>
      %dma_wait3A_187 = arith.constant 0 : i32
      %dma_wait3A_188 = arith.constant 0 : i32
      %dma_wait3A_189 = tpu.memref_slice %arg14[%dma_wait3A_187, %dma_wait3A_188] : memref<48x128xf32, #tpu.memory_space<vmem>> -> memref<16x128xf32, #tpu.memory_space<vmem>>
      tpu.wait_dma2 semaphore(%run_scoped3A : memref<!tpu.dma_semaphore, #tpu.memory_space<semaphore_mem>>) src(%dma_wait3A_189 : memref<16x128xf32, #tpu.memory_space<vmem>>) dst(%dma_wait3A_186 : memref<16x128xf32, #tpu.memory_space<hbm>>)
      tpu.yield
    }) : () -> ()
    return
  }
}

#map = affine_map<(d0, d1) -> (0)>
#map1 = affine_map<(d0, d1) -> (0, 0)>
#map2 = affine_map<(d0, d1) -> (0, 0, 0)>
module attributes {stable_mosaic.version = 14 : i64} {
  func.func @_deg_body(%arg0: i32, %arg1: i32, %arg2: memref<322560xi32, #tpu.memory_space<hbm>>, %arg3: memref<128x128xf32, #tpu.memory_space<hbm>>, %arg4: memref<2x80x128xf32, #tpu.memory_space<hbm>>, %arg5: memref<48xi32, #tpu.memory_space<vmem>>, %arg6: memref<48xi32, #tpu.memory_space<vmem>>, %arg7: memref<48xi32, #tpu.memory_space<vmem>>, %arg8: memref<48xi32, #tpu.memory_space<vmem>>, %arg9: memref<48xi32, #tpu.memory_space<vmem>>, %arg10: memref<48xi32, #tpu.memory_space<vmem>>, %arg11: memref<48x128xf32, #tpu.memory_space<vmem>>, %arg12: memref<48x128xf32, #tpu.memory_space<vmem>>, %arg13: memref<48x128xf32, #tpu.memory_space<vmem>>, %arg14: memref<8x128xf32, #tpu.memory_space<vmem>>, %arg15: memref<80x128xf32, #tpu.memory_space<vmem_shared>>, %arg16: memref<!tpu.dma_semaphore, #tpu.memory_space<semaphore_mem>>, %arg17: memref<!tpu.dma_semaphore, #tpu.memory_space<semaphore_mem>>, %arg18: memref<!tpu.dma_semaphore, #tpu.memory_space<semaphore_mem>>, %arg19: memref<!tpu.dma_semaphore, #tpu.memory_space<semaphore_mem>>, %arg20: memref<!tpu.dma_semaphore, #tpu.memory_space<semaphore_mem>>, %arg21: memref<!tpu.dma_semaphore, #tpu.memory_space<semaphore_mem>>, %arg22: memref<!tpu.dma_semaphore, #tpu.memory_space<semaphore_mem>>, %arg23: memref<!tpu.dma_semaphore, #tpu.memory_space<semaphore_mem>>, %arg24: memref<!tpu.dma_semaphore, #tpu.memory_space<semaphore_mem>>) attributes {dimension_semantics = [#tpu.dimension_semantics<core_parallel>, #tpu.dimension_semantics<subcore_parallel>], iteration_bounds = array<i64: 2, 16>, scalar_prefetch = 0 : i64, scratch_operands = 20 : i64, tpu.core_type = #tpu.core_type<sc_vector_subcore>, window_params = [{transform_indices = #map}, {transform_indices = #map1}, {transform_indices = #map2}]} {
    %mul3A = arith.constant 16 : i32
    %mul3A_0 = arith.muli %arg0, %mul3A : i32
    %add3A = arith.addi %mul3A_0, %arg1 : i32
    %mul3A_1 = arith.constant 10080 : i32
    %mul3A_2 = arith.muli %add3A, %mul3A_1 : i32
    %scan3A = arith.constant 0 : i32
    %scan3A_3 = arith.constant 0 : i32
    %scan3A_4 = arith.constant 8 : i32
    %scan3A_5 = arith.addi %scan3A_3, %scan3A_4 : i32
    %scan3A_6 = arith.constant 1 : i32
    %scan3A_7 = scf.for %scan3A_93 = %scan3A_3 to %scan3A_5 step %scan3A_6 iter_args(%scan3A_94 = %scan3A) -> (i32)  : i32 {
      %broadcast_in_dim3A = arith.constant 0.000000e+00 : f32
      %broadcast_in_dim3A_95 = vector.broadcast %broadcast_in_dim3A : f32 to vector<16xf32>
      %swap3A_96 = arith.index_cast %scan3A_93 : i32 to index
      %swap3A_97 = arith.constant 0 : index
      %swap3A_98 = tpu.vector_load %arg14[%swap3A_96, %swap3A_97] {strides = array<i32>} : memref<8x128xf32, #tpu.memory_space<vmem>>, vector<1x16xf32>,
      %swap3A_99 = vector.shape_cast %swap3A_98 : vector<1x16xf32> to vector<16xf32>
      %swap3A_100 = vector.shape_cast %broadcast_in_dim3A_95 : vector<16xf32> to vector<1x16xf32>
      tpu.vector_store %arg14[%swap3A_96, %swap3A_97], %swap3A_100 {strides = array<i32>} : memref<8x128xf32, #tpu.memory_space<vmem>>, vector<1x16xf32>,
      %broadcast_in_dim3A_101 = arith.constant 0.000000e+00 : f32
      %broadcast_in_dim3A_102 = vector.broadcast %broadcast_in_dim3A_101 : f32 to vector<16xf32>
      %swap3A_103 = arith.index_cast %scan3A_93 : i32 to index
      %swap3A_104 = arith.constant 16 : index
      %swap3A_105 = tpu.vector_load %arg14[%swap3A_103, %swap3A_104] {strides = array<i32>} : memref<8x128xf32, #tpu.memory_space<vmem>>, vector<1x16xf32>,
      %swap3A_106 = vector.shape_cast %swap3A_105 : vector<1x16xf32> to vector<16xf32>
      %swap3A_107 = vector.shape_cast %broadcast_in_dim3A_102 : vector<16xf32> to vector<1x16xf32>
      tpu.vector_store %arg14[%swap3A_103, %swap3A_104], %swap3A_107 {strides = array<i32>} : memref<8x128xf32, #tpu.memory_space<vmem>>, vector<1x16xf32>,
      %broadcast_in_dim3A_108 = arith.constant 0.000000e+00 : f32
      %broadcast_in_dim3A_109 = vector.broadcast %broadcast_in_dim3A_108 : f32 to vector<16xf32>
      %swap3A_110 = arith.index_cast %scan3A_93 : i32 to index
      %swap3A_111 = arith.constant 32 : index
      %swap3A_112 = tpu.vector_load %arg14[%swap3A_110, %swap3A_111] {strides = array<i32>} : memref<8x128xf32, #tpu.memory_space<vmem>>, vector<1x16xf32>,
      %swap3A_113 = vector.shape_cast %swap3A_112 : vector<1x16xf32> to vector<16xf32>
      %swap3A_114 = vector.shape_cast %broadcast_in_dim3A_109 : vector<16xf32> to vector<1x16xf32>
      tpu.vector_store %arg14[%swap3A_110, %swap3A_111], %swap3A_114 {strides = array<i32>} : memref<8x128xf32, #tpu.memory_space<vmem>>, vector<1x16xf32>,
      %broadcast_in_dim3A_115 = arith.constant 0.000000e+00 : f32
      %broadcast_in_dim3A_116 = vector.broadcast %broadcast_in_dim3A_115 : f32 to vector<16xf32>
      %swap3A_117 = arith.index_cast %scan3A_93 : i32 to index
      %swap3A_118 = arith.constant 48 : index
      %swap3A_119 = tpu.vector_load %arg14[%swap3A_117, %swap3A_118] {strides = array<i32>} : memref<8x128xf32, #tpu.memory_space<vmem>>, vector<1x16xf32>,
      %swap3A_120 = vector.shape_cast %swap3A_119 : vector<1x16xf32> to vector<16xf32>
      %swap3A_121 = vector.shape_cast %broadcast_in_dim3A_116 : vector<16xf32> to vector<1x16xf32>
      tpu.vector_store %arg14[%swap3A_117, %swap3A_118], %swap3A_121 {strides = array<i32>} : memref<8x128xf32, #tpu.memory_space<vmem>>, vector<1x16xf32>,
      %broadcast_in_dim3A_122 = arith.constant 0.000000e+00 : f32
      %broadcast_in_dim3A_123 = vector.broadcast %broadcast_in_dim3A_122 : f32 to vector<16xf32>
      %swap3A_124 = arith.index_cast %scan3A_93 : i32 to index
      %swap3A_125 = arith.constant 64 : index
      %swap3A_126 = tpu.vector_load %arg14[%swap3A_124, %swap3A_125] {strides = array<i32>} : memref<8x128xf32, #tpu.memory_space<vmem>>, vector<1x16xf32>,
      %swap3A_127 = vector.shape_cast %swap3A_126 : vector<1x16xf32> to vector<16xf32>
      %swap3A_128 = vector.shape_cast %broadcast_in_dim3A_123 : vector<16xf32> to vector<1x16xf32>
      tpu.vector_store %arg14[%swap3A_124, %swap3A_125], %swap3A_128 {strides = array<i32>} : memref<8x128xf32, #tpu.memory_space<vmem>>, vector<1x16xf32>,
      %broadcast_in_dim3A_129 = arith.constant 0.000000e+00 : f32
      %broadcast_in_dim3A_130 = vector.broadcast %broadcast_in_dim3A_129 : f32 to vector<16xf32>
      %swap3A_131 = arith.index_cast %scan3A_93 : i32 to index
      %swap3A_132 = arith.constant 80 : index
      %swap3A_133 = tpu.vector_load %arg14[%swap3A_131, %swap3A_132] {strides = array<i32>} : memref<8x128xf32, #tpu.memory_space<vmem>>, vector<1x16xf32>,
      %swap3A_134 = vector.shape_cast %swap3A_133 : vector<1x16xf32> to vector<16xf32>
      %swap3A_135 = vector.shape_cast %broadcast_in_dim3A_130 : vector<16xf32> to vector<1x16xf32>
      tpu.vector_store %arg14[%swap3A_131, %swap3A_132], %swap3A_135 {strides = array<i32>} : memref<8x128xf32, #tpu.memory_space<vmem>>, vector<1x16xf32>,
      %broadcast_in_dim3A_136 = arith.constant 0.000000e+00 : f32
      %broadcast_in_dim3A_137 = vector.broadcast %broadcast_in_dim3A_136 : f32 to vector<16xf32>
      %swap3A_138 = arith.index_cast %scan3A_93 : i32 to index
      %swap3A_139 = arith.constant 96 : index
      %swap3A_140 = tpu.vector_load %arg14[%swap3A_138, %swap3A_139] {strides = array<i32>} : memref<8x128xf32, #tpu.memory_space<vmem>>, vector<1x16xf32>,
      %swap3A_141 = vector.shape_cast %swap3A_140 : vector<1x16xf32> to vector<16xf32>
      %swap3A_142 = vector.shape_cast %broadcast_in_dim3A_137 : vector<16xf32> to vector<1x16xf32>
      tpu.vector_store %arg14[%swap3A_138, %swap3A_139], %swap3A_142 {strides = array<i32>} : memref<8x128xf32, #tpu.memory_space<vmem>>, vector<1x16xf32>,
      %broadcast_in_dim3A_143 = arith.constant 0.000000e+00 : f32
      %broadcast_in_dim3A_144 = vector.broadcast %broadcast_in_dim3A_143 : f32 to vector<16xf32>
      %swap3A_145 = arith.index_cast %scan3A_93 : i32 to index
      %swap3A_146 = arith.constant 112 : index
      %swap3A_147 = tpu.vector_load %arg14[%swap3A_145, %swap3A_146] {strides = array<i32>} : memref<8x128xf32, #tpu.memory_space<vmem>>, vector<1x16xf32>,
      %swap3A_148 = vector.shape_cast %swap3A_147 : vector<1x16xf32> to vector<16xf32>
      %swap3A_149 = vector.shape_cast %broadcast_in_dim3A_144 : vector<16xf32> to vector<1x16xf32>
      tpu.vector_store %arg14[%swap3A_145, %swap3A_146], %swap3A_149 {strides = array<i32>} : memref<8x128xf32, #tpu.memory_space<vmem>>, vector<1x16xf32>,
      %scan3A_150 = arith.constant 0 : i32
      scf.yield %scan3A_150 : i32
    }
    %scan3A_8 = arith.constant 8 : i32
    %lt3A = arith.constant 10 : i32
    %lt3A_9 = arith.cmpi slt, %arg1, %lt3A : i32
    %convert_element_type3A = arith.extui %lt3A_9 : i1 to i32
    %cond3A = arith.constant 0 : i32
    %cond3A_10 = arith.cmpi ne, %convert_element_type3A, %cond3A : i32
    scf.if %cond3A_10 {
      %mul3A_93 = arith.constant 8 : i32
      %mul3A_94 = arith.muli %arg1, %mul3A_93 : i32
      "tpu.region"() ({
        %run_scoped3A = tpu.sem_alloc : memref<!tpu.dma_semaphore, #tpu.memory_space<semaphore_mem>>
        %dma_start3A_95 = arith.constant 0 : i32
        %dma_start3A_96 = tpu.memref_slice %arg15[%mul3A_94, %dma_start3A_95] : memref<80x128xf32, #tpu.memory_space<vmem_shared>> -> memref<8x128xf32, #tpu.memory_space<vmem_shared>>
        %dma_start3A_97 = arith.constant 0 : i32
        %dma_start3A_98 = tpu.memref_slice %arg15[%mul3A_94, %dma_start3A_97] : memref<80x128xf32, #tpu.memory_space<vmem_shared>> -> memref<8x128xf32, #tpu.memory_space<vmem_shared>>
        tpu.enqueue_dma source(%arg14 : memref<8x128xf32, #tpu.memory_space<vmem>>) target(%dma_start3A_98 : memref<8x128xf32, #tpu.memory_space<vmem_shared>>) target_semaphore(%run_scoped3A : memref<!tpu.dma_semaphore, #tpu.memory_space<semaphore_mem>>)
        %dma_wait3A_99 = arith.constant 0 : i32
        %dma_wait3A_100 = tpu.memref_slice %arg15[%mul3A_94, %dma_wait3A_99] : memref<80x128xf32, #tpu.memory_space<vmem_shared>> -> memref<8x128xf32, #tpu.memory_space<vmem_shared>>
        %dma_wait3A_101 = arith.constant 0 : i32
        %dma_wait3A_102 = tpu.memref_slice %arg15[%mul3A_94, %dma_wait3A_101] : memref<80x128xf32, #tpu.memory_space<vmem_shared>> -> memref<8x128xf32, #tpu.memory_space<vmem_shared>>
        tpu.wait_dma2 semaphore(%run_scoped3A : memref<!tpu.dma_semaphore, #tpu.memory_space<semaphore_mem>>) src(%arg14 : memref<8x128xf32, #tpu.memory_space<vmem>>) dst(%dma_wait3A_102 : memref<8x128xf32, #tpu.memory_space<vmem_shared>>)
        tpu.yield
      }) : () -> ()
    } else {
    }
    %barrier3A = arith.constant 0 : index
    tpu.barrier barrier_id(%barrier3A)
    %add3A_11 = arith.constant 0 : i32
    %add3A_12 = arith.addi %mul3A_2, %add3A_11 : i32
    %dma_start3A = tpu.memref_slice %arg2[%add3A_12] : memref<322560xi32, #tpu.memory_space<hbm>> -> memref<48xi32, #tpu.memory_space<hbm>>
    %dma_start3A_13 = tpu.memref_slice %arg2[%add3A_12] : memref<322560xi32, #tpu.memory_space<hbm>> -> memref<48xi32, #tpu.memory_space<hbm>>
    tpu.enqueue_dma source(%dma_start3A_13 : memref<48xi32, #tpu.memory_space<hbm>>) target(%arg5 : memref<48xi32, #tpu.memory_space<vmem>>) target_semaphore(%arg16 : memref<!tpu.dma_semaphore, #tpu.memory_space<semaphore_mem>>)
    %add3A_14 = arith.constant 48 : i32
    %add3A_15 = arith.addi %mul3A_2, %add3A_14 : i32
    %dma_start3A_16 = tpu.memref_slice %arg2[%add3A_15] : memref<322560xi32, #tpu.memory_space<hbm>> -> memref<48xi32, #tpu.memory_space<hbm>>
    %dma_start3A_17 = tpu.memref_slice %arg2[%add3A_15] : memref<322560xi32, #tpu.memory_space<hbm>> -> memref<48xi32, #tpu.memory_space<hbm>>
    tpu.enqueue_dma source(%dma_start3A_17 : memref<48xi32, #tpu.memory_space<hbm>>) target(%arg6 : memref<48xi32, #tpu.memory_space<vmem>>) target_semaphore(%arg17 : memref<!tpu.dma_semaphore, #tpu.memory_space<semaphore_mem>>)
    %add3A_18 = arith.constant 0 : i32
    %add3A_19 = arith.addi %mul3A_2, %add3A_18 : i32
    %dma_wait3A = tpu.memref_slice %arg2[%add3A_19] : memref<322560xi32, #tpu.memory_space<hbm>> -> memref<48xi32, #tpu.memory_space<hbm>>
    %dma_wait3A_20 = tpu.memref_slice %arg2[%add3A_19] : memref<322560xi32, #tpu.memory_space<hbm>> -> memref<48xi32, #tpu.memory_space<hbm>>
    tpu.wait_dma2 semaphore(%arg16 : memref<!tpu.dma_semaphore, #tpu.memory_space<semaphore_mem>>) src(%dma_wait3A_20 : memref<48xi32, #tpu.memory_space<hbm>>) dst(%arg5 : memref<48xi32, #tpu.memory_space<vmem>>)
    %get3A = arith.constant 0 : index
    %get3A_21 = tpu.vector_load %arg5[%get3A] {strides = array<i32>} : memref<48xi32, #tpu.memory_space<vmem>>, vector<16xi32>,
    %get3A_22 = vector.shape_cast %get3A_21 : vector<16xi32> to vector<16xi32>
    %and3A = arith.constant 127 : i32
    %and3A_23 = vector.broadcast %and3A : i32 to vector<16xi32>
    %and3A_24 = arith.andi %get3A_22, %and3A_23 : vector<16xi32>
    %swap3A = arith.constant 0 : index
    %swap3A_25 = tpu.vector_load %arg8[%swap3A] {strides = array<i32>} : memref<48xi32, #tpu.memory_space<vmem>>, vector<16xi32>,
    %swap3A_26 = vector.shape_cast %swap3A_25 : vector<16xi32> to vector<16xi32>
    %swap3A_27 = vector.shape_cast %and3A_24 : vector<16xi32> to vector<16xi32>
    tpu.vector_store %arg8[%swap3A], %swap3A_27 {strides = array<i32>} : memref<48xi32, #tpu.memory_space<vmem>>, vector<16xi32>,
    %shift_right_logical3A = arith.constant 7 : i32
    %shift_right_logical3A_28 = vector.broadcast %shift_right_logical3A : i32 to vector<16xi32>
    %shift_right_logical3A_29 = arith.shrui %get3A_22, %shift_right_logical3A_28 : vector<16xi32>
    %swap3A_30 = arith.constant 0 : index
    %swap3A_31 = tpu.vector_load %arg5[%swap3A_30] {strides = array<i32>} : memref<48xi32, #tpu.memory_space<vmem>>, vector<16xi32>,
    %swap3A_32 = vector.shape_cast %swap3A_31 : vector<16xi32> to vector<16xi32>
    %swap3A_33 = vector.shape_cast %shift_right_logical3A_29 : vector<16xi32> to vector<16xi32>
    tpu.vector_store %arg5[%swap3A_30], %swap3A_33 {strides = array<i32>} : memref<48xi32, #tpu.memory_space<vmem>>, vector<16xi32>,
    %get3A_34 = arith.constant 16 : index
    %get3A_35 = tpu.vector_load %arg5[%get3A_34] {strides = array<i32>} : memref<48xi32, #tpu.memory_space<vmem>>, vector<16xi32>,
    %get3A_36 = vector.shape_cast %get3A_35 : vector<16xi32> to vector<16xi32>
    %and3A_37 = arith.constant 127 : i32
    %and3A_38 = vector.broadcast %and3A_37 : i32 to vector<16xi32>
    %and3A_39 = arith.andi %get3A_36, %and3A_38 : vector<16xi32>
    %swap3A_40 = arith.constant 16 : index
    %swap3A_41 = tpu.vector_load %arg8[%swap3A_40] {strides = array<i32>} : memref<48xi32, #tpu.memory_space<vmem>>, vector<16xi32>,
    %swap3A_42 = vector.shape_cast %swap3A_41 : vector<16xi32> to vector<16xi32>
    %swap3A_43 = vector.shape_cast %and3A_39 : vector<16xi32> to vector<16xi32>
    tpu.vector_store %arg8[%swap3A_40], %swap3A_43 {strides = array<i32>} : memref<48xi32, #tpu.memory_space<vmem>>, vector<16xi32>,
    %shift_right_logical3A_44 = arith.constant 7 : i32
    %shift_right_logical3A_45 = vector.broadcast %shift_right_logical3A_44 : i32 to vector<16xi32>
    %shift_right_logical3A_46 = arith.shrui %get3A_36, %shift_right_logical3A_45 : vector<16xi32>
    %swap3A_47 = arith.constant 16 : index
    %swap3A_48 = tpu.vector_load %arg5[%swap3A_47] {strides = array<i32>} : memref<48xi32, #tpu.memory_space<vmem>>, vector<16xi32>,
    %swap3A_49 = vector.shape_cast %swap3A_48 : vector<16xi32> to vector<16xi32>
    %swap3A_50 = vector.shape_cast %shift_right_logical3A_46 : vector<16xi32> to vector<16xi32>
    tpu.vector_store %arg5[%swap3A_47], %swap3A_50 {strides = array<i32>} : memref<48xi32, #tpu.memory_space<vmem>>, vector<16xi32>,
    %get3A_51 = arith.constant 32 : index
    %get3A_52 = tpu.vector_load %arg5[%get3A_51] {strides = array<i32>} : memref<48xi32, #tpu.memory_space<vmem>>, vector<16xi32>,
    %get3A_53 = vector.shape_cast %get3A_52 : vector<16xi32> to vector<16xi32>
    %and3A_54 = arith.constant 127 : i32
    %and3A_55 = vector.broadcast %and3A_54 : i32 to vector<16xi32>
    %and3A_56 = arith.andi %get3A_53, %and3A_55 : vector<16xi32>
    %swap3A_57 = arith.constant 32 : index
    %swap3A_58 = tpu.vector_load %arg8[%swap3A_57] {strides = array<i32>} : memref<48xi32, #tpu.memory_space<vmem>>, vector<16xi32>,
    %swap3A_59 = vector.shape_cast %swap3A_58 : vector<16xi32> to vector<16xi32>
    %swap3A_60 = vector.shape_cast %and3A_56 : vector<16xi32> to vector<16xi32>
    tpu.vector_store %arg8[%swap3A_57], %swap3A_60 {strides = array<i32>} : memref<48xi32, #tpu.memory_space<vmem>>, vector<16xi32>,
    %shift_right_logical3A_61 = arith.constant 7 : i32
    %shift_right_logical3A_62 = vector.broadcast %shift_right_logical3A_61 : i32 to vector<16xi32>
    %shift_right_logical3A_63 = arith.shrui %get3A_53, %shift_right_logical3A_62 : vector<16xi32>
    %swap3A_64 = arith.constant 32 : index
    %swap3A_65 = tpu.vector_load %arg5[%swap3A_64] {strides = array<i32>} : memref<48xi32, #tpu.memory_space<vmem>>, vector<16xi32>,
    %swap3A_66 = vector.shape_cast %swap3A_65 : vector<16xi32> to vector<16xi32>
    %swap3A_67 = vector.shape_cast %shift_right_logical3A_63 : vector<16xi32> to vector<16xi32>
    tpu.vector_store %arg5[%swap3A_64], %swap3A_67 {strides = array<i32>} : memref<48xi32, #tpu.memory_space<vmem>>, vector<16xi32>,
    %dma_start3A_68 = arith.constant 0 : i32
    %dma_start3A_69 = arith.constant 0 : i32
    %dma_start3A_70 = tpu.memref_slice %arg3[%dma_start3A_68, %dma_start3A_69] : memref<128x128xf32, #tpu.memory_space<hbm>> -> memref<128x128xf32, #tpu.memory_space<hbm>>
    tpu.enqueue_indirect_dma source(%dma_start3A_70 : memref<128x128xf32, #tpu.memory_space<hbm>>) target(%arg11 : memref<48x128xf32, #tpu.memory_space<vmem>>) offsets(%arg8 : memref<48xi32, #tpu.memory_space<vmem>>) semaphore(%arg19 : memref<!tpu.dma_semaphore, #tpu.memory_space<semaphore_mem>>)
    %scan3A_71 = arith.constant 0 : i32
    %scan3A_72 = arith.constant 0 : i32
    %scan3A_73 = arith.constant 70 : i32
    %scan3A_74 = arith.addi %scan3A_72, %scan3A_73 : i32
    %scan3A_75 = arith.constant 1 : i32
    %scan3A_76 = scf.for %scan3A_93 = %scan3A_72 to %scan3A_74 step %scan3A_75 iter_args(%scan3A_94 = %scan3A_71) -> (i32)  : i32 {
      %mul3A_95 = arith.constant 3 : i32
      %mul3A_96 = arith.muli %scan3A_93, %mul3A_95 : i32
      %add3A_97 = arith.constant 0 : i32
      %add3A_98 = arith.addi %mul3A_96, %add3A_97 : i32
      %add3A_99 = arith.constant 2 : i32
      %add3A_100 = arith.addi %add3A_98, %add3A_99 : i32
      %add3A_101 = arith.constant 1 : i32
      %add3A_102 = arith.addi %add3A_98, %add3A_101 : i32
      %lt3A_103 = arith.constant 210 : i32
      %lt3A_104 = arith.cmpi slt, %add3A_100, %lt3A_103 : i32
      %ge3A = arith.constant 3 : i32
      %ge3A_105 = arith.cmpi sge, %add3A_100, %ge3A : i32
      %and3A_106 = arith.andi %lt3A_104, %ge3A_105 : i1
      %convert_element_type3A_107 = arith.extui %and3A_106 : i1 to i32
      %cond3A_108 = arith.constant 0 : i32
      %cond3A_109 = arith.cmpi ne, %convert_element_type3A_107, %cond3A_108 : i32
      scf.if %cond3A_109 {
        %sub3A = arith.constant 3 : i32
        %sub3A_200 = arith.subi %add3A_100, %sub3A : i32
        %dma_wait3A_201 = arith.constant 0 : i32
        %dma_wait3A_202 = arith.constant 0 : i32
        %dma_wait3A_203 = tpu.memref_slice %arg15[%dma_wait3A_201, %dma_wait3A_202] : memref<80x128xf32, #tpu.memory_space<vmem_shared>> -> memref<80x128xf32, #tpu.memory_space<vmem_shared>>
        tpu.wait_indirect_dma semaphore(%arg24 : memref<!tpu.dma_semaphore, #tpu.memory_space<semaphore_mem>>) src(%arg13 : memref<48x128xf32, #tpu.memory_space<vmem>>) dst(%dma_wait3A_203 : memref<80x128xf32, #tpu.memory_space<vmem_shared>>)
        %mul3A_204 = arith.constant 48 : i32
        %mul3A_205 = arith.muli %add3A_100, %mul3A_204 : i32
        %add3A_206 = arith.addi %mul3A_2, %mul3A_205 : i32
        %dma_start3A_207 = tpu.memref_slice %arg2[%add3A_206] : memref<322560xi32, #tpu.memory_space<hbm>> -> memref<48xi32, #tpu.memory_space<hbm>>
        %dma_start3A_208 = tpu.memref_slice %arg2[%add3A_206] : memref<322560xi32, #tpu.memory_space<hbm>> -> memref<48xi32, #tpu.memory_space<hbm>>
        tpu.enqueue_dma source(%dma_start3A_208 : memref<48xi32, #tpu.memory_space<hbm>>) target(%arg7 : memref<48xi32, #tpu.memory_space<vmem>>) target_semaphore(%arg18 : memref<!tpu.dma_semaphore, #tpu.memory_space<semaphore_mem>>)
      } else {
      }
      %lt3A_110 = arith.constant 210 : i32
      %lt3A_111 = arith.cmpi slt, %add3A_100, %lt3A_110 : i32
      %lt3A_112 = arith.constant 3 : i32
      %lt3A_113 = arith.cmpi slt, %add3A_100, %lt3A_112 : i32
      %and3A_114 = arith.andi %lt3A_111, %lt3A_113 : i1
      %convert_element_type3A_115 = arith.extui %and3A_114 : i1 to i32
      %cond3A_116 = arith.constant 0 : i32
      %cond3A_117 = arith.cmpi ne, %convert_element_type3A_115, %cond3A_116 : i32
      scf.if %cond3A_117 {
        %mul3A_200 = arith.constant 48 : i32
        %mul3A_201 = arith.muli %add3A_100, %mul3A_200 : i32
        %add3A_202 = arith.addi %mul3A_2, %mul3A_201 : i32
        %dma_start3A_203 = tpu.memref_slice %arg2[%add3A_202] : memref<322560xi32, #tpu.memory_space<hbm>> -> memref<48xi32, #tpu.memory_space<hbm>>
        %dma_start3A_204 = tpu.memref_slice %arg2[%add3A_202] : memref<322560xi32, #tpu.memory_space<hbm>> -> memref<48xi32, #tpu.memory_space<hbm>>
        tpu.enqueue_dma source(%dma_start3A_204 : memref<48xi32, #tpu.memory_space<hbm>>) target(%arg7 : memref<48xi32, #tpu.memory_space<vmem>>) target_semaphore(%arg18 : memref<!tpu.dma_semaphore, #tpu.memory_space<semaphore_mem>>)
      } else {
      }
      %lt3A_118 = arith.constant 210 : i32
      %lt3A_119 = arith.cmpi slt, %add3A_102, %lt3A_118 : i32
      %convert_element_type3A_120 = arith.extui %lt3A_119 : i1 to i32
      %cond3A_121 = arith.constant 0 : i32
      %cond3A_122 = arith.cmpi ne, %convert_element_type3A_120, %cond3A_121 : i32
      scf.if %cond3A_122 {
        %mul3A_200 = arith.constant 48 : i32
        %mul3A_201 = arith.muli %add3A_102, %mul3A_200 : i32
        %add3A_202 = arith.addi %mul3A_2, %mul3A_201 : i32
        %dma_wait3A_203 = tpu.memref_slice %arg2[%add3A_202] : memref<322560xi32, #tpu.memory_space<hbm>> -> memref<48xi32, #tpu.memory_space<hbm>>
        %dma_wait3A_204 = tpu.memref_slice %arg2[%add3A_202] : memref<322560xi32, #tpu.memory_space<hbm>> -> memref<48xi32, #tpu.memory_space<hbm>>
        tpu.wait_dma2 semaphore(%arg17 : memref<!tpu.dma_semaphore, #tpu.memory_space<semaphore_mem>>) src(%dma_wait3A_204 : memref<48xi32, #tpu.memory_space<hbm>>) dst(%arg6 : memref<48xi32, #tpu.memory_space<vmem>>)
        %get3A_205 = arith.constant 0 : index
        %get3A_206 = tpu.vector_load %arg6[%get3A_205] {strides = array<i32>} : memref<48xi32, #tpu.memory_space<vmem>>, vector<16xi32>,
        %get3A_207 = vector.shape_cast %get3A_206 : vector<16xi32> to vector<16xi32>
        %and3A_208 = arith.constant 127 : i32
        %and3A_209 = vector.broadcast %and3A_208 : i32 to vector<16xi32>
        %and3A_210 = arith.andi %get3A_207, %and3A_209 : vector<16xi32>
        %swap3A_211 = arith.constant 0 : index
        %swap3A_212 = tpu.vector_load %arg9[%swap3A_211] {strides = array<i32>} : memref<48xi32, #tpu.memory_space<vmem>>, vector<16xi32>,
        %swap3A_213 = vector.shape_cast %swap3A_212 : vector<16xi32> to vector<16xi32>
        %swap3A_214 = vector.shape_cast %and3A_210 : vector<16xi32> to vector<16xi32>
        tpu.vector_store %arg9[%swap3A_211], %swap3A_214 {strides = array<i32>} : memref<48xi32, #tpu.memory_space<vmem>>, vector<16xi32>,
        %shift_right_logical3A_215 = arith.constant 7 : i32
        %shift_right_logical3A_216 = vector.broadcast %shift_right_logical3A_215 : i32 to vector<16xi32>
        %shift_right_logical3A_217 = arith.shrui %get3A_207, %shift_right_logical3A_216 : vector<16xi32>
        %swap3A_218 = arith.constant 0 : index
        %swap3A_219 = tpu.vector_load %arg6[%swap3A_218] {strides = array<i32>} : memref<48xi32, #tpu.memory_space<vmem>>, vector<16xi32>,
        %swap3A_220 = vector.shape_cast %swap3A_219 : vector<16xi32> to vector<16xi32>
        %swap3A_221 = vector.shape_cast %shift_right_logical3A_217 : vector<16xi32> to vector<16xi32>
        tpu.vector_store %arg6[%swap3A_218], %swap3A_221 {strides = array<i32>} : memref<48xi32, #tpu.memory_space<vmem>>, vector<16xi32>,
        %get3A_222 = arith.constant 16 : index
        %get3A_223 = tpu.vector_load %arg6[%get3A_222] {strides = array<i32>} : memref<48xi32, #tpu.memory_space<vmem>>, vector<16xi32>,
        %get3A_224 = vector.shape_cast %get3A_223 : vector<16xi32> to vector<16xi32>
        %and3A_225 = arith.constant 127 : i32
        %and3A_226 = vector.broadcast %and3A_225 : i32 to vector<16xi32>
        %and3A_227 = arith.andi %get3A_224, %and3A_226 : vector<16xi32>
        %swap3A_228 = arith.constant 16 : index
        %swap3A_229 = tpu.vector_load %arg9[%swap3A_228] {strides = array<i32>} : memref<48xi32, #tpu.memory_space<vmem>>, vector<16xi32>,
        %swap3A_230 = vector.shape_cast %swap3A_229 : vector<16xi32> to vector<16xi32>
        %swap3A_231 = vector.shape_cast %and3A_227 : vector<16xi32> to vector<16xi32>
        tpu.vector_store %arg9[%swap3A_228], %swap3A_231 {strides = array<i32>} : memref<48xi32, #tpu.memory_space<vmem>>, vector<16xi32>,
        %shift_right_logical3A_232 = arith.constant 7 : i32
        %shift_right_logical3A_233 = vector.broadcast %shift_right_logical3A_232 : i32 to vector<16xi32>
        %shift_right_logical3A_234 = arith.shrui %get3A_224, %shift_right_logical3A_233 : vector<16xi32>
        %swap3A_235 = arith.constant 16 : index
        %swap3A_236 = tpu.vector_load %arg6[%swap3A_235] {strides = array<i32>} : memref<48xi32, #tpu.memory_space<vmem>>, vector<16xi32>,
        %swap3A_237 = vector.shape_cast %swap3A_236 : vector<16xi32> to vector<16xi32>
        %swap3A_238 = vector.shape_cast %shift_right_logical3A_234 : vector<16xi32> to vector<16xi32>
        tpu.vector_store %arg6[%swap3A_235], %swap3A_238 {strides = array<i32>} : memref<48xi32, #tpu.memory_space<vmem>>, vector<16xi32>,
        %get3A_239 = arith.constant 32 : index
        %get3A_240 = tpu.vector_load %arg6[%get3A_239] {strides = array<i32>} : memref<48xi32, #tpu.memory_space<vmem>>, vector<16xi32>,
        %get3A_241 = vector.shape_cast %get3A_240 : vector<16xi32> to vector<16xi32>
        %and3A_242 = arith.constant 127 : i32
        %and3A_243 = vector.broadcast %and3A_242 : i32 to vector<16xi32>
        %and3A_244 = arith.andi %get3A_241, %and3A_243 : vector<16xi32>
        %swap3A_245 = arith.constant 32 : index
        %swap3A_246 = tpu.vector_load %arg9[%swap3A_245] {strides = array<i32>} : memref<48xi32, #tpu.memory_space<vmem>>, vector<16xi32>,
        %swap3A_247 = vector.shape_cast %swap3A_246 : vector<16xi32> to vector<16xi32>
        %swap3A_248 = vector.shape_cast %and3A_244 : vector<16xi32> to vector<16xi32>
        tpu.vector_store %arg9[%swap3A_245], %swap3A_248 {strides = array<i32>} : memref<48xi32, #tpu.memory_space<vmem>>, vector<16xi32>,
        %shift_right_logical3A_249 = arith.constant 7 : i32
        %shift_right_logical3A_250 = vector.broadcast %shift_right_logical3A_249 : i32 to vector<16xi32>
        %shift_right_logical3A_251 = arith.shrui %get3A_241, %shift_right_logical3A_250 : vector<16xi32>
        %swap3A_252 = arith.constant 32 : index
        %swap3A_253 = tpu.vector_load %arg6[%swap3A_252] {strides = array<i32>} : memref<48xi32, #tpu.memory_space<vmem>>, vector<16xi32>,
        %swap3A_254 = vector.shape_cast %swap3A_253 : vector<16xi32> to vector<16xi32>
        %swap3A_255 = vector.shape_cast %shift_right_logical3A_251 : vector<16xi32> to vector<16xi32>
        tpu.vector_store %arg6[%swap3A_252], %swap3A_255 {strides = array<i32>} : memref<48xi32, #tpu.memory_space<vmem>>, vector<16xi32>,
        %dma_start3A_256 = arith.constant 0 : i32
        %dma_start3A_257 = arith.constant 0 : i32
        %dma_start3A_258 = tpu.memref_slice %arg3[%dma_start3A_256, %dma_start3A_257] : memref<128x128xf32, #tpu.memory_space<hbm>> -> memref<128x128xf32, #tpu.memory_space<hbm>>
        tpu.enqueue_indirect_dma source(%dma_start3A_258 : memref<128x128xf32, #tpu.memory_space<hbm>>) target(%arg12 : memref<48x128xf32, #tpu.memory_space<vmem>>) offsets(%arg9 : memref<48xi32, #tpu.memory_space<vmem>>) semaphore(%arg20 : memref<!tpu.dma_semaphore, #tpu.memory_space<semaphore_mem>>)
      } else {
      }
      %dma_wait3A_123 = arith.constant 0 : i32
      %dma_wait3A_124 = arith.constant 0 : i32
      %dma_wait3A_125 = tpu.memref_slice %arg3[%dma_wait3A_123, %dma_wait3A_124] : memref<128x128xf32, #tpu.memory_space<hbm>> -> memref<128x128xf32, #tpu.memory_space<hbm>>
      tpu.wait_indirect_dma semaphore(%arg19 : memref<!tpu.dma_semaphore, #tpu.memory_space<semaphore_mem>>) src(%dma_wait3A_125 : memref<128x128xf32, #tpu.memory_space<hbm>>) dst(%arg11 : memref<48x128xf32, #tpu.memory_space<vmem>>)
      %dma_start3A_126 = arith.constant 0 : i32
      %dma_start3A_127 = arith.constant 0 : i32
      %dma_start3A_128 = tpu.memref_slice %arg15[%dma_start3A_126, %dma_start3A_127] : memref<80x128xf32, #tpu.memory_space<vmem_shared>> -> memref<80x128xf32, #tpu.memory_space<vmem_shared>>
      tpu.enqueue_indirect_dma source(%arg11 : memref<48x128xf32, #tpu.memory_space<vmem>>) target(%dma_start3A_128 : memref<80x128xf32, #tpu.memory_space<vmem_shared>>) offsets(%arg5 : memref<48xi32, #tpu.memory_space<vmem>>) semaphore(%arg22 : memref<!tpu.dma_semaphore, #tpu.memory_space<semaphore_mem>>) {add = true}
      %mul3A_129 = arith.constant 3 : i32
      %mul3A_130 = arith.muli %scan3A_93, %mul3A_129 : i32
      %add3A_131 = arith.constant 1 : i32
      %add3A_132 = arith.addi %mul3A_130, %add3A_131 : i32
      %add3A_133 = arith.constant 2 : i32
      %add3A_134 = arith.addi %add3A_132, %add3A_133 : i32
      %add3A_135 = arith.constant 1 : i32
      %add3A_136 = arith.addi %add3A_132, %add3A_135 : i32
      %lt3A_137 = arith.constant 210 : i32
      %lt3A_138 = arith.cmpi slt, %add3A_134, %lt3A_137 : i32
      %ge3A_139 = arith.constant 3 : i32
      %ge3A_140 = arith.cmpi sge, %add3A_134, %ge3A_139 : i32
      %and3A_141 = arith.andi %lt3A_138, %ge3A_140 : i1
      %convert_element_type3A_142 = arith.extui %and3A_141 : i1 to i32
      %cond3A_143 = arith.constant 0 : i32
      %cond3A_144 = arith.cmpi ne, %convert_element_type3A_142, %cond3A_143 : i32
      scf.if %cond3A_144 {
        %sub3A = arith.constant 3 : i32
        %sub3A_200 = arith.subi %add3A_134, %sub3A : i32
        %dma_wait3A_201 = arith.constant 0 : i32
        %dma_wait3A_202 = arith.constant 0 : i32
        %dma_wait3A_203 = tpu.memref_slice %arg15[%dma_wait3A_201, %dma_wait3A_202] : memref<80x128xf32, #tpu.memory_space<vmem_shared>> -> memref<80x128xf32, #tpu.memory_space<vmem_shared>>
        tpu.wait_indirect_dma semaphore(%arg22 : memref<!tpu.dma_semaphore, #tpu.memory_space<semaphore_mem>>) src(%arg11 : memref<48x128xf32, #tpu.memory_space<vmem>>) dst(%dma_wait3A_203 : memref<80x128xf32, #tpu.memory_space<vmem_shared>>)
        %mul3A_204 = arith.constant 48 : i32
        %mul3A_205 = arith.muli %add3A_134, %mul3A_204 : i32
        %add3A_206 = arith.addi %mul3A_2, %mul3A_205 : i32
        %dma_start3A_207 = tpu.memref_slice %arg2[%add3A_206] : memref<322560xi32, #tpu.memory_space<hbm>> -> memref<48xi32, #tpu.memory_space<hbm>>
        %dma_start3A_208 = tpu.memref_slice %arg2[%add3A_206] : memref<322560xi32, #tpu.memory_space<hbm>> -> memref<48xi32, #tpu.memory_space<hbm>>
        tpu.enqueue_dma source(%dma_start3A_208 : memref<48xi32, #tpu.memory_space<hbm>>) target(%arg5 : memref<48xi32, #tpu.memory_space<vmem>>) target_semaphore(%arg16 : memref<!tpu.dma_semaphore, #tpu.memory_space<semaphore_mem>>)
      } else {
      }
      %lt3A_145 = arith.constant 210 : i32
      %lt3A_146 = arith.cmpi slt, %add3A_134, %lt3A_145 : i32
      %lt3A_147 = arith.constant 3 : i32
      %lt3A_148 = arith.cmpi slt, %add3A_134, %lt3A_147 : i32
      %and3A_149 = arith.andi %lt3A_146, %lt3A_148 : i1
      %convert_element_type3A_150 = arith.extui %and3A_149 : i1 to i32
      %cond3A_151 = arith.constant 0 : i32
      %cond3A_152 = arith.cmpi ne, %convert_element_type3A_150, %cond3A_151 : i32
      scf.if %cond3A_152 {
        %mul3A_200 = arith.constant 48 : i32
        %mul3A_201 = arith.muli %add3A_134, %mul3A_200 : i32
        %add3A_202 = arith.addi %mul3A_2, %mul3A_201 : i32
        %dma_start3A_203 = tpu.memref_slice %arg2[%add3A_202] : memref<322560xi32, #tpu.memory_space<hbm>> -> memref<48xi32, #tpu.memory_space<hbm>>
        %dma_start3A_204 = tpu.memref_slice %arg2[%add3A_202] : memref<322560xi32, #tpu.memory_space<hbm>> -> memref<48xi32, #tpu.memory_space<hbm>>
        tpu.enqueue_dma source(%dma_start3A_204 : memref<48xi32, #tpu.memory_space<hbm>>) target(%arg5 : memref<48xi32, #tpu.memory_space<vmem>>) target_semaphore(%arg16 : memref<!tpu.dma_semaphore, #tpu.memory_space<semaphore_mem>>)
      } else {
      }
      %lt3A_153 = arith.constant 210 : i32
      %lt3A_154 = arith.cmpi slt, %add3A_136, %lt3A_153 : i32
      %convert_element_type3A_155 = arith.extui %lt3A_154 : i1 to i32
      %cond3A_156 = arith.constant 0 : i32
      %cond3A_157 = arith.cmpi ne, %convert_element_type3A_155, %cond3A_156 : i32
      scf.if %cond3A_157 {
        %mul3A_200 = arith.constant 48 : i32
        %mul3A_201 = arith.muli %add3A_136, %mul3A_200 : i32
        %add3A_202 = arith.addi %mul3A_2, %mul3A_201 : i32
        %dma_wait3A_203 = tpu.memref_slice %arg2[%add3A_202] : memref<322560xi32, #tpu.memory_space<hbm>> -> memref<48xi32, #tpu.memory_space<hbm>>
        %dma_wait3A_204 = tpu.memref_slice %arg2[%add3A_202] : memref<322560xi32, #tpu.memory_space<hbm>> -> memref<48xi32, #tpu.memory_space<hbm>>
        tpu.wait_dma2 semaphore(%arg18 : memref<!tpu.dma_semaphore, #tpu.memory_space<semaphore_mem>>) src(%dma_wait3A_204 : memref<48xi32, #tpu.memory_space<hbm>>) dst(%arg7 : memref<48xi32, #tpu.memory_space<vmem>>)
        %get3A_205 = arith.constant 0 : index
        %get3A_206 = tpu.vector_load %arg7[%get3A_205] {strides = array<i32>} : memref<48xi32, #tpu.memory_space<vmem>>, vector<16xi32>,
        %get3A_207 = vector.shape_cast %get3A_206 : vector<16xi32> to vector<16xi32>
        %and3A_208 = arith.constant 127 : i32
        %and3A_209 = vector.broadcast %and3A_208 : i32 to vector<16xi32>
        %and3A_210 = arith.andi %get3A_207, %and3A_209 : vector<16xi32>
        %swap3A_211 = arith.constant 0 : index
        %swap3A_212 = tpu.vector_load %arg10[%swap3A_211] {strides = array<i32>} : memref<48xi32, #tpu.memory_space<vmem>>, vector<16xi32>,
        %swap3A_213 = vector.shape_cast %swap3A_212 : vector<16xi32> to vector<16xi32>
        %swap3A_214 = vector.shape_cast %and3A_210 : vector<16xi32> to vector<16xi32>
        tpu.vector_store %arg10[%swap3A_211], %swap3A_214 {strides = array<i32>} : memref<48xi32, #tpu.memory_space<vmem>>, vector<16xi32>,
        %shift_right_logical3A_215 = arith.constant 7 : i32
        %shift_right_logical3A_216 = vector.broadcast %shift_right_logical3A_215 : i32 to vector<16xi32>
        %shift_right_logical3A_217 = arith.shrui %get3A_207, %shift_right_logical3A_216 : vector<16xi32>
        %swap3A_218 = arith.constant 0 : index
        %swap3A_219 = tpu.vector_load %arg7[%swap3A_218] {strides = array<i32>} : memref<48xi32, #tpu.memory_space<vmem>>, vector<16xi32>,
        %swap3A_220 = vector.shape_cast %swap3A_219 : vector<16xi32> to vector<16xi32>
        %swap3A_221 = vector.shape_cast %shift_right_logical3A_217 : vector<16xi32> to vector<16xi32>
        tpu.vector_store %arg7[%swap3A_218], %swap3A_221 {strides = array<i32>} : memref<48xi32, #tpu.memory_space<vmem>>, vector<16xi32>,
        %get3A_222 = arith.constant 16 : index
        %get3A_223 = tpu.vector_load %arg7[%get3A_222] {strides = array<i32>} : memref<48xi32, #tpu.memory_space<vmem>>, vector<16xi32>,
        %get3A_224 = vector.shape_cast %get3A_223 : vector<16xi32> to vector<16xi32>
        %and3A_225 = arith.constant 127 : i32
        %and3A_226 = vector.broadcast %and3A_225 : i32 to vector<16xi32>
        %and3A_227 = arith.andi %get3A_224, %and3A_226 : vector<16xi32>
        %swap3A_228 = arith.constant 16 : index
        %swap3A_229 = tpu.vector_load %arg10[%swap3A_228] {strides = array<i32>} : memref<48xi32, #tpu.memory_space<vmem>>, vector<16xi32>,
        %swap3A_230 = vector.shape_cast %swap3A_229 : vector<16xi32> to vector<16xi32>
        %swap3A_231 = vector.shape_cast %and3A_227 : vector<16xi32> to vector<16xi32>
        tpu.vector_store %arg10[%swap3A_228], %swap3A_231 {strides = array<i32>} : memref<48xi32, #tpu.memory_space<vmem>>, vector<16xi32>,
        %shift_right_logical3A_232 = arith.constant 7 : i32
        %shift_right_logical3A_233 = vector.broadcast %shift_right_logical3A_232 : i32 to vector<16xi32>
        %shift_right_logical3A_234 = arith.shrui %get3A_224, %shift_right_logical3A_233 : vector<16xi32>
        %swap3A_235 = arith.constant 16 : index
        %swap3A_236 = tpu.vector_load %arg7[%swap3A_235] {strides = array<i32>} : memref<48xi32, #tpu.memory_space<vmem>>, vector<16xi32>,
        %swap3A_237 = vector.shape_cast %swap3A_236 : vector<16xi32> to vector<16xi32>
        %swap3A_238 = vector.shape_cast %shift_right_logical3A_234 : vector<16xi32> to vector<16xi32>
        tpu.vector_store %arg7[%swap3A_235], %swap3A_238 {strides = array<i32>} : memref<48xi32, #tpu.memory_space<vmem>>, vector<16xi32>,
        %get3A_239 = arith.constant 32 : index
        %get3A_240 = tpu.vector_load %arg7[%get3A_239] {strides = array<i32>} : memref<48xi32, #tpu.memory_space<vmem>>, vector<16xi32>,
        %get3A_241 = vector.shape_cast %get3A_240 : vector<16xi32> to vector<16xi32>
        %and3A_242 = arith.constant 127 : i32
        %and3A_243 = vector.broadcast %and3A_242 : i32 to vector<16xi32>
        %and3A_244 = arith.andi %get3A_241, %and3A_243 : vector<16xi32>
        %swap3A_245 = arith.constant 32 : index
        %swap3A_246 = tpu.vector_load %arg10[%swap3A_245] {strides = array<i32>} : memref<48xi32, #tpu.memory_space<vmem>>, vector<16xi32>,
        %swap3A_247 = vector.shape_cast %swap3A_246 : vector<16xi32> to vector<16xi32>
        %swap3A_248 = vector.shape_cast %and3A_244 : vector<16xi32> to vector<16xi32>
        tpu.vector_store %arg10[%swap3A_245], %swap3A_248 {strides = array<i32>} : memref<48xi32, #tpu.memory_space<vmem>>, vector<16xi32>,
        %shift_right_logical3A_249 = arith.constant 7 : i32
        %shift_right_logical3A_250 = vector.broadcast %shift_right_logical3A_249 : i32 to vector<16xi32>
        %shift_right_logical3A_251 = arith.shrui %get3A_241, %shift_right_logical3A_250 : vector<16xi32>
        %swap3A_252 = arith.constant 32 : index
        %swap3A_253 = tpu.vector_load %arg7[%swap3A_252] {strides = array<i32>} : memref<48xi32, #tpu.memory_space<vmem>>, vector<16xi32>,
        %swap3A_254 = vector.shape_cast %swap3A_253 : vector<16xi32> to vector<16xi32>
        %swap3A_255 = vector.shape_cast %shift_right_logical3A_251 : vector<16xi32> to vector<16xi32>
        tpu.vector_store %arg7[%swap3A_252], %swap3A_255 {strides = array<i32>} : memref<48xi32, #tpu.memory_space<vmem>>, vector<16xi32>,
        %dma_start3A_256 = arith.constant 0 : i32
        %dma_start3A_257 = arith.constant 0 : i32
        %dma_start3A_258 = tpu.memref_slice %arg3[%dma_start3A_256, %dma_start3A_257] : memref<128x128xf32, #tpu.memory_space<hbm>> -> memref<128x128xf32, #tpu.memory_space<hbm>>
        tpu.enqueue_indirect_dma source(%dma_start3A_258 : memref<128x128xf32, #tpu.memory_space<hbm>>) target(%arg13 : memref<48x128xf32, #tpu.memory_space<vmem>>) offsets(%arg10 : memref<48xi32, #tpu.memory_space<vmem>>) semaphore(%arg21 : memref<!tpu.dma_semaphore, #tpu.memory_space<semaphore_mem>>)
      } else {
      }
      %dma_wait3A_158 = arith.constant 0 : i32
      %dma_wait3A_159 = arith.constant 0 : i32
      %dma_wait3A_160 = tpu.memref_slice %arg3[%dma_wait3A_158, %dma_wait3A_159] : memref<128x128xf32, #tpu.memory_space<hbm>> -> memref<128x128xf32, #tpu.memory_space<hbm>>
      tpu.wait_indirect_dma semaphore(%arg20 : memref<!tpu.dma_semaphore, #tpu.memory_space<semaphore_mem>>) src(%dma_wait3A_160 : memref<128x128xf32, #tpu.memory_space<hbm>>) dst(%arg12 : memref<48x128xf32, #tpu.memory_space<vmem>>)
      %dma_start3A_161 = arith.constant 0 : i32
      %dma_start3A_162 = arith.constant 0 : i32
      %dma_start3A_163 = tpu.memref_slice %arg15[%dma_start3A_161, %dma_start3A_162] : memref<80x128xf32, #tpu.memory_space<vmem_shared>> -> memref<80x128xf32, #tpu.memory_space<vmem_shared>>
      tpu.enqueue_indirect_dma source(%arg12 : memref<48x128xf32, #tpu.memory_space<vmem>>) target(%dma_start3A_163 : memref<80x128xf32, #tpu.memory_space<vmem_shared>>) offsets(%arg6 : memref<48xi32, #tpu.memory_space<vmem>>) semaphore(%arg23 : memref<!tpu.dma_semaphore, #tpu.memory_space<semaphore_mem>>) {add = true}
      %mul3A_164 = arith.constant 3 : i32
      %mul3A_165 = arith.muli %scan3A_93, %mul3A_164 : i32
      %add3A_166 = arith.constant 2 : i32
      %add3A_167 = arith.addi %mul3A_165, %add3A_166 : i32
      %add3A_168 = arith.constant 2 : i32
      %add3A_169 = arith.addi %add3A_167, %add3A_168 : i32
      %add3A_170 = arith.constant 1 : i32
      %add3A_171 = arith.addi %add3A_167, %add3A_170 : i32
      %lt3A_172 = arith.constant 210 : i32
      %lt3A_173 = arith.cmpi slt, %add3A_169, %lt3A_172 : i32
      %ge3A_174 = arith.constant 3 : i32
      %ge3A_175 = arith.cmpi sge, %add3A_169, %ge3A_174 : i32
      %and3A_176 = arith.andi %lt3A_173, %ge3A_175 : i1
      %convert_element_type3A_177 = arith.extui %and3A_176 : i1 to i32
      %cond3A_178 = arith.constant 0 : i32
      %cond3A_179 = arith.cmpi ne, %convert_element_type3A_177, %cond3A_178 : i32
      scf.if %cond3A_179 {
        %sub3A = arith.constant 3 : i32
        %sub3A_200 = arith.subi %add3A_169, %sub3A : i32
        %dma_wait3A_201 = arith.constant 0 : i32
        %dma_wait3A_202 = arith.constant 0 : i32
        %dma_wait3A_203 = tpu.memref_slice %arg15[%dma_wait3A_201, %dma_wait3A_202] : memref<80x128xf32, #tpu.memory_space<vmem_shared>> -> memref<80x128xf32, #tpu.memory_space<vmem_shared>>
        tpu.wait_indirect_dma semaphore(%arg23 : memref<!tpu.dma_semaphore, #tpu.memory_space<semaphore_mem>>) src(%arg12 : memref<48x128xf32, #tpu.memory_space<vmem>>) dst(%dma_wait3A_203 : memref<80x128xf32, #tpu.memory_space<vmem_shared>>)
        %mul3A_204 = arith.constant 48 : i32
        %mul3A_205 = arith.muli %add3A_169, %mul3A_204 : i32
        %add3A_206 = arith.addi %mul3A_2, %mul3A_205 : i32
        %dma_start3A_207 = tpu.memref_slice %arg2[%add3A_206] : memref<322560xi32, #tpu.memory_space<hbm>> -> memref<48xi32, #tpu.memory_space<hbm>>
        %dma_start3A_208 = tpu.memref_slice %arg2[%add3A_206] : memref<322560xi32, #tpu.memory_space<hbm>> -> memref<48xi32, #tpu.memory_space<hbm>>
        tpu.enqueue_dma source(%dma_start3A_208 : memref<48xi32, #tpu.memory_space<hbm>>) target(%arg6 : memref<48xi32, #tpu.memory_space<vmem>>) target_semaphore(%arg17 : memref<!tpu.dma_semaphore, #tpu.memory_space<semaphore_mem>>)
      } else {
      }
      %lt3A_180 = arith.constant 210 : i32
      %lt3A_181 = arith.cmpi slt, %add3A_169, %lt3A_180 : i32
      %lt3A_182 = arith.constant 3 : i32
      %lt3A_183 = arith.cmpi slt, %add3A_169, %lt3A_182 : i32
      %and3A_184 = arith.andi %lt3A_181, %lt3A_183 : i1
      %convert_element_type3A_185 = arith.extui %and3A_184 : i1 to i32
      %cond3A_186 = arith.constant 0 : i32
      %cond3A_187 = arith.cmpi ne, %convert_element_type3A_185, %cond3A_186 : i32
      scf.if %cond3A_187 {
        %mul3A_200 = arith.constant 48 : i32
        %mul3A_201 = arith.muli %add3A_169, %mul3A_200 : i32
        %add3A_202 = arith.addi %mul3A_2, %mul3A_201 : i32
        %dma_start3A_203 = tpu.memref_slice %arg2[%add3A_202] : memref<322560xi32, #tpu.memory_space<hbm>> -> memref<48xi32, #tpu.memory_space<hbm>>
        %dma_start3A_204 = tpu.memref_slice %arg2[%add3A_202] : memref<322560xi32, #tpu.memory_space<hbm>> -> memref<48xi32, #tpu.memory_space<hbm>>
        tpu.enqueue_dma source(%dma_start3A_204 : memref<48xi32, #tpu.memory_space<hbm>>) target(%arg6 : memref<48xi32, #tpu.memory_space<vmem>>) target_semaphore(%arg17 : memref<!tpu.dma_semaphore, #tpu.memory_space<semaphore_mem>>)
      } else {
      }
      %lt3A_188 = arith.constant 210 : i32
      %lt3A_189 = arith.cmpi slt, %add3A_171, %lt3A_188 : i32
      %convert_element_type3A_190 = arith.extui %lt3A_189 : i1 to i32
      %cond3A_191 = arith.constant 0 : i32
      %cond3A_192 = arith.cmpi ne, %convert_element_type3A_190, %cond3A_191 : i32
      scf.if %cond3A_192 {
        %mul3A_200 = arith.constant 48 : i32
        %mul3A_201 = arith.muli %add3A_171, %mul3A_200 : i32
        %add3A_202 = arith.addi %mul3A_2, %mul3A_201 : i32
        %dma_wait3A_203 = tpu.memref_slice %arg2[%add3A_202] : memref<322560xi32, #tpu.memory_space<hbm>> -> memref<48xi32, #tpu.memory_space<hbm>>
        %dma_wait3A_204 = tpu.memref_slice %arg2[%add3A_202] : memref<322560xi32, #tpu.memory_space<hbm>> -> memref<48xi32, #tpu.memory_space<hbm>>
        tpu.wait_dma2 semaphore(%arg16 : memref<!tpu.dma_semaphore, #tpu.memory_space<semaphore_mem>>) src(%dma_wait3A_204 : memref<48xi32, #tpu.memory_space<hbm>>) dst(%arg5 : memref<48xi32, #tpu.memory_space<vmem>>)
        %get3A_205 = arith.constant 0 : index
        %get3A_206 = tpu.vector_load %arg5[%get3A_205] {strides = array<i32>} : memref<48xi32, #tpu.memory_space<vmem>>, vector<16xi32>,
        %get3A_207 = vector.shape_cast %get3A_206 : vector<16xi32> to vector<16xi32>
        %and3A_208 = arith.constant 127 : i32
        %and3A_209 = vector.broadcast %and3A_208 : i32 to vector<16xi32>
        %and3A_210 = arith.andi %get3A_207, %and3A_209 : vector<16xi32>
        %swap3A_211 = arith.constant 0 : index
        %swap3A_212 = tpu.vector_load %arg8[%swap3A_211] {strides = array<i32>} : memref<48xi32, #tpu.memory_space<vmem>>, vector<16xi32>,
        %swap3A_213 = vector.shape_cast %swap3A_212 : vector<16xi32> to vector<16xi32>
        %swap3A_214 = vector.shape_cast %and3A_210 : vector<16xi32> to vector<16xi32>
        tpu.vector_store %arg8[%swap3A_211], %swap3A_214 {strides = array<i32>} : memref<48xi32, #tpu.memory_space<vmem>>, vector<16xi32>,
        %shift_right_logical3A_215 = arith.constant 7 : i32
        %shift_right_logical3A_216 = vector.broadcast %shift_right_logical3A_215 : i32 to vector<16xi32>
        %shift_right_logical3A_217 = arith.shrui %get3A_207, %shift_right_logical3A_216 : vector<16xi32>
        %swap3A_218 = arith.constant 0 : index
        %swap3A_219 = tpu.vector_load %arg5[%swap3A_218] {strides = array<i32>} : memref<48xi32, #tpu.memory_space<vmem>>, vector<16xi32>,
        %swap3A_220 = vector.shape_cast %swap3A_219 : vector<16xi32> to vector<16xi32>
        %swap3A_221 = vector.shape_cast %shift_right_logical3A_217 : vector<16xi32> to vector<16xi32>
        tpu.vector_store %arg5[%swap3A_218], %swap3A_221 {strides = array<i32>} : memref<48xi32, #tpu.memory_space<vmem>>, vector<16xi32>,
        %get3A_222 = arith.constant 16 : index
        %get3A_223 = tpu.vector_load %arg5[%get3A_222] {strides = array<i32>} : memref<48xi32, #tpu.memory_space<vmem>>, vector<16xi32>,
        %get3A_224 = vector.shape_cast %get3A_223 : vector<16xi32> to vector<16xi32>
        %and3A_225 = arith.constant 127 : i32
        %and3A_226 = vector.broadcast %and3A_225 : i32 to vector<16xi32>
        %and3A_227 = arith.andi %get3A_224, %and3A_226 : vector<16xi32>
        %swap3A_228 = arith.constant 16 : index
        %swap3A_229 = tpu.vector_load %arg8[%swap3A_228] {strides = array<i32>} : memref<48xi32, #tpu.memory_space<vmem>>, vector<16xi32>,
        %swap3A_230 = vector.shape_cast %swap3A_229 : vector<16xi32> to vector<16xi32>
        %swap3A_231 = vector.shape_cast %and3A_227 : vector<16xi32> to vector<16xi32>
        tpu.vector_store %arg8[%swap3A_228], %swap3A_231 {strides = array<i32>} : memref<48xi32, #tpu.memory_space<vmem>>, vector<16xi32>,
        %shift_right_logical3A_232 = arith.constant 7 : i32
        %shift_right_logical3A_233 = vector.broadcast %shift_right_logical3A_232 : i32 to vector<16xi32>
        %shift_right_logical3A_234 = arith.shrui %get3A_224, %shift_right_logical3A_233 : vector<16xi32>
        %swap3A_235 = arith.constant 16 : index
        %swap3A_236 = tpu.vector_load %arg5[%swap3A_235] {strides = array<i32>} : memref<48xi32, #tpu.memory_space<vmem>>, vector<16xi32>,
        %swap3A_237 = vector.shape_cast %swap3A_236 : vector<16xi32> to vector<16xi32>
        %swap3A_238 = vector.shape_cast %shift_right_logical3A_234 : vector<16xi32> to vector<16xi32>
        tpu.vector_store %arg5[%swap3A_235], %swap3A_238 {strides = array<i32>} : memref<48xi32, #tpu.memory_space<vmem>>, vector<16xi32>,
        %get3A_239 = arith.constant 32 : index
        %get3A_240 = tpu.vector_load %arg5[%get3A_239] {strides = array<i32>} : memref<48xi32, #tpu.memory_space<vmem>>, vector<16xi32>,
        %get3A_241 = vector.shape_cast %get3A_240 : vector<16xi32> to vector<16xi32>
        %and3A_242 = arith.constant 127 : i32
        %and3A_243 = vector.broadcast %and3A_242 : i32 to vector<16xi32>
        %and3A_244 = arith.andi %get3A_241, %and3A_243 : vector<16xi32>
        %swap3A_245 = arith.constant 32 : index
        %swap3A_246 = tpu.vector_load %arg8[%swap3A_245] {strides = array<i32>} : memref<48xi32, #tpu.memory_space<vmem>>, vector<16xi32>,
        %swap3A_247 = vector.shape_cast %swap3A_246 : vector<16xi32> to vector<16xi32>
        %swap3A_248 = vector.shape_cast %and3A_244 : vector<16xi32> to vector<16xi32>
        tpu.vector_store %arg8[%swap3A_245], %swap3A_248 {strides = array<i32>} : memref<48xi32, #tpu.memory_space<vmem>>, vector<16xi32>,
        %shift_right_logical3A_249 = arith.constant 7 : i32
        %shift_right_logical3A_250 = vector.broadcast %shift_right_logical3A_249 : i32 to vector<16xi32>
        %shift_right_logical3A_251 = arith.shrui %get3A_241, %shift_right_logical3A_250 : vector<16xi32>
        %swap3A_252 = arith.constant 32 : index
        %swap3A_253 = tpu.vector_load %arg5[%swap3A_252] {strides = array<i32>} : memref<48xi32, #tpu.memory_space<vmem>>, vector<16xi32>,
        %swap3A_254 = vector.shape_cast %swap3A_253 : vector<16xi32> to vector<16xi32>
        %swap3A_255 = vector.shape_cast %shift_right_logical3A_251 : vector<16xi32> to vector<16xi32>
        tpu.vector_store %arg5[%swap3A_252], %swap3A_255 {strides = array<i32>} : memref<48xi32, #tpu.memory_space<vmem>>, vector<16xi32>,
        %dma_start3A_256 = arith.constant 0 : i32
        %dma_start3A_257 = arith.constant 0 : i32
        %dma_start3A_258 = tpu.memref_slice %arg3[%dma_start3A_256, %dma_start3A_257] : memref<128x128xf32, #tpu.memory_space<hbm>> -> memref<128x128xf32, #tpu.memory_space<hbm>>
        tpu.enqueue_indirect_dma source(%dma_start3A_258 : memref<128x128xf32, #tpu.memory_space<hbm>>) target(%arg11 : memref<48x128xf32, #tpu.memory_space<vmem>>) offsets(%arg8 : memref<48xi32, #tpu.memory_space<vmem>>) semaphore(%arg19 : memref<!tpu.dma_semaphore, #tpu.memory_space<semaphore_mem>>)
      } else {
      }
      %dma_wait3A_193 = arith.constant 0 : i32
      %dma_wait3A_194 = arith.constant 0 : i32
      %dma_wait3A_195 = tpu.memref_slice %arg3[%dma_wait3A_193, %dma_wait3A_194] : memref<128x128xf32, #tpu.memory_space<hbm>> -> memref<128x128xf32, #tpu.memory_space<hbm>>
      tpu.wait_indirect_dma semaphore(%arg21 : memref<!tpu.dma_semaphore, #tpu.memory_space<semaphore_mem>>) src(%dma_wait3A_195 : memref<128x128xf32, #tpu.memory_space<hbm>>) dst(%arg13 : memref<48x128xf32, #tpu.memory_space<vmem>>)
      %dma_start3A_196 = arith.constant 0 : i32
      %dma_start3A_197 = arith.constant 0 : i32
      %dma_start3A_198 = tpu.memref_slice %arg15[%dma_start3A_196, %dma_start3A_197] : memref<80x128xf32, #tpu.memory_space<vmem_shared>> -> memref<80x128xf32, #tpu.memory_space<vmem_shared>>
      tpu.enqueue_indirect_dma source(%arg13 : memref<48x128xf32, #tpu.memory_space<vmem>>) target(%dma_start3A_198 : memref<80x128xf32, #tpu.memory_space<vmem_shared>>) offsets(%arg7 : memref<48xi32, #tpu.memory_space<vmem>>) semaphore(%arg24 : memref<!tpu.dma_semaphore, #tpu.memory_space<semaphore_mem>>) {add = true}
      %scan3A_199 = arith.constant 0 : i32
      scf.yield %scan3A_199 : i32
    }
    %scan3A_77 = arith.constant 70 : i32
    %dma_wait3A_78 = arith.constant 0 : i32
    %dma_wait3A_79 = arith.constant 0 : i32
    %dma_wait3A_80 = tpu.memref_slice %arg15[%dma_wait3A_78, %dma_wait3A_79] : memref<80x128xf32, #tpu.memory_space<vmem_shared>> -> memref<80x128xf32, #tpu.memory_space<vmem_shared>>
    tpu.wait_indirect_dma semaphore(%arg22 : memref<!tpu.dma_semaphore, #tpu.memory_space<semaphore_mem>>) src(%arg11 : memref<48x128xf32, #tpu.memory_space<vmem>>) dst(%dma_wait3A_80 : memref<80x128xf32, #tpu.memory_space<vmem_shared>>)
    %dma_wait3A_81 = arith.constant 0 : i32
    %dma_wait3A_82 = arith.constant 0 : i32
    %dma_wait3A_83 = tpu.memref_slice %arg15[%dma_wait3A_81, %dma_wait3A_82] : memref<80x128xf32, #tpu.memory_space<vmem_shared>> -> memref<80x128xf32, #tpu.memory_space<vmem_shared>>
    tpu.wait_indirect_dma semaphore(%arg23 : memref<!tpu.dma_semaphore, #tpu.memory_space<semaphore_mem>>) src(%arg12 : memref<48x128xf32, #tpu.memory_space<vmem>>) dst(%dma_wait3A_83 : memref<80x128xf32, #tpu.memory_space<vmem_shared>>)
    %dma_wait3A_84 = arith.constant 0 : i32
    %dma_wait3A_85 = arith.constant 0 : i32
    %dma_wait3A_86 = tpu.memref_slice %arg15[%dma_wait3A_84, %dma_wait3A_85] : memref<80x128xf32, #tpu.memory_space<vmem_shared>> -> memref<80x128xf32, #tpu.memory_space<vmem_shared>>
    tpu.wait_indirect_dma semaphore(%arg24 : memref<!tpu.dma_semaphore, #tpu.memory_space<semaphore_mem>>) src(%arg13 : memref<48x128xf32, #tpu.memory_space<vmem>>) dst(%dma_wait3A_86 : memref<80x128xf32, #tpu.memory_space<vmem_shared>>)
    %barrier3A_87 = arith.constant 0 : index
    tpu.barrier barrier_id(%barrier3A_87)
    %lt3A_88 = arith.constant 10 : i32
    %lt3A_89 = arith.cmpi slt, %arg1, %lt3A_88 : i32
    %convert_element_type3A_90 = arith.extui %lt3A_89 : i1 to i32
    %cond3A_91 = arith.constant 0 : i32
    %cond3A_92 = arith.cmpi ne, %convert_element_type3A_90, %cond3A_91 : i32
    scf.if %cond3A_92 {
      %mul3A_93 = arith.constant 8 : i32
      %mul3A_94 = arith.muli %arg1, %mul3A_93 : i32
      "tpu.region"() ({
        %run_scoped3A = tpu.sem_alloc : memref<!tpu.dma_semaphore, #tpu.memory_space<semaphore_mem>>
        %dma_start3A_97 = arith.constant 0 : i32
        %dma_start3A_98 = tpu.memref_slice %arg15[%mul3A_94, %dma_start3A_97] : memref<80x128xf32, #tpu.memory_space<vmem_shared>> -> memref<8x128xf32, #tpu.memory_space<vmem_shared>>
        %dma_start3A_99 = arith.constant 0 : i32
        %dma_start3A_100 = tpu.memref_slice %arg15[%mul3A_94, %dma_start3A_99] : memref<80x128xf32, #tpu.memory_space<vmem_shared>> -> memref<8x128xf32, #tpu.memory_space<vmem_shared>>
        tpu.enqueue_dma source(%dma_start3A_100 : memref<8x128xf32, #tpu.memory_space<vmem_shared>>) target(%arg14 : memref<8x128xf32, #tpu.memory_space<vmem>>) target_semaphore(%run_scoped3A : memref<!tpu.dma_semaphore, #tpu.memory_space<semaphore_mem>>)
        %dma_wait3A_101 = arith.constant 0 : i32
        %dma_wait3A_102 = tpu.memref_slice %arg15[%mul3A_94, %dma_wait3A_101] : memref<80x128xf32, #tpu.memory_space<vmem_shared>> -> memref<8x128xf32, #tpu.memory_space<vmem_shared>>
        %dma_wait3A_103 = arith.constant 0 : i32
        %dma_wait3A_104 = tpu.memref_slice %arg15[%mul3A_94, %dma_wait3A_103] : memref<80x128xf32, #tpu.memory_space<vmem_shared>> -> memref<8x128xf32, #tpu.memory_space<vmem_shared>>
        tpu.wait_dma2 semaphore(%run_scoped3A : memref<!tpu.dma_semaphore, #tpu.memory_space<semaphore_mem>>) src(%dma_wait3A_104 : memref<8x128xf32, #tpu.memory_space<vmem_shared>>) dst(%arg14 : memref<8x128xf32, #tpu.memory_space<vmem>>)
        tpu.yield
      }) : () -> ()
      %mul3A_95 = arith.constant 8 : i32
      %mul3A_96 = arith.muli %arg1, %mul3A_95 : i32
      "tpu.region"() ({
        %run_scoped3A = tpu.sem_alloc : memref<!tpu.dma_semaphore, #tpu.memory_space<semaphore_mem>>
        %dma_start3A_97 = arith.constant 0 : i32
        %dma_start3A_98 = tpu.memref_slice %arg4[%arg0, %mul3A_96, %dma_start3A_97] : memref<2x80x128xf32, #tpu.memory_space<hbm>> -> memref<1x8x128xf32, #tpu.memory_space<hbm>>
        %dma_start3A_99 = tpu.memref_squeeze %dma_start3A_98 : memref<1x8x128xf32, #tpu.memory_space<hbm>> -> memref<8x128xf32, #tpu.memory_space<hbm>>
        %dma_start3A_100 = arith.constant 0 : i32
        %dma_start3A_101 = tpu.memref_slice %arg4[%arg0, %mul3A_96, %dma_start3A_100] : memref<2x80x128xf32, #tpu.memory_space<hbm>> -> memref<1x8x128xf32, #tpu.memory_space<hbm>>
        %dma_start3A_102 = tpu.memref_squeeze %dma_start3A_101 : memref<1x8x128xf32, #tpu.memory_space<hbm>> -> memref<8x128xf32, #tpu.memory_space<hbm>>
        tpu.enqueue_dma source(%arg14 : memref<8x128xf32, #tpu.memory_space<vmem>>) target(%dma_start3A_102 : memref<8x128xf32, #tpu.memory_space<hbm>>) target_semaphore(%run_scoped3A : memref<!tpu.dma_semaphore, #tpu.memory_space<semaphore_mem>>)
        %dma_wait3A_103 = arith.constant 0 : i32
        %dma_wait3A_104 = tpu.memref_slice %arg4[%arg0, %mul3A_96, %dma_wait3A_103] : memref<2x80x128xf32, #tpu.memory_space<hbm>> -> memref<1x8x128xf32, #tpu.memory_space<hbm>>
        %dma_wait3A_105 = tpu.memref_squeeze %dma_wait3A_104 : memref<1x8x128xf32, #tpu.memory_space<hbm>> -> memref<8x128xf32, #tpu.memory_space<hbm>>
        %dma_wait3A_106 = arith.constant 0 : i32
        %dma_wait3A_107 = tpu.memref_slice %arg4[%arg0, %mul3A_96, %dma_wait3A_106] : memref<2x80x128xf32, #tpu.memory_space<hbm>> -> memref<1x8x128xf32, #tpu.memory_space<hbm>>
        %dma_wait3A_108 = tpu.memref_squeeze %dma_wait3A_107 : memref<1x8x128xf32, #tpu.memory_space<hbm>> -> memref<8x128xf32, #tpu.memory_space<hbm>>
        tpu.wait_dma2 semaphore(%run_scoped3A : memref<!tpu.dma_semaphore, #tpu.memory_space<semaphore_mem>>) src(%arg14 : memref<8x128xf32, #tpu.memory_space<vmem>>) dst(%dma_wait3A_108 : memref<8x128xf32, #tpu.memory_space<hbm>>)
        tpu.yield
      }) : () -> ()
    } else {
    }
    return
  }
}

#map = affine_map<(d0, d1) -> (0)>
#map1 = affine_map<(d0, d1) -> (0, 0)>
#map2 = affine_map<(d0, d1) -> (0, 0, 0)>
module attributes {stable_mosaic.version = 14 : i64} {
  func.func @_msg_body(%arg0: i32, %arg1: i32, %arg2: memref<325632xi32, #tpu.memory_space<hbm>>, %arg3: memref<325632xi32, #tpu.memory_space<hbm>>, %arg4: memref<10240x128xf32, #tpu.memory_space<hbm>>, %arg5: memref<2x10240x128xf32, #tpu.memory_space<hbm>>, %arg6: memref<48xi32, #tpu.memory_space<vmem>>, %arg7: memref<48xi32, #tpu.memory_space<vmem>>, %arg8: memref<48xi32, #tpu.memory_space<vmem>>, %arg9: memref<48xi32, #tpu.memory_space<vmem>>, %arg10: memref<48xi32, #tpu.memory_space<vmem>>, %arg11: memref<48xi32, #tpu.memory_space<vmem>>, %arg12: memref<48xi32, #tpu.memory_space<vmem>>, %arg13: memref<48xi32, #tpu.memory_space<vmem>>, %arg14: memref<48x128xf32, #tpu.memory_space<vmem>>, %arg15: memref<48x128xf32, #tpu.memory_space<vmem>>, %arg16: memref<48x128xf32, #tpu.memory_space<vmem>>, %arg17: memref<48x128xf32, #tpu.memory_space<vmem>>, %arg18: memref<10240x128xf32, #tpu.memory_space<vmem_shared>>, %arg19: memref<!tpu.dma_semaphore, #tpu.memory_space<semaphore_mem>>, %arg20: memref<!tpu.dma_semaphore, #tpu.memory_space<semaphore_mem>>, %arg21: memref<!tpu.dma_semaphore, #tpu.memory_space<semaphore_mem>>, %arg22: memref<!tpu.dma_semaphore, #tpu.memory_space<semaphore_mem>>, %arg23: memref<!tpu.dma_semaphore, #tpu.memory_space<semaphore_mem>>, %arg24: memref<!tpu.dma_semaphore, #tpu.memory_space<semaphore_mem>>, %arg25: memref<!tpu.dma_semaphore, #tpu.memory_space<semaphore_mem>>, %arg26: memref<!tpu.dma_semaphore, #tpu.memory_space<semaphore_mem>>, %arg27: memref<!tpu.dma_semaphore, #tpu.memory_space<semaphore_mem>>, %arg28: memref<!tpu.dma_semaphore, #tpu.memory_space<semaphore_mem>>, %arg29: memref<!tpu.dma_semaphore, #tpu.memory_space<semaphore_mem>>, %arg30: memref<!tpu.dma_semaphore, #tpu.memory_space<semaphore_mem>>) attributes {dimension_semantics = [#tpu.dimension_semantics<core_parallel>, #tpu.dimension_semantics<subcore_parallel>], iteration_bounds = array<i64: 2, 16>, scalar_prefetch = 0 : i64, scratch_operands = 25 : i64, tpu.core_type = #tpu.core_type<sc_vector_subcore>, window_params = [{transform_indices = #map}, {transform_indices = #map}, {transform_indices = #map1}, {transform_indices = #map2}]} {
    %mul3A = arith.constant 16 : i32
    %mul3A_0 = arith.muli %arg0, %mul3A : i32
    %add3A = arith.addi %mul3A_0, %arg1 : i32
    %mul3A_1 = arith.constant 10176 : i32
    %mul3A_2 = arith.muli %add3A, %mul3A_1 : i32
    %scan3A = arith.constant 0 : i32
    %scan3A_3 = arith.constant 0 : i32
    %scan3A_4 = arith.constant 48 : i32
    %scan3A_5 = arith.addi %scan3A_3, %scan3A_4 : i32
    %scan3A_6 = arith.constant 1 : i32
    %scan3A_7 = scf.for %scan3A_166 = %scan3A_3 to %scan3A_5 step %scan3A_6 iter_args(%scan3A_167 = %scan3A) -> (i32)  : i32 {
      %broadcast_in_dim3A = arith.constant 0.000000e+00 : f32
      %broadcast_in_dim3A_168 = vector.broadcast %broadcast_in_dim3A : f32 to vector<16xf32>
      %swap3A = arith.index_cast %scan3A_166 : i32 to index
      %swap3A_169 = arith.constant 0 : index
      %swap3A_170 = tpu.vector_load %arg14[%swap3A, %swap3A_169] {strides = array<i32>} : memref<48x128xf32, #tpu.memory_space<vmem>>, vector<1x16xf32>,
      %swap3A_171 = vector.shape_cast %swap3A_170 : vector<1x16xf32> to vector<16xf32>
      %swap3A_172 = vector.shape_cast %broadcast_in_dim3A_168 : vector<16xf32> to vector<1x16xf32>
      tpu.vector_store %arg14[%swap3A, %swap3A_169], %swap3A_172 {strides = array<i32>} : memref<48x128xf32, #tpu.memory_space<vmem>>, vector<1x16xf32>,
      %broadcast_in_dim3A_173 = arith.constant 0.000000e+00 : f32
      %broadcast_in_dim3A_174 = vector.broadcast %broadcast_in_dim3A_173 : f32 to vector<16xf32>
      %swap3A_175 = arith.index_cast %scan3A_166 : i32 to index
      %swap3A_176 = arith.constant 16 : index
      %swap3A_177 = tpu.vector_load %arg14[%swap3A_175, %swap3A_176] {strides = array<i32>} : memref<48x128xf32, #tpu.memory_space<vmem>>, vector<1x16xf32>,
      %swap3A_178 = vector.shape_cast %swap3A_177 : vector<1x16xf32> to vector<16xf32>
      %swap3A_179 = vector.shape_cast %broadcast_in_dim3A_174 : vector<16xf32> to vector<1x16xf32>
      tpu.vector_store %arg14[%swap3A_175, %swap3A_176], %swap3A_179 {strides = array<i32>} : memref<48x128xf32, #tpu.memory_space<vmem>>, vector<1x16xf32>,
      %broadcast_in_dim3A_180 = arith.constant 0.000000e+00 : f32
      %broadcast_in_dim3A_181 = vector.broadcast %broadcast_in_dim3A_180 : f32 to vector<16xf32>
      %swap3A_182 = arith.index_cast %scan3A_166 : i32 to index
      %swap3A_183 = arith.constant 32 : index
      %swap3A_184 = tpu.vector_load %arg14[%swap3A_182, %swap3A_183] {strides = array<i32>} : memref<48x128xf32, #tpu.memory_space<vmem>>, vector<1x16xf32>,
      %swap3A_185 = vector.shape_cast %swap3A_184 : vector<1x16xf32> to vector<16xf32>
      %swap3A_186 = vector.shape_cast %broadcast_in_dim3A_181 : vector<16xf32> to vector<1x16xf32>
      tpu.vector_store %arg14[%swap3A_182, %swap3A_183], %swap3A_186 {strides = array<i32>} : memref<48x128xf32, #tpu.memory_space<vmem>>, vector<1x16xf32>,
      %broadcast_in_dim3A_187 = arith.constant 0.000000e+00 : f32
      %broadcast_in_dim3A_188 = vector.broadcast %broadcast_in_dim3A_187 : f32 to vector<16xf32>
      %swap3A_189 = arith.index_cast %scan3A_166 : i32 to index
      %swap3A_190 = arith.constant 48 : index
      %swap3A_191 = tpu.vector_load %arg14[%swap3A_189, %swap3A_190] {strides = array<i32>} : memref<48x128xf32, #tpu.memory_space<vmem>>, vector<1x16xf32>,
      %swap3A_192 = vector.shape_cast %swap3A_191 : vector<1x16xf32> to vector<16xf32>
      %swap3A_193 = vector.shape_cast %broadcast_in_dim3A_188 : vector<16xf32> to vector<1x16xf32>
      tpu.vector_store %arg14[%swap3A_189, %swap3A_190], %swap3A_193 {strides = array<i32>} : memref<48x128xf32, #tpu.memory_space<vmem>>, vector<1x16xf32>,
      %broadcast_in_dim3A_194 = arith.constant 0.000000e+00 : f32
      %broadcast_in_dim3A_195 = vector.broadcast %broadcast_in_dim3A_194 : f32 to vector<16xf32>
      %swap3A_196 = arith.index_cast %scan3A_166 : i32 to index
      %swap3A_197 = arith.constant 64 : index
      %swap3A_198 = tpu.vector_load %arg14[%swap3A_196, %swap3A_197] {strides = array<i32>} : memref<48x128xf32, #tpu.memory_space<vmem>>, vector<1x16xf32>,
      %swap3A_199 = vector.shape_cast %swap3A_198 : vector<1x16xf32> to vector<16xf32>
      %swap3A_200 = vector.shape_cast %broadcast_in_dim3A_195 : vector<16xf32> to vector<1x16xf32>
      tpu.vector_store %arg14[%swap3A_196, %swap3A_197], %swap3A_200 {strides = array<i32>} : memref<48x128xf32, #tpu.memory_space<vmem>>, vector<1x16xf32>,
      %broadcast_in_dim3A_201 = arith.constant 0.000000e+00 : f32
      %broadcast_in_dim3A_202 = vector.broadcast %broadcast_in_dim3A_201 : f32 to vector<16xf32>
      %swap3A_203 = arith.index_cast %scan3A_166 : i32 to index
      %swap3A_204 = arith.constant 80 : index
      %swap3A_205 = tpu.vector_load %arg14[%swap3A_203, %swap3A_204] {strides = array<i32>} : memref<48x128xf32, #tpu.memory_space<vmem>>, vector<1x16xf32>,
      %swap3A_206 = vector.shape_cast %swap3A_205 : vector<1x16xf32> to vector<16xf32>
      %swap3A_207 = vector.shape_cast %broadcast_in_dim3A_202 : vector<16xf32> to vector<1x16xf32>
      tpu.vector_store %arg14[%swap3A_203, %swap3A_204], %swap3A_207 {strides = array<i32>} : memref<48x128xf32, #tpu.memory_space<vmem>>, vector<1x16xf32>,
      %broadcast_in_dim3A_208 = arith.constant 0.000000e+00 : f32
      %broadcast_in_dim3A_209 = vector.broadcast %broadcast_in_dim3A_208 : f32 to vector<16xf32>
      %swap3A_210 = arith.index_cast %scan3A_166 : i32 to index
      %swap3A_211 = arith.constant 96 : index
      %swap3A_212 = tpu.vector_load %arg14[%swap3A_210, %swap3A_211] {strides = array<i32>} : memref<48x128xf32, #tpu.memory_space<vmem>>, vector<1x16xf32>,
      %swap3A_213 = vector.shape_cast %swap3A_212 : vector<1x16xf32> to vector<16xf32>
      %swap3A_214 = vector.shape_cast %broadcast_in_dim3A_209 : vector<16xf32> to vector<1x16xf32>
      tpu.vector_store %arg14[%swap3A_210, %swap3A_211], %swap3A_214 {strides = array<i32>} : memref<48x128xf32, #tpu.memory_space<vmem>>, vector<1x16xf32>,
      %broadcast_in_dim3A_215 = arith.constant 0.000000e+00 : f32
      %broadcast_in_dim3A_216 = vector.broadcast %broadcast_in_dim3A_215 : f32 to vector<16xf32>
      %swap3A_217 = arith.index_cast %scan3A_166 : i32 to index
      %swap3A_218 = arith.constant 112 : index
      %swap3A_219 = tpu.vector_load %arg14[%swap3A_217, %swap3A_218] {strides = array<i32>} : memref<48x128xf32, #tpu.memory_space<vmem>>, vector<1x16xf32>,
      %swap3A_220 = vector.shape_cast %swap3A_219 : vector<1x16xf32> to vector<16xf32>
      %swap3A_221 = vector.shape_cast %broadcast_in_dim3A_216 : vector<16xf32> to vector<1x16xf32>
      tpu.vector_store %arg14[%swap3A_217, %swap3A_218], %swap3A_221 {strides = array<i32>} : memref<48x128xf32, #tpu.memory_space<vmem>>, vector<1x16xf32>,
      %scan3A_222 = arith.constant 0 : i32
      scf.yield %scan3A_222 : i32
    }
    %scan3A_8 = arith.constant 48 : i32
    %mul3A_9 = arith.constant 640 : i32
    %mul3A_10 = arith.muli %arg1, %mul3A_9 : i32
    %add3A_11 = arith.constant 0 : i32
    %add3A_12 = arith.addi %mul3A_10, %add3A_11 : i32
    "tpu.region"() ({
      %run_scoped3A = tpu.sem_alloc : memref<!tpu.dma_semaphore, #tpu.memory_space<semaphore_mem>>
      %dma_start3A_166 = arith.constant 0 : i32
      %dma_start3A_167 = tpu.memref_slice %arg18[%add3A_12, %dma_start3A_166] : memref<10240x128xf32, #tpu.memory_space<vmem_shared>> -> memref<48x128xf32, #tpu.memory_space<vmem_shared>>
      %dma_start3A_168 = arith.constant 0 : i32
      %dma_start3A_169 = tpu.memref_slice %arg18[%add3A_12, %dma_start3A_168] : memref<10240x128xf32, #tpu.memory_space<vmem_shared>> -> memref<48x128xf32, #tpu.memory_space<vmem_shared>>
      tpu.enqueue_dma source(%arg14 : memref<48x128xf32, #tpu.memory_space<vmem>>) target(%dma_start3A_169 : memref<48x128xf32, #tpu.memory_space<vmem_shared>>) target_semaphore(%run_scoped3A : memref<!tpu.dma_semaphore, #tpu.memory_space<semaphore_mem>>)
      %dma_wait3A_170 = arith.constant 0 : i32
      %dma_wait3A_171 = tpu.memref_slice %arg18[%add3A_12, %dma_wait3A_170] : memref<10240x128xf32, #tpu.memory_space<vmem_shared>> -> memref<48x128xf32, #tpu.memory_space<vmem_shared>>
      %dma_wait3A_172 = arith.constant 0 : i32
      %dma_wait3A_173 = tpu.memref_slice %arg18[%add3A_12, %dma_wait3A_172] : memref<10240x128xf32, #tpu.memory_space<vmem_shared>> -> memref<48x128xf32, #tpu.memory_space<vmem_shared>>
      tpu.wait_dma2 semaphore(%run_scoped3A : memref<!tpu.dma_semaphore, #tpu.memory_space<semaphore_mem>>) src(%arg14 : memref<48x128xf32, #tpu.memory_space<vmem>>) dst(%dma_wait3A_173 : memref<48x128xf32, #tpu.memory_space<vmem_shared>>)
      tpu.yield
    }) : () -> ()
    %mul3A_13 = arith.constant 640 : i32
    %mul3A_14 = arith.muli %arg1, %mul3A_13 : i32
    %add3A_15 = arith.constant 48 : i32
    %add3A_16 = arith.addi %mul3A_14, %add3A_15 : i32
    "tpu.region"() ({
      %run_scoped3A = tpu.sem_alloc : memref<!tpu.dma_semaphore, #tpu.memory_space<semaphore_mem>>
      %dma_start3A_166 = arith.constant 0 : i32
      %dma_start3A_167 = tpu.memref_slice %arg18[%add3A_16, %dma_start3A_166] : memref<10240x128xf32, #tpu.memory_space<vmem_shared>> -> memref<48x128xf32, #tpu.memory_space<vmem_shared>>
      %dma_start3A_168 = arith.constant 0 : i32
      %dma_start3A_169 = tpu.memref_slice %arg18[%add3A_16, %dma_start3A_168] : memref<10240x128xf32, #tpu.memory_space<vmem_shared>> -> memref<48x128xf32, #tpu.memory_space<vmem_shared>>
      tpu.enqueue_dma source(%arg14 : memref<48x128xf32, #tpu.memory_space<vmem>>) target(%dma_start3A_169 : memref<48x128xf32, #tpu.memory_space<vmem_shared>>) target_semaphore(%run_scoped3A : memref<!tpu.dma_semaphore, #tpu.memory_space<semaphore_mem>>)
      %dma_wait3A_170 = arith.constant 0 : i32
      %dma_wait3A_171 = tpu.memref_slice %arg18[%add3A_16, %dma_wait3A_170] : memref<10240x128xf32, #tpu.memory_space<vmem_shared>> -> memref<48x128xf32, #tpu.memory_space<vmem_shared>>
      %dma_wait3A_172 = arith.constant 0 : i32
      %dma_wait3A_173 = tpu.memref_slice %arg18[%add3A_16, %dma_wait3A_172] : memref<10240x128xf32, #tpu.memory_space<vmem_shared>> -> memref<48x128xf32, #tpu.memory_space<vmem_shared>>
      tpu.wait_dma2 semaphore(%run_scoped3A : memref<!tpu.dma_semaphore, #tpu.memory_space<semaphore_mem>>) src(%arg14 : memref<48x128xf32, #tpu.memory_space<vmem>>) dst(%dma_wait3A_173 : memref<48x128xf32, #tpu.memory_space<vmem_shared>>)
      tpu.yield
    }) : () -> ()
    %mul3A_17 = arith.constant 640 : i32
    %mul3A_18 = arith.muli %arg1, %mul3A_17 : i32
    %add3A_19 = arith.constant 96 : i32
    %add3A_20 = arith.addi %mul3A_18, %add3A_19 : i32
    "tpu.region"() ({
      %run_scoped3A = tpu.sem_alloc : memref<!tpu.dma_semaphore, #tpu.memory_space<semaphore_mem>>
      %dma_start3A_166 = arith.constant 0 : i32
      %dma_start3A_167 = tpu.memref_slice %arg18[%add3A_20, %dma_start3A_166] : memref<10240x128xf32, #tpu.memory_space<vmem_shared>> -> memref<48x128xf32, #tpu.memory_space<vmem_shared>>
      %dma_start3A_168 = arith.constant 0 : i32
      %dma_start3A_169 = tpu.memref_slice %arg18[%add3A_20, %dma_start3A_168] : memref<10240x128xf32, #tpu.memory_space<vmem_shared>> -> memref<48x128xf32, #tpu.memory_space<vmem_shared>>
      tpu.enqueue_dma source(%arg14 : memref<48x128xf32, #tpu.memory_space<vmem>>) target(%dma_start3A_169 : memref<48x128xf32, #tpu.memory_space<vmem_shared>>) target_semaphore(%run_scoped3A : memref<!tpu.dma_semaphore, #tpu.memory_space<semaphore_mem>>)
      %dma_wait3A_170 = arith.constant 0 : i32
      %dma_wait3A_171 = tpu.memref_slice %arg18[%add3A_20, %dma_wait3A_170] : memref<10240x128xf32, #tpu.memory_space<vmem_shared>> -> memref<48x128xf32, #tpu.memory_space<vmem_shared>>
      %dma_wait3A_172 = arith.constant 0 : i32
      %dma_wait3A_173 = tpu.memref_slice %arg18[%add3A_20, %dma_wait3A_172] : memref<10240x128xf32, #tpu.memory_space<vmem_shared>> -> memref<48x128xf32, #tpu.memory_space<vmem_shared>>
      tpu.wait_dma2 semaphore(%run_scoped3A : memref<!tpu.dma_semaphore, #tpu.memory_space<semaphore_mem>>) src(%arg14 : memref<48x128xf32, #tpu.memory_space<vmem>>) dst(%dma_wait3A_173 : memref<48x128xf32, #tpu.memory_space<vmem_shared>>)
      tpu.yield
    }) : () -> ()
    %mul3A_21 = arith.constant 640 : i32
    %mul3A_22 = arith.muli %arg1, %mul3A_21 : i32
    %add3A_23 = arith.constant 144 : i32
    %add3A_24 = arith.addi %mul3A_22, %add3A_23 : i32
    "tpu.region"() ({
      %run_scoped3A = tpu.sem_alloc : memref<!tpu.dma_semaphore, #tpu.memory_space<semaphore_mem>>
      %dma_start3A_166 = arith.constant 0 : i32
      %dma_start3A_167 = tpu.memref_slice %arg18[%add3A_24, %dma_start3A_166] : memref<10240x128xf32, #tpu.memory_space<vmem_shared>> -> memref<48x128xf32, #tpu.memory_space<vmem_shared>>
      %dma_start3A_168 = arith.constant 0 : i32
      %dma_start3A_169 = tpu.memref_slice %arg18[%add3A_24, %dma_start3A_168] : memref<10240x128xf32, #tpu.memory_space<vmem_shared>> -> memref<48x128xf32, #tpu.memory_space<vmem_shared>>
      tpu.enqueue_dma source(%arg14 : memref<48x128xf32, #tpu.memory_space<vmem>>) target(%dma_start3A_169 : memref<48x128xf32, #tpu.memory_space<vmem_shared>>) target_semaphore(%run_scoped3A : memref<!tpu.dma_semaphore, #tpu.memory_space<semaphore_mem>>)
      %dma_wait3A_170 = arith.constant 0 : i32
      %dma_wait3A_171 = tpu.memref_slice %arg18[%add3A_24, %dma_wait3A_170] : memref<10240x128xf32, #tpu.memory_space<vmem_shared>> -> memref<48x128xf32, #tpu.memory_space<vmem_shared>>
      %dma_wait3A_172 = arith.constant 0 : i32
      %dma_wait3A_173 = tpu.memref_slice %arg18[%add3A_24, %dma_wait3A_172] : memref<10240x128xf32, #tpu.memory_space<vmem_shared>> -> memref<48x128xf32, #tpu.memory_space<vmem_shared>>
      tpu.wait_dma2 semaphore(%run_scoped3A : memref<!tpu.dma_semaphore, #tpu.memory_space<semaphore_mem>>) src(%arg14 : memref<48x128xf32, #tpu.memory_space<vmem>>) dst(%dma_wait3A_173 : memref<48x128xf32, #tpu.memory_space<vmem_shared>>)
      tpu.yield
    }) : () -> ()
    %mul3A_25 = arith.constant 640 : i32
    %mul3A_26 = arith.muli %arg1, %mul3A_25 : i32
    %add3A_27 = arith.constant 192 : i32
    %add3A_28 = arith.addi %mul3A_26, %add3A_27 : i32
    "tpu.region"() ({
      %run_scoped3A = tpu.sem_alloc : memref<!tpu.dma_semaphore, #tpu.memory_space<semaphore_mem>>
      %dma_start3A_166 = arith.constant 0 : i32
      %dma_start3A_167 = tpu.memref_slice %arg18[%add3A_28, %dma_start3A_166] : memref<10240x128xf32, #tpu.memory_space<vmem_shared>> -> memref<48x128xf32, #tpu.memory_space<vmem_shared>>
      %dma_start3A_168 = arith.constant 0 : i32
      %dma_start3A_169 = tpu.memref_slice %arg18[%add3A_28, %dma_start3A_168] : memref<10240x128xf32, #tpu.memory_space<vmem_shared>> -> memref<48x128xf32, #tpu.memory_space<vmem_shared>>
      tpu.enqueue_dma source(%arg14 : memref<48x128xf32, #tpu.memory_space<vmem>>) target(%dma_start3A_169 : memref<48x128xf32, #tpu.memory_space<vmem_shared>>) target_semaphore(%run_scoped3A : memref<!tpu.dma_semaphore, #tpu.memory_space<semaphore_mem>>)
      %dma_wait3A_170 = arith.constant 0 : i32
      %dma_wait3A_171 = tpu.memref_slice %arg18[%add3A_28, %dma_wait3A_170] : memref<10240x128xf32, #tpu.memory_space<vmem_shared>> -> memref<48x128xf32, #tpu.memory_space<vmem_shared>>
      %dma_wait3A_172 = arith.constant 0 : i32
      %dma_wait3A_173 = tpu.memref_slice %arg18[%add3A_28, %dma_wait3A_172] : memref<10240x128xf32, #tpu.memory_space<vmem_shared>> -> memref<48x128xf32, #tpu.memory_space<vmem_shared>>
      tpu.wait_dma2 semaphore(%run_scoped3A : memref<!tpu.dma_semaphore, #tpu.memory_space<semaphore_mem>>) src(%arg14 : memref<48x128xf32, #tpu.memory_space<vmem>>) dst(%dma_wait3A_173 : memref<48x128xf32, #tpu.memory_space<vmem_shared>>)
      tpu.yield
    }) : () -> ()
    %mul3A_29 = arith.constant 640 : i32
    %mul3A_30 = arith.muli %arg1, %mul3A_29 : i32
    %add3A_31 = arith.constant 240 : i32
    %add3A_32 = arith.addi %mul3A_30, %add3A_31 : i32
    "tpu.region"() ({
      %run_scoped3A = tpu.sem_alloc : memref<!tpu.dma_semaphore, #tpu.memory_space<semaphore_mem>>
      %dma_start3A_166 = arith.constant 0 : i32
      %dma_start3A_167 = tpu.memref_slice %arg18[%add3A_32, %dma_start3A_166] : memref<10240x128xf32, #tpu.memory_space<vmem_shared>> -> memref<48x128xf32, #tpu.memory_space<vmem_shared>>
      %dma_start3A_168 = arith.constant 0 : i32
      %dma_start3A_169 = tpu.memref_slice %arg18[%add3A_32, %dma_start3A_168] : memref<10240x128xf32, #tpu.memory_space<vmem_shared>> -> memref<48x128xf32, #tpu.memory_space<vmem_shared>>
      tpu.enqueue_dma source(%arg14 : memref<48x128xf32, #tpu.memory_space<vmem>>) target(%dma_start3A_169 : memref<48x128xf32, #tpu.memory_space<vmem_shared>>) target_semaphore(%run_scoped3A : memref<!tpu.dma_semaphore, #tpu.memory_space<semaphore_mem>>)
      %dma_wait3A_170 = arith.constant 0 : i32
      %dma_wait3A_171 = tpu.memref_slice %arg18[%add3A_32, %dma_wait3A_170] : memref<10240x128xf32, #tpu.memory_space<vmem_shared>> -> memref<48x128xf32, #tpu.memory_space<vmem_shared>>
      %dma_wait3A_172 = arith.constant 0 : i32
      %dma_wait3A_173 = tpu.memref_slice %arg18[%add3A_32, %dma_wait3A_172] : memref<10240x128xf32, #tpu.memory_space<vmem_shared>> -> memref<48x128xf32, #tpu.memory_space<vmem_shared>>
      tpu.wait_dma2 semaphore(%run_scoped3A : memref<!tpu.dma_semaphore, #tpu.memory_space<semaphore_mem>>) src(%arg14 : memref<48x128xf32, #tpu.memory_space<vmem>>) dst(%dma_wait3A_173 : memref<48x128xf32, #tpu.memory_space<vmem_shared>>)
      tpu.yield
    }) : () -> ()
    %mul3A_33 = arith.constant 640 : i32
    %mul3A_34 = arith.muli %arg1, %mul3A_33 : i32
    %add3A_35 = arith.constant 288 : i32
    %add3A_36 = arith.addi %mul3A_34, %add3A_35 : i32
    "tpu.region"() ({
      %run_scoped3A = tpu.sem_alloc : memref<!tpu.dma_semaphore, #tpu.memory_space<semaphore_mem>>
      %dma_start3A_166 = arith.constant 0 : i32
      %dma_start3A_167 = tpu.memref_slice %arg18[%add3A_36, %dma_start3A_166] : memref<10240x128xf32, #tpu.memory_space<vmem_shared>> -> memref<48x128xf32, #tpu.memory_space<vmem_shared>>
      %dma_start3A_168 = arith.constant 0 : i32
      %dma_start3A_169 = tpu.memref_slice %arg18[%add3A_36, %dma_start3A_168] : memref<10240x128xf32, #tpu.memory_space<vmem_shared>> -> memref<48x128xf32, #tpu.memory_space<vmem_shared>>
      tpu.enqueue_dma source(%arg14 : memref<48x128xf32, #tpu.memory_space<vmem>>) target(%dma_start3A_169 : memref<48x128xf32, #tpu.memory_space<vmem_shared>>) target_semaphore(%run_scoped3A : memref<!tpu.dma_semaphore, #tpu.memory_space<semaphore_mem>>)
      %dma_wait3A_170 = arith.constant 0 : i32
      %dma_wait3A_171 = tpu.memref_slice %arg18[%add3A_36, %dma_wait3A_170] : memref<10240x128xf32, #tpu.memory_space<vmem_shared>> -> memref<48x128xf32, #tpu.memory_space<vmem_shared>>
      %dma_wait3A_172 = arith.constant 0 : i32
      %dma_wait3A_173 = tpu.memref_slice %arg18[%add3A_36, %dma_wait3A_172] : memref<10240x128xf32, #tpu.memory_space<vmem_shared>> -> memref<48x128xf32, #tpu.memory_space<vmem_shared>>
      tpu.wait_dma2 semaphore(%run_scoped3A : memref<!tpu.dma_semaphore, #tpu.memory_space<semaphore_mem>>) src(%arg14 : memref<48x128xf32, #tpu.memory_space<vmem>>) dst(%dma_wait3A_173 : memref<48x128xf32, #tpu.memory_space<vmem_shared>>)
      tpu.yield
    }) : () -> ()
    %mul3A_37 = arith.constant 640 : i32
    %mul3A_38 = arith.muli %arg1, %mul3A_37 : i32
    %add3A_39 = arith.constant 336 : i32
    %add3A_40 = arith.addi %mul3A_38, %add3A_39 : i32
    "tpu.region"() ({
      %run_scoped3A = tpu.sem_alloc : memref<!tpu.dma_semaphore, #tpu.memory_space<semaphore_mem>>
      %dma_start3A_166 = arith.constant 0 : i32
      %dma_start3A_167 = tpu.memref_slice %arg18[%add3A_40, %dma_start3A_166] : memref<10240x128xf32, #tpu.memory_space<vmem_shared>> -> memref<48x128xf32, #tpu.memory_space<vmem_shared>>
      %dma_start3A_168 = arith.constant 0 : i32
      %dma_start3A_169 = tpu.memref_slice %arg18[%add3A_40, %dma_start3A_168] : memref<10240x128xf32, #tpu.memory_space<vmem_shared>> -> memref<48x128xf32, #tpu.memory_space<vmem_shared>>
      tpu.enqueue_dma source(%arg14 : memref<48x128xf32, #tpu.memory_space<vmem>>) target(%dma_start3A_169 : memref<48x128xf32, #tpu.memory_space<vmem_shared>>) target_semaphore(%run_scoped3A : memref<!tpu.dma_semaphore, #tpu.memory_space<semaphore_mem>>)
      %dma_wait3A_170 = arith.constant 0 : i32
      %dma_wait3A_171 = tpu.memref_slice %arg18[%add3A_40, %dma_wait3A_170] : memref<10240x128xf32, #tpu.memory_space<vmem_shared>> -> memref<48x128xf32, #tpu.memory_space<vmem_shared>>
      %dma_wait3A_172 = arith.constant 0 : i32
      %dma_wait3A_173 = tpu.memref_slice %arg18[%add3A_40, %dma_wait3A_172] : memref<10240x128xf32, #tpu.memory_space<vmem_shared>> -> memref<48x128xf32, #tpu.memory_space<vmem_shared>>
      tpu.wait_dma2 semaphore(%run_scoped3A : memref<!tpu.dma_semaphore, #tpu.memory_space<semaphore_mem>>) src(%arg14 : memref<48x128xf32, #tpu.memory_space<vmem>>) dst(%dma_wait3A_173 : memref<48x128xf32, #tpu.memory_space<vmem_shared>>)
      tpu.yield
    }) : () -> ()
    %mul3A_41 = arith.constant 640 : i32
    %mul3A_42 = arith.muli %arg1, %mul3A_41 : i32
    %add3A_43 = arith.constant 384 : i32
    %add3A_44 = arith.addi %mul3A_42, %add3A_43 : i32
    "tpu.region"() ({
      %run_scoped3A = tpu.sem_alloc : memref<!tpu.dma_semaphore, #tpu.memory_space<semaphore_mem>>
      %dma_start3A_166 = arith.constant 0 : i32
      %dma_start3A_167 = tpu.memref_slice %arg18[%add3A_44, %dma_start3A_166] : memref<10240x128xf32, #tpu.memory_space<vmem_shared>> -> memref<48x128xf32, #tpu.memory_space<vmem_shared>>
      %dma_start3A_168 = arith.constant 0 : i32
      %dma_start3A_169 = tpu.memref_slice %arg18[%add3A_44, %dma_start3A_168] : memref<10240x128xf32, #tpu.memory_space<vmem_shared>> -> memref<48x128xf32, #tpu.memory_space<vmem_shared>>
      tpu.enqueue_dma source(%arg14 : memref<48x128xf32, #tpu.memory_space<vmem>>) target(%dma_start3A_169 : memref<48x128xf32, #tpu.memory_space<vmem_shared>>) target_semaphore(%run_scoped3A : memref<!tpu.dma_semaphore, #tpu.memory_space<semaphore_mem>>)
      %dma_wait3A_170 = arith.constant 0 : i32
      %dma_wait3A_171 = tpu.memref_slice %arg18[%add3A_44, %dma_wait3A_170] : memref<10240x128xf32, #tpu.memory_space<vmem_shared>> -> memref<48x128xf32, #tpu.memory_space<vmem_shared>>
      %dma_wait3A_172 = arith.constant 0 : i32
      %dma_wait3A_173 = tpu.memref_slice %arg18[%add3A_44, %dma_wait3A_172] : memref<10240x128xf32, #tpu.memory_space<vmem_shared>> -> memref<48x128xf32, #tpu.memory_space<vmem_shared>>
      tpu.wait_dma2 semaphore(%run_scoped3A : memref<!tpu.dma_semaphore, #tpu.memory_space<semaphore_mem>>) src(%arg14 : memref<48x128xf32, #tpu.memory_space<vmem>>) dst(%dma_wait3A_173 : memref<48x128xf32, #tpu.memory_space<vmem_shared>>)
      tpu.yield
    }) : () -> ()
    %mul3A_45 = arith.constant 640 : i32
    %mul3A_46 = arith.muli %arg1, %mul3A_45 : i32
    %add3A_47 = arith.constant 432 : i32
    %add3A_48 = arith.addi %mul3A_46, %add3A_47 : i32
    "tpu.region"() ({
      %run_scoped3A = tpu.sem_alloc : memref<!tpu.dma_semaphore, #tpu.memory_space<semaphore_mem>>
      %dma_start3A_166 = arith.constant 0 : i32
      %dma_start3A_167 = tpu.memref_slice %arg18[%add3A_48, %dma_start3A_166] : memref<10240x128xf32, #tpu.memory_space<vmem_shared>> -> memref<48x128xf32, #tpu.memory_space<vmem_shared>>
      %dma_start3A_168 = arith.constant 0 : i32
      %dma_start3A_169 = tpu.memref_slice %arg18[%add3A_48, %dma_start3A_168] : memref<10240x128xf32, #tpu.memory_space<vmem_shared>> -> memref<48x128xf32, #tpu.memory_space<vmem_shared>>
      tpu.enqueue_dma source(%arg14 : memref<48x128xf32, #tpu.memory_space<vmem>>) target(%dma_start3A_169 : memref<48x128xf32, #tpu.memory_space<vmem_shared>>) target_semaphore(%run_scoped3A : memref<!tpu.dma_semaphore, #tpu.memory_space<semaphore_mem>>)
      %dma_wait3A_170 = arith.constant 0 : i32
      %dma_wait3A_171 = tpu.memref_slice %arg18[%add3A_48, %dma_wait3A_170] : memref<10240x128xf32, #tpu.memory_space<vmem_shared>> -> memref<48x128xf32, #tpu.memory_space<vmem_shared>>
      %dma_wait3A_172 = arith.constant 0 : i32
      %dma_wait3A_173 = tpu.memref_slice %arg18[%add3A_48, %dma_wait3A_172] : memref<10240x128xf32, #tpu.memory_space<vmem_shared>> -> memref<48x128xf32, #tpu.memory_space<vmem_shared>>
      tpu.wait_dma2 semaphore(%run_scoped3A : memref<!tpu.dma_semaphore, #tpu.memory_space<semaphore_mem>>) src(%arg14 : memref<48x128xf32, #tpu.memory_space<vmem>>) dst(%dma_wait3A_173 : memref<48x128xf32, #tpu.memory_space<vmem_shared>>)
      tpu.yield
    }) : () -> ()
    %mul3A_49 = arith.constant 640 : i32
    %mul3A_50 = arith.muli %arg1, %mul3A_49 : i32
    %add3A_51 = arith.constant 480 : i32
    %add3A_52 = arith.addi %mul3A_50, %add3A_51 : i32
    "tpu.region"() ({
      %run_scoped3A = tpu.sem_alloc : memref<!tpu.dma_semaphore, #tpu.memory_space<semaphore_mem>>
      %dma_start3A_166 = arith.constant 0 : i32
      %dma_start3A_167 = tpu.memref_slice %arg18[%add3A_52, %dma_start3A_166] : memref<10240x128xf32, #tpu.memory_space<vmem_shared>> -> memref<48x128xf32, #tpu.memory_space<vmem_shared>>
      %dma_start3A_168 = arith.constant 0 : i32
      %dma_start3A_169 = tpu.memref_slice %arg18[%add3A_52, %dma_start3A_168] : memref<10240x128xf32, #tpu.memory_space<vmem_shared>> -> memref<48x128xf32, #tpu.memory_space<vmem_shared>>
      tpu.enqueue_dma source(%arg14 : memref<48x128xf32, #tpu.memory_space<vmem>>) target(%dma_start3A_169 : memref<48x128xf32, #tpu.memory_space<vmem_shared>>) target_semaphore(%run_scoped3A : memref<!tpu.dma_semaphore, #tpu.memory_space<semaphore_mem>>)
      %dma_wait3A_170 = arith.constant 0 : i32
      %dma_wait3A_171 = tpu.memref_slice %arg18[%add3A_52, %dma_wait3A_170] : memref<10240x128xf32, #tpu.memory_space<vmem_shared>> -> memref<48x128xf32, #tpu.memory_space<vmem_shared>>
      %dma_wait3A_172 = arith.constant 0 : i32
      %dma_wait3A_173 = tpu.memref_slice %arg18[%add3A_52, %dma_wait3A_172] : memref<10240x128xf32, #tpu.memory_space<vmem_shared>> -> memref<48x128xf32, #tpu.memory_space<vmem_shared>>
      tpu.wait_dma2 semaphore(%run_scoped3A : memref<!tpu.dma_semaphore, #tpu.memory_space<semaphore_mem>>) src(%arg14 : memref<48x128xf32, #tpu.memory_space<vmem>>) dst(%dma_wait3A_173 : memref<48x128xf32, #tpu.memory_space<vmem_shared>>)
      tpu.yield
    }) : () -> ()
    %mul3A_53 = arith.constant 640 : i32
    %mul3A_54 = arith.muli %arg1, %mul3A_53 : i32
    %add3A_55 = arith.constant 528 : i32
    %add3A_56 = arith.addi %mul3A_54, %add3A_55 : i32
    "tpu.region"() ({
      %run_scoped3A = tpu.sem_alloc : memref<!tpu.dma_semaphore, #tpu.memory_space<semaphore_mem>>
      %dma_start3A_166 = arith.constant 0 : i32
      %dma_start3A_167 = tpu.memref_slice %arg18[%add3A_56, %dma_start3A_166] : memref<10240x128xf32, #tpu.memory_space<vmem_shared>> -> memref<48x128xf32, #tpu.memory_space<vmem_shared>>
      %dma_start3A_168 = arith.constant 0 : i32
      %dma_start3A_169 = tpu.memref_slice %arg18[%add3A_56, %dma_start3A_168] : memref<10240x128xf32, #tpu.memory_space<vmem_shared>> -> memref<48x128xf32, #tpu.memory_space<vmem_shared>>
      tpu.enqueue_dma source(%arg14 : memref<48x128xf32, #tpu.memory_space<vmem>>) target(%dma_start3A_169 : memref<48x128xf32, #tpu.memory_space<vmem_shared>>) target_semaphore(%run_scoped3A : memref<!tpu.dma_semaphore, #tpu.memory_space<semaphore_mem>>)
      %dma_wait3A_170 = arith.constant 0 : i32
      %dma_wait3A_171 = tpu.memref_slice %arg18[%add3A_56, %dma_wait3A_170] : memref<10240x128xf32, #tpu.memory_space<vmem_shared>> -> memref<48x128xf32, #tpu.memory_space<vmem_shared>>
      %dma_wait3A_172 = arith.constant 0 : i32
      %dma_wait3A_173 = tpu.memref_slice %arg18[%add3A_56, %dma_wait3A_172] : memref<10240x128xf32, #tpu.memory_space<vmem_shared>> -> memref<48x128xf32, #tpu.memory_space<vmem_shared>>
      tpu.wait_dma2 semaphore(%run_scoped3A : memref<!tpu.dma_semaphore, #tpu.memory_space<semaphore_mem>>) src(%arg14 : memref<48x128xf32, #tpu.memory_space<vmem>>) dst(%dma_wait3A_173 : memref<48x128xf32, #tpu.memory_space<vmem_shared>>)
      tpu.yield
    }) : () -> ()
    %mul3A_57 = arith.constant 640 : i32
    %mul3A_58 = arith.muli %arg1, %mul3A_57 : i32
    %add3A_59 = arith.constant 576 : i32
    %add3A_60 = arith.addi %mul3A_58, %add3A_59 : i32
    "tpu.region"() ({
      %run_scoped3A = tpu.sem_alloc : memref<!tpu.dma_semaphore, #tpu.memory_space<semaphore_mem>>
      %dma_start3A_166 = arith.constant 0 : i32
      %dma_start3A_167 = tpu.memref_slice %arg18[%add3A_60, %dma_start3A_166] : memref<10240x128xf32, #tpu.memory_space<vmem_shared>> -> memref<48x128xf32, #tpu.memory_space<vmem_shared>>
      %dma_start3A_168 = arith.constant 0 : i32
      %dma_start3A_169 = tpu.memref_slice %arg18[%add3A_60, %dma_start3A_168] : memref<10240x128xf32, #tpu.memory_space<vmem_shared>> -> memref<48x128xf32, #tpu.memory_space<vmem_shared>>
      tpu.enqueue_dma source(%arg14 : memref<48x128xf32, #tpu.memory_space<vmem>>) target(%dma_start3A_169 : memref<48x128xf32, #tpu.memory_space<vmem_shared>>) target_semaphore(%run_scoped3A : memref<!tpu.dma_semaphore, #tpu.memory_space<semaphore_mem>>)
      %dma_wait3A_170 = arith.constant 0 : i32
      %dma_wait3A_171 = tpu.memref_slice %arg18[%add3A_60, %dma_wait3A_170] : memref<10240x128xf32, #tpu.memory_space<vmem_shared>> -> memref<48x128xf32, #tpu.memory_space<vmem_shared>>
      %dma_wait3A_172 = arith.constant 0 : i32
      %dma_wait3A_173 = tpu.memref_slice %arg18[%add3A_60, %dma_wait3A_172] : memref<10240x128xf32, #tpu.memory_space<vmem_shared>> -> memref<48x128xf32, #tpu.memory_space<vmem_shared>>
      tpu.wait_dma2 semaphore(%run_scoped3A : memref<!tpu.dma_semaphore, #tpu.memory_space<semaphore_mem>>) src(%arg14 : memref<48x128xf32, #tpu.memory_space<vmem>>) dst(%dma_wait3A_173 : memref<48x128xf32, #tpu.memory_space<vmem_shared>>)
      tpu.yield
    }) : () -> ()
    %mul3A_61 = arith.constant 640 : i32
    %mul3A_62 = arith.muli %arg1, %mul3A_61 : i32
    %add3A_63 = arith.constant 624 : i32
    %add3A_64 = arith.addi %mul3A_62, %add3A_63 : i32
    "tpu.region"() ({
      %run_scoped3A = tpu.sem_alloc : memref<!tpu.dma_semaphore, #tpu.memory_space<semaphore_mem>>
      %dma_start3A_166 = arith.constant 0 : i32
      %dma_start3A_167 = arith.constant 0 : i32
      %dma_start3A_168 = tpu.memref_slice %arg14[%dma_start3A_166, %dma_start3A_167] : memref<48x128xf32, #tpu.memory_space<vmem>> -> memref<16x128xf32, #tpu.memory_space<vmem>>
      %dma_start3A_169 = arith.constant 0 : i32
      %dma_start3A_170 = tpu.memref_slice %arg18[%add3A_64, %dma_start3A_169] : memref<10240x128xf32, #tpu.memory_space<vmem_shared>> -> memref<16x128xf32, #tpu.memory_space<vmem_shared>>
      %dma_start3A_171 = arith.constant 0 : i32
      %dma_start3A_172 = tpu.memref_slice %arg18[%add3A_64, %dma_start3A_171] : memref<10240x128xf32, #tpu.memory_space<vmem_shared>> -> memref<16x128xf32, #tpu.memory_space<vmem_shared>>
      %dma_start3A_173 = arith.constant 0 : i32
      %dma_start3A_174 = arith.constant 0 : i32
      %dma_start3A_175 = tpu.memref_slice %arg14[%dma_start3A_173, %dma_start3A_174] : memref<48x128xf32, #tpu.memory_space<vmem>> -> memref<16x128xf32, #tpu.memory_space<vmem>>
      tpu.enqueue_dma source(%dma_start3A_175 : memref<16x128xf32, #tpu.memory_space<vmem>>) target(%dma_start3A_172 : memref<16x128xf32, #tpu.memory_space<vmem_shared>>) target_semaphore(%run_scoped3A : memref<!tpu.dma_semaphore, #tpu.memory_space<semaphore_mem>>)
      %dma_wait3A_176 = arith.constant 0 : i32
      %dma_wait3A_177 = arith.constant 0 : i32
      %dma_wait3A_178 = tpu.memref_slice %arg14[%dma_wait3A_176, %dma_wait3A_177] : memref<48x128xf32, #tpu.memory_space<vmem>> -> memref<16x128xf32, #tpu.memory_space<vmem>>
      %dma_wait3A_179 = arith.constant 0 : i32
      %dma_wait3A_180 = tpu.memref_slice %arg18[%add3A_64, %dma_wait3A_179] : memref<10240x128xf32, #tpu.memory_space<vmem_shared>> -> memref<16x128xf32, #tpu.memory_space<vmem_shared>>
      %dma_wait3A_181 = arith.constant 0 : i32
      %dma_wait3A_182 = tpu.memref_slice %arg18[%add3A_64, %dma_wait3A_181] : memref<10240x128xf32, #tpu.memory_space<vmem_shared>> -> memref<16x128xf32, #tpu.memory_space<vmem_shared>>
      %dma_wait3A_183 = arith.constant 0 : i32
      %dma_wait3A_184 = arith.constant 0 : i32
      %dma_wait3A_185 = tpu.memref_slice %arg14[%dma_wait3A_183, %dma_wait3A_184] : memref<48x128xf32, #tpu.memory_space<vmem>> -> memref<16x128xf32, #tpu.memory_space<vmem>>
      tpu.wait_dma2 semaphore(%run_scoped3A : memref<!tpu.dma_semaphore, #tpu.memory_space<semaphore_mem>>) src(%dma_wait3A_185 : memref<16x128xf32, #tpu.memory_space<vmem>>) dst(%dma_wait3A_182 : memref<16x128xf32, #tpu.memory_space<vmem_shared>>)
      tpu.yield
    }) : () -> ()
    %barrier3A = arith.constant 0 : index
    tpu.barrier barrier_id(%barrier3A)
    %add3A_65 = arith.constant 0 : i32
    %add3A_66 = arith.addi %mul3A_2, %add3A_65 : i32
    %dma_start3A = tpu.memref_slice %arg2[%add3A_66] : memref<325632xi32, #tpu.memory_space<hbm>> -> memref<48xi32, #tpu.memory_space<hbm>>
    %dma_start3A_67 = tpu.memref_slice %arg2[%add3A_66] : memref<325632xi32, #tpu.memory_space<hbm>> -> memref<48xi32, #tpu.memory_space<hbm>>
    tpu.enqueue_dma source(%dma_start3A_67 : memref<48xi32, #tpu.memory_space<hbm>>) target(%arg6 : memref<48xi32, #tpu.memory_space<vmem>>) target_semaphore(%arg19 : memref<!tpu.dma_semaphore, #tpu.memory_space<semaphore_mem>>)
    %add3A_68 = arith.constant 0 : i32
    %add3A_69 = arith.addi %mul3A_2, %add3A_68 : i32
    %dma_start3A_70 = tpu.memref_slice %arg3[%add3A_69] : memref<325632xi32, #tpu.memory_space<hbm>> -> memref<48xi32, #tpu.memory_space<hbm>>
    %dma_start3A_71 = tpu.memref_slice %arg3[%add3A_69] : memref<325632xi32, #tpu.memory_space<hbm>> -> memref<48xi32, #tpu.memory_space<hbm>>
    tpu.enqueue_dma source(%dma_start3A_71 : memref<48xi32, #tpu.memory_space<hbm>>) target(%arg10 : memref<48xi32, #tpu.memory_space<vmem>>) target_semaphore(%arg19 : memref<!tpu.dma_semaphore, #tpu.memory_space<semaphore_mem>>)
    %add3A_72 = arith.constant 48 : i32
    %add3A_73 = arith.addi %mul3A_2, %add3A_72 : i32
    %dma_start3A_74 = tpu.memref_slice %arg2[%add3A_73] : memref<325632xi32, #tpu.memory_space<hbm>> -> memref<48xi32, #tpu.memory_space<hbm>>
    %dma_start3A_75 = tpu.memref_slice %arg2[%add3A_73] : memref<325632xi32, #tpu.memory_space<hbm>> -> memref<48xi32, #tpu.memory_space<hbm>>
    tpu.enqueue_dma source(%dma_start3A_75 : memref<48xi32, #tpu.memory_space<hbm>>) target(%arg7 : memref<48xi32, #tpu.memory_space<vmem>>) target_semaphore(%arg20 : memref<!tpu.dma_semaphore, #tpu.memory_space<semaphore_mem>>)
    %add3A_76 = arith.constant 48 : i32
    %add3A_77 = arith.addi %mul3A_2, %add3A_76 : i32
    %dma_start3A_78 = tpu.memref_slice %arg3[%add3A_77] : memref<325632xi32, #tpu.memory_space<hbm>> -> memref<48xi32, #tpu.memory_space<hbm>>
    %dma_start3A_79 = tpu.memref_slice %arg3[%add3A_77] : memref<325632xi32, #tpu.memory_space<hbm>> -> memref<48xi32, #tpu.memory_space<hbm>>
    tpu.enqueue_dma source(%dma_start3A_79 : memref<48xi32, #tpu.memory_space<hbm>>) target(%arg11 : memref<48xi32, #tpu.memory_space<vmem>>) target_semaphore(%arg20 : memref<!tpu.dma_semaphore, #tpu.memory_space<semaphore_mem>>)
    %add3A_80 = arith.constant 0 : i32
    %add3A_81 = arith.addi %mul3A_2, %add3A_80 : i32
    %dma_wait3A = tpu.memref_slice %arg2[%add3A_81] : memref<325632xi32, #tpu.memory_space<hbm>> -> memref<48xi32, #tpu.memory_space<hbm>>
    %dma_wait3A_82 = tpu.memref_slice %arg2[%add3A_81] : memref<325632xi32, #tpu.memory_space<hbm>> -> memref<48xi32, #tpu.memory_space<hbm>>
    tpu.wait_dma2 semaphore(%arg19 : memref<!tpu.dma_semaphore, #tpu.memory_space<semaphore_mem>>) src(%dma_wait3A_82 : memref<48xi32, #tpu.memory_space<hbm>>) dst(%arg6 : memref<48xi32, #tpu.memory_space<vmem>>)
    %add3A_83 = arith.constant 0 : i32
    %add3A_84 = arith.addi %mul3A_2, %add3A_83 : i32
    %dma_wait3A_85 = tpu.memref_slice %arg3[%add3A_84] : memref<325632xi32, #tpu.memory_space<hbm>> -> memref<48xi32, #tpu.memory_space<hbm>>
    %dma_wait3A_86 = tpu.memref_slice %arg3[%add3A_84] : memref<325632xi32, #tpu.memory_space<hbm>> -> memref<48xi32, #tpu.memory_space<hbm>>
    tpu.wait_dma2 semaphore(%arg19 : memref<!tpu.dma_semaphore, #tpu.memory_space<semaphore_mem>>) src(%dma_wait3A_86 : memref<48xi32, #tpu.memory_space<hbm>>) dst(%arg10 : memref<48xi32, #tpu.memory_space<vmem>>)
    %dma_start3A_87 = arith.constant 0 : i32
    %dma_start3A_88 = arith.constant 0 : i32
    %dma_start3A_89 = tpu.memref_slice %arg4[%dma_start3A_87, %dma_start3A_88] : memref<10240x128xf32, #tpu.memory_space<hbm>> -> memref<10240x128xf32, #tpu.memory_space<hbm>>
    tpu.enqueue_indirect_dma source(%dma_start3A_89 : memref<10240x128xf32, #tpu.memory_space<hbm>>) target(%arg14 : memref<48x128xf32, #tpu.memory_space<vmem>>) offsets(%arg6 : memref<48xi32, #tpu.memory_space<vmem>>) semaphore(%arg23 : memref<!tpu.dma_semaphore, #tpu.memory_space<semaphore_mem>>)
    %scan3A_90 = arith.constant 0 : i32
    %scan3A_91 = arith.constant 0 : i32
    %scan3A_92 = arith.constant 53 : i32
    %scan3A_93 = arith.addi %scan3A_91, %scan3A_92 : i32
    %scan3A_94 = arith.constant 1 : i32
    %scan3A_95 = scf.for %scan3A_166 = %scan3A_91 to %scan3A_93 step %scan3A_94 iter_args(%scan3A_167 = %scan3A_90) -> (i32)  : i32 {
      %mul3A_168 = arith.constant 4 : i32
      %mul3A_169 = arith.muli %scan3A_166, %mul3A_168 : i32
      %add3A_170 = arith.constant 0 : i32
      %add3A_171 = arith.addi %mul3A_169, %add3A_170 : i32
      %add3A_172 = arith.constant 2 : i32
      %add3A_173 = arith.addi %add3A_171, %add3A_172 : i32
      %add3A_174 = arith.constant 1 : i32
      %add3A_175 = arith.addi %add3A_171, %add3A_174 : i32
      %lt3A = arith.constant 212 : i32
      %lt3A_176 = arith.cmpi slt, %add3A_173, %lt3A : i32
      %ge3A = arith.constant 4 : i32
      %ge3A_177 = arith.cmpi sge, %add3A_173, %ge3A : i32
      %and3A = arith.andi %lt3A_176, %ge3A_177 : i1
      %convert_element_type3A = arith.extui %and3A : i1 to i32
      %cond3A = arith.constant 0 : i32
      %cond3A_178 = arith.cmpi ne, %convert_element_type3A, %cond3A : i32
      scf.if %cond3A_178 {
        %sub3A = arith.constant 4 : i32
        %sub3A_304 = arith.subi %add3A_173, %sub3A : i32
        %dma_wait3A_305 = arith.constant 0 : i32
        %dma_wait3A_306 = arith.constant 0 : i32
        %dma_wait3A_307 = tpu.memref_slice %arg18[%dma_wait3A_305, %dma_wait3A_306] : memref<10240x128xf32, #tpu.memory_space<vmem_shared>> -> memref<10240x128xf32, #tpu.memory_space<vmem_shared>>
        tpu.wait_indirect_dma semaphore(%arg29 : memref<!tpu.dma_semaphore, #tpu.memory_space<semaphore_mem>>) src(%arg16 : memref<48x128xf32, #tpu.memory_space<vmem>>) dst(%dma_wait3A_307 : memref<10240x128xf32, #tpu.memory_space<vmem_shared>>)
        %mul3A_308 = arith.constant 48 : i32
        %mul3A_309 = arith.muli %add3A_173, %mul3A_308 : i32
        %add3A_310 = arith.addi %mul3A_2, %mul3A_309 : i32
        %dma_start3A_311 = tpu.memref_slice %arg2[%add3A_310] : memref<325632xi32, #tpu.memory_space<hbm>> -> memref<48xi32, #tpu.memory_space<hbm>>
        %dma_start3A_312 = tpu.memref_slice %arg2[%add3A_310] : memref<325632xi32, #tpu.memory_space<hbm>> -> memref<48xi32, #tpu.memory_space<hbm>>
        tpu.enqueue_dma source(%dma_start3A_312 : memref<48xi32, #tpu.memory_space<hbm>>) target(%arg8 : memref<48xi32, #tpu.memory_space<vmem>>) target_semaphore(%arg21 : memref<!tpu.dma_semaphore, #tpu.memory_space<semaphore_mem>>)
        %mul3A_313 = arith.constant 48 : i32
        %mul3A_314 = arith.muli %add3A_173, %mul3A_313 : i32
        %add3A_315 = arith.addi %mul3A_2, %mul3A_314 : i32
        %dma_start3A_316 = tpu.memref_slice %arg3[%add3A_315] : memref<325632xi32, #tpu.memory_space<hbm>> -> memref<48xi32, #tpu.memory_space<hbm>>
        %dma_start3A_317 = tpu.memref_slice %arg3[%add3A_315] : memref<325632xi32, #tpu.memory_space<hbm>> -> memref<48xi32, #tpu.memory_space<hbm>>
        tpu.enqueue_dma source(%dma_start3A_317 : memref<48xi32, #tpu.memory_space<hbm>>) target(%arg12 : memref<48xi32, #tpu.memory_space<vmem>>) target_semaphore(%arg21 : memref<!tpu.dma_semaphore, #tpu.memory_space<semaphore_mem>>)
      } else {
      }
      %lt3A_179 = arith.constant 212 : i32
      %lt3A_180 = arith.cmpi slt, %add3A_173, %lt3A_179 : i32
      %lt3A_181 = arith.constant 4 : i32
      %lt3A_182 = arith.cmpi slt, %add3A_173, %lt3A_181 : i32
      %and3A_183 = arith.andi %lt3A_180, %lt3A_182 : i1
      %convert_element_type3A_184 = arith.extui %and3A_183 : i1 to i32
      %cond3A_185 = arith.constant 0 : i32
      %cond3A_186 = arith.cmpi ne, %convert_element_type3A_184, %cond3A_185 : i32
      scf.if %cond3A_186 {
        %mul3A_304 = arith.constant 48 : i32
        %mul3A_305 = arith.muli %add3A_173, %mul3A_304 : i32
        %add3A_306 = arith.addi %mul3A_2, %mul3A_305 : i32
        %dma_start3A_307 = tpu.memref_slice %arg2[%add3A_306] : memref<325632xi32, #tpu.memory_space<hbm>> -> memref<48xi32, #tpu.memory_space<hbm>>
        %dma_start3A_308 = tpu.memref_slice %arg2[%add3A_306] : memref<325632xi32, #tpu.memory_space<hbm>> -> memref<48xi32, #tpu.memory_space<hbm>>
        tpu.enqueue_dma source(%dma_start3A_308 : memref<48xi32, #tpu.memory_space<hbm>>) target(%arg8 : memref<48xi32, #tpu.memory_space<vmem>>) target_semaphore(%arg21 : memref<!tpu.dma_semaphore, #tpu.memory_space<semaphore_mem>>)
        %mul3A_309 = arith.constant 48 : i32
        %mul3A_310 = arith.muli %add3A_173, %mul3A_309 : i32
        %add3A_311 = arith.addi %mul3A_2, %mul3A_310 : i32
        %dma_start3A_312 = tpu.memref_slice %arg3[%add3A_311] : memref<325632xi32, #tpu.memory_space<hbm>> -> memref<48xi32, #tpu.memory_space<hbm>>
        %dma_start3A_313 = tpu.memref_slice %arg3[%add3A_311] : memref<325632xi32, #tpu.memory_space<hbm>> -> memref<48xi32, #tpu.memory_space<hbm>>
        tpu.enqueue_dma source(%dma_start3A_313 : memref<48xi32, #tpu.memory_space<hbm>>) target(%arg12 : memref<48xi32, #tpu.memory_space<vmem>>) target_semaphore(%arg21 : memref<!tpu.dma_semaphore, #tpu.memory_space<semaphore_mem>>)
      } else {
      }
      %lt3A_187 = arith.constant 212 : i32
      %lt3A_188 = arith.cmpi slt, %add3A_175, %lt3A_187 : i32
      %convert_element_type3A_189 = arith.extui %lt3A_188 : i1 to i32
      %cond3A_190 = arith.constant 0 : i32
      %cond3A_191 = arith.cmpi ne, %convert_element_type3A_189, %cond3A_190 : i32
      scf.if %cond3A_191 {
        %mul3A_304 = arith.constant 48 : i32
        %mul3A_305 = arith.muli %add3A_175, %mul3A_304 : i32
        %add3A_306 = arith.addi %mul3A_2, %mul3A_305 : i32
        %dma_wait3A_307 = tpu.memref_slice %arg2[%add3A_306] : memref<325632xi32, #tpu.memory_space<hbm>> -> memref<48xi32, #tpu.memory_space<hbm>>
        %dma_wait3A_308 = tpu.memref_slice %arg2[%add3A_306] : memref<325632xi32, #tpu.memory_space<hbm>> -> memref<48xi32, #tpu.memory_space<hbm>>
        tpu.wait_dma2 semaphore(%arg20 : memref<!tpu.dma_semaphore, #tpu.memory_space<semaphore_mem>>) src(%dma_wait3A_308 : memref<48xi32, #tpu.memory_space<hbm>>) dst(%arg7 : memref<48xi32, #tpu.memory_space<vmem>>)
        %mul3A_309 = arith.constant 48 : i32
        %mul3A_310 = arith.muli %add3A_175, %mul3A_309 : i32
        %add3A_311 = arith.addi %mul3A_2, %mul3A_310 : i32
        %dma_wait3A_312 = tpu.memref_slice %arg3[%add3A_311] : memref<325632xi32, #tpu.memory_space<hbm>> -> memref<48xi32, #tpu.memory_space<hbm>>
        %dma_wait3A_313 = tpu.memref_slice %arg3[%add3A_311] : memref<325632xi32, #tpu.memory_space<hbm>> -> memref<48xi32, #tpu.memory_space<hbm>>
        tpu.wait_dma2 semaphore(%arg20 : memref<!tpu.dma_semaphore, #tpu.memory_space<semaphore_mem>>) src(%dma_wait3A_313 : memref<48xi32, #tpu.memory_space<hbm>>) dst(%arg11 : memref<48xi32, #tpu.memory_space<vmem>>)
        %dma_start3A_314 = arith.constant 0 : i32
        %dma_start3A_315 = arith.constant 0 : i32
        %dma_start3A_316 = tpu.memref_slice %arg4[%dma_start3A_314, %dma_start3A_315] : memref<10240x128xf32, #tpu.memory_space<hbm>> -> memref<10240x128xf32, #tpu.memory_space<hbm>>
        tpu.enqueue_indirect_dma source(%dma_start3A_316 : memref<10240x128xf32, #tpu.memory_space<hbm>>) target(%arg15 : memref<48x128xf32, #tpu.memory_space<vmem>>) offsets(%arg7 : memref<48xi32, #tpu.memory_space<vmem>>) semaphore(%arg24 : memref<!tpu.dma_semaphore, #tpu.memory_space<semaphore_mem>>)
      } else {
      }
      %dma_wait3A_192 = arith.constant 0 : i32
      %dma_wait3A_193 = arith.constant 0 : i32
      %dma_wait3A_194 = tpu.memref_slice %arg4[%dma_wait3A_192, %dma_wait3A_193] : memref<10240x128xf32, #tpu.memory_space<hbm>> -> memref<10240x128xf32, #tpu.memory_space<hbm>>
      tpu.wait_indirect_dma semaphore(%arg23 : memref<!tpu.dma_semaphore, #tpu.memory_space<semaphore_mem>>) src(%dma_wait3A_194 : memref<10240x128xf32, #tpu.memory_space<hbm>>) dst(%arg14 : memref<48x128xf32, #tpu.memory_space<vmem>>)
      %dma_start3A_195 = arith.constant 0 : i32
      %dma_start3A_196 = arith.constant 0 : i32
      %dma_start3A_197 = tpu.memref_slice %arg18[%dma_start3A_195, %dma_start3A_196] : memref<10240x128xf32, #tpu.memory_space<vmem_shared>> -> memref<10240x128xf32, #tpu.memory_space<vmem_shared>>
      tpu.enqueue_indirect_dma source(%arg14 : memref<48x128xf32, #tpu.memory_space<vmem>>) target(%dma_start3A_197 : memref<10240x128xf32, #tpu.memory_space<vmem_shared>>) offsets(%arg10 : memref<48xi32, #tpu.memory_space<vmem>>) semaphore(%arg27 : memref<!tpu.dma_semaphore, #tpu.memory_space<semaphore_mem>>) {add = true}
      %mul3A_198 = arith.constant 4 : i32
      %mul3A_199 = arith.muli %scan3A_166, %mul3A_198 : i32
      %add3A_200 = arith.constant 1 : i32
      %add3A_201 = arith.addi %mul3A_199, %add3A_200 : i32
      %add3A_202 = arith.constant 2 : i32
      %add3A_203 = arith.addi %add3A_201, %add3A_202 : i32
      %add3A_204 = arith.constant 1 : i32
      %add3A_205 = arith.addi %add3A_201, %add3A_204 : i32
      %lt3A_206 = arith.constant 212 : i32
      %lt3A_207 = arith.cmpi slt, %add3A_203, %lt3A_206 : i32
      %ge3A_208 = arith.constant 4 : i32
      %ge3A_209 = arith.cmpi sge, %add3A_203, %ge3A_208 : i32
      %and3A_210 = arith.andi %lt3A_207, %ge3A_209 : i1
      %convert_element_type3A_211 = arith.extui %and3A_210 : i1 to i32
      %cond3A_212 = arith.constant 0 : i32
      %cond3A_213 = arith.cmpi ne, %convert_element_type3A_211, %cond3A_212 : i32
      scf.if %cond3A_213 {
        %sub3A = arith.constant 4 : i32
        %sub3A_304 = arith.subi %add3A_203, %sub3A : i32
        %dma_wait3A_305 = arith.constant 0 : i32
        %dma_wait3A_306 = arith.constant 0 : i32
        %dma_wait3A_307 = tpu.memref_slice %arg18[%dma_wait3A_305, %dma_wait3A_306] : memref<10240x128xf32, #tpu.memory_space<vmem_shared>> -> memref<10240x128xf32, #tpu.memory_space<vmem_shared>>
        tpu.wait_indirect_dma semaphore(%arg30 : memref<!tpu.dma_semaphore, #tpu.memory_space<semaphore_mem>>) src(%arg17 : memref<48x128xf32, #tpu.memory_space<vmem>>) dst(%dma_wait3A_307 : memref<10240x128xf32, #tpu.memory_space<vmem_shared>>)
        %mul3A_308 = arith.constant 48 : i32
        %mul3A_309 = arith.muli %add3A_203, %mul3A_308 : i32
        %add3A_310 = arith.addi %mul3A_2, %mul3A_309 : i32
        %dma_start3A_311 = tpu.memref_slice %arg2[%add3A_310] : memref<325632xi32, #tpu.memory_space<hbm>> -> memref<48xi32, #tpu.memory_space<hbm>>
        %dma_start3A_312 = tpu.memref_slice %arg2[%add3A_310] : memref<325632xi32, #tpu.memory_space<hbm>> -> memref<48xi32, #tpu.memory_space<hbm>>
        tpu.enqueue_dma source(%dma_start3A_312 : memref<48xi32, #tpu.memory_space<hbm>>) target(%arg9 : memref<48xi32, #tpu.memory_space<vmem>>) target_semaphore(%arg22 : memref<!tpu.dma_semaphore, #tpu.memory_space<semaphore_mem>>)
        %mul3A_313 = arith.constant 48 : i32
        %mul3A_314 = arith.muli %add3A_203, %mul3A_313 : i32
        %add3A_315 = arith.addi %mul3A_2, %mul3A_314 : i32
        %dma_start3A_316 = tpu.memref_slice %arg3[%add3A_315] : memref<325632xi32, #tpu.memory_space<hbm>> -> memref<48xi32, #tpu.memory_space<hbm>>
        %dma_start3A_317 = tpu.memref_slice %arg3[%add3A_315] : memref<325632xi32, #tpu.memory_space<hbm>> -> memref<48xi32, #tpu.memory_space<hbm>>
        tpu.enqueue_dma source(%dma_start3A_317 : memref<48xi32, #tpu.memory_space<hbm>>) target(%arg13 : memref<48xi32, #tpu.memory_space<vmem>>) target_semaphore(%arg22 : memref<!tpu.dma_semaphore, #tpu.memory_space<semaphore_mem>>)
      } else {
      }
      %lt3A_214 = arith.constant 212 : i32
      %lt3A_215 = arith.cmpi slt, %add3A_203, %lt3A_214 : i32
      %lt3A_216 = arith.constant 4 : i32
      %lt3A_217 = arith.cmpi slt, %add3A_203, %lt3A_216 : i32
      %and3A_218 = arith.andi %lt3A_215, %lt3A_217 : i1
      %convert_element_type3A_219 = arith.extui %and3A_218 : i1 to i32
      %cond3A_220 = arith.constant 0 : i32
      %cond3A_221 = arith.cmpi ne, %convert_element_type3A_219, %cond3A_220 : i32
      scf.if %cond3A_221 {
        %mul3A_304 = arith.constant 48 : i32
        %mul3A_305 = arith.muli %add3A_203, %mul3A_304 : i32
        %add3A_306 = arith.addi %mul3A_2, %mul3A_305 : i32
        %dma_start3A_307 = tpu.memref_slice %arg2[%add3A_306] : memref<325632xi32, #tpu.memory_space<hbm>> -> memref<48xi32, #tpu.memory_space<hbm>>
        %dma_start3A_308 = tpu.memref_slice %arg2[%add3A_306] : memref<325632xi32, #tpu.memory_space<hbm>> -> memref<48xi32, #tpu.memory_space<hbm>>
        tpu.enqueue_dma source(%dma_start3A_308 : memref<48xi32, #tpu.memory_space<hbm>>) target(%arg9 : memref<48xi32, #tpu.memory_space<vmem>>) target_semaphore(%arg22 : memref<!tpu.dma_semaphore, #tpu.memory_space<semaphore_mem>>)
        %mul3A_309 = arith.constant 48 : i32
        %mul3A_310 = arith.muli %add3A_203, %mul3A_309 : i32
        %add3A_311 = arith.addi %mul3A_2, %mul3A_310 : i32
        %dma_start3A_312 = tpu.memref_slice %arg3[%add3A_311] : memref<325632xi32, #tpu.memory_space<hbm>> -> memref<48xi32, #tpu.memory_space<hbm>>
        %dma_start3A_313 = tpu.memref_slice %arg3[%add3A_311] : memref<325632xi32, #tpu.memory_space<hbm>> -> memref<48xi32, #tpu.memory_space<hbm>>
        tpu.enqueue_dma source(%dma_start3A_313 : memref<48xi32, #tpu.memory_space<hbm>>) target(%arg13 : memref<48xi32, #tpu.memory_space<vmem>>) target_semaphore(%arg22 : memref<!tpu.dma_semaphore, #tpu.memory_space<semaphore_mem>>)
      } else {
      }
      %lt3A_222 = arith.constant 212 : i32
      %lt3A_223 = arith.cmpi slt, %add3A_205, %lt3A_222 : i32
      %convert_element_type3A_224 = arith.extui %lt3A_223 : i1 to i32
      %cond3A_225 = arith.constant 0 : i32
      %cond3A_226 = arith.cmpi ne, %convert_element_type3A_224, %cond3A_225 : i32
      scf.if %cond3A_226 {
        %mul3A_304 = arith.constant 48 : i32
        %mul3A_305 = arith.muli %add3A_205, %mul3A_304 : i32
        %add3A_306 = arith.addi %mul3A_2, %mul3A_305 : i32
        %dma_wait3A_307 = tpu.memref_slice %arg2[%add3A_306] : memref<325632xi32, #tpu.memory_space<hbm>> -> memref<48xi32, #tpu.memory_space<hbm>>
        %dma_wait3A_308 = tpu.memref_slice %arg2[%add3A_306] : memref<325632xi32, #tpu.memory_space<hbm>> -> memref<48xi32, #tpu.memory_space<hbm>>
        tpu.wait_dma2 semaphore(%arg21 : memref<!tpu.dma_semaphore, #tpu.memory_space<semaphore_mem>>) src(%dma_wait3A_308 : memref<48xi32, #tpu.memory_space<hbm>>) dst(%arg8 : memref<48xi32, #tpu.memory_space<vmem>>)
        %mul3A_309 = arith.constant 48 : i32
        %mul3A_310 = arith.muli %add3A_205, %mul3A_309 : i32
        %add3A_311 = arith.addi %mul3A_2, %mul3A_310 : i32
        %dma_wait3A_312 = tpu.memref_slice %arg3[%add3A_311] : memref<325632xi32, #tpu.memory_space<hbm>> -> memref<48xi32, #tpu.memory_space<hbm>>
        %dma_wait3A_313 = tpu.memref_slice %arg3[%add3A_311] : memref<325632xi32, #tpu.memory_space<hbm>> -> memref<48xi32, #tpu.memory_space<hbm>>
        tpu.wait_dma2 semaphore(%arg21 : memref<!tpu.dma_semaphore, #tpu.memory_space<semaphore_mem>>) src(%dma_wait3A_313 : memref<48xi32, #tpu.memory_space<hbm>>) dst(%arg12 : memref<48xi32, #tpu.memory_space<vmem>>)
        %dma_start3A_314 = arith.constant 0 : i32
        %dma_start3A_315 = arith.constant 0 : i32
        %dma_start3A_316 = tpu.memref_slice %arg4[%dma_start3A_314, %dma_start3A_315] : memref<10240x128xf32, #tpu.memory_space<hbm>> -> memref<10240x128xf32, #tpu.memory_space<hbm>>
        tpu.enqueue_indirect_dma source(%dma_start3A_316 : memref<10240x128xf32, #tpu.memory_space<hbm>>) target(%arg16 : memref<48x128xf32, #tpu.memory_space<vmem>>) offsets(%arg8 : memref<48xi32, #tpu.memory_space<vmem>>) semaphore(%arg25 : memref<!tpu.dma_semaphore, #tpu.memory_space<semaphore_mem>>)
      } else {
      }
      %dma_wait3A_227 = arith.constant 0 : i32
      %dma_wait3A_228 = arith.constant 0 : i32
      %dma_wait3A_229 = tpu.memref_slice %arg4[%dma_wait3A_227, %dma_wait3A_228] : memref<10240x128xf32, #tpu.memory_space<hbm>> -> memref<10240x128xf32, #tpu.memory_space<hbm>>
      tpu.wait_indirect_dma semaphore(%arg24 : memref<!tpu.dma_semaphore, #tpu.memory_space<semaphore_mem>>) src(%dma_wait3A_229 : memref<10240x128xf32, #tpu.memory_space<hbm>>) dst(%arg15 : memref<48x128xf32, #tpu.memory_space<vmem>>)
      %dma_start3A_230 = arith.constant 0 : i32
      %dma_start3A_231 = arith.constant 0 : i32
      %dma_start3A_232 = tpu.memref_slice %arg18[%dma_start3A_230, %dma_start3A_231] : memref<10240x128xf32, #tpu.memory_space<vmem_shared>> -> memref<10240x128xf32, #tpu.memory_space<vmem_shared>>
      tpu.enqueue_indirect_dma source(%arg15 : memref<48x128xf32, #tpu.memory_space<vmem>>) target(%dma_start3A_232 : memref<10240x128xf32, #tpu.memory_space<vmem_shared>>) offsets(%arg11 : memref<48xi32, #tpu.memory_space<vmem>>) semaphore(%arg28 : memref<!tpu.dma_semaphore, #tpu.memory_space<semaphore_mem>>) {add = true}
      %mul3A_233 = arith.constant 4 : i32
      %mul3A_234 = arith.muli %scan3A_166, %mul3A_233 : i32
      %add3A_235 = arith.constant 2 : i32
      %add3A_236 = arith.addi %mul3A_234, %add3A_235 : i32
      %add3A_237 = arith.constant 2 : i32
      %add3A_238 = arith.addi %add3A_236, %add3A_237 : i32
      %add3A_239 = arith.constant 1 : i32
      %add3A_240 = arith.addi %add3A_236, %add3A_239 : i32
      %lt3A_241 = arith.constant 212 : i32
      %lt3A_242 = arith.cmpi slt, %add3A_238, %lt3A_241 : i32
      %ge3A_243 = arith.constant 4 : i32
      %ge3A_244 = arith.cmpi sge, %add3A_238, %ge3A_243 : i32
      %and3A_245 = arith.andi %lt3A_242, %ge3A_244 : i1
      %convert_element_type3A_246 = arith.extui %and3A_245 : i1 to i32
      %cond3A_247 = arith.constant 0 : i32
      %cond3A_248 = arith.cmpi ne, %convert_element_type3A_246, %cond3A_247 : i32
      scf.if %cond3A_248 {
        %sub3A = arith.constant 4 : i32
        %sub3A_304 = arith.subi %add3A_238, %sub3A : i32
        %dma_wait3A_305 = arith.constant 0 : i32
        %dma_wait3A_306 = arith.constant 0 : i32
        %dma_wait3A_307 = tpu.memref_slice %arg18[%dma_wait3A_305, %dma_wait3A_306] : memref<10240x128xf32, #tpu.memory_space<vmem_shared>> -> memref<10240x128xf32, #tpu.memory_space<vmem_shared>>
        tpu.wait_indirect_dma semaphore(%arg27 : memref<!tpu.dma_semaphore, #tpu.memory_space<semaphore_mem>>) src(%arg14 : memref<48x128xf32, #tpu.memory_space<vmem>>) dst(%dma_wait3A_307 : memref<10240x128xf32, #tpu.memory_space<vmem_shared>>)
        %mul3A_308 = arith.constant 48 : i32
        %mul3A_309 = arith.muli %add3A_238, %mul3A_308 : i32
        %add3A_310 = arith.addi %mul3A_2, %mul3A_309 : i32
        %dma_start3A_311 = tpu.memref_slice %arg2[%add3A_310] : memref<325632xi32, #tpu.memory_space<hbm>> -> memref<48xi32, #tpu.memory_space<hbm>>
        %dma_start3A_312 = tpu.memref_slice %arg2[%add3A_310] : memref<325632xi32, #tpu.memory_space<hbm>> -> memref<48xi32, #tpu.memory_space<hbm>>
        tpu.enqueue_dma source(%dma_start3A_312 : memref<48xi32, #tpu.memory_space<hbm>>) target(%arg6 : memref<48xi32, #tpu.memory_space<vmem>>) target_semaphore(%arg19 : memref<!tpu.dma_semaphore, #tpu.memory_space<semaphore_mem>>)
        %mul3A_313 = arith.constant 48 : i32
        %mul3A_314 = arith.muli %add3A_238, %mul3A_313 : i32
        %add3A_315 = arith.addi %mul3A_2, %mul3A_314 : i32
        %dma_start3A_316 = tpu.memref_slice %arg3[%add3A_315] : memref<325632xi32, #tpu.memory_space<hbm>> -> memref<48xi32, #tpu.memory_space<hbm>>
        %dma_start3A_317 = tpu.memref_slice %arg3[%add3A_315] : memref<325632xi32, #tpu.memory_space<hbm>> -> memref<48xi32, #tpu.memory_space<hbm>>
        tpu.enqueue_dma source(%dma_start3A_317 : memref<48xi32, #tpu.memory_space<hbm>>) target(%arg10 : memref<48xi32, #tpu.memory_space<vmem>>) target_semaphore(%arg19 : memref<!tpu.dma_semaphore, #tpu.memory_space<semaphore_mem>>)
      } else {
      }
      %lt3A_249 = arith.constant 212 : i32
      %lt3A_250 = arith.cmpi slt, %add3A_238, %lt3A_249 : i32
      %lt3A_251 = arith.constant 4 : i32
      %lt3A_252 = arith.cmpi slt, %add3A_238, %lt3A_251 : i32
      %and3A_253 = arith.andi %lt3A_250, %lt3A_252 : i1
      %convert_element_type3A_254 = arith.extui %and3A_253 : i1 to i32
      %cond3A_255 = arith.constant 0 : i32
      %cond3A_256 = arith.cmpi ne, %convert_element_type3A_254, %cond3A_255 : i32
      scf.if %cond3A_256 {
        %mul3A_304 = arith.constant 48 : i32
        %mul3A_305 = arith.muli %add3A_238, %mul3A_304 : i32
        %add3A_306 = arith.addi %mul3A_2, %mul3A_305 : i32
        %dma_start3A_307 = tpu.memref_slice %arg2[%add3A_306] : memref<325632xi32, #tpu.memory_space<hbm>> -> memref<48xi32, #tpu.memory_space<hbm>>
        %dma_start3A_308 = tpu.memref_slice %arg2[%add3A_306] : memref<325632xi32, #tpu.memory_space<hbm>> -> memref<48xi32, #tpu.memory_space<hbm>>
        tpu.enqueue_dma source(%dma_start3A_308 : memref<48xi32, #tpu.memory_space<hbm>>) target(%arg6 : memref<48xi32, #tpu.memory_space<vmem>>) target_semaphore(%arg19 : memref<!tpu.dma_semaphore, #tpu.memory_space<semaphore_mem>>)
        %mul3A_309 = arith.constant 48 : i32
        %mul3A_310 = arith.muli %add3A_238, %mul3A_309 : i32
        %add3A_311 = arith.addi %mul3A_2, %mul3A_310 : i32
        %dma_start3A_312 = tpu.memref_slice %arg3[%add3A_311] : memref<325632xi32, #tpu.memory_space<hbm>> -> memref<48xi32, #tpu.memory_space<hbm>>
        %dma_start3A_313 = tpu.memref_slice %arg3[%add3A_311] : memref<325632xi32, #tpu.memory_space<hbm>> -> memref<48xi32, #tpu.memory_space<hbm>>
        tpu.enqueue_dma source(%dma_start3A_313 : memref<48xi32, #tpu.memory_space<hbm>>) target(%arg10 : memref<48xi32, #tpu.memory_space<vmem>>) target_semaphore(%arg19 : memref<!tpu.dma_semaphore, #tpu.memory_space<semaphore_mem>>)
      } else {
      }
      %lt3A_257 = arith.constant 212 : i32
      %lt3A_258 = arith.cmpi slt, %add3A_240, %lt3A_257 : i32
      %convert_element_type3A_259 = arith.extui %lt3A_258 : i1 to i32
      %cond3A_260 = arith.constant 0 : i32
      %cond3A_261 = arith.cmpi ne, %convert_element_type3A_259, %cond3A_260 : i32
      scf.if %cond3A_261 {
        %mul3A_304 = arith.constant 48 : i32
        %mul3A_305 = arith.muli %add3A_240, %mul3A_304 : i32
        %add3A_306 = arith.addi %mul3A_2, %mul3A_305 : i32
        %dma_wait3A_307 = tpu.memref_slice %arg2[%add3A_306] : memref<325632xi32, #tpu.memory_space<hbm>> -> memref<48xi32, #tpu.memory_space<hbm>>
        %dma_wait3A_308 = tpu.memref_slice %arg2[%add3A_306] : memref<325632xi32, #tpu.memory_space<hbm>> -> memref<48xi32, #tpu.memory_space<hbm>>
        tpu.wait_dma2 semaphore(%arg22 : memref<!tpu.dma_semaphore, #tpu.memory_space<semaphore_mem>>) src(%dma_wait3A_308 : memref<48xi32, #tpu.memory_space<hbm>>) dst(%arg9 : memref<48xi32, #tpu.memory_space<vmem>>)
        %mul3A_309 = arith.constant 48 : i32
        %mul3A_310 = arith.muli %add3A_240, %mul3A_309 : i32
        %add3A_311 = arith.addi %mul3A_2, %mul3A_310 : i32
        %dma_wait3A_312 = tpu.memref_slice %arg3[%add3A_311] : memref<325632xi32, #tpu.memory_space<hbm>> -> memref<48xi32, #tpu.memory_space<hbm>>
        %dma_wait3A_313 = tpu.memref_slice %arg3[%add3A_311] : memref<325632xi32, #tpu.memory_space<hbm>> -> memref<48xi32, #tpu.memory_space<hbm>>
        tpu.wait_dma2 semaphore(%arg22 : memref<!tpu.dma_semaphore, #tpu.memory_space<semaphore_mem>>) src(%dma_wait3A_313 : memref<48xi32, #tpu.memory_space<hbm>>) dst(%arg13 : memref<48xi32, #tpu.memory_space<vmem>>)
        %dma_start3A_314 = arith.constant 0 : i32
        %dma_start3A_315 = arith.constant 0 : i32
        %dma_start3A_316 = tpu.memref_slice %arg4[%dma_start3A_314, %dma_start3A_315] : memref<10240x128xf32, #tpu.memory_space<hbm>> -> memref<10240x128xf32, #tpu.memory_space<hbm>>
        tpu.enqueue_indirect_dma source(%dma_start3A_316 : memref<10240x128xf32, #tpu.memory_space<hbm>>) target(%arg17 : memref<48x128xf32, #tpu.memory_space<vmem>>) offsets(%arg9 : memref<48xi32, #tpu.memory_space<vmem>>) semaphore(%arg26 : memref<!tpu.dma_semaphore, #tpu.memory_space<semaphore_mem>>)
      } else {
      }
      %dma_wait3A_262 = arith.constant 0 : i32
      %dma_wait3A_263 = arith.constant 0 : i32
      %dma_wait3A_264 = tpu.memref_slice %arg4[%dma_wait3A_262, %dma_wait3A_263] : memref<10240x128xf32, #tpu.memory_space<hbm>> -> memref<10240x128xf32, #tpu.memory_space<hbm>>
      tpu.wait_indirect_dma semaphore(%arg25 : memref<!tpu.dma_semaphore, #tpu.memory_space<semaphore_mem>>) src(%dma_wait3A_264 : memref<10240x128xf32, #tpu.memory_space<hbm>>) dst(%arg16 : memref<48x128xf32, #tpu.memory_space<vmem>>)
      %dma_start3A_265 = arith.constant 0 : i32
      %dma_start3A_266 = arith.constant 0 : i32
      %dma_start3A_267 = tpu.memref_slice %arg18[%dma_start3A_265, %dma_start3A_266] : memref<10240x128xf32, #tpu.memory_space<vmem_shared>> -> memref<10240x128xf32, #tpu.memory_space<vmem_shared>>
      tpu.enqueue_indirect_dma source(%arg16 : memref<48x128xf32, #tpu.memory_space<vmem>>) target(%dma_start3A_267 : memref<10240x128xf32, #tpu.memory_space<vmem_shared>>) offsets(%arg12 : memref<48xi32, #tpu.memory_space<vmem>>) semaphore(%arg29 : memref<!tpu.dma_semaphore, #tpu.memory_space<semaphore_mem>>) {add = true}
      %mul3A_268 = arith.constant 4 : i32
      %mul3A_269 = arith.muli %scan3A_166, %mul3A_268 : i32
      %add3A_270 = arith.constant 3 : i32
      %add3A_271 = arith.addi %mul3A_269, %add3A_270 : i32
      %add3A_272 = arith.constant 2 : i32
      %add3A_273 = arith.addi %add3A_271, %add3A_272 : i32
      %add3A_274 = arith.constant 1 : i32
      %add3A_275 = arith.addi %add3A_271, %add3A_274 : i32
      %lt3A_276 = arith.constant 212 : i32
      %lt3A_277 = arith.cmpi slt, %add3A_273, %lt3A_276 : i32
      %ge3A_278 = arith.constant 4 : i32
      %ge3A_279 = arith.cmpi sge, %add3A_273, %ge3A_278 : i32
      %and3A_280 = arith.andi %lt3A_277, %ge3A_279 : i1
      %convert_element_type3A_281 = arith.extui %and3A_280 : i1 to i32
      %cond3A_282 = arith.constant 0 : i32
      %cond3A_283 = arith.cmpi ne, %convert_element_type3A_281, %cond3A_282 : i32
      scf.if %cond3A_283 {
        %sub3A = arith.constant 4 : i32
        %sub3A_304 = arith.subi %add3A_273, %sub3A : i32
        %dma_wait3A_305 = arith.constant 0 : i32
        %dma_wait3A_306 = arith.constant 0 : i32
        %dma_wait3A_307 = tpu.memref_slice %arg18[%dma_wait3A_305, %dma_wait3A_306] : memref<10240x128xf32, #tpu.memory_space<vmem_shared>> -> memref<10240x128xf32, #tpu.memory_space<vmem_shared>>
        tpu.wait_indirect_dma semaphore(%arg28 : memref<!tpu.dma_semaphore, #tpu.memory_space<semaphore_mem>>) src(%arg15 : memref<48x128xf32, #tpu.memory_space<vmem>>) dst(%dma_wait3A_307 : memref<10240x128xf32, #tpu.memory_space<vmem_shared>>)
        %mul3A_308 = arith.constant 48 : i32
        %mul3A_309 = arith.muli %add3A_273, %mul3A_308 : i32
        %add3A_310 = arith.addi %mul3A_2, %mul3A_309 : i32
        %dma_start3A_311 = tpu.memref_slice %arg2[%add3A_310] : memref<325632xi32, #tpu.memory_space<hbm>> -> memref<48xi32, #tpu.memory_space<hbm>>
        %dma_start3A_312 = tpu.memref_slice %arg2[%add3A_310] : memref<325632xi32, #tpu.memory_space<hbm>> -> memref<48xi32, #tpu.memory_space<hbm>>
        tpu.enqueue_dma source(%dma_start3A_312 : memref<48xi32, #tpu.memory_space<hbm>>) target(%arg7 : memref<48xi32, #tpu.memory_space<vmem>>) target_semaphore(%arg20 : memref<!tpu.dma_semaphore, #tpu.memory_space<semaphore_mem>>)
        %mul3A_313 = arith.constant 48 : i32
        %mul3A_314 = arith.muli %add3A_273, %mul3A_313 : i32
        %add3A_315 = arith.addi %mul3A_2, %mul3A_314 : i32
        %dma_start3A_316 = tpu.memref_slice %arg3[%add3A_315] : memref<325632xi32, #tpu.memory_space<hbm>> -> memref<48xi32, #tpu.memory_space<hbm>>
        %dma_start3A_317 = tpu.memref_slice %arg3[%add3A_315] : memref<325632xi32, #tpu.memory_space<hbm>> -> memref<48xi32, #tpu.memory_space<hbm>>
        tpu.enqueue_dma source(%dma_start3A_317 : memref<48xi32, #tpu.memory_space<hbm>>) target(%arg11 : memref<48xi32, #tpu.memory_space<vmem>>) target_semaphore(%arg20 : memref<!tpu.dma_semaphore, #tpu.memory_space<semaphore_mem>>)
      } else {
      }
      %lt3A_284 = arith.constant 212 : i32
      %lt3A_285 = arith.cmpi slt, %add3A_273, %lt3A_284 : i32
      %lt3A_286 = arith.constant 4 : i32
      %lt3A_287 = arith.cmpi slt, %add3A_273, %lt3A_286 : i32
      %and3A_288 = arith.andi %lt3A_285, %lt3A_287 : i1
      %convert_element_type3A_289 = arith.extui %and3A_288 : i1 to i32
      %cond3A_290 = arith.constant 0 : i32
      %cond3A_291 = arith.cmpi ne, %convert_element_type3A_289, %cond3A_290 : i32
      scf.if %cond3A_291 {
        %mul3A_304 = arith.constant 48 : i32
        %mul3A_305 = arith.muli %add3A_273, %mul3A_304 : i32
        %add3A_306 = arith.addi %mul3A_2, %mul3A_305 : i32
        %dma_start3A_307 = tpu.memref_slice %arg2[%add3A_306] : memref<325632xi32, #tpu.memory_space<hbm>> -> memref<48xi32, #tpu.memory_space<hbm>>
        %dma_start3A_308 = tpu.memref_slice %arg2[%add3A_306] : memref<325632xi32, #tpu.memory_space<hbm>> -> memref<48xi32, #tpu.memory_space<hbm>>
        tpu.enqueue_dma source(%dma_start3A_308 : memref<48xi32, #tpu.memory_space<hbm>>) target(%arg7 : memref<48xi32, #tpu.memory_space<vmem>>) target_semaphore(%arg20 : memref<!tpu.dma_semaphore, #tpu.memory_space<semaphore_mem>>)
        %mul3A_309 = arith.constant 48 : i32
        %mul3A_310 = arith.muli %add3A_273, %mul3A_309 : i32
        %add3A_311 = arith.addi %mul3A_2, %mul3A_310 : i32
        %dma_start3A_312 = tpu.memref_slice %arg3[%add3A_311] : memref<325632xi32, #tpu.memory_space<hbm>> -> memref<48xi32, #tpu.memory_space<hbm>>
        %dma_start3A_313 = tpu.memref_slice %arg3[%add3A_311] : memref<325632xi32, #tpu.memory_space<hbm>> -> memref<48xi32, #tpu.memory_space<hbm>>
        tpu.enqueue_dma source(%dma_start3A_313 : memref<48xi32, #tpu.memory_space<hbm>>) target(%arg11 : memref<48xi32, #tpu.memory_space<vmem>>) target_semaphore(%arg20 : memref<!tpu.dma_semaphore, #tpu.memory_space<semaphore_mem>>)
      } else {
      }
      %lt3A_292 = arith.constant 212 : i32
      %lt3A_293 = arith.cmpi slt, %add3A_275, %lt3A_292 : i32
      %convert_element_type3A_294 = arith.extui %lt3A_293 : i1 to i32
      %cond3A_295 = arith.constant 0 : i32
      %cond3A_296 = arith.cmpi ne, %convert_element_type3A_294, %cond3A_295 : i32
      scf.if %cond3A_296 {
        %mul3A_304 = arith.constant 48 : i32
        %mul3A_305 = arith.muli %add3A_275, %mul3A_304 : i32
        %add3A_306 = arith.addi %mul3A_2, %mul3A_305 : i32
        %dma_wait3A_307 = tpu.memref_slice %arg2[%add3A_306] : memref<325632xi32, #tpu.memory_space<hbm>> -> memref<48xi32, #tpu.memory_space<hbm>>
        %dma_wait3A_308 = tpu.memref_slice %arg2[%add3A_306] : memref<325632xi32, #tpu.memory_space<hbm>> -> memref<48xi32, #tpu.memory_space<hbm>>
        tpu.wait_dma2 semaphore(%arg19 : memref<!tpu.dma_semaphore, #tpu.memory_space<semaphore_mem>>) src(%dma_wait3A_308 : memref<48xi32, #tpu.memory_space<hbm>>) dst(%arg6 : memref<48xi32, #tpu.memory_space<vmem>>)
        %mul3A_309 = arith.constant 48 : i32
        %mul3A_310 = arith.muli %add3A_275, %mul3A_309 : i32
        %add3A_311 = arith.addi %mul3A_2, %mul3A_310 : i32
        %dma_wait3A_312 = tpu.memref_slice %arg3[%add3A_311] : memref<325632xi32, #tpu.memory_space<hbm>> -> memref<48xi32, #tpu.memory_space<hbm>>
        %dma_wait3A_313 = tpu.memref_slice %arg3[%add3A_311] : memref<325632xi32, #tpu.memory_space<hbm>> -> memref<48xi32, #tpu.memory_space<hbm>>
        tpu.wait_dma2 semaphore(%arg19 : memref<!tpu.dma_semaphore, #tpu.memory_space<semaphore_mem>>) src(%dma_wait3A_313 : memref<48xi32, #tpu.memory_space<hbm>>) dst(%arg10 : memref<48xi32, #tpu.memory_space<vmem>>)
        %dma_start3A_314 = arith.constant 0 : i32
        %dma_start3A_315 = arith.constant 0 : i32
        %dma_start3A_316 = tpu.memref_slice %arg4[%dma_start3A_314, %dma_start3A_315] : memref<10240x128xf32, #tpu.memory_space<hbm>> -> memref<10240x128xf32, #tpu.memory_space<hbm>>
        tpu.enqueue_indirect_dma source(%dma_start3A_316 : memref<10240x128xf32, #tpu.memory_space<hbm>>) target(%arg14 : memref<48x128xf32, #tpu.memory_space<vmem>>) offsets(%arg6 : memref<48xi32, #tpu.memory_space<vmem>>) semaphore(%arg23 : memref<!tpu.dma_semaphore, #tpu.memory_space<semaphore_mem>>)
      } else {
      }
      %dma_wait3A_297 = arith.constant 0 : i32
      %dma_wait3A_298 = arith.constant 0 : i32
      %dma_wait3A_299 = tpu.memref_slice %arg4[%dma_wait3A_297, %dma_wait3A_298] : memref<10240x128xf32, #tpu.memory_space<hbm>> -> memref<10240x128xf32, #tpu.memory_space<hbm>>
      tpu.wait_indirect_dma semaphore(%arg26 : memref<!tpu.dma_semaphore, #tpu.memory_space<semaphore_mem>>) src(%dma_wait3A_299 : memref<10240x128xf32, #tpu.memory_space<hbm>>) dst(%arg17 : memref<48x128xf32, #tpu.memory_space<vmem>>)
      %dma_start3A_300 = arith.constant 0 : i32
      %dma_start3A_301 = arith.constant 0 : i32
      %dma_start3A_302 = tpu.memref_slice %arg18[%dma_start3A_300, %dma_start3A_301] : memref<10240x128xf32, #tpu.memory_space<vmem_shared>> -> memref<10240x128xf32, #tpu.memory_space<vmem_shared>>
      tpu.enqueue_indirect_dma source(%arg17 : memref<48x128xf32, #tpu.memory_space<vmem>>) target(%dma_start3A_302 : memref<10240x128xf32, #tpu.memory_space<vmem_shared>>) offsets(%arg13 : memref<48xi32, #tpu.memory_space<vmem>>) semaphore(%arg30 : memref<!tpu.dma_semaphore, #tpu.memory_space<semaphore_mem>>) {add = true}
      %scan3A_303 = arith.constant 0 : i32
      scf.yield %scan3A_303 : i32
    }
    %scan3A_96 = arith.constant 53 : i32
    %dma_wait3A_97 = arith.constant 0 : i32
    %dma_wait3A_98 = arith.constant 0 : i32
    %dma_wait3A_99 = tpu.memref_slice %arg18[%dma_wait3A_97, %dma_wait3A_98] : memref<10240x128xf32, #tpu.memory_space<vmem_shared>> -> memref<10240x128xf32, #tpu.memory_space<vmem_shared>>
    tpu.wait_indirect_dma semaphore(%arg27 : memref<!tpu.dma_semaphore, #tpu.memory_space<semaphore_mem>>) src(%arg14 : memref<48x128xf32, #tpu.memory_space<vmem>>) dst(%dma_wait3A_99 : memref<10240x128xf32, #tpu.memory_space<vmem_shared>>)
    %dma_wait3A_100 = arith.constant 0 : i32
    %dma_wait3A_101 = arith.constant 0 : i32
    %dma_wait3A_102 = tpu.memref_slice %arg18[%dma_wait3A_100, %dma_wait3A_101] : memref<10240x128xf32, #tpu.memory_space<vmem_shared>> -> memref<10240x128xf32, #tpu.memory_space<vmem_shared>>
    tpu.wait_indirect_dma semaphore(%arg28 : memref<!tpu.dma_semaphore, #tpu.memory_space<semaphore_mem>>) src(%arg15 : memref<48x128xf32, #tpu.memory_space<vmem>>) dst(%dma_wait3A_102 : memref<10240x128xf32, #tpu.memory_space<vmem_shared>>)
    %dma_wait3A_103 = arith.constant 0 : i32
    %dma_wait3A_104 = arith.constant 0 : i32
    %dma_wait3A_105 = tpu.memref_slice %arg18[%dma_wait3A_103, %dma_wait3A_104] : memref<10240x128xf32, #tpu.memory_space<vmem_shared>> -> memref<10240x128xf32, #tpu.memory_space<vmem_shared>>
    tpu.wait_indirect_dma semaphore(%arg29 : memref<!tpu.dma_semaphore, #tpu.memory_space<semaphore_mem>>) src(%arg16 : memref<48x128xf32, #tpu.memory_space<vmem>>) dst(%dma_wait3A_105 : memref<10240x128xf32, #tpu.memory_space<vmem_shared>>)
    %dma_wait3A_106 = arith.constant 0 : i32
    %dma_wait3A_107 = arith.constant 0 : i32
    %dma_wait3A_108 = tpu.memref_slice %arg18[%dma_wait3A_106, %dma_wait3A_107] : memref<10240x128xf32, #tpu.memory_space<vmem_shared>> -> memref<10240x128xf32, #tpu.memory_space<vmem_shared>>
    tpu.wait_indirect_dma semaphore(%arg30 : memref<!tpu.dma_semaphore, #tpu.memory_space<semaphore_mem>>) src(%arg17 : memref<48x128xf32, #tpu.memory_space<vmem>>) dst(%dma_wait3A_108 : memref<10240x128xf32, #tpu.memory_space<vmem_shared>>)
    %barrier3A_109 = arith.constant 0 : index
    tpu.barrier barrier_id(%barrier3A_109)
    %mul3A_110 = arith.constant 640 : i32
    %mul3A_111 = arith.muli %arg1, %mul3A_110 : i32
    %add3A_112 = arith.constant 0 : i32
    %add3A_113 = arith.addi %mul3A_111, %add3A_112 : i32
    "tpu.region"() ({
      %run_scoped3A = tpu.sem_alloc : memref<!tpu.dma_semaphore, #tpu.memory_space<semaphore_mem>>
      %dma_start3A_166 = arith.constant 0 : i32
      %dma_start3A_167 = tpu.memref_slice %arg18[%add3A_113, %dma_start3A_166] : memref<10240x128xf32, #tpu.memory_space<vmem_shared>> -> memref<48x128xf32, #tpu.memory_space<vmem_shared>>
      %dma_start3A_168 = arith.constant 0 : i32
      %dma_start3A_169 = tpu.memref_slice %arg18[%add3A_113, %dma_start3A_168] : memref<10240x128xf32, #tpu.memory_space<vmem_shared>> -> memref<48x128xf32, #tpu.memory_space<vmem_shared>>
      tpu.enqueue_dma source(%dma_start3A_169 : memref<48x128xf32, #tpu.memory_space<vmem_shared>>) target(%arg14 : memref<48x128xf32, #tpu.memory_space<vmem>>) target_semaphore(%run_scoped3A : memref<!tpu.dma_semaphore, #tpu.memory_space<semaphore_mem>>)
      %dma_wait3A_170 = arith.constant 0 : i32
      %dma_wait3A_171 = tpu.memref_slice %arg18[%add3A_113, %dma_wait3A_170] : memref<10240x128xf32, #tpu.memory_space<vmem_shared>> -> memref<48x128xf32, #tpu.memory_space<vmem_shared>>
      %dma_wait3A_172 = arith.constant 0 : i32
      %dma_wait3A_173 = tpu.memref_slice %arg18[%add3A_113, %dma_wait3A_172] : memref<10240x128xf32, #tpu.memory_space<vmem_shared>> -> memref<48x128xf32, #tpu.memory_space<vmem_shared>>
      tpu.wait_dma2 semaphore(%run_scoped3A : memref<!tpu.dma_semaphore, #tpu.memory_space<semaphore_mem>>) src(%dma_wait3A_173 : memref<48x128xf32, #tpu.memory_space<vmem_shared>>) dst(%arg14 : memref<48x128xf32, #tpu.memory_space<vmem>>)
      tpu.yield
    }) : () -> ()
    "tpu.region"() ({
      %run_scoped3A = tpu.sem_alloc : memref<!tpu.dma_semaphore, #tpu.memory_space<semaphore_mem>>
      %dma_start3A_166 = arith.constant 0 : i32
      %dma_start3A_167 = tpu.memref_slice %arg5[%arg0, %add3A_113, %dma_start3A_166] : memref<2x10240x128xf32, #tpu.memory_space<hbm>> -> memref<1x48x128xf32, #tpu.memory_space<hbm>>
      %dma_start3A_168 = tpu.memref_squeeze %dma_start3A_167 : memref<1x48x128xf32, #tpu.memory_space<hbm>> -> memref<48x128xf32, #tpu.memory_space<hbm>>
      %dma_start3A_169 = arith.constant 0 : i32
      %dma_start3A_170 = tpu.memref_slice %arg5[%arg0, %add3A_113, %dma_start3A_169] : memref<2x10240x128xf32, #tpu.memory_space<hbm>> -> memref<1x48x128xf32, #tpu.memory_space<hbm>>
      %dma_start3A_171 = tpu.memref_squeeze %dma_start3A_170 : memref<1x48x128xf32, #tpu.memory_space<hbm>> -> memref<48x128xf32, #tpu.memory_space<hbm>>
      tpu.enqueue_dma source(%arg14 : memref<48x128xf32, #tpu.memory_space<vmem>>) target(%dma_start3A_171 : memref<48x128xf32, #tpu.memory_space<hbm>>) target_semaphore(%run_scoped3A : memref<!tpu.dma_semaphore, #tpu.memory_space<semaphore_mem>>)
      %dma_wait3A_172 = arith.constant 0 : i32
      %dma_wait3A_173 = tpu.memref_slice %arg5[%arg0, %add3A_113, %dma_wait3A_172] : memref<2x10240x128xf32, #tpu.memory_space<hbm>> -> memref<1x48x128xf32, #tpu.memory_space<hbm>>
      %dma_wait3A_174 = tpu.memref_squeeze %dma_wait3A_173 : memref<1x48x128xf32, #tpu.memory_space<hbm>> -> memref<48x128xf32, #tpu.memory_space<hbm>>
      %dma_wait3A_175 = arith.constant 0 : i32
      %dma_wait3A_176 = tpu.memref_slice %arg5[%arg0, %add3A_113, %dma_wait3A_175] : memref<2x10240x128xf32, #tpu.memory_space<hbm>> -> memref<1x48x128xf32, #tpu.memory_space<hbm>>
      %dma_wait3A_177 = tpu.memref_squeeze %dma_wait3A_176 : memref<1x48x128xf32, #tpu.memory_space<hbm>> -> memref<48x128xf32, #tpu.memory_space<hbm>>
      tpu.wait_dma2 semaphore(%run_scoped3A : memref<!tpu.dma_semaphore, #tpu.memory_space<semaphore_mem>>) src(%arg14 : memref<48x128xf32, #tpu.memory_space<vmem>>) dst(%dma_wait3A_177 : memref<48x128xf32, #tpu.memory_space<hbm>>)
      tpu.yield
    }) : () -> ()
    %mul3A_114 = arith.constant 640 : i32
    %mul3A_115 = arith.muli %arg1, %mul3A_114 : i32
    %add3A_116 = arith.constant 48 : i32
    %add3A_117 = arith.addi %mul3A_115, %add3A_116 : i32
    "tpu.region"() ({
      %run_scoped3A = tpu.sem_alloc : memref<!tpu.dma_semaphore, #tpu.memory_space<semaphore_mem>>
      %dma_start3A_166 = arith.constant 0 : i32
      %dma_start3A_167 = tpu.memref_slice %arg18[%add3A_117, %dma_start3A_166] : memref<10240x128xf32, #tpu.memory_space<vmem_shared>> -> memref<48x128xf32, #tpu.memory_space<vmem_shared>>
      %dma_start3A_168 = arith.constant 0 : i32
      %dma_start3A_169 = tpu.memref_slice %arg18[%add3A_117, %dma_start3A_168] : memref<10240x128xf32, #tpu.memory_space<vmem_shared>> -> memref<48x128xf32, #tpu.memory_space<vmem_shared>>
      tpu.enqueue_dma source(%dma_start3A_169 : memref<48x128xf32, #tpu.memory_space<vmem_shared>>) target(%arg14 : memref<48x128xf32, #tpu.memory_space<vmem>>) target_semaphore(%run_scoped3A : memref<!tpu.dma_semaphore, #tpu.memory_space<semaphore_mem>>)
      %dma_wait3A_170 = arith.constant 0 : i32
      %dma_wait3A_171 = tpu.memref_slice %arg18[%add3A_117, %dma_wait3A_170] : memref<10240x128xf32, #tpu.memory_space<vmem_shared>> -> memref<48x128xf32, #tpu.memory_space<vmem_shared>>
      %dma_wait3A_172 = arith.constant 0 : i32
      %dma_wait3A_173 = tpu.memref_slice %arg18[%add3A_117, %dma_wait3A_172] : memref<10240x128xf32, #tpu.memory_space<vmem_shared>> -> memref<48x128xf32, #tpu.memory_space<vmem_shared>>
      tpu.wait_dma2 semaphore(%run_scoped3A : memref<!tpu.dma_semaphore, #tpu.memory_space<semaphore_mem>>) src(%dma_wait3A_173 : memref<48x128xf32, #tpu.memory_space<vmem_shared>>) dst(%arg14 : memref<48x128xf32, #tpu.memory_space<vmem>>)
      tpu.yield
    }) : () -> ()
    "tpu.region"() ({
      %run_scoped3A = tpu.sem_alloc : memref<!tpu.dma_semaphore, #tpu.memory_space<semaphore_mem>>
      %dma_start3A_166 = arith.constant 0 : i32
      %dma_start3A_167 = tpu.memref_slice %arg5[%arg0, %add3A_117, %dma_start3A_166] : memref<2x10240x128xf32, #tpu.memory_space<hbm>> -> memref<1x48x128xf32, #tpu.memory_space<hbm>>
      %dma_start3A_168 = tpu.memref_squeeze %dma_start3A_167 : memref<1x48x128xf32, #tpu.memory_space<hbm>> -> memref<48x128xf32, #tpu.memory_space<hbm>>
      %dma_start3A_169 = arith.constant 0 : i32
      %dma_start3A_170 = tpu.memref_slice %arg5[%arg0, %add3A_117, %dma_start3A_169] : memref<2x10240x128xf32, #tpu.memory_space<hbm>> -> memref<1x48x128xf32, #tpu.memory_space<hbm>>
      %dma_start3A_171 = tpu.memref_squeeze %dma_start3A_170 : memref<1x48x128xf32, #tpu.memory_space<hbm>> -> memref<48x128xf32, #tpu.memory_space<hbm>>
      tpu.enqueue_dma source(%arg14 : memref<48x128xf32, #tpu.memory_space<vmem>>) target(%dma_start3A_171 : memref<48x128xf32, #tpu.memory_space<hbm>>) target_semaphore(%run_scoped3A : memref<!tpu.dma_semaphore, #tpu.memory_space<semaphore_mem>>)
      %dma_wait3A_172 = arith.constant 0 : i32
      %dma_wait3A_173 = tpu.memref_slice %arg5[%arg0, %add3A_117, %dma_wait3A_172] : memref<2x10240x128xf32, #tpu.memory_space<hbm>> -> memref<1x48x128xf32, #tpu.memory_space<hbm>>
      %dma_wait3A_174 = tpu.memref_squeeze %dma_wait3A_173 : memref<1x48x128xf32, #tpu.memory_space<hbm>> -> memref<48x128xf32, #tpu.memory_space<hbm>>
      %dma_wait3A_175 = arith.constant 0 : i32
      %dma_wait3A_176 = tpu.memref_slice %arg5[%arg0, %add3A_117, %dma_wait3A_175] : memref<2x10240x128xf32, #tpu.memory_space<hbm>> -> memref<1x48x128xf32, #tpu.memory_space<hbm>>
      %dma_wait3A_177 = tpu.memref_squeeze %dma_wait3A_176 : memref<1x48x128xf32, #tpu.memory_space<hbm>> -> memref<48x128xf32, #tpu.memory_space<hbm>>
      tpu.wait_dma2 semaphore(%run_scoped3A : memref<!tpu.dma_semaphore, #tpu.memory_space<semaphore_mem>>) src(%arg14 : memref<48x128xf32, #tpu.memory_space<vmem>>) dst(%dma_wait3A_177 : memref<48x128xf32, #tpu.memory_space<hbm>>)
      tpu.yield
    }) : () -> ()
    %mul3A_118 = arith.constant 640 : i32
    %mul3A_119 = arith.muli %arg1, %mul3A_118 : i32
    %add3A_120 = arith.constant 96 : i32
    %add3A_121 = arith.addi %mul3A_119, %add3A_120 : i32
    "tpu.region"() ({
      %run_scoped3A = tpu.sem_alloc : memref<!tpu.dma_semaphore, #tpu.memory_space<semaphore_mem>>
      %dma_start3A_166 = arith.constant 0 : i32
      %dma_start3A_167 = tpu.memref_slice %arg18[%add3A_121, %dma_start3A_166] : memref<10240x128xf32, #tpu.memory_space<vmem_shared>> -> memref<48x128xf32, #tpu.memory_space<vmem_shared>>
      %dma_start3A_168 = arith.constant 0 : i32
      %dma_start3A_169 = tpu.memref_slice %arg18[%add3A_121, %dma_start3A_168] : memref<10240x128xf32, #tpu.memory_space<vmem_shared>> -> memref<48x128xf32, #tpu.memory_space<vmem_shared>>
      tpu.enqueue_dma source(%dma_start3A_169 : memref<48x128xf32, #tpu.memory_space<vmem_shared>>) target(%arg14 : memref<48x128xf32, #tpu.memory_space<vmem>>) target_semaphore(%run_scoped3A : memref<!tpu.dma_semaphore, #tpu.memory_space<semaphore_mem>>)
      %dma_wait3A_170 = arith.constant 0 : i32
      %dma_wait3A_171 = tpu.memref_slice %arg18[%add3A_121, %dma_wait3A_170] : memref<10240x128xf32, #tpu.memory_space<vmem_shared>> -> memref<48x128xf32, #tpu.memory_space<vmem_shared>>
      %dma_wait3A_172 = arith.constant 0 : i32
      %dma_wait3A_173 = tpu.memref_slice %arg18[%add3A_121, %dma_wait3A_172] : memref<10240x128xf32, #tpu.memory_space<vmem_shared>> -> memref<48x128xf32, #tpu.memory_space<vmem_shared>>
      tpu.wait_dma2 semaphore(%run_scoped3A : memref<!tpu.dma_semaphore, #tpu.memory_space<semaphore_mem>>) src(%dma_wait3A_173 : memref<48x128xf32, #tpu.memory_space<vmem_shared>>) dst(%arg14 : memref<48x128xf32, #tpu.memory_space<vmem>>)
      tpu.yield
    }) : () -> ()
    "tpu.region"() ({
      %run_scoped3A = tpu.sem_alloc : memref<!tpu.dma_semaphore, #tpu.memory_space<semaphore_mem>>
      %dma_start3A_166 = arith.constant 0 : i32
      %dma_start3A_167 = tpu.memref_slice %arg5[%arg0, %add3A_121, %dma_start3A_166] : memref<2x10240x128xf32, #tpu.memory_space<hbm>> -> memref<1x48x128xf32, #tpu.memory_space<hbm>>
      %dma_start3A_168 = tpu.memref_squeeze %dma_start3A_167 : memref<1x48x128xf32, #tpu.memory_space<hbm>> -> memref<48x128xf32, #tpu.memory_space<hbm>>
      %dma_start3A_169 = arith.constant 0 : i32
      %dma_start3A_170 = tpu.memref_slice %arg5[%arg0, %add3A_121, %dma_start3A_169] : memref<2x10240x128xf32, #tpu.memory_space<hbm>> -> memref<1x48x128xf32, #tpu.memory_space<hbm>>
      %dma_start3A_171 = tpu.memref_squeeze %dma_start3A_170 : memref<1x48x128xf32, #tpu.memory_space<hbm>> -> memref<48x128xf32, #tpu.memory_space<hbm>>
      tpu.enqueue_dma source(%arg14 : memref<48x128xf32, #tpu.memory_space<vmem>>) target(%dma_start3A_171 : memref<48x128xf32, #tpu.memory_space<hbm>>) target_semaphore(%run_scoped3A : memref<!tpu.dma_semaphore, #tpu.memory_space<semaphore_mem>>)
      %dma_wait3A_172 = arith.constant 0 : i32
      %dma_wait3A_173 = tpu.memref_slice %arg5[%arg0, %add3A_121, %dma_wait3A_172] : memref<2x10240x128xf32, #tpu.memory_space<hbm>> -> memref<1x48x128xf32, #tpu.memory_space<hbm>>
      %dma_wait3A_174 = tpu.memref_squeeze %dma_wait3A_173 : memref<1x48x128xf32, #tpu.memory_space<hbm>> -> memref<48x128xf32, #tpu.memory_space<hbm>>
      %dma_wait3A_175 = arith.constant 0 : i32
      %dma_wait3A_176 = tpu.memref_slice %arg5[%arg0, %add3A_121, %dma_wait3A_175] : memref<2x10240x128xf32, #tpu.memory_space<hbm>> -> memref<1x48x128xf32, #tpu.memory_space<hbm>>
      %dma_wait3A_177 = tpu.memref_squeeze %dma_wait3A_176 : memref<1x48x128xf32, #tpu.memory_space<hbm>> -> memref<48x128xf32, #tpu.memory_space<hbm>>
      tpu.wait_dma2 semaphore(%run_scoped3A : memref<!tpu.dma_semaphore, #tpu.memory_space<semaphore_mem>>) src(%arg14 : memref<48x128xf32, #tpu.memory_space<vmem>>) dst(%dma_wait3A_177 : memref<48x128xf32, #tpu.memory_space<hbm>>)
      tpu.yield
    }) : () -> ()
    %mul3A_122 = arith.constant 640 : i32
    %mul3A_123 = arith.muli %arg1, %mul3A_122 : i32
    %add3A_124 = arith.constant 144 : i32
    %add3A_125 = arith.addi %mul3A_123, %add3A_124 : i32
    "tpu.region"() ({
      %run_scoped3A = tpu.sem_alloc : memref<!tpu.dma_semaphore, #tpu.memory_space<semaphore_mem>>
      %dma_start3A_166 = arith.constant 0 : i32
      %dma_start3A_167 = tpu.memref_slice %arg18[%add3A_125, %dma_start3A_166] : memref<10240x128xf32, #tpu.memory_space<vmem_shared>> -> memref<48x128xf32, #tpu.memory_space<vmem_shared>>
      %dma_start3A_168 = arith.constant 0 : i32
      %dma_start3A_169 = tpu.memref_slice %arg18[%add3A_125, %dma_start3A_168] : memref<10240x128xf32, #tpu.memory_space<vmem_shared>> -> memref<48x128xf32, #tpu.memory_space<vmem_shared>>
      tpu.enqueue_dma source(%dma_start3A_169 : memref<48x128xf32, #tpu.memory_space<vmem_shared>>) target(%arg14 : memref<48x128xf32, #tpu.memory_space<vmem>>) target_semaphore(%run_scoped3A : memref<!tpu.dma_semaphore, #tpu.memory_space<semaphore_mem>>)
      %dma_wait3A_170 = arith.constant 0 : i32
      %dma_wait3A_171 = tpu.memref_slice %arg18[%add3A_125, %dma_wait3A_170] : memref<10240x128xf32, #tpu.memory_space<vmem_shared>> -> memref<48x128xf32, #tpu.memory_space<vmem_shared>>
      %dma_wait3A_172 = arith.constant 0 : i32
      %dma_wait3A_173 = tpu.memref_slice %arg18[%add3A_125, %dma_wait3A_172] : memref<10240x128xf32, #tpu.memory_space<vmem_shared>> -> memref<48x128xf32, #tpu.memory_space<vmem_shared>>
      tpu.wait_dma2 semaphore(%run_scoped3A : memref<!tpu.dma_semaphore, #tpu.memory_space<semaphore_mem>>) src(%dma_wait3A_173 : memref<48x128xf32, #tpu.memory_space<vmem_shared>>) dst(%arg14 : memref<48x128xf32, #tpu.memory_space<vmem>>)
      tpu.yield
    }) : () -> ()
    "tpu.region"() ({
      %run_scoped3A = tpu.sem_alloc : memref<!tpu.dma_semaphore, #tpu.memory_space<semaphore_mem>>
      %dma_start3A_166 = arith.constant 0 : i32
      %dma_start3A_167 = tpu.memref_slice %arg5[%arg0, %add3A_125, %dma_start3A_166] : memref<2x10240x128xf32, #tpu.memory_space<hbm>> -> memref<1x48x128xf32, #tpu.memory_space<hbm>>
      %dma_start3A_168 = tpu.memref_squeeze %dma_start3A_167 : memref<1x48x128xf32, #tpu.memory_space<hbm>> -> memref<48x128xf32, #tpu.memory_space<hbm>>
      %dma_start3A_169 = arith.constant 0 : i32
      %dma_start3A_170 = tpu.memref_slice %arg5[%arg0, %add3A_125, %dma_start3A_169] : memref<2x10240x128xf32, #tpu.memory_space<hbm>> -> memref<1x48x128xf32, #tpu.memory_space<hbm>>
      %dma_start3A_171 = tpu.memref_squeeze %dma_start3A_170 : memref<1x48x128xf32, #tpu.memory_space<hbm>> -> memref<48x128xf32, #tpu.memory_space<hbm>>
      tpu.enqueue_dma source(%arg14 : memref<48x128xf32, #tpu.memory_space<vmem>>) target(%dma_start3A_171 : memref<48x128xf32, #tpu.memory_space<hbm>>) target_semaphore(%run_scoped3A : memref<!tpu.dma_semaphore, #tpu.memory_space<semaphore_mem>>)
      %dma_wait3A_172 = arith.constant 0 : i32
      %dma_wait3A_173 = tpu.memref_slice %arg5[%arg0, %add3A_125, %dma_wait3A_172] : memref<2x10240x128xf32, #tpu.memory_space<hbm>> -> memref<1x48x128xf32, #tpu.memory_space<hbm>>
      %dma_wait3A_174 = tpu.memref_squeeze %dma_wait3A_173 : memref<1x48x128xf32, #tpu.memory_space<hbm>> -> memref<48x128xf32, #tpu.memory_space<hbm>>
      %dma_wait3A_175 = arith.constant 0 : i32
      %dma_wait3A_176 = tpu.memref_slice %arg5[%arg0, %add3A_125, %dma_wait3A_175] : memref<2x10240x128xf32, #tpu.memory_space<hbm>> -> memref<1x48x128xf32, #tpu.memory_space<hbm>>
      %dma_wait3A_177 = tpu.memref_squeeze %dma_wait3A_176 : memref<1x48x128xf32, #tpu.memory_space<hbm>> -> memref<48x128xf32, #tpu.memory_space<hbm>>
      tpu.wait_dma2 semaphore(%run_scoped3A : memref<!tpu.dma_semaphore, #tpu.memory_space<semaphore_mem>>) src(%arg14 : memref<48x128xf32, #tpu.memory_space<vmem>>) dst(%dma_wait3A_177 : memref<48x128xf32, #tpu.memory_space<hbm>>)
      tpu.yield
    }) : () -> ()
    %mul3A_126 = arith.constant 640 : i32
    %mul3A_127 = arith.muli %arg1, %mul3A_126 : i32
    %add3A_128 = arith.constant 192 : i32
    %add3A_129 = arith.addi %mul3A_127, %add3A_128 : i32
    "tpu.region"() ({
      %run_scoped3A = tpu.sem_alloc : memref<!tpu.dma_semaphore, #tpu.memory_space<semaphore_mem>>
      %dma_start3A_166 = arith.constant 0 : i32
      %dma_start3A_167 = tpu.memref_slice %arg18[%add3A_129, %dma_start3A_166] : memref<10240x128xf32, #tpu.memory_space<vmem_shared>> -> memref<48x128xf32, #tpu.memory_space<vmem_shared>>
      %dma_start3A_168 = arith.constant 0 : i32
      %dma_start3A_169 = tpu.memref_slice %arg18[%add3A_129, %dma_start3A_168] : memref<10240x128xf32, #tpu.memory_space<vmem_shared>> -> memref<48x128xf32, #tpu.memory_space<vmem_shared>>
      tpu.enqueue_dma source(%dma_start3A_169 : memref<48x128xf32, #tpu.memory_space<vmem_shared>>) target(%arg14 : memref<48x128xf32, #tpu.memory_space<vmem>>) target_semaphore(%run_scoped3A : memref<!tpu.dma_semaphore, #tpu.memory_space<semaphore_mem>>)
      %dma_wait3A_170 = arith.constant 0 : i32
      %dma_wait3A_171 = tpu.memref_slice %arg18[%add3A_129, %dma_wait3A_170] : memref<10240x128xf32, #tpu.memory_space<vmem_shared>> -> memref<48x128xf32, #tpu.memory_space<vmem_shared>>
      %dma_wait3A_172 = arith.constant 0 : i32
      %dma_wait3A_173 = tpu.memref_slice %arg18[%add3A_129, %dma_wait3A_172] : memref<10240x128xf32, #tpu.memory_space<vmem_shared>> -> memref<48x128xf32, #tpu.memory_space<vmem_shared>>
      tpu.wait_dma2 semaphore(%run_scoped3A : memref<!tpu.dma_semaphore, #tpu.memory_space<semaphore_mem>>) src(%dma_wait3A_173 : memref<48x128xf32, #tpu.memory_space<vmem_shared>>) dst(%arg14 : memref<48x128xf32, #tpu.memory_space<vmem>>)
      tpu.yield
    }) : () -> ()
    "tpu.region"() ({
      %run_scoped3A = tpu.sem_alloc : memref<!tpu.dma_semaphore, #tpu.memory_space<semaphore_mem>>
      %dma_start3A_166 = arith.constant 0 : i32
      %dma_start3A_167 = tpu.memref_slice %arg5[%arg0, %add3A_129, %dma_start3A_166] : memref<2x10240x128xf32, #tpu.memory_space<hbm>> -> memref<1x48x128xf32, #tpu.memory_space<hbm>>
      %dma_start3A_168 = tpu.memref_squeeze %dma_start3A_167 : memref<1x48x128xf32, #tpu.memory_space<hbm>> -> memref<48x128xf32, #tpu.memory_space<hbm>>
      %dma_start3A_169 = arith.constant 0 : i32
      %dma_start3A_170 = tpu.memref_slice %arg5[%arg0, %add3A_129, %dma_start3A_169] : memref<2x10240x128xf32, #tpu.memory_space<hbm>> -> memref<1x48x128xf32, #tpu.memory_space<hbm>>
      %dma_start3A_171 = tpu.memref_squeeze %dma_start3A_170 : memref<1x48x128xf32, #tpu.memory_space<hbm>> -> memref<48x128xf32, #tpu.memory_space<hbm>>
      tpu.enqueue_dma source(%arg14 : memref<48x128xf32, #tpu.memory_space<vmem>>) target(%dma_start3A_171 : memref<48x128xf32, #tpu.memory_space<hbm>>) target_semaphore(%run_scoped3A : memref<!tpu.dma_semaphore, #tpu.memory_space<semaphore_mem>>)
      %dma_wait3A_172 = arith.constant 0 : i32
      %dma_wait3A_173 = tpu.memref_slice %arg5[%arg0, %add3A_129, %dma_wait3A_172] : memref<2x10240x128xf32, #tpu.memory_space<hbm>> -> memref<1x48x128xf32, #tpu.memory_space<hbm>>
      %dma_wait3A_174 = tpu.memref_squeeze %dma_wait3A_173 : memref<1x48x128xf32, #tpu.memory_space<hbm>> -> memref<48x128xf32, #tpu.memory_space<hbm>>
      %dma_wait3A_175 = arith.constant 0 : i32
      %dma_wait3A_176 = tpu.memref_slice %arg5[%arg0, %add3A_129, %dma_wait3A_175] : memref<2x10240x128xf32, #tpu.memory_space<hbm>> -> memref<1x48x128xf32, #tpu.memory_space<hbm>>
      %dma_wait3A_177 = tpu.memref_squeeze %dma_wait3A_176 : memref<1x48x128xf32, #tpu.memory_space<hbm>> -> memref<48x128xf32, #tpu.memory_space<hbm>>
      tpu.wait_dma2 semaphore(%run_scoped3A : memref<!tpu.dma_semaphore, #tpu.memory_space<semaphore_mem>>) src(%arg14 : memref<48x128xf32, #tpu.memory_space<vmem>>) dst(%dma_wait3A_177 : memref<48x128xf32, #tpu.memory_space<hbm>>)
      tpu.yield
    }) : () -> ()
    %mul3A_130 = arith.constant 640 : i32
    %mul3A_131 = arith.muli %arg1, %mul3A_130 : i32
    %add3A_132 = arith.constant 240 : i32
    %add3A_133 = arith.addi %mul3A_131, %add3A_132 : i32
    "tpu.region"() ({
      %run_scoped3A = tpu.sem_alloc : memref<!tpu.dma_semaphore, #tpu.memory_space<semaphore_mem>>
      %dma_start3A_166 = arith.constant 0 : i32
      %dma_start3A_167 = tpu.memref_slice %arg18[%add3A_133, %dma_start3A_166] : memref<10240x128xf32, #tpu.memory_space<vmem_shared>> -> memref<48x128xf32, #tpu.memory_space<vmem_shared>>
      %dma_start3A_168 = arith.constant 0 : i32
      %dma_start3A_169 = tpu.memref_slice %arg18[%add3A_133, %dma_start3A_168] : memref<10240x128xf32, #tpu.memory_space<vmem_shared>> -> memref<48x128xf32, #tpu.memory_space<vmem_shared>>
      tpu.enqueue_dma source(%dma_start3A_169 : memref<48x128xf32, #tpu.memory_space<vmem_shared>>) target(%arg14 : memref<48x128xf32, #tpu.memory_space<vmem>>) target_semaphore(%run_scoped3A : memref<!tpu.dma_semaphore, #tpu.memory_space<semaphore_mem>>)
      %dma_wait3A_170 = arith.constant 0 : i32
      %dma_wait3A_171 = tpu.memref_slice %arg18[%add3A_133, %dma_wait3A_170] : memref<10240x128xf32, #tpu.memory_space<vmem_shared>> -> memref<48x128xf32, #tpu.memory_space<vmem_shared>>
      %dma_wait3A_172 = arith.constant 0 : i32
      %dma_wait3A_173 = tpu.memref_slice %arg18[%add3A_133, %dma_wait3A_172] : memref<10240x128xf32, #tpu.memory_space<vmem_shared>> -> memref<48x128xf32, #tpu.memory_space<vmem_shared>>
      tpu.wait_dma2 semaphore(%run_scoped3A : memref<!tpu.dma_semaphore, #tpu.memory_space<semaphore_mem>>) src(%dma_wait3A_173 : memref<48x128xf32, #tpu.memory_space<vmem_shared>>) dst(%arg14 : memref<48x128xf32, #tpu.memory_space<vmem>>)
      tpu.yield
    }) : () -> ()
    "tpu.region"() ({
      %run_scoped3A = tpu.sem_alloc : memref<!tpu.dma_semaphore, #tpu.memory_space<semaphore_mem>>
      %dma_start3A_166 = arith.constant 0 : i32
      %dma_start3A_167 = tpu.memref_slice %arg5[%arg0, %add3A_133, %dma_start3A_166] : memref<2x10240x128xf32, #tpu.memory_space<hbm>> -> memref<1x48x128xf32, #tpu.memory_space<hbm>>
      %dma_start3A_168 = tpu.memref_squeeze %dma_start3A_167 : memref<1x48x128xf32, #tpu.memory_space<hbm>> -> memref<48x128xf32, #tpu.memory_space<hbm>>
      %dma_start3A_169 = arith.constant 0 : i32
      %dma_start3A_170 = tpu.memref_slice %arg5[%arg0, %add3A_133, %dma_start3A_169] : memref<2x10240x128xf32, #tpu.memory_space<hbm>> -> memref<1x48x128xf32, #tpu.memory_space<hbm>>
      %dma_start3A_171 = tpu.memref_squeeze %dma_start3A_170 : memref<1x48x128xf32, #tpu.memory_space<hbm>> -> memref<48x128xf32, #tpu.memory_space<hbm>>
      tpu.enqueue_dma source(%arg14 : memref<48x128xf32, #tpu.memory_space<vmem>>) target(%dma_start3A_171 : memref<48x128xf32, #tpu.memory_space<hbm>>) target_semaphore(%run_scoped3A : memref<!tpu.dma_semaphore, #tpu.memory_space<semaphore_mem>>)
      %dma_wait3A_172 = arith.constant 0 : i32
      %dma_wait3A_173 = tpu.memref_slice %arg5[%arg0, %add3A_133, %dma_wait3A_172] : memref<2x10240x128xf32, #tpu.memory_space<hbm>> -> memref<1x48x128xf32, #tpu.memory_space<hbm>>
      %dma_wait3A_174 = tpu.memref_squeeze %dma_wait3A_173 : memref<1x48x128xf32, #tpu.memory_space<hbm>> -> memref<48x128xf32, #tpu.memory_space<hbm>>
      %dma_wait3A_175 = arith.constant 0 : i32
      %dma_wait3A_176 = tpu.memref_slice %arg5[%arg0, %add3A_133, %dma_wait3A_175] : memref<2x10240x128xf32, #tpu.memory_space<hbm>> -> memref<1x48x128xf32, #tpu.memory_space<hbm>>
      %dma_wait3A_177 = tpu.memref_squeeze %dma_wait3A_176 : memref<1x48x128xf32, #tpu.memory_space<hbm>> -> memref<48x128xf32, #tpu.memory_space<hbm>>
      tpu.wait_dma2 semaphore(%run_scoped3A : memref<!tpu.dma_semaphore, #tpu.memory_space<semaphore_mem>>) src(%arg14 : memref<48x128xf32, #tpu.memory_space<vmem>>) dst(%dma_wait3A_177 : memref<48x128xf32, #tpu.memory_space<hbm>>)
      tpu.yield
    }) : () -> ()
    %mul3A_134 = arith.constant 640 : i32
    %mul3A_135 = arith.muli %arg1, %mul3A_134 : i32
    %add3A_136 = arith.constant 288 : i32
    %add3A_137 = arith.addi %mul3A_135, %add3A_136 : i32
    "tpu.region"() ({
      %run_scoped3A = tpu.sem_alloc : memref<!tpu.dma_semaphore, #tpu.memory_space<semaphore_mem>>
      %dma_start3A_166 = arith.constant 0 : i32
      %dma_start3A_167 = tpu.memref_slice %arg18[%add3A_137, %dma_start3A_166] : memref<10240x128xf32, #tpu.memory_space<vmem_shared>> -> memref<48x128xf32, #tpu.memory_space<vmem_shared>>
      %dma_start3A_168 = arith.constant 0 : i32
      %dma_start3A_169 = tpu.memref_slice %arg18[%add3A_137, %dma_start3A_168] : memref<10240x128xf32, #tpu.memory_space<vmem_shared>> -> memref<48x128xf32, #tpu.memory_space<vmem_shared>>
      tpu.enqueue_dma source(%dma_start3A_169 : memref<48x128xf32, #tpu.memory_space<vmem_shared>>) target(%arg14 : memref<48x128xf32, #tpu.memory_space<vmem>>) target_semaphore(%run_scoped3A : memref<!tpu.dma_semaphore, #tpu.memory_space<semaphore_mem>>)
      %dma_wait3A_170 = arith.constant 0 : i32
      %dma_wait3A_171 = tpu.memref_slice %arg18[%add3A_137, %dma_wait3A_170] : memref<10240x128xf32, #tpu.memory_space<vmem_shared>> -> memref<48x128xf32, #tpu.memory_space<vmem_shared>>
      %dma_wait3A_172 = arith.constant 0 : i32
      %dma_wait3A_173 = tpu.memref_slice %arg18[%add3A_137, %dma_wait3A_172] : memref<10240x128xf32, #tpu.memory_space<vmem_shared>> -> memref<48x128xf32, #tpu.memory_space<vmem_shared>>
      tpu.wait_dma2 semaphore(%run_scoped3A : memref<!tpu.dma_semaphore, #tpu.memory_space<semaphore_mem>>) src(%dma_wait3A_173 : memref<48x128xf32, #tpu.memory_space<vmem_shared>>) dst(%arg14 : memref<48x128xf32, #tpu.memory_space<vmem>>)
      tpu.yield
    }) : () -> ()
    "tpu.region"() ({
      %run_scoped3A = tpu.sem_alloc : memref<!tpu.dma_semaphore, #tpu.memory_space<semaphore_mem>>
      %dma_start3A_166 = arith.constant 0 : i32
      %dma_start3A_167 = tpu.memref_slice %arg5[%arg0, %add3A_137, %dma_start3A_166] : memref<2x10240x128xf32, #tpu.memory_space<hbm>> -> memref<1x48x128xf32, #tpu.memory_space<hbm>>
      %dma_start3A_168 = tpu.memref_squeeze %dma_start3A_167 : memref<1x48x128xf32, #tpu.memory_space<hbm>> -> memref<48x128xf32, #tpu.memory_space<hbm>>
      %dma_start3A_169 = arith.constant 0 : i32
      %dma_start3A_170 = tpu.memref_slice %arg5[%arg0, %add3A_137, %dma_start3A_169] : memref<2x10240x128xf32, #tpu.memory_space<hbm>> -> memref<1x48x128xf32, #tpu.memory_space<hbm>>
      %dma_start3A_171 = tpu.memref_squeeze %dma_start3A_170 : memref<1x48x128xf32, #tpu.memory_space<hbm>> -> memref<48x128xf32, #tpu.memory_space<hbm>>
      tpu.enqueue_dma source(%arg14 : memref<48x128xf32, #tpu.memory_space<vmem>>) target(%dma_start3A_171 : memref<48x128xf32, #tpu.memory_space<hbm>>) target_semaphore(%run_scoped3A : memref<!tpu.dma_semaphore, #tpu.memory_space<semaphore_mem>>)
      %dma_wait3A_172 = arith.constant 0 : i32
      %dma_wait3A_173 = tpu.memref_slice %arg5[%arg0, %add3A_137, %dma_wait3A_172] : memref<2x10240x128xf32, #tpu.memory_space<hbm>> -> memref<1x48x128xf32, #tpu.memory_space<hbm>>
      %dma_wait3A_174 = tpu.memref_squeeze %dma_wait3A_173 : memref<1x48x128xf32, #tpu.memory_space<hbm>> -> memref<48x128xf32, #tpu.memory_space<hbm>>
      %dma_wait3A_175 = arith.constant 0 : i32
      %dma_wait3A_176 = tpu.memref_slice %arg5[%arg0, %add3A_137, %dma_wait3A_175] : memref<2x10240x128xf32, #tpu.memory_space<hbm>> -> memref<1x48x128xf32, #tpu.memory_space<hbm>>
      %dma_wait3A_177 = tpu.memref_squeeze %dma_wait3A_176 : memref<1x48x128xf32, #tpu.memory_space<hbm>> -> memref<48x128xf32, #tpu.memory_space<hbm>>
      tpu.wait_dma2 semaphore(%run_scoped3A : memref<!tpu.dma_semaphore, #tpu.memory_space<semaphore_mem>>) src(%arg14 : memref<48x128xf32, #tpu.memory_space<vmem>>) dst(%dma_wait3A_177 : memref<48x128xf32, #tpu.memory_space<hbm>>)
      tpu.yield
    }) : () -> ()
    %mul3A_138 = arith.constant 640 : i32
    %mul3A_139 = arith.muli %arg1, %mul3A_138 : i32
    %add3A_140 = arith.constant 336 : i32
    %add3A_141 = arith.addi %mul3A_139, %add3A_140 : i32
    "tpu.region"() ({
      %run_scoped3A = tpu.sem_alloc : memref<!tpu.dma_semaphore, #tpu.memory_space<semaphore_mem>>
      %dma_start3A_166 = arith.constant 0 : i32
      %dma_start3A_167 = tpu.memref_slice %arg18[%add3A_141, %dma_start3A_166] : memref<10240x128xf32, #tpu.memory_space<vmem_shared>> -> memref<48x128xf32, #tpu.memory_space<vmem_shared>>
      %dma_start3A_168 = arith.constant 0 : i32
      %dma_start3A_169 = tpu.memref_slice %arg18[%add3A_141, %dma_start3A_168] : memref<10240x128xf32, #tpu.memory_space<vmem_shared>> -> memref<48x128xf32, #tpu.memory_space<vmem_shared>>
      tpu.enqueue_dma source(%dma_start3A_169 : memref<48x128xf32, #tpu.memory_space<vmem_shared>>) target(%arg14 : memref<48x128xf32, #tpu.memory_space<vmem>>) target_semaphore(%run_scoped3A : memref<!tpu.dma_semaphore, #tpu.memory_space<semaphore_mem>>)
      %dma_wait3A_170 = arith.constant 0 : i32
      %dma_wait3A_171 = tpu.memref_slice %arg18[%add3A_141, %dma_wait3A_170] : memref<10240x128xf32, #tpu.memory_space<vmem_shared>> -> memref<48x128xf32, #tpu.memory_space<vmem_shared>>
      %dma_wait3A_172 = arith.constant 0 : i32
      %dma_wait3A_173 = tpu.memref_slice %arg18[%add3A_141, %dma_wait3A_172] : memref<10240x128xf32, #tpu.memory_space<vmem_shared>> -> memref<48x128xf32, #tpu.memory_space<vmem_shared>>
      tpu.wait_dma2 semaphore(%run_scoped3A : memref<!tpu.dma_semaphore, #tpu.memory_space<semaphore_mem>>) src(%dma_wait3A_173 : memref<48x128xf32, #tpu.memory_space<vmem_shared>>) dst(%arg14 : memref<48x128xf32, #tpu.memory_space<vmem>>)
      tpu.yield
    }) : () -> ()
    "tpu.region"() ({
      %run_scoped3A = tpu.sem_alloc : memref<!tpu.dma_semaphore, #tpu.memory_space<semaphore_mem>>
      %dma_start3A_166 = arith.constant 0 : i32
      %dma_start3A_167 = tpu.memref_slice %arg5[%arg0, %add3A_141, %dma_start3A_166] : memref<2x10240x128xf32, #tpu.memory_space<hbm>> -> memref<1x48x128xf32, #tpu.memory_space<hbm>>
      %dma_start3A_168 = tpu.memref_squeeze %dma_start3A_167 : memref<1x48x128xf32, #tpu.memory_space<hbm>> -> memref<48x128xf32, #tpu.memory_space<hbm>>
      %dma_start3A_169 = arith.constant 0 : i32
      %dma_start3A_170 = tpu.memref_slice %arg5[%arg0, %add3A_141, %dma_start3A_169] : memref<2x10240x128xf32, #tpu.memory_space<hbm>> -> memref<1x48x128xf32, #tpu.memory_space<hbm>>
      %dma_start3A_171 = tpu.memref_squeeze %dma_start3A_170 : memref<1x48x128xf32, #tpu.memory_space<hbm>> -> memref<48x128xf32, #tpu.memory_space<hbm>>
      tpu.enqueue_dma source(%arg14 : memref<48x128xf32, #tpu.memory_space<vmem>>) target(%dma_start3A_171 : memref<48x128xf32, #tpu.memory_space<hbm>>) target_semaphore(%run_scoped3A : memref<!tpu.dma_semaphore, #tpu.memory_space<semaphore_mem>>)
      %dma_wait3A_172 = arith.constant 0 : i32
      %dma_wait3A_173 = tpu.memref_slice %arg5[%arg0, %add3A_141, %dma_wait3A_172] : memref<2x10240x128xf32, #tpu.memory_space<hbm>> -> memref<1x48x128xf32, #tpu.memory_space<hbm>>
      %dma_wait3A_174 = tpu.memref_squeeze %dma_wait3A_173 : memref<1x48x128xf32, #tpu.memory_space<hbm>> -> memref<48x128xf32, #tpu.memory_space<hbm>>
      %dma_wait3A_175 = arith.constant 0 : i32
      %dma_wait3A_176 = tpu.memref_slice %arg5[%arg0, %add3A_141, %dma_wait3A_175] : memref<2x10240x128xf32, #tpu.memory_space<hbm>> -> memref<1x48x128xf32, #tpu.memory_space<hbm>>
      %dma_wait3A_177 = tpu.memref_squeeze %dma_wait3A_176 : memref<1x48x128xf32, #tpu.memory_space<hbm>> -> memref<48x128xf32, #tpu.memory_space<hbm>>
      tpu.wait_dma2 semaphore(%run_scoped3A : memref<!tpu.dma_semaphore, #tpu.memory_space<semaphore_mem>>) src(%arg14 : memref<48x128xf32, #tpu.memory_space<vmem>>) dst(%dma_wait3A_177 : memref<48x128xf32, #tpu.memory_space<hbm>>)
      tpu.yield
    }) : () -> ()
    %mul3A_142 = arith.constant 640 : i32
    %mul3A_143 = arith.muli %arg1, %mul3A_142 : i32
    %add3A_144 = arith.constant 384 : i32
    %add3A_145 = arith.addi %mul3A_143, %add3A_144 : i32
    "tpu.region"() ({
      %run_scoped3A = tpu.sem_alloc : memref<!tpu.dma_semaphore, #tpu.memory_space<semaphore_mem>>
      %dma_start3A_166 = arith.constant 0 : i32
      %dma_start3A_167 = tpu.memref_slice %arg18[%add3A_145, %dma_start3A_166] : memref<10240x128xf32, #tpu.memory_space<vmem_shared>> -> memref<48x128xf32, #tpu.memory_space<vmem_shared>>
      %dma_start3A_168 = arith.constant 0 : i32
      %dma_start3A_169 = tpu.memref_slice %arg18[%add3A_145, %dma_start3A_168] : memref<10240x128xf32, #tpu.memory_space<vmem_shared>> -> memref<48x128xf32, #tpu.memory_space<vmem_shared>>
      tpu.enqueue_dma source(%dma_start3A_169 : memref<48x128xf32, #tpu.memory_space<vmem_shared>>) target(%arg14 : memref<48x128xf32, #tpu.memory_space<vmem>>) target_semaphore(%run_scoped3A : memref<!tpu.dma_semaphore, #tpu.memory_space<semaphore_mem>>)
      %dma_wait3A_170 = arith.constant 0 : i32
      %dma_wait3A_171 = tpu.memref_slice %arg18[%add3A_145, %dma_wait3A_170] : memref<10240x128xf32, #tpu.memory_space<vmem_shared>> -> memref<48x128xf32, #tpu.memory_space<vmem_shared>>
      %dma_wait3A_172 = arith.constant 0 : i32
      %dma_wait3A_173 = tpu.memref_slice %arg18[%add3A_145, %dma_wait3A_172] : memref<10240x128xf32, #tpu.memory_space<vmem_shared>> -> memref<48x128xf32, #tpu.memory_space<vmem_shared>>
      tpu.wait_dma2 semaphore(%run_scoped3A : memref<!tpu.dma_semaphore, #tpu.memory_space<semaphore_mem>>) src(%dma_wait3A_173 : memref<48x128xf32, #tpu.memory_space<vmem_shared>>) dst(%arg14 : memref<48x128xf32, #tpu.memory_space<vmem>>)
      tpu.yield
    }) : () -> ()
    "tpu.region"() ({
      %run_scoped3A = tpu.sem_alloc : memref<!tpu.dma_semaphore, #tpu.memory_space<semaphore_mem>>
      %dma_start3A_166 = arith.constant 0 : i32
      %dma_start3A_167 = tpu.memref_slice %arg5[%arg0, %add3A_145, %dma_start3A_166] : memref<2x10240x128xf32, #tpu.memory_space<hbm>> -> memref<1x48x128xf32, #tpu.memory_space<hbm>>
      %dma_start3A_168 = tpu.memref_squeeze %dma_start3A_167 : memref<1x48x128xf32, #tpu.memory_space<hbm>> -> memref<48x128xf32, #tpu.memory_space<hbm>>
      %dma_start3A_169 = arith.constant 0 : i32
      %dma_start3A_170 = tpu.memref_slice %arg5[%arg0, %add3A_145, %dma_start3A_169] : memref<2x10240x128xf32, #tpu.memory_space<hbm>> -> memref<1x48x128xf32, #tpu.memory_space<hbm>>
      %dma_start3A_171 = tpu.memref_squeeze %dma_start3A_170 : memref<1x48x128xf32, #tpu.memory_space<hbm>> -> memref<48x128xf32, #tpu.memory_space<hbm>>
      tpu.enqueue_dma source(%arg14 : memref<48x128xf32, #tpu.memory_space<vmem>>) target(%dma_start3A_171 : memref<48x128xf32, #tpu.memory_space<hbm>>) target_semaphore(%run_scoped3A : memref<!tpu.dma_semaphore, #tpu.memory_space<semaphore_mem>>)
      %dma_wait3A_172 = arith.constant 0 : i32
      %dma_wait3A_173 = tpu.memref_slice %arg5[%arg0, %add3A_145, %dma_wait3A_172] : memref<2x10240x128xf32, #tpu.memory_space<hbm>> -> memref<1x48x128xf32, #tpu.memory_space<hbm>>
      %dma_wait3A_174 = tpu.memref_squeeze %dma_wait3A_173 : memref<1x48x128xf32, #tpu.memory_space<hbm>> -> memref<48x128xf32, #tpu.memory_space<hbm>>
      %dma_wait3A_175 = arith.constant 0 : i32
      %dma_wait3A_176 = tpu.memref_slice %arg5[%arg0, %add3A_145, %dma_wait3A_175] : memref<2x10240x128xf32, #tpu.memory_space<hbm>> -> memref<1x48x128xf32, #tpu.memory_space<hbm>>
      %dma_wait3A_177 = tpu.memref_squeeze %dma_wait3A_176 : memref<1x48x128xf32, #tpu.memory_space<hbm>> -> memref<48x128xf32, #tpu.memory_space<hbm>>
      tpu.wait_dma2 semaphore(%run_scoped3A : memref<!tpu.dma_semaphore, #tpu.memory_space<semaphore_mem>>) src(%arg14 : memref<48x128xf32, #tpu.memory_space<vmem>>) dst(%dma_wait3A_177 : memref<48x128xf32, #tpu.memory_space<hbm>>)
      tpu.yield
    }) : () -> ()
    %mul3A_146 = arith.constant 640 : i32
    %mul3A_147 = arith.muli %arg1, %mul3A_146 : i32
    %add3A_148 = arith.constant 432 : i32
    %add3A_149 = arith.addi %mul3A_147, %add3A_148 : i32
    "tpu.region"() ({
      %run_scoped3A = tpu.sem_alloc : memref<!tpu.dma_semaphore, #tpu.memory_space<semaphore_mem>>
      %dma_start3A_166 = arith.constant 0 : i32
      %dma_start3A_167 = tpu.memref_slice %arg18[%add3A_149, %dma_start3A_166] : memref<10240x128xf32, #tpu.memory_space<vmem_shared>> -> memref<48x128xf32, #tpu.memory_space<vmem_shared>>
      %dma_start3A_168 = arith.constant 0 : i32
      %dma_start3A_169 = tpu.memref_slice %arg18[%add3A_149, %dma_start3A_168] : memref<10240x128xf32, #tpu.memory_space<vmem_shared>> -> memref<48x128xf32, #tpu.memory_space<vmem_shared>>
      tpu.enqueue_dma source(%dma_start3A_169 : memref<48x128xf32, #tpu.memory_space<vmem_shared>>) target(%arg14 : memref<48x128xf32, #tpu.memory_space<vmem>>) target_semaphore(%run_scoped3A : memref<!tpu.dma_semaphore, #tpu.memory_space<semaphore_mem>>)
      %dma_wait3A_170 = arith.constant 0 : i32
      %dma_wait3A_171 = tpu.memref_slice %arg18[%add3A_149, %dma_wait3A_170] : memref<10240x128xf32, #tpu.memory_space<vmem_shared>> -> memref<48x128xf32, #tpu.memory_space<vmem_shared>>
      %dma_wait3A_172 = arith.constant 0 : i32
      %dma_wait3A_173 = tpu.memref_slice %arg18[%add3A_149, %dma_wait3A_172] : memref<10240x128xf32, #tpu.memory_space<vmem_shared>> -> memref<48x128xf32, #tpu.memory_space<vmem_shared>>
      tpu.wait_dma2 semaphore(%run_scoped3A : memref<!tpu.dma_semaphore, #tpu.memory_space<semaphore_mem>>) src(%dma_wait3A_173 : memref<48x128xf32, #tpu.memory_space<vmem_shared>>) dst(%arg14 : memref<48x128xf32, #tpu.memory_space<vmem>>)
      tpu.yield
    }) : () -> ()
    "tpu.region"() ({
      %run_scoped3A = tpu.sem_alloc : memref<!tpu.dma_semaphore, #tpu.memory_space<semaphore_mem>>
      %dma_start3A_166 = arith.constant 0 : i32
      %dma_start3A_167 = tpu.memref_slice %arg5[%arg0, %add3A_149, %dma_start3A_166] : memref<2x10240x128xf32, #tpu.memory_space<hbm>> -> memref<1x48x128xf32, #tpu.memory_space<hbm>>
      %dma_start3A_168 = tpu.memref_squeeze %dma_start3A_167 : memref<1x48x128xf32, #tpu.memory_space<hbm>> -> memref<48x128xf32, #tpu.memory_space<hbm>>
      %dma_start3A_169 = arith.constant 0 : i32
      %dma_start3A_170 = tpu.memref_slice %arg5[%arg0, %add3A_149, %dma_start3A_169] : memref<2x10240x128xf32, #tpu.memory_space<hbm>> -> memref<1x48x128xf32, #tpu.memory_space<hbm>>
      %dma_start3A_171 = tpu.memref_squeeze %dma_start3A_170 : memref<1x48x128xf32, #tpu.memory_space<hbm>> -> memref<48x128xf32, #tpu.memory_space<hbm>>
      tpu.enqueue_dma source(%arg14 : memref<48x128xf32, #tpu.memory_space<vmem>>) target(%dma_start3A_171 : memref<48x128xf32, #tpu.memory_space<hbm>>) target_semaphore(%run_scoped3A : memref<!tpu.dma_semaphore, #tpu.memory_space<semaphore_mem>>)
      %dma_wait3A_172 = arith.constant 0 : i32
      %dma_wait3A_173 = tpu.memref_slice %arg5[%arg0, %add3A_149, %dma_wait3A_172] : memref<2x10240x128xf32, #tpu.memory_space<hbm>> -> memref<1x48x128xf32, #tpu.memory_space<hbm>>
      %dma_wait3A_174 = tpu.memref_squeeze %dma_wait3A_173 : memref<1x48x128xf32, #tpu.memory_space<hbm>> -> memref<48x128xf32, #tpu.memory_space<hbm>>
      %dma_wait3A_175 = arith.constant 0 : i32
      %dma_wait3A_176 = tpu.memref_slice %arg5[%arg0, %add3A_149, %dma_wait3A_175] : memref<2x10240x128xf32, #tpu.memory_space<hbm>> -> memref<1x48x128xf32, #tpu.memory_space<hbm>>
      %dma_wait3A_177 = tpu.memref_squeeze %dma_wait3A_176 : memref<1x48x128xf32, #tpu.memory_space<hbm>> -> memref<48x128xf32, #tpu.memory_space<hbm>>
      tpu.wait_dma2 semaphore(%run_scoped3A : memref<!tpu.dma_semaphore, #tpu.memory_space<semaphore_mem>>) src(%arg14 : memref<48x128xf32, #tpu.memory_space<vmem>>) dst(%dma_wait3A_177 : memref<48x128xf32, #tpu.memory_space<hbm>>)
      tpu.yield
    }) : () -> ()
    %mul3A_150 = arith.constant 640 : i32
    %mul3A_151 = arith.muli %arg1, %mul3A_150 : i32
    %add3A_152 = arith.constant 480 : i32
    %add3A_153 = arith.addi %mul3A_151, %add3A_152 : i32
    "tpu.region"() ({
      %run_scoped3A = tpu.sem_alloc : memref<!tpu.dma_semaphore, #tpu.memory_space<semaphore_mem>>
      %dma_start3A_166 = arith.constant 0 : i32
      %dma_start3A_167 = tpu.memref_slice %arg18[%add3A_153, %dma_start3A_166] : memref<10240x128xf32, #tpu.memory_space<vmem_shared>> -> memref<48x128xf32, #tpu.memory_space<vmem_shared>>
      %dma_start3A_168 = arith.constant 0 : i32
      %dma_start3A_169 = tpu.memref_slice %arg18[%add3A_153, %dma_start3A_168] : memref<10240x128xf32, #tpu.memory_space<vmem_shared>> -> memref<48x128xf32, #tpu.memory_space<vmem_shared>>
      tpu.enqueue_dma source(%dma_start3A_169 : memref<48x128xf32, #tpu.memory_space<vmem_shared>>) target(%arg14 : memref<48x128xf32, #tpu.memory_space<vmem>>) target_semaphore(%run_scoped3A : memref<!tpu.dma_semaphore, #tpu.memory_space<semaphore_mem>>)
      %dma_wait3A_170 = arith.constant 0 : i32
      %dma_wait3A_171 = tpu.memref_slice %arg18[%add3A_153, %dma_wait3A_170] : memref<10240x128xf32, #tpu.memory_space<vmem_shared>> -> memref<48x128xf32, #tpu.memory_space<vmem_shared>>
      %dma_wait3A_172 = arith.constant 0 : i32
      %dma_wait3A_173 = tpu.memref_slice %arg18[%add3A_153, %dma_wait3A_172] : memref<10240x128xf32, #tpu.memory_space<vmem_shared>> -> memref<48x128xf32, #tpu.memory_space<vmem_shared>>
      tpu.wait_dma2 semaphore(%run_scoped3A : memref<!tpu.dma_semaphore, #tpu.memory_space<semaphore_mem>>) src(%dma_wait3A_173 : memref<48x128xf32, #tpu.memory_space<vmem_shared>>) dst(%arg14 : memref<48x128xf32, #tpu.memory_space<vmem>>)
      tpu.yield
    }) : () -> ()
    "tpu.region"() ({
      %run_scoped3A = tpu.sem_alloc : memref<!tpu.dma_semaphore, #tpu.memory_space<semaphore_mem>>
      %dma_start3A_166 = arith.constant 0 : i32
      %dma_start3A_167 = tpu.memref_slice %arg5[%arg0, %add3A_153, %dma_start3A_166] : memref<2x10240x128xf32, #tpu.memory_space<hbm>> -> memref<1x48x128xf32, #tpu.memory_space<hbm>>
      %dma_start3A_168 = tpu.memref_squeeze %dma_start3A_167 : memref<1x48x128xf32, #tpu.memory_space<hbm>> -> memref<48x128xf32, #tpu.memory_space<hbm>>
      %dma_start3A_169 = arith.constant 0 : i32
      %dma_start3A_170 = tpu.memref_slice %arg5[%arg0, %add3A_153, %dma_start3A_169] : memref<2x10240x128xf32, #tpu.memory_space<hbm>> -> memref<1x48x128xf32, #tpu.memory_space<hbm>>
      %dma_start3A_171 = tpu.memref_squeeze %dma_start3A_170 : memref<1x48x128xf32, #tpu.memory_space<hbm>> -> memref<48x128xf32, #tpu.memory_space<hbm>>
      tpu.enqueue_dma source(%arg14 : memref<48x128xf32, #tpu.memory_space<vmem>>) target(%dma_start3A_171 : memref<48x128xf32, #tpu.memory_space<hbm>>) target_semaphore(%run_scoped3A : memref<!tpu.dma_semaphore, #tpu.memory_space<semaphore_mem>>)
      %dma_wait3A_172 = arith.constant 0 : i32
      %dma_wait3A_173 = tpu.memref_slice %arg5[%arg0, %add3A_153, %dma_wait3A_172] : memref<2x10240x128xf32, #tpu.memory_space<hbm>> -> memref<1x48x128xf32, #tpu.memory_space<hbm>>
      %dma_wait3A_174 = tpu.memref_squeeze %dma_wait3A_173 : memref<1x48x128xf32, #tpu.memory_space<hbm>> -> memref<48x128xf32, #tpu.memory_space<hbm>>
      %dma_wait3A_175 = arith.constant 0 : i32
      %dma_wait3A_176 = tpu.memref_slice %arg5[%arg0, %add3A_153, %dma_wait3A_175] : memref<2x10240x128xf32, #tpu.memory_space<hbm>> -> memref<1x48x128xf32, #tpu.memory_space<hbm>>
      %dma_wait3A_177 = tpu.memref_squeeze %dma_wait3A_176 : memref<1x48x128xf32, #tpu.memory_space<hbm>> -> memref<48x128xf32, #tpu.memory_space<hbm>>
      tpu.wait_dma2 semaphore(%run_scoped3A : memref<!tpu.dma_semaphore, #tpu.memory_space<semaphore_mem>>) src(%arg14 : memref<48x128xf32, #tpu.memory_space<vmem>>) dst(%dma_wait3A_177 : memref<48x128xf32, #tpu.memory_space<hbm>>)
      tpu.yield
    }) : () -> ()
    %mul3A_154 = arith.constant 640 : i32
    %mul3A_155 = arith.muli %arg1, %mul3A_154 : i32
    %add3A_156 = arith.constant 528 : i32
    %add3A_157 = arith.addi %mul3A_155, %add3A_156 : i32
    "tpu.region"() ({
      %run_scoped3A = tpu.sem_alloc : memref<!tpu.dma_semaphore, #tpu.memory_space<semaphore_mem>>
      %dma_start3A_166 = arith.constant 0 : i32
      %dma_start3A_167 = tpu.memref_slice %arg18[%add3A_157, %dma_start3A_166] : memref<10240x128xf32, #tpu.memory_space<vmem_shared>> -> memref<48x128xf32, #tpu.memory_space<vmem_shared>>
      %dma_start3A_168 = arith.constant 0 : i32
      %dma_start3A_169 = tpu.memref_slice %arg18[%add3A_157, %dma_start3A_168] : memref<10240x128xf32, #tpu.memory_space<vmem_shared>> -> memref<48x128xf32, #tpu.memory_space<vmem_shared>>
      tpu.enqueue_dma source(%dma_start3A_169 : memref<48x128xf32, #tpu.memory_space<vmem_shared>>) target(%arg14 : memref<48x128xf32, #tpu.memory_space<vmem>>) target_semaphore(%run_scoped3A : memref<!tpu.dma_semaphore, #tpu.memory_space<semaphore_mem>>)
      %dma_wait3A_170 = arith.constant 0 : i32
      %dma_wait3A_171 = tpu.memref_slice %arg18[%add3A_157, %dma_wait3A_170] : memref<10240x128xf32, #tpu.memory_space<vmem_shared>> -> memref<48x128xf32, #tpu.memory_space<vmem_shared>>
      %dma_wait3A_172 = arith.constant 0 : i32
      %dma_wait3A_173 = tpu.memref_slice %arg18[%add3A_157, %dma_wait3A_172] : memref<10240x128xf32, #tpu.memory_space<vmem_shared>> -> memref<48x128xf32, #tpu.memory_space<vmem_shared>>
      tpu.wait_dma2 semaphore(%run_scoped3A : memref<!tpu.dma_semaphore, #tpu.memory_space<semaphore_mem>>) src(%dma_wait3A_173 : memref<48x128xf32, #tpu.memory_space<vmem_shared>>) dst(%arg14 : memref<48x128xf32, #tpu.memory_space<vmem>>)
      tpu.yield
    }) : () -> ()
    "tpu.region"() ({
      %run_scoped3A = tpu.sem_alloc : memref<!tpu.dma_semaphore, #tpu.memory_space<semaphore_mem>>
      %dma_start3A_166 = arith.constant 0 : i32
      %dma_start3A_167 = tpu.memref_slice %arg5[%arg0, %add3A_157, %dma_start3A_166] : memref<2x10240x128xf32, #tpu.memory_space<hbm>> -> memref<1x48x128xf32, #tpu.memory_space<hbm>>
      %dma_start3A_168 = tpu.memref_squeeze %dma_start3A_167 : memref<1x48x128xf32, #tpu.memory_space<hbm>> -> memref<48x128xf32, #tpu.memory_space<hbm>>
      %dma_start3A_169 = arith.constant 0 : i32
      %dma_start3A_170 = tpu.memref_slice %arg5[%arg0, %add3A_157, %dma_start3A_169] : memref<2x10240x128xf32, #tpu.memory_space<hbm>> -> memref<1x48x128xf32, #tpu.memory_space<hbm>>
      %dma_start3A_171 = tpu.memref_squeeze %dma_start3A_170 : memref<1x48x128xf32, #tpu.memory_space<hbm>> -> memref<48x128xf32, #tpu.memory_space<hbm>>
      tpu.enqueue_dma source(%arg14 : memref<48x128xf32, #tpu.memory_space<vmem>>) target(%dma_start3A_171 : memref<48x128xf32, #tpu.memory_space<hbm>>) target_semaphore(%run_scoped3A : memref<!tpu.dma_semaphore, #tpu.memory_space<semaphore_mem>>)
      %dma_wait3A_172 = arith.constant 0 : i32
      %dma_wait3A_173 = tpu.memref_slice %arg5[%arg0, %add3A_157, %dma_wait3A_172] : memref<2x10240x128xf32, #tpu.memory_space<hbm>> -> memref<1x48x128xf32, #tpu.memory_space<hbm>>
      %dma_wait3A_174 = tpu.memref_squeeze %dma_wait3A_173 : memref<1x48x128xf32, #tpu.memory_space<hbm>> -> memref<48x128xf32, #tpu.memory_space<hbm>>
      %dma_wait3A_175 = arith.constant 0 : i32
      %dma_wait3A_176 = tpu.memref_slice %arg5[%arg0, %add3A_157, %dma_wait3A_175] : memref<2x10240x128xf32, #tpu.memory_space<hbm>> -> memref<1x48x128xf32, #tpu.memory_space<hbm>>
      %dma_wait3A_177 = tpu.memref_squeeze %dma_wait3A_176 : memref<1x48x128xf32, #tpu.memory_space<hbm>> -> memref<48x128xf32, #tpu.memory_space<hbm>>
      tpu.wait_dma2 semaphore(%run_scoped3A : memref<!tpu.dma_semaphore, #tpu.memory_space<semaphore_mem>>) src(%arg14 : memref<48x128xf32, #tpu.memory_space<vmem>>) dst(%dma_wait3A_177 : memref<48x128xf32, #tpu.memory_space<hbm>>)
      tpu.yield
    }) : () -> ()
    %mul3A_158 = arith.constant 640 : i32
    %mul3A_159 = arith.muli %arg1, %mul3A_158 : i32
    %add3A_160 = arith.constant 576 : i32
    %add3A_161 = arith.addi %mul3A_159, %add3A_160 : i32
    "tpu.region"() ({
      %run_scoped3A = tpu.sem_alloc : memref<!tpu.dma_semaphore, #tpu.memory_space<semaphore_mem>>
      %dma_start3A_166 = arith.constant 0 : i32
      %dma_start3A_167 = tpu.memref_slice %arg18[%add3A_161, %dma_start3A_166] : memref<10240x128xf32, #tpu.memory_space<vmem_shared>> -> memref<48x128xf32, #tpu.memory_space<vmem_shared>>
      %dma_start3A_168 = arith.constant 0 : i32
      %dma_start3A_169 = tpu.memref_slice %arg18[%add3A_161, %dma_start3A_168] : memref<10240x128xf32, #tpu.memory_space<vmem_shared>> -> memref<48x128xf32, #tpu.memory_space<vmem_shared>>
      tpu.enqueue_dma source(%dma_start3A_169 : memref<48x128xf32, #tpu.memory_space<vmem_shared>>) target(%arg14 : memref<48x128xf32, #tpu.memory_space<vmem>>) target_semaphore(%run_scoped3A : memref<!tpu.dma_semaphore, #tpu.memory_space<semaphore_mem>>)
      %dma_wait3A_170 = arith.constant 0 : i32
      %dma_wait3A_171 = tpu.memref_slice %arg18[%add3A_161, %dma_wait3A_170] : memref<10240x128xf32, #tpu.memory_space<vmem_shared>> -> memref<48x128xf32, #tpu.memory_space<vmem_shared>>
      %dma_wait3A_172 = arith.constant 0 : i32
      %dma_wait3A_173 = tpu.memref_slice %arg18[%add3A_161, %dma_wait3A_172] : memref<10240x128xf32, #tpu.memory_space<vmem_shared>> -> memref<48x128xf32, #tpu.memory_space<vmem_shared>>
      tpu.wait_dma2 semaphore(%run_scoped3A : memref<!tpu.dma_semaphore, #tpu.memory_space<semaphore_mem>>) src(%dma_wait3A_173 : memref<48x128xf32, #tpu.memory_space<vmem_shared>>) dst(%arg14 : memref<48x128xf32, #tpu.memory_space<vmem>>)
      tpu.yield
    }) : () -> ()
    "tpu.region"() ({
      %run_scoped3A = tpu.sem_alloc : memref<!tpu.dma_semaphore, #tpu.memory_space<semaphore_mem>>
      %dma_start3A_166 = arith.constant 0 : i32
      %dma_start3A_167 = tpu.memref_slice %arg5[%arg0, %add3A_161, %dma_start3A_166] : memref<2x10240x128xf32, #tpu.memory_space<hbm>> -> memref<1x48x128xf32, #tpu.memory_space<hbm>>
      %dma_start3A_168 = tpu.memref_squeeze %dma_start3A_167 : memref<1x48x128xf32, #tpu.memory_space<hbm>> -> memref<48x128xf32, #tpu.memory_space<hbm>>
      %dma_start3A_169 = arith.constant 0 : i32
      %dma_start3A_170 = tpu.memref_slice %arg5[%arg0, %add3A_161, %dma_start3A_169] : memref<2x10240x128xf32, #tpu.memory_space<hbm>> -> memref<1x48x128xf32, #tpu.memory_space<hbm>>
      %dma_start3A_171 = tpu.memref_squeeze %dma_start3A_170 : memref<1x48x128xf32, #tpu.memory_space<hbm>> -> memref<48x128xf32, #tpu.memory_space<hbm>>
      tpu.enqueue_dma source(%arg14 : memref<48x128xf32, #tpu.memory_space<vmem>>) target(%dma_start3A_171 : memref<48x128xf32, #tpu.memory_space<hbm>>) target_semaphore(%run_scoped3A : memref<!tpu.dma_semaphore, #tpu.memory_space<semaphore_mem>>)
      %dma_wait3A_172 = arith.constant 0 : i32
      %dma_wait3A_173 = tpu.memref_slice %arg5[%arg0, %add3A_161, %dma_wait3A_172] : memref<2x10240x128xf32, #tpu.memory_space<hbm>> -> memref<1x48x128xf32, #tpu.memory_space<hbm>>
      %dma_wait3A_174 = tpu.memref_squeeze %dma_wait3A_173 : memref<1x48x128xf32, #tpu.memory_space<hbm>> -> memref<48x128xf32, #tpu.memory_space<hbm>>
      %dma_wait3A_175 = arith.constant 0 : i32
      %dma_wait3A_176 = tpu.memref_slice %arg5[%arg0, %add3A_161, %dma_wait3A_175] : memref<2x10240x128xf32, #tpu.memory_space<hbm>> -> memref<1x48x128xf32, #tpu.memory_space<hbm>>
      %dma_wait3A_177 = tpu.memref_squeeze %dma_wait3A_176 : memref<1x48x128xf32, #tpu.memory_space<hbm>> -> memref<48x128xf32, #tpu.memory_space<hbm>>
      tpu.wait_dma2 semaphore(%run_scoped3A : memref<!tpu.dma_semaphore, #tpu.memory_space<semaphore_mem>>) src(%arg14 : memref<48x128xf32, #tpu.memory_space<vmem>>) dst(%dma_wait3A_177 : memref<48x128xf32, #tpu.memory_space<hbm>>)
      tpu.yield
    }) : () -> ()
    %mul3A_162 = arith.constant 640 : i32
    %mul3A_163 = arith.muli %arg1, %mul3A_162 : i32
    %add3A_164 = arith.constant 624 : i32
    %add3A_165 = arith.addi %mul3A_163, %add3A_164 : i32
    "tpu.region"() ({
      %run_scoped3A = tpu.sem_alloc : memref<!tpu.dma_semaphore, #tpu.memory_space<semaphore_mem>>
      %dma_start3A_166 = arith.constant 0 : i32
      %dma_start3A_167 = arith.constant 0 : i32
      %dma_start3A_168 = tpu.memref_slice %arg14[%dma_start3A_166, %dma_start3A_167] : memref<48x128xf32, #tpu.memory_space<vmem>> -> memref<16x128xf32, #tpu.memory_space<vmem>>
      %dma_start3A_169 = arith.constant 0 : i32
      %dma_start3A_170 = tpu.memref_slice %arg18[%add3A_165, %dma_start3A_169] : memref<10240x128xf32, #tpu.memory_space<vmem_shared>> -> memref<16x128xf32, #tpu.memory_space<vmem_shared>>
      %dma_start3A_171 = arith.constant 0 : i32
      %dma_start3A_172 = arith.constant 0 : i32
      %dma_start3A_173 = tpu.memref_slice %arg14[%dma_start3A_171, %dma_start3A_172] : memref<48x128xf32, #tpu.memory_space<vmem>> -> memref<16x128xf32, #tpu.memory_space<vmem>>
      %dma_start3A_174 = arith.constant 0 : i32
      %dma_start3A_175 = tpu.memref_slice %arg18[%add3A_165, %dma_start3A_174] : memref<10240x128xf32, #tpu.memory_space<vmem_shared>> -> memref<16x128xf32, #tpu.memory_space<vmem_shared>>
      tpu.enqueue_dma source(%dma_start3A_175 : memref<16x128xf32, #tpu.memory_space<vmem_shared>>) target(%dma_start3A_173 : memref<16x128xf32, #tpu.memory_space<vmem>>) target_semaphore(%run_scoped3A : memref<!tpu.dma_semaphore, #tpu.memory_space<semaphore_mem>>)
      %dma_wait3A_176 = arith.constant 0 : i32
      %dma_wait3A_177 = arith.constant 0 : i32
      %dma_wait3A_178 = tpu.memref_slice %arg14[%dma_wait3A_176, %dma_wait3A_177] : memref<48x128xf32, #tpu.memory_space<vmem>> -> memref<16x128xf32, #tpu.memory_space<vmem>>
      %dma_wait3A_179 = arith.constant 0 : i32
      %dma_wait3A_180 = tpu.memref_slice %arg18[%add3A_165, %dma_wait3A_179] : memref<10240x128xf32, #tpu.memory_space<vmem_shared>> -> memref<16x128xf32, #tpu.memory_space<vmem_shared>>
      %dma_wait3A_181 = arith.constant 0 : i32
      %dma_wait3A_182 = arith.constant 0 : i32
      %dma_wait3A_183 = tpu.memref_slice %arg14[%dma_wait3A_181, %dma_wait3A_182] : memref<48x128xf32, #tpu.memory_space<vmem>> -> memref<16x128xf32, #tpu.memory_space<vmem>>
      %dma_wait3A_184 = arith.constant 0 : i32
      %dma_wait3A_185 = tpu.memref_slice %arg18[%add3A_165, %dma_wait3A_184] : memref<10240x128xf32, #tpu.memory_space<vmem_shared>> -> memref<16x128xf32, #tpu.memory_space<vmem_shared>>
      tpu.wait_dma2 semaphore(%run_scoped3A : memref<!tpu.dma_semaphore, #tpu.memory_space<semaphore_mem>>) src(%dma_wait3A_185 : memref<16x128xf32, #tpu.memory_space<vmem_shared>>) dst(%dma_wait3A_183 : memref<16x128xf32, #tpu.memory_space<vmem>>)
      tpu.yield
    }) : () -> ()
    "tpu.region"() ({
      %run_scoped3A = tpu.sem_alloc : memref<!tpu.dma_semaphore, #tpu.memory_space<semaphore_mem>>
      %dma_start3A_166 = arith.constant 0 : i32
      %dma_start3A_167 = arith.constant 0 : i32
      %dma_start3A_168 = tpu.memref_slice %arg14[%dma_start3A_166, %dma_start3A_167] : memref<48x128xf32, #tpu.memory_space<vmem>> -> memref<16x128xf32, #tpu.memory_space<vmem>>
      %dma_start3A_169 = arith.constant 0 : i32
      %dma_start3A_170 = tpu.memref_slice %arg5[%arg0, %add3A_165, %dma_start3A_169] : memref<2x10240x128xf32, #tpu.memory_space<hbm>> -> memref<1x16x128xf32, #tpu.memory_space<hbm>>
      %dma_start3A_171 = tpu.memref_squeeze %dma_start3A_170 : memref<1x16x128xf32, #tpu.memory_space<hbm>> -> memref<16x128xf32, #tpu.memory_space<hbm>>
      %dma_start3A_172 = arith.constant 0 : i32
      %dma_start3A_173 = tpu.memref_slice %arg5[%arg0, %add3A_165, %dma_start3A_172] : memref<2x10240x128xf32, #tpu.memory_space<hbm>> -> memref<1x16x128xf32, #tpu.memory_space<hbm>>
      %dma_start3A_174 = tpu.memref_squeeze %dma_start3A_173 : memref<1x16x128xf32, #tpu.memory_space<hbm>> -> memref<16x128xf32, #tpu.memory_space<hbm>>
      %dma_start3A_175 = arith.constant 0 : i32
      %dma_start3A_176 = arith.constant 0 : i32
      %dma_start3A_177 = tpu.memref_slice %arg14[%dma_start3A_175, %dma_start3A_176] : memref<48x128xf32, #tpu.memory_space<vmem>> -> memref<16x128xf32, #tpu.memory_space<vmem>>
      tpu.enqueue_dma source(%dma_start3A_177 : memref<16x128xf32, #tpu.memory_space<vmem>>) target(%dma_start3A_174 : memref<16x128xf32, #tpu.memory_space<hbm>>) target_semaphore(%run_scoped3A : memref<!tpu.dma_semaphore, #tpu.memory_space<semaphore_mem>>)
      %dma_wait3A_178 = arith.constant 0 : i32
      %dma_wait3A_179 = arith.constant 0 : i32
      %dma_wait3A_180 = tpu.memref_slice %arg14[%dma_wait3A_178, %dma_wait3A_179] : memref<48x128xf32, #tpu.memory_space<vmem>> -> memref<16x128xf32, #tpu.memory_space<vmem>>
      %dma_wait3A_181 = arith.constant 0 : i32
      %dma_wait3A_182 = tpu.memref_slice %arg5[%arg0, %add3A_165, %dma_wait3A_181] : memref<2x10240x128xf32, #tpu.memory_space<hbm>> -> memref<1x16x128xf32, #tpu.memory_space<hbm>>
      %dma_wait3A_183 = tpu.memref_squeeze %dma_wait3A_182 : memref<1x16x128xf32, #tpu.memory_space<hbm>> -> memref<16x128xf32, #tpu.memory_space<hbm>>
      %dma_wait3A_184 = arith.constant 0 : i32
      %dma_wait3A_185 = tpu.memref_slice %arg5[%arg0, %add3A_165, %dma_wait3A_184] : memref<2x10240x128xf32, #tpu.memory_space<hbm>> -> memref<1x16x128xf32, #tpu.memory_space<hbm>>
      %dma_wait3A_186 = tpu.memref_squeeze %dma_wait3A_185 : memref<1x16x128xf32, #tpu.memory_space<hbm>> -> memref<16x128xf32, #tpu.memory_space<hbm>>
      %dma_wait3A_187 = arith.constant 0 : i32
      %dma_wait3A_188 = arith.constant 0 : i32
      %dma_wait3A_189 = tpu.memref_slice %arg14[%dma_wait3A_187, %dma_wait3A_188] : memref<48x128xf32, #tpu.memory_space<vmem>> -> memref<16x128xf32, #tpu.memory_space<vmem>>
      tpu.wait_dma2 semaphore(%run_scoped3A : memref<!tpu.dma_semaphore, #tpu.memory_space<semaphore_mem>>) src(%dma_wait3A_189 : memref<16x128xf32, #tpu.memory_space<vmem>>) dst(%dma_wait3A_186 : memref<16x128xf32, #tpu.memory_space<hbm>>)
      tpu.yield
    }) : () -> ()
    return
  }
}

module attributes {stable_mosaic.version = 14 : i64} {
  func.func @_scale_body(%arg0: i32, %arg1: memref<512x128xf32, #tpu.memory_space<vmem>>, %arg2: memref<128x128xf32, #tpu.memory_space<vmem>>, %arg3: memref<2x512x1xf32, #tpu.memory_space<vmem>>, %arg4: memref<512x128xf32, #tpu.memory_space<vmem>>) attributes {dimension_semantics = [#tpu.dimension_semantics<arbitrary>], iteration_bounds = array<i64: 20>, scalar_prefetch = 0 : i64, scratch_operands = 0 : i64, tpu.core_type = #tpu.core_type<tc>, window_params = [{transform_indices = @transform_0, window_bounds = array<i64: 512, 128>}, {pipeline_mode = #tpu.pipeline_mode<synchronous>, transform_indices = @transform_1, window_bounds = array<i64: 128, 128>}, {transform_indices = @transform_2, window_bounds = array<i64: 2, 512, 1>}, {transform_indices = @transform_3, window_bounds = array<i64: 512, 128>}]} {
    %get3A = arith.constant 0 : index
    %get3A_0 = arith.constant 0 : index
    %get3A_1 = arith.constant 0 : index
    %get3A_2 = vector.load %arg3[%get3A, %get3A_0, %get3A_1] : memref<2x512x1xf32, #tpu.memory_space<vmem>>, vector<1x512x1xf32>
    %get3A_3 = vector.shape_cast %get3A_2 : vector<1x512x1xf32> to vector<512x1xf32>
    %get3A_4 = arith.constant 1 : index
    %get3A_5 = arith.constant 0 : index
    %get3A_6 = arith.constant 0 : index
    %get3A_7 = vector.load %arg3[%get3A_4, %get3A_5, %get3A_6] : memref<2x512x1xf32, #tpu.memory_space<vmem>>, vector<1x512x1xf32>
    %get3A_8 = vector.shape_cast %get3A_7 : vector<1x512x1xf32> to vector<512x1xf32>
    %add3A = arith.addf %get3A_3, %get3A_8 : vector<512x1xf32>
    %add3A_9 = arith.constant 1.000000e+00 : f32
    %add3A_10 = vector.broadcast %add3A_9 : f32 to vector<512x1xf32>
    %add3A_11 = arith.addf %add3A, %add3A_10 : vector<512x1xf32>
    %rsqrt3A = math.rsqrt %add3A_11 : vector<512x1xf32>
    %get3A_12 = arith.constant 0 : index
    %get3A_13 = arith.constant 0 : index
    %get3A_14 = vector.load %arg1[%get3A_12, %get3A_13] : memref<512x128xf32, #tpu.memory_space<vmem>>, vector<512x128xf32>
    %get3A_15 = arith.constant 0 : index
    %get3A_16 = arith.constant 0 : index
    %get3A_17 = vector.load %arg2[%get3A_15, %get3A_16] : memref<128x128xf32, #tpu.memory_space<vmem>>, vector<128x128xf32>
    %dot_general3A = arith.constant dense<0.000000e+00> : vector<512x128xf32>
    %dot_general3A_18 = tpu.matmul %get3A_14, %get3A_17, %dot_general3A {dimension_numbers = #tpu.dot_dimension_numbers<[1], [0], [0], [1], [0, 0, 1, 1], [], []>, transpose_lhs_hint = false} : vector<512x128xf32>, vector<128x128xf32>, vector<512x128xf32> -> vector<512x128xf32>
    %mul3A = vector.broadcast %rsqrt3A : vector<512x1xf32> to vector<512x128xf32>
    %mul3A_19 = arith.mulf %mul3A, %dot_general3A_18 : vector<512x128xf32>
    %swap3A = arith.constant 0 : index
    %swap3A_20 = arith.constant 0 : index
    %swap3A_21 = vector.load %arg4[%swap3A, %swap3A_20] : memref<512x128xf32, #tpu.memory_space<vmem>>, vector<512x128xf32>
    tpu.vector_store %arg4[%swap3A, %swap3A_20], %mul3A_19 {strides = array<i32>} : memref<512x128xf32, #tpu.memory_space<vmem>>, vector<512x128xf32>,
    return
  }
  func.func @transform_0(%arg0: i32) -> (i32, i32) {
    %c0_i32 = arith.constant 0 : i32
    %c0_i32_0 = arith.constant 0 : i32
    return %arg0, %c0_i32 : i32, i32
  }
  func.func @transform_1(%arg0: i32) -> (i32, i32) {
    %c0_i32 = arith.constant 0 : i32
    %c0_i32_0 = arith.constant 0 : i32
    %c0_i32_1 = arith.constant 0 : i32
    return %c0_i32, %c0_i32_0 : i32, i32
  }
  func.func @transform_2(%arg0: i32) -> (i32, i32, i32) {
    %c0_i32 = arith.constant 0 : i32
    %c0_i32_0 = arith.constant 0 : i32
    %c0_i32_1 = arith.constant 0 : i32
    return %c0_i32, %arg0, %c0_i32_0 : i32, i32, i32
  }
  func.func @transform_3(%arg0: i32) -> (i32, i32) {
    %c0_i32 = arith.constant 0 : i32
    %c0_i32_0 = arith.constant 0 : i32
    return %arg0, %c0_i32 : i32, i32
  }
}

module attributes {stable_mosaic.version = 14 : i64} {
  func.func @_layer2_body(%arg0: i32, %arg1: memref<2x512x128xf32, #tpu.memory_space<vmem>>, %arg2: memref<512x128xf32, #tpu.memory_space<vmem>>, %arg3: memref<2x512x1xf32, #tpu.memory_space<vmem>>, %arg4: memref<1x128xf32, #tpu.memory_space<vmem>>, %arg5: memref<128x128xf32, #tpu.memory_space<vmem>>, %arg6: memref<512x128xf32, #tpu.memory_space<vmem>>) attributes {dimension_semantics = [#tpu.dimension_semantics<arbitrary>], iteration_bounds = array<i64: 20>, scalar_prefetch = 0 : i64, scratch_operands = 0 : i64, tpu.core_type = #tpu.core_type<tc>, window_params = [{transform_indices = @transform_0, window_bounds = array<i64: 2, 512, 128>}, {transform_indices = @transform_1, window_bounds = array<i64: 512, 128>}, {transform_indices = @transform_2, window_bounds = array<i64: 2, 512, 1>}, {pipeline_mode = #tpu.pipeline_mode<synchronous>, transform_indices = @transform_3, window_bounds = array<i64: 1, 128>}, {pipeline_mode = #tpu.pipeline_mode<synchronous>, transform_indices = @transform_4, window_bounds = array<i64: 128, 128>}, {transform_indices = @transform_5, window_bounds = array<i64: 512, 128>}]} {
    %get3A = arith.constant 0 : index
    %get3A_0 = arith.constant 0 : index
    %get3A_1 = arith.constant 0 : index
    %get3A_2 = vector.load %arg3[%get3A, %get3A_0, %get3A_1] : memref<2x512x1xf32, #tpu.memory_space<vmem>>, vector<1x512x1xf32>
    %get3A_3 = vector.shape_cast %get3A_2 : vector<1x512x1xf32> to vector<512x1xf32>
    %get3A_4 = arith.constant 1 : index
    %get3A_5 = arith.constant 0 : index
    %get3A_6 = arith.constant 0 : index
    %get3A_7 = vector.load %arg3[%get3A_4, %get3A_5, %get3A_6] : memref<2x512x1xf32, #tpu.memory_space<vmem>>, vector<1x512x1xf32>
    %get3A_8 = vector.shape_cast %get3A_7 : vector<1x512x1xf32> to vector<512x1xf32>
    %add3A = arith.addf %get3A_3, %get3A_8 : vector<512x1xf32>
    %add3A_9 = arith.constant 1.000000e+00 : f32
    %add3A_10 = vector.broadcast %add3A_9 : f32 to vector<512x1xf32>
    %add3A_11 = arith.addf %add3A, %add3A_10 : vector<512x1xf32>
    %rsqrt3A = math.rsqrt %add3A_11 : vector<512x1xf32>
    %get3A_12 = arith.constant 0 : index
    %get3A_13 = arith.constant 0 : index
    %get3A_14 = arith.constant 0 : index
    %get3A_15 = vector.load %arg1[%get3A_12, %get3A_13, %get3A_14] : memref<2x512x128xf32, #tpu.memory_space<vmem>>, vector<1x512x128xf32>
    %get3A_16 = vector.shape_cast %get3A_15 : vector<1x512x128xf32> to vector<512x128xf32>
    %get3A_17 = arith.constant 1 : index
    %get3A_18 = arith.constant 0 : index
    %get3A_19 = arith.constant 0 : index
    %get3A_20 = vector.load %arg1[%get3A_17, %get3A_18, %get3A_19] : memref<2x512x128xf32, #tpu.memory_space<vmem>>, vector<1x512x128xf32>
    %get3A_21 = vector.shape_cast %get3A_20 : vector<1x512x128xf32> to vector<512x128xf32>
    %add3A_22 = arith.addf %get3A_16, %get3A_21 : vector<512x128xf32>
    %get3A_23 = arith.constant 0 : index
    %get3A_24 = arith.constant 0 : index
    %get3A_25 = vector.load %arg2[%get3A_23, %get3A_24] : memref<512x128xf32, #tpu.memory_space<vmem>>, vector<512x128xf32>
    %add3A_26 = arith.addf %add3A_22, %get3A_25 : vector<512x128xf32>
    %mul3A = vector.broadcast %rsqrt3A : vector<512x1xf32> to vector<512x128xf32>
    %mul3A_27 = arith.mulf %mul3A, %add3A_26 : vector<512x128xf32>
    %get3A_28 = arith.constant 0 : index
    %get3A_29 = arith.constant 0 : index
    %get3A_30 = vector.load %arg4[%get3A_28, %get3A_29] : memref<1x128xf32, #tpu.memory_space<vmem>>, vector<1x128xf32>
    %add3A_31 = vector.broadcast %get3A_30 : vector<1x128xf32> to vector<512x128xf32>
    %add3A_32 = arith.addf %mul3A_27, %add3A_31 : vector<512x128xf32>
    %max3A = arith.constant 0.000000e+00 : f32
    %max3A_33 = vector.broadcast %max3A : f32 to vector<512x128xf32>
    %max3A_34 = arith.maximumf %add3A_32, %max3A_33 : vector<512x128xf32>
    %get3A_35 = arith.constant 0 : index
    %get3A_36 = arith.constant 0 : index
    %get3A_37 = vector.load %arg5[%get3A_35, %get3A_36] : memref<128x128xf32, #tpu.memory_space<vmem>>, vector<128x128xf32>
    %dot_general3A = arith.constant dense<0.000000e+00> : vector<512x128xf32>
    %dot_general3A_38 = tpu.matmul %max3A_34, %get3A_37, %dot_general3A {dimension_numbers = #tpu.dot_dimension_numbers<[1], [0], [0], [1], [0, 0, 1, 1], [], []>, transpose_lhs_hint = false} : vector<512x128xf32>, vector<128x128xf32>, vector<512x128xf32> -> vector<512x128xf32>
    %mul3A_39 = vector.broadcast %rsqrt3A : vector<512x1xf32> to vector<512x128xf32>
    %mul3A_40 = arith.mulf %mul3A_39, %dot_general3A_38 : vector<512x128xf32>
    %swap3A = arith.constant 0 : index
    %swap3A_41 = arith.constant 0 : index
    %swap3A_42 = vector.load %arg6[%swap3A, %swap3A_41] : memref<512x128xf32, #tpu.memory_space<vmem>>, vector<512x128xf32>
    tpu.vector_store %arg6[%swap3A, %swap3A_41], %mul3A_40 {strides = array<i32>} : memref<512x128xf32, #tpu.memory_space<vmem>>, vector<512x128xf32>,
    return
  }
  func.func @transform_0(%arg0: i32) -> (i32, i32, i32) {
    %c0_i32 = arith.constant 0 : i32
    %c0_i32_0 = arith.constant 0 : i32
    %c0_i32_1 = arith.constant 0 : i32
    return %c0_i32, %arg0, %c0_i32_0 : i32, i32, i32
  }
  func.func @transform_1(%arg0: i32) -> (i32, i32) {
    %c0_i32 = arith.constant 0 : i32
    %c0_i32_0 = arith.constant 0 : i32
    return %arg0, %c0_i32 : i32, i32
  }
  func.func @transform_2(%arg0: i32) -> (i32, i32, i32) {
    %c0_i32 = arith.constant 0 : i32
    %c0_i32_0 = arith.constant 0 : i32
    %c0_i32_1 = arith.constant 0 : i32
    return %c0_i32, %arg0, %c0_i32_0 : i32, i32, i32
  }
  func.func @transform_3(%arg0: i32) -> (i32, i32) {
    %c0_i32 = arith.constant 0 : i32
    %c0_i32_0 = arith.constant 0 : i32
    %c0_i32_1 = arith.constant 0 : i32
    return %c0_i32, %c0_i32_0 : i32, i32
  }
  func.func @transform_4(%arg0: i32) -> (i32, i32) {
    %c0_i32 = arith.constant 0 : i32
    %c0_i32_0 = arith.constant 0 : i32
    %c0_i32_1 = arith.constant 0 : i32
    return %c0_i32, %c0_i32_0 : i32, i32
  }
  func.func @transform_5(%arg0: i32) -> (i32, i32) {
    %c0_i32 = arith.constant 0 : i32
    %c0_i32_0 = arith.constant 0 : i32
    return %arg0, %c0_i32 : i32, i32
  }
}

module attributes {stable_mosaic.version = 14 : i64} {
  func.func @_final_body(%arg0: i32, %arg1: memref<2x512x128xf32, #tpu.memory_space<vmem>>, %arg2: memref<512x128xf32, #tpu.memory_space<vmem>>, %arg3: memref<2x512x1xf32, #tpu.memory_space<vmem>>, %arg4: memref<1x128xf32, #tpu.memory_space<vmem>>, %arg5: memref<1x512xi32, #tpu.memory_space<vmem>>, %arg6: memref<128x512xf32, #tpu.memory_space<vmem>>, %arg7: memref<1x512xf32, #tpu.memory_space<vmem>>, %arg8: memref<64x512xf32, #tpu.memory_space<vmem>>, %arg9: memref<64x128xf32, #tpu.memory_space<vmem>>, %arg10: memref<64x128xf32, #tpu.memory_space<vmem>>) attributes {dimension_semantics = [#tpu.dimension_semantics<arbitrary>], iteration_bounds = array<i64: 20>, scalar_prefetch = 0 : i64, scratch_operands = 2 : i64, tpu.core_type = #tpu.core_type<tc>, window_params = [{transform_indices = @transform_0, window_bounds = array<i64: 2, 512, 128>}, {transform_indices = @transform_1, window_bounds = array<i64: 512, 128>}, {transform_indices = @transform_2, window_bounds = array<i64: 2, 512, 1>}, {pipeline_mode = #tpu.pipeline_mode<synchronous>, transform_indices = @transform_3, window_bounds = array<i64: 1, 128>}, {transform_indices = @transform_4, window_bounds = array<i64: 1, 512>}, {pipeline_mode = #tpu.pipeline_mode<synchronous>, transform_indices = @transform_5, window_bounds = array<i64: 128, 512>}, {pipeline_mode = #tpu.pipeline_mode<synchronous>, transform_indices = @transform_6, window_bounds = array<i64: 1, 512>}, {pipeline_mode = #tpu.pipeline_mode<synchronous>, transform_indices = @transform_7, window_bounds = array<i64: 64, 512>}]} {
    %eq3A = arith.constant 0 : i32
    %eq3A_0 = arith.cmpi eq, %arg0, %eq3A : i32
    %convert_element_type3A = arith.extui %eq3A_0 : i1 to i32
    %cond3A = arith.constant 0 : i32
    %cond3A_1 = arith.cmpi ne, %convert_element_type3A, %cond3A : i32
    scf.if %cond3A_1 {
      %broadcast_in_dim3A_65 = arith.constant 0.000000e+00 : f32
      %broadcast_in_dim3A_66 = vector.broadcast %broadcast_in_dim3A_65 : f32 to vector<64x128xf32>
      %swap3A_67 = arith.constant 0 : index
      %swap3A_68 = arith.constant 0 : index
      %swap3A_69 = vector.load %arg9[%swap3A_67, %swap3A_68] : memref<64x128xf32, #tpu.memory_space<vmem>>, vector<64x128xf32>
      tpu.vector_store %arg9[%swap3A_67, %swap3A_68], %broadcast_in_dim3A_66 {strides = array<i32>} : memref<64x128xf32, #tpu.memory_space<vmem>>, vector<64x128xf32>,
      %broadcast_in_dim3A_70 = arith.constant 0.000000e+00 : f32
      %broadcast_in_dim3A_71 = vector.broadcast %broadcast_in_dim3A_70 : f32 to vector<64x128xf32>
      %swap3A_72 = arith.constant 0 : index
      %swap3A_73 = arith.constant 0 : index
      %swap3A_74 = vector.load %arg10[%swap3A_72, %swap3A_73] : memref<64x128xf32, #tpu.memory_space<vmem>>, vector<64x128xf32>
      tpu.vector_store %arg10[%swap3A_72, %swap3A_73], %broadcast_in_dim3A_71 {strides = array<i32>} : memref<64x128xf32, #tpu.memory_space<vmem>>, vector<64x128xf32>,
    } else {
    }
    %get3A = arith.constant 0 : index
    %get3A_2 = arith.constant 0 : index
    %get3A_3 = arith.constant 0 : index
    %get3A_4 = vector.load %arg3[%get3A, %get3A_2, %get3A_3] : memref<2x512x1xf32, #tpu.memory_space<vmem>>, vector<1x512x1xf32>
    %get3A_5 = vector.shape_cast %get3A_4 : vector<1x512x1xf32> to vector<512x1xf32>
    %get3A_6 = arith.constant 1 : index
    %get3A_7 = arith.constant 0 : index
    %get3A_8 = arith.constant 0 : index
    %get3A_9 = vector.load %arg3[%get3A_6, %get3A_7, %get3A_8] : memref<2x512x1xf32, #tpu.memory_space<vmem>>, vector<1x512x1xf32>
    %get3A_10 = vector.shape_cast %get3A_9 : vector<1x512x1xf32> to vector<512x1xf32>
    %add3A = arith.addf %get3A_5, %get3A_10 : vector<512x1xf32>
    %add3A_11 = arith.constant 1.000000e+00 : f32
    %add3A_12 = vector.broadcast %add3A_11 : f32 to vector<512x1xf32>
    %add3A_13 = arith.addf %add3A, %add3A_12 : vector<512x1xf32>
    %rsqrt3A = math.rsqrt %add3A_13 : vector<512x1xf32>
    %get3A_14 = arith.constant 0 : index
    %get3A_15 = arith.constant 0 : index
    %get3A_16 = arith.constant 0 : index
    %get3A_17 = vector.load %arg1[%get3A_14, %get3A_15, %get3A_16] : memref<2x512x128xf32, #tpu.memory_space<vmem>>, vector<1x512x128xf32>
    %get3A_18 = vector.shape_cast %get3A_17 : vector<1x512x128xf32> to vector<512x128xf32>
    %get3A_19 = arith.constant 1 : index
    %get3A_20 = arith.constant 0 : index
    %get3A_21 = arith.constant 0 : index
    %get3A_22 = vector.load %arg1[%get3A_19, %get3A_20, %get3A_21] : memref<2x512x128xf32, #tpu.memory_space<vmem>>, vector<1x512x128xf32>
    %get3A_23 = vector.shape_cast %get3A_22 : vector<1x512x128xf32> to vector<512x128xf32>
    %add3A_24 = arith.addf %get3A_18, %get3A_23 : vector<512x128xf32>
    %get3A_25 = arith.constant 0 : index
    %get3A_26 = arith.constant 0 : index
    %get3A_27 = vector.load %arg2[%get3A_25, %get3A_26] : memref<512x128xf32, #tpu.memory_space<vmem>>, vector<512x128xf32>
    %add3A_28 = arith.addf %add3A_24, %get3A_27 : vector<512x128xf32>
    %mul3A = vector.broadcast %rsqrt3A : vector<512x1xf32> to vector<512x128xf32>
    %mul3A_29 = arith.mulf %mul3A, %add3A_28 : vector<512x128xf32>
    %get3A_30 = arith.constant 0 : index
    %get3A_31 = arith.constant 0 : index
    %get3A_32 = vector.load %arg4[%get3A_30, %get3A_31] : memref<1x128xf32, #tpu.memory_space<vmem>>, vector<1x128xf32>
    %add3A_33 = vector.broadcast %get3A_32 : vector<1x128xf32> to vector<512x128xf32>
    %add3A_34 = arith.addf %mul3A_29, %add3A_33 : vector<512x128xf32>
    %max3A = arith.constant 0.000000e+00 : f32
    %max3A_35 = vector.broadcast %max3A : f32 to vector<512x128xf32>
    %max3A_36 = arith.maximumf %add3A_34, %max3A_35 : vector<512x128xf32>
    %get3A_37 = arith.constant 0 : index
    %get3A_38 = arith.constant 0 : index
    %get3A_39 = vector.load %arg5[%get3A_37, %get3A_38] : memref<1x512xi32, #tpu.memory_space<vmem>>, vector<1x512xi32>
    %iota3A = tpu.iota {dimensions = array<i32: 0>} : vector<64x512xi32>
    %eq3A_40 = vector.broadcast %get3A_39 : vector<1x512xi32> to vector<64x512xi32>
    %eq3A_41 = arith.cmpi eq, %eq3A_40, %iota3A : vector<64x512xi32>
    %convert_element_type3A_42 = arith.extui %eq3A_41 : vector<64x512xi1> to vector<64x512xi32>
    %convert_element_type3A_43 = arith.sitofp %convert_element_type3A_42 : vector<64x512xi32> to vector<64x512xf32>
    %get3A_44 = arith.constant 0 : index
    %get3A_45 = arith.constant 0 : index
    %get3A_46 = vector.load %arg9[%get3A_44, %get3A_45] : memref<64x128xf32, #tpu.memory_space<vmem>>, vector<64x128xf32>
    %dot_general3A = arith.constant dense<0.000000e+00> : vector<64x128xf32>
    %dot_general3A_47 = tpu.matmul %convert_element_type3A_43, %max3A_36, %dot_general3A {dimension_numbers = #tpu.dot_dimension_numbers<[1], [0], [0], [1], [0, 0, 1, 1], [], []>, transpose_lhs_hint = false} : vector<64x512xf32>, vector<512x128xf32>, vector<64x128xf32> -> vector<64x128xf32>
    %add3A_48 = arith.addf %get3A_46, %dot_general3A_47 : vector<64x128xf32>
    %swap3A = arith.constant 0 : index
    %swap3A_49 = arith.constant 0 : index
    %swap3A_50 = vector.load %arg9[%swap3A, %swap3A_49] : memref<64x128xf32, #tpu.memory_space<vmem>>, vector<64x128xf32>
    tpu.vector_store %arg9[%swap3A, %swap3A_49], %add3A_48 {strides = array<i32>} : memref<64x128xf32, #tpu.memory_space<vmem>>, vector<64x128xf32>,
    %get3A_51 = arith.constant 0 : index
    %get3A_52 = arith.constant 0 : index
    %get3A_53 = vector.load %arg10[%get3A_51, %get3A_52] : memref<64x128xf32, #tpu.memory_space<vmem>>, vector<64x128xf32>
    %reduce_sum3A = arith.constant dense<0.000000e+00> : vector<64xf32>
    %reduce_sum3A_54 = vector.multi_reduction <add>, %convert_element_type3A_43, %reduce_sum3A [1] : vector<64x512xf32> to vector<64xf32>
    %broadcast_in_dim3A = vector.shape_cast %reduce_sum3A_54 : vector<64xf32> to vector<64x1xf32>
    %add3A_55 = vector.broadcast %broadcast_in_dim3A : vector<64x1xf32> to vector<64x128xf32>
    %add3A_56 = arith.addf %get3A_53, %add3A_55 : vector<64x128xf32>
    %swap3A_57 = arith.constant 0 : index
    %swap3A_58 = arith.constant 0 : index
    %swap3A_59 = vector.load %arg10[%swap3A_57, %swap3A_58] : memref<64x128xf32, #tpu.memory_space<vmem>>, vector<64x128xf32>
    tpu.vector_store %arg10[%swap3A_57, %swap3A_58], %add3A_56 {strides = array<i32>} : memref<64x128xf32, #tpu.memory_space<vmem>>, vector<64x128xf32>,
    %eq3A_60 = arith.constant 19 : i32
    %eq3A_61 = arith.cmpi eq, %arg0, %eq3A_60 : i32
    %convert_element_type3A_62 = arith.extui %eq3A_61 : i1 to i32
    %cond3A_63 = arith.constant 0 : i32
    %cond3A_64 = arith.cmpi ne, %convert_element_type3A_62, %cond3A_63 : i32
    scf.if %cond3A_64 {
      %get3A_65 = arith.constant 0 : index
      %get3A_66 = arith.constant 0 : index
      %get3A_67 = vector.load %arg9[%get3A_65, %get3A_66] : memref<64x128xf32, #tpu.memory_space<vmem>>, vector<64x128xf32>
      %get3A_68 = arith.constant 0 : index
      %get3A_69 = arith.constant 0 : index
      %get3A_70 = vector.load %arg10[%get3A_68, %get3A_69] : memref<64x128xf32, #tpu.memory_space<vmem>>, vector<64x128xf32>
      %max3A_71 = arith.constant 1.000000e+00 : f32
      %max3A_72 = vector.broadcast %max3A_71 : f32 to vector<64x128xf32>
      %max3A_73 = arith.maximumf %get3A_70, %max3A_72 : vector<64x128xf32>
      %div3A = arith.divf %get3A_67, %max3A_73 : vector<64x128xf32>
      %get3A_74 = arith.constant 0 : index
      %get3A_75 = arith.constant 0 : index
      %get3A_76 = vector.load %arg6[%get3A_74, %get3A_75] : memref<128x512xf32, #tpu.memory_space<vmem>>, vector<128x512xf32>
      %dot_general3A_77 = arith.constant dense<0.000000e+00> : vector<64x512xf32>
      %dot_general3A_78 = tpu.matmul %div3A, %get3A_76, %dot_general3A_77 {dimension_numbers = #tpu.dot_dimension_numbers<[1], [0], [0], [1], [0, 0, 1, 1], [], []>, transpose_lhs_hint = false} : vector<64x128xf32>, vector<128x512xf32>, vector<64x512xf32> -> vector<64x512xf32>
      %get3A_79 = arith.constant 0 : index
      %get3A_80 = arith.constant 0 : index
      %get3A_81 = vector.load %arg7[%get3A_79, %get3A_80] : memref<1x512xf32, #tpu.memory_space<vmem>>, vector<1x512xf32>
      %add3A_82 = vector.broadcast %get3A_81 : vector<1x512xf32> to vector<64x512xf32>
      %add3A_83 = arith.addf %dot_general3A_78, %add3A_82 : vector<64x512xf32>
      %swap3A_84 = arith.constant 0 : index
      %swap3A_85 = arith.constant 0 : index
      %swap3A_86 = vector.load %arg8[%swap3A_84, %swap3A_85] : memref<64x512xf32, #tpu.memory_space<vmem>>, vector<64x512xf32>
      tpu.vector_store %arg8[%swap3A_84, %swap3A_85], %add3A_83 {strides = array<i32>} : memref<64x512xf32, #tpu.memory_space<vmem>>, vector<64x512xf32>,
    } else {
    }
    return
  }
  func.func @transform_0(%arg0: i32) -> (i32, i32, i32) {
    %c0_i32 = arith.constant 0 : i32
    %c0_i32_0 = arith.constant 0 : i32
    %c0_i32_1 = arith.constant 0 : i32
    return %c0_i32, %arg0, %c0_i32_0 : i32, i32, i32
  }
  func.func @transform_1(%arg0: i32) -> (i32, i32) {
    %c0_i32 = arith.constant 0 : i32
    %c0_i32_0 = arith.constant 0 : i32
    return %arg0, %c0_i32 : i32, i32
  }
  func.func @transform_2(%arg0: i32) -> (i32, i32, i32) {
    %c0_i32 = arith.constant 0 : i32
    %c0_i32_0 = arith.constant 0 : i32
    %c0_i32_1 = arith.constant 0 : i32
    return %c0_i32, %arg0, %c0_i32_0 : i32, i32, i32
  }
  func.func @transform_3(%arg0: i32) -> (i32, i32) {
    %c0_i32 = arith.constant 0 : i32
    %c0_i32_0 = arith.constant 0 : i32
    %c0_i32_1 = arith.constant 0 : i32
    return %c0_i32, %c0_i32_0 : i32, i32
  }
  func.func @transform_4(%arg0: i32) -> (i32, i32) {
    %c0_i32 = arith.constant 0 : i32
    %c0_i32_0 = arith.constant 0 : i32
    return %c0_i32, %arg0 : i32, i32
  }
  func.func @transform_5(%arg0: i32) -> (i32, i32) {
    %c0_i32 = arith.constant 0 : i32
    %c0_i32_0 = arith.constant 0 : i32
    %c0_i32_1 = arith.constant 0 : i32
    return %c0_i32, %c0_i32_0 : i32, i32
  }
  func.func @transform_6(%arg0: i32) -> (i32, i32) {
    %c0_i32 = arith.constant 0 : i32
    %c0_i32_0 = arith.constant 0 : i32
    %c0_i32_1 = arith.constant 0 : i32
    return %c0_i32, %c0_i32_0 : i32, i32
  }
  func.func @transform_7(%arg0: i32) -> (i32, i32) {
    %c0_i32 = arith.constant 0 : i32
    %c0_i32_0 = arith.constant 0 : i32
    %c0_i32_1 = arith.constant 0 : i32
    return %c0_i32, %c0_i32_0 : i32, i32
  }
}

</mosaic_0001>

<sc_bundles>
// kernel: kernel.11.cloned.1.call-start
scs
__scs_entry_jumppad:
0x0: {  	(pc) =	sbr.rel $0x88, $3  }
0x1: {  	(tag) =	ssettag $0x0;
	lr =	simm.s32 $0x1  }
0x2: {  	[smem:$0x3F98] =	sst lr;
	_ =	strace $0xD0000000  }
0x3: {  	_ = 	snop  }
0x4: {  	_ = 	snop  }
0x5: {  	_ = 	snop  }
0x6: {  	_ = 	snop  }
0x7: {  	_ = 	snop  }
__scs_overlays_trampoline_lowered:
0x8: {  	[smem:$0x3FA7] =	sst s0  }
0x9: {  	[smem:$0x3FA8] =	sst s1  }
0xa: {  	[smem:$0x3FA9] =	sst s2  }
0xb: {  	[smem:$0x3FAA] =	sst s3  }
0xc: {  	[smem:$0x3FAB] =	sst s4  }
0xd: {  	[smem:$0x3FAC] =	sst s5  }
0xe: {  	[smem:$0x3FAD] =	sst s6  }
0xf: {  	[smem:$0x3FAE] =	sst s7  }
0x10: {  	[smem:$0x3FAF] =	sst s8  }
0x11: {  	[smem:$0x3FB0] =	sst s9;
	s0 =	simm.s32 @!p0 $0x0  }
0x12: {  	s1 =	sld [smem:$0x3F96];
	s0 =	simm.s32 @p0 $0x1  }
0x13: {  	[smem:$0x3FB1] =	sst s0;
	s0 =	simm.s32 @!p1 $0x0  }
0x14: {  	s2 =	sld [smem:$0x3F95];
	s0 =	simm.s32 @p1 $0x1  }
0x15: {  	[smem:$0x3FB2] =	sst s0;
	s0 =	simm.s32 @!p2 $0x0  }
0x16: {  	s3 =	sld [smem:$0x3FDB];
	s0 =	simm.s32 @p2 $0x1  }
0x17: {  	s4 =	simm.s32 $0x1BF5;
	[smem:$0x3FB4] =	sst s0  }
0x18: {  	s0 =	sld [smem:$0x3F97];
	_ =	swait.ge [sflag:s4], $0x0  }
0x19: {  	s7 =	sld [smem:$0x3F98]  }
0x1a: {  	s8 =	sadd.s32 $0xFFFFE003, lr  }
0x1b: {  	s9 =	sadd.s32 $0xFFFFFEF7, lr;
	s5 =	simm.s32 $0xFFFFFFFF;
	p2 =	slt.u32 s8, $0xFFFFF086  }
0x1c: {  	p1 =	slt.u32 s9, $0xF7A;
	s5 =	simm.s32 @!p2 $0x0  }
0x1d: {  	s5 =	simm.s32 @p1 $0x1;
	p0 =	seq.s32 s7, s2  }
0x1e: {  	s7 =	smul.u32 @!p0 $0xF7A, s2;
	p2 =	seq.s32 @!p0 s5, $0x0  }
0x1f: {  	s9 =	smul.u32 $0xF7A, s1;
	s8 =	simm.s32 @!p0 $0x1BF5;
	p2 =	por !p2, p0  }
0x20: {  	[sflag:s8] =	ssyncset.s32 @!p0 $0xFFFFF086;
	s6 =	sadd.s32 @!p0 s3, s7;
	s7 =	simm.s32 @!p0 $0x108  }
0x21: {  	s3 =	sadd.s32 s3, s9;
	s6 =	sadd.s32 @!p0 $0x88, s6;
	s7 =	simm.s32 @p2 $0x1082  }
0x22: {  	[simem:s7], [sflag:s8] =	dma.local @!p0 [hbm:s6], $0xF7A  }
0x23: {  	s9 =	sor.u32 $0xD0000000, s2;
	s6 =	simm.s32 $0x108;
	_ =	swait.ge @!p0 [sflag:s8], $0x0  }
0x24: {  	s3 =	sadd.s32 $0x88, s3;
	s6 =	simm.s32 @!p1 $0x1082;
	[sflag:s4] =	ssyncset.s32 $0xFFFFF086  }
0x25: {  	[simem:s6], [sflag:s4] =	dma.local [hbm:s3], $0xF7A  }
0x26: {  	[smem:$0x3F98] =	sst s1;
	(tag) =	ssettag s2;
	_ =	strace s9  }
0x27: {  	s1 =	sld [smem:$0x3FA8]  }
0x28: {  	s2 =	sld [smem:$0x3FA9]  }
0x29: {  	s4 =	sld [smem:$0x3FAB]  }
0x2a: {  	p0 =	seq.s32 s5, $0x0;
	s5 =	sld [smem:$0x3FAC]  }
0x2b: {  	s6 =	sld [smem:$0x3FAD]  }
0x2c: {  	s7 =	sld [smem:$0x3FAE]  }
0x2d: {  	s3 =	simm.s32 $0x108;
	s8 =	sld [smem:$0x3FAF]  }
0x2e: {  	s3 =	simm.s32 @!p0 $0x1082;
	s9 =	sld [smem:$0x3FB0]  }
0x2f: {  	lr =	sadd.s32 s0, s3;
	s0 =	sld [smem:$0x3FA7]  }
0x30: {  	s3 =	sld [smem:$0x3FAA]  }
0x31: {  	[smem:$0x3FB3] =	sst s10  }
0x32: {  	s10 =	sld [smem:$0x3FB1];
	_ =	sdelay $0x3  }
0x33: {  	p0 =	seq.s32 s10, $0x1;
	s10 =	sld [smem:$0x3FB3];
	_ =	sdelay $0x3  }
0x34: {  	[smem:$0x3FB3] =	sst s10  }
0x35: {  	s10 =	sld [smem:$0x3FB2];
	_ =	sdelay $0x3  }
0x36: {  	p1 =	seq.s32 s10, $0x1;
	s10 =	sld [smem:$0x3FB3];
	_ =	sdelay $0x3  }
0x37: {  	[smem:$0x3FB3] =	sst s10  }
0x38: {  	s10 =	sld [smem:$0x3FB4]  }
0x39: {  	_ = 	snop;
	(pc) =	sbr.ind lr, $3  }
0x3a: {  	_ = 	snop  }
0x3b: {  	_ = 	snop  }
0x3c: {  	p2 =	seq.s32 s10, $0x1;
	s10 =	sld [smem:$0x3FB3]  }
0x3d: {  	_ =	shalt  }
0x3e: {  	_ =	shalt  }
0x3f: {  	_ =	shalt  }
0x40: {  	_ =	shalt  }
0x41: {  	_ =	shalt  }
0x42: {  	_ =	shalt  }
0x43: {  	_ =	shalt  }
0x44: {  	_ =	shalt  }
0x45: {  	_ =	shalt  }
0x46: {  	_ =	shalt  }
0x47: {  	_ =	shalt  }
0x48: {  	_ =	shalt  }
0x49: {  	_ =	shalt  }
0x4a: {  	_ =	shalt  }
0x4b: {  	_ =	shalt  }
0x4c: {  	_ =	shalt  }
0x4d: {  	_ =	shalt  }
0x4e: {  	_ =	shalt  }
0x4f: {  	_ =	shalt  }
0x50: {  	_ =	shalt  }
0x51: {  	_ =	shalt  }
0x52: {  	_ =	shalt  }
0x53: {  	_ =	shalt  }
0x54: {  	_ =	shalt  }
0x55: {  	_ =	shalt  }
0x56: {  	_ =	shalt  }
0x57: {  	_ =	shalt  }
0x58: {  	_ =	shalt  }
0x59: {  	_ =	shalt  }
0x5a: {  	_ =	shalt  }
0x5b: {  	_ =	shalt  }
0x5c: {  	_ =	shalt  }
0x5d: {  	_ =	shalt  }
0x5e: {  	_ =	shalt  }
0x5f: {  	_ =	shalt  }
0x60: {  	_ =	shalt  }
0x61: {  	_ =	shalt  }
0x62: {  	_ =	shalt  }
0x63: {  	_ =	shalt  }
0x64: {  	_ =	shalt  }
0x65: {  	_ =	shalt  }
0x66: {  	_ =	shalt  }
0x67: {  	_ =	shalt  }
0x68: {  	_ =	shalt  }
0x69: {  	_ =	shalt  }
0x6a: {  	_ =	shalt  }
0x6b: {  	_ =	shalt  }
0x6c: {  	_ =	shalt  }
0x6d: {  	_ =	shalt  }
0x6e: {  	_ =	shalt  }
0x6f: {  	_ =	shalt  }
0x70: {  	_ =	shalt  }
0x71: {  	_ =	shalt  }
0x72: {  	_ =	shalt  }
0x73: {  	_ =	shalt  }
0x74: {  	_ =	shalt  }
0x75: {  	_ =	shalt  }
0x76: {  	_ =	shalt  }
0x77: {  	_ =	shalt  }
0x78: {  	_ =	shalt  }
0x79: {  	_ =	shalt  }
0x7a: {  	_ =	shalt  }
0x7b: {  	_ =	shalt  }
0x7c: {  	_ =	shalt  }
0x7d: {  	_ =	shalt  }
0x7e: {  	_ =	shalt  }
0x7f: {  	_ =	shalt  }
0x80: {  	_ =	shalt  }
0x81: {  	_ =	shalt  }
0x82: {  	_ =	shalt  }
0x83: {  	_ =	shalt  }
0x84: {  	_ =	shalt  }
0x85: {  	_ =	shalt  }
0x86: {  	_ =	shalt  }
0x87: {  	_ =	shalt  }
.Lfunc_end0:
.L_simem_size_0:
called_computation.1_lowered:
.L_overlay_start_0:
0x88: {  	s2 =	sld [smem:$0x3FD9]  }
0x89: {  	s3 =	sld [smem:$0x3FFE];
	_ =	sdelay $0x1  }
0x8a: {  	s1 =	srdreg.scid  }
0x8b: {  	s0 =	sand.u32 $0x1, s1  }
0x8c: {  	s16 =	sshll.u32 s0, $0xA;
	s2 =	sadd.s32 s3, s2  }
0x8d: {  	s2 =	sadd.s32 s2, s16  }
0x8e: {  	[smem:$0x3FBF] =	sst s2  }
0x8f: {  	_ = 	snop  }
0x90: {  	(tm) =	ssettm $0x1  }
0x91: {  	s17 =	sld [smem:$0x3FFB];
	_ =	sdelay $0x3  }
0x92: {  	_ =	strace s17  }
0x93: {  	s2 =	sld [smem:$0x3FFC];
	_ =	sdelay $0x3  }
0x94: {  	_ =	strace s2  }
0x95: {  	s2 =	sld [smem:$0x3FFD];
	_ =	sdelay $0x3  }
0x96: {  	_ =	strace s2  }
0x97: {  	_ =	strace $0x8FFFFFFF  }
0x98: {  	s18 =	sld [smem:$0x3FDB];
	_ =	sdelay $0x1  }
0x99: {  	s19 =	simm.s32 $_scs_section_size  }
0x9a: {  	s4 =	simm.s32 $_size__tile_overlayer_lowered;
	s5 =	simm.s32 $_tile_overlayer_lowered  }
0x9b: {  	s22 =	simm.s32 $0x1BFF;
	s21 =	sshll.u32 s5, $0x1;
	s2 =	sadd.s32 s19, s18  }
0x9c: {  	s6 =	simm.s32 $0x0;
	s20 =	sshll.u32 s4, $0x1;
	s4 =	sadd.s32 s21, s2  }
0x9d: {  	[timem:s6], [sflag:s22] =	dma.local [hbm:s4], s20  }
0x9e: {  	_ =	swait.ge [sflag:s22], s20  }
0x9f: {  	s3 =	ssub.s32 $0x0, s20;
	[sflag:s22] =	ssyncset.done $0x0  }
0xa0: {  	[sflag:s22] =	ssyncadd.s32 s3;
	_ =	sdelay $0x1  }
0xa1: {  	s23 =	simm.s32 $0x1B8B  }
0xa2: {  	_ =	swait.ge [sflag:s23], $0x1  }
0xa3: {  	[sflag:s23] =	ssyncset.done $0x0  }
0xa4: {  	s25 =	simm.s32 $0x1B8E;
	s24 =	sld [smem:$0x3FFE];
	[sflag:s23] =	ssyncadd.s32 $0xFFFFFFFF  }
0xa5: {  	s26 =	simm.s32 $execute0_lowered;
	[smem:$0x3FD2] =	sst s25  }
0xa6: {  	s4 =	sshll.u32 s26, $0x1;
	_ =	strace $0x80000049;
	[dreg:$0x1] =	wrdreg $0xFFFFFFFF  }
0xa7: {  	s28 =	simm.s32 $_size_execute0_lowered;
	s2 =	sadd.s32 s2, s4;
	[dreg:$0x0] =	wrdreg $0x0  }
0xa8: {  	s4 =	sshll.u32 s28, $0x1;
	[dreg:$0x2] =	wrdreg s2  }
0xa9: {  	[dreg:$0x3] =	wrdreg s4  }
0xaa: {  	[dreg:$0x4] =	wrdreg $0xC0  }
0xab: {  	_ =	task [dreg:s6], $0x5FFFF  }
0xac: {  	[dreg:$0x1] =	wrdreg $0xFFFFFFFF  }
0xad: {  	[dreg:$0x0] =	wrdreg $0x60  }
0xae: {  	[dreg:$0x2] =	wrdreg s24  }
0xaf: {  	[dreg:$0x3] =	wrdreg $0x64000  }
0xb0: {  	[dreg:$0x4] =	wrdreg $0x9  }
0xb1: {  	_ =	task.clear_ibuf [dreg:s6], $0x5FFFF;
	_ =	strace $0x90000049  }
0xb2: {  	s29 =	simm.s32 $0x9;
	_ =	strace $0x8000004B  }
0xb3: {  	_ =	swait.ge [sflag:s29], $0x1  }
0xb4: {  	[sflag:s29] =	ssyncadd.s32 $0xFFFFFFFF  }
0xb5: {  	_ =	strace $0x9000004B  }
0xb6: {  	_ =	sfence  }
0xb7: {  	s30 =	sld [smem:$0x0];
	_ =	sdelay $0x2  }
0xb8: {  	s31 =	sshll.u32 s1, $0xD;
	s1 =	sshrl.u32 s1, $0x2  }
0xb9: {  	s3 =	sand.u32 $0x4000, s31;
	s1 =	sadd.s32 s1, s30  }
0xba: {  	s0 =	sor.u32 s3, s0;
	s1 =	sshll.u32 s1, $0x11  }
0xbb: {  	s0 =	sor.u32 s1, s0  }
0xbc: {  	s0 =	sadd.s32 $0x8F2B, s0  }
0xbd: {  	[sflag:s0] =	ssyncadd.remote.s32 $0x1  }
0xbe: {  	_ =	sfence.sel $0xFFFF  }
0xbf: {  	[dreg:$0x0] =	wrdreg $0xFFFFFFFF;
	(pc) =	sbr.abs _section_cstart, $3  }
0xc0: {  	[dreg:$0x1] =	wrdreg $0xFFFFFFFF  }
0xc1: {  	_ =	task.clear_ibuf [dreg:s6], $0x2FFFF;
	_ =	strace $0x9FFFFFFF  }
0xc2: {  	(tm) =	ssettm $0x7FFFFFFF  }
0xc3: {  	_ =	shalt  }
tec
execute0_lowered:
.L_overlay_start_1:
0x0: {  	(tag) =	ssettag $0x1  }
0x1: {  	s3 =	rddreg [dreg:$0x0]  }
0x2: {  	s1 =	rddreg [dreg:$0x1];
	s2 =	simm.s32 $0x0  }
0x3: {  	s0 =	srdreg.scid;
	s26 =	stileid.u32;
	s28 =	simm.s32 $0x7  }
0x4: {  	s29 =	simm.s32 $0x8;
	[smem:$0x7FF] =	sst s2;
	s4 =	sadd.s32 $0x16E00, s3  }
0x5: {  	s19 =	sand.u32 $0x1, s0;
	s5 =	sadd.s32 $0xCE00, s3;
	s20 =	smul.u32 $0x14000, s26  }
0x6: {  	s15 =	sadd.s32 $0x98E00, s3;
	s22 =	smul.u32 $0x27C0, s26;
	_ =	strace $0x8000004A  }
0x7: {  	s0 =	ssub.s32 $0x2, s19;
	s7 =	sshll.u32 s19, $0x4;
	s24 =	smul.u32 $0x27C00, s19  }
0x8: {  	s6 =	sshrl.u32 s0, $0x1;
	s23 =	sor.u32 s26, s7;
	s8 =	sor.u32 $0x1800, s20  }
0x9: {  	s9 =	sor.u32 $0x3000, s20;
	s10 =	sadd.s32 $0x4800, s20;
	s11 =	sadd.s32 $0x6000, s20  }
0xa: {  	s12 =	sadd.s32 $0x7800, s20;
	s13 =	sadd.s32 $0x9000, s20;
	s14 =	sadd.s32 $0xA800, s20  }
0xb: {  	s16 =	sadd.s32 $0xC000, s20;
	s17 =	sadd.s32 $0xD800, s20;
	s0 =	ssub.s32 s0, s6  }
0xc: {  	s18 =	smul.u32 $0x27C0, s23;
	s7 =	sadd.s32 s22, s24;
	s30 =	sadd.s32 s8, s1  }
0xd: {  	s31 =	sadd.s32 s9, s1;
	s22 =	sadd.s32 $0xF0, s7;
	[dreg:$0x1b] =	wrdreg s30  }
0xe: {  	s0 =	smax.u32 s0, $0x1;
	[dreg:$0x1c] =	wrdreg s31;
	s6 =	sshrl.u32 s18, $0x3  }
0xf: {  	s25 =	sadd.s32 $0x90, s18;
	[smem:$0x7F9] =	sst s0;
	s21 =	sadd.s32 $0xC, s6  }
0x10: {  	s18 =	sadd.s32 $0xF000, s20;
	[dreg:$0x5] =	wrdreg s25;
	s23 =	sadd.s32 s4, s21  }
0x11: {  	s21 =	sadd.s32 s5, s21;
	[dreg:$0x3] =	wrdreg s23;
	s23 =	sshrl.u32 s22, $0x3  }
0x12: {  	s25 =	sadd.s32 $0x60, s7;
	[dreg:$0x4] =	wrdreg s21;
	s24 =	sadd.s32 s23, s5  }
0x13: {  	s21 =	sadd.s32 s23, s4;
	s23 =	sshrl.u32 s25, $0x3;
	[dreg:$0x6] =	wrdreg s24  }
0x14: {  	s22 =	smul.u32 $0x140000, s19;
	[dreg:$0x7] =	wrdreg s21;
	s24 =	sadd.s32 s23, s5  }
0x15: {  	s19 =	sadd.s32 $0x10800, s20;
	s23 =	sadd.s32 s23, s4;
	[dreg:$0x8] =	wrdreg s24  }
0x16: {  	s25 =	sadd.s32 s20, s22;
	[dreg:$0x9] =	wrdreg s23;
	s23 =	sadd.s32 $0x12000, s20  }
0x17: {  	s21 =	sshrl.u32 s25, $0x3;
	s24 =	sadd.s32 $0x13800, s20;
	s25 =	sadd.s32 s22, s8  }
0x18: {  	s8 =	simm.s32 $0x30;
	s21 =	sadd.s32 s15, s21;
	s20 =	sshrl.u32 s25, $0x3  }
0x19: {  	s25 =	sadd.s32 s22, s10;
	s10 =	sadd.s32 s10, s1;
	[dreg:$0xc] =	wrdreg s21  }
0x1a: {  	s21 =	sadd.s32 s22, s9;
	s20 =	sadd.s32 s15, s20;
	s25 =	sshrl.u32 s25, $0x3  }
0x1b: {  	[dreg:$0x1d] =	wrdreg s10;
	s9 =	simm.s32 $0x2;
	s21 =	sshrl.u32 s21, $0x3  }
0x1c: {  	s10 =	simm.s32 $0x1C00;
	[dreg:$0xd] =	wrdreg s20;
	s20 =	sadd.s32 s15, s21  }
0x1d: {  	s21 =	sadd.s32 s15, s25;
	s25 =	sadd.s32 s22, s11;
	[dreg:$0xe] =	wrdreg s20  }
0x1e: {  	s11 =	sadd.s32 s11, s1;
	[dreg:$0xf] =	wrdreg s21;
	s20 =	sshrl.u32 s25, $0x3  }
0x1f: {  	s21 =	sadd.s32 s22, s12;
	s25 =	sadd.s32 s22, s13;
	[dreg:$0x1e] =	wrdreg s11  }
0x20: {  	s12 =	sadd.s32 s12, s1;
	s13 =	sadd.s32 s13, s1;
	s11 =	simm.s32 $0x5  }
0x21: {  	s20 =	sadd.s32 s15, s20;
	s21 =	sshrl.u32 s21, $0x3;
	[dreg:$0x1f] =	wrdreg s12  }
0x22: {  	s25 =	sshrl.u32 s25, $0x3;
	s12 =	simm.s32 $0x180;
	[smem:$0x7FB] =	sst s13  }
0x23: {  	[dreg:$0x10] =	wrdreg s20;
	s20 =	sadd.s32 s15, s21;
	s21 =	sadd.s32 s15, s25  }
0x24: {  	s25 =	sadd.s32 s22, s14;
	s14 =	sadd.s32 s14, s1;
	[dreg:$0x11] =	wrdreg s20  }
0x25: {  	[dreg:$0x12] =	wrdreg s21;
	s20 =	sshrl.u32 s25, $0x3;
	s21 =	sadd.s32 s22, s16  }
0x26: {  	s25 =	sadd.s32 s22, s17;
	[smem:$0x7F0] =	sst s14;
	s17 =	sadd.s32 s17, s1  }
0x27: {  	s16 =	sadd.s32 s16, s1;
	s14 =	simm.s32 $0x400;
	[smem:$0x7F1] =	sst s17  }
0x28: {  	s20 =	sadd.s32 s15, s20;
	s21 =	sshrl.u32 s21, $0x3;
	[smem:$0x7FC] =	sst s16  }
0x29: {  	s25 =	sshrl.u32 s25, $0x3;
	[dreg:$0x13] =	wrdreg s20;
	s20 =	sadd.s32 s15, s21  }
0x2a: {  	s17 =	simm.s32 $0x80;
	s21 =	sadd.s32 s15, s25;
	[dreg:$0x14] =	wrdreg s20  }
0x2b: {  	s25 =	sadd.s32 s22, s18;
	s18 =	sadd.s32 s18, s1;
	[dreg:$0x15] =	wrdreg s21  }
0x2c: {  	s20 =	sshrl.u32 s25, $0x3;
	s21 =	sadd.s32 s22, s19;
	s25 =	sadd.s32 s22, s23  }
0x2d: {  	[smem:$0x7F2] =	sst s18;
	s19 =	sadd.s32 s19, s1;
	s18 =	simm.s32 $0x280  }
0x2e: {  	s20 =	sadd.s32 s15, s20;
	s21 =	sshrl.u32 s21, $0x3;
	[smem:$0x7FD] =	sst s19  }
0x2f: {  	s25 =	sshrl.u32 s25, $0x3;
	[dreg:$0x16] =	wrdreg s20;
	s20 =	sadd.s32 s15, s21  }
0x30: {  	s21 =	sadd.s32 s15, s25;
	s25 =	sadd.s32 s22, s24;
	[dreg:$0x17] =	wrdreg s20  }
0x31: {  	s22 =	sadd.s32 s24, s1;
	s24 =	sadd.s32 s4, s6;
	[dreg:$0x18] =	wrdreg s21  }
0x32: {  	s20 =	sshrl.u32 s25, $0x3;
	s21 =	smul.u32 $0x50000, s26;
	[smem:$0x7F4] =	sst s22  }
0x33: {  	s26 =	simm.s32 $0x100;
	s25 =	simm.s32 $0x300;
	[smem:$0x7F5] =	sst s24  }
0x34: {  	s22 =	simm.s32 $0x3;
	s24 =	simm.s32 $0x6;
	[dreg:$0xa] =	wrdreg s26  }
0x35: {  	s15 =	sadd.s32 s15, s20;
	[dreg:$0xb] =	wrdreg s25;
	s20 =	sadd.s32 $0x70E00, s3  }
0x36: {  	[dreg:$0x19] =	wrdreg s15;
	s26 =	sshrl.u32 s21, $0x2;
	s21 =	sadd.s32 s23, s1  }
0x37: {  	s23 =	sor.u32 $0x6, s6;
	s6 =	sadd.s32 s5, s6;
	[smem:$0x7F3] =	sst s21  }
0x38: {  	s15 =	sadd.s32 s26, s1;
	[smem:$0x7F6] =	sst s6;
	s25 =	sadd.s32 s4, s23  }
0x39: {  	s3 =	sadd.s32 s5, s23;
	s26 =	sadd.s32 $0xC0, s7;
	[smem:$0x7F7] =	sst s25  }
0x3a: {  	s6 =	simm.s32 $0xD;
	s21 =	simm.s32 $0x380;
	[smem:$0x7F8] =	sst s3  }
0x3b: {  	s23 =	simm.s32 $0x3400;
	[smem:$0x7FA] =	sst s26;
	s25 =	simm.s32 $0x4  }
0x3c: {  	v0 =	vimm.f32 $0.0e+00;
	s26 =	simm.s32 $0x4C00;
	s3 =	simm.s32 $0x0;
	[dreg:$0x1a] =	wrdreg s15  }
.LBB2_1:
0x3d: {  	[smem:$0x7EF] =	sst s3;
	s0 =	simm.s32 $0x0;
	s3 =	simm.s32 $0x200  }
.LBB2_2:
0x3e: {  	p0 =	sne.s32 s3, $0x5E00;
	[tilespmem:s0+$0x470] =	vst v0  }
0x3f: {  	[tilespmem:s0+$0x400] =	vst v0  }
0x40: {  	[tilespmem:s0+$0x410] =	vst v0  }
.Ltmp0:
0x41: {  	[tilespmem:s0+$0x420] =	vst v0;
	(pc) =	sbr.rel @p0 .LBB2_2-.Ltmp0, $4  }
0x42: {  	[tilespmem:s0+$0x430] =	vst v0  }
0x43: {  	[tilespmem:s0+$0x440] =	vst v0  }
0x44: {  	[tilespmem:s0+$0x450] =	vst v0  }
0x45: {  	[tilespmem:s0+$0x460] =	vst v0;
	s0 =	sshra.s32 s3, $0x2;
	s3 =	sadd.s32 $0x200, s3  }
0x46: {  	[tilespmem:s0+$0x470] =	vst v0  }
0x47: {  	[tilespmem:s0+$0x400] =	vst v0  }
0x48: {  	[tilespmem:s0+$0x410] =	vst v0  }
0x49: {  	[tilespmem:s0+$0x420] =	vst v0  }
0x4a: {  	[tilespmem:s0+$0x430] =	vst v0  }
0x4b: {  	[tilespmem:s0+$0x440] =	vst v0  }
0x4c: {  	[tilespmem:s0+$0x450] =	vst v0  }
0x4d: {  	[tilespmem:s0+$0x460] =	vst v0  }
0x4e: {  	[spmem:s15] =	stream.linear.scatter [tilespmem:s14], [sflag:$0xD], $0x1800, $0x38;
	[tilespmem:$0x1A400] =	vst v63  }
0x4f: {  	_ =	swait.ge [sflag:s6], $0x1800  }
0x50: {  	[sflag:s6] =	ssyncset.done $0x0  }
0x51: {  	[sflag:s6] =	ssyncadd.s32 $0xFFFFE800  }
0x52: {  	[spmem:s30] =	stream.linear.scatter [tilespmem:s14], [sflag:$0xD], $0x1800, $0x38;
	[tilespmem:$0x1A400] =	vst v63  }
0x53: {  	_ =	swait.ge [sflag:s6], $0x1800  }
0x54: {  	[sflag:s6] =	ssyncset.done $0x0  }
0x55: {  	[sflag:s6] =	ssyncadd.s32 $0xFFFFE800  }
0x56: {  	[spmem:s31] =	stream.linear.scatter [tilespmem:s14], [sflag:$0xD], $0x1800, $0x38;
	[tilespmem:$0x1A400] =	vst v63  }
0x57: {  	_ =	swait.ge [sflag:s6], $0x1800  }
0x58: {  	[sflag:s6] =	ssyncset.done $0x0  }
0x59: {  	s30 =	rddreg [dreg:$0x1d];
	[sflag:s6] =	ssyncadd.s32 $0xFFFFE800  }
0x5a: {  	[spmem:s30] =	stream.linear.scatter [tilespmem:s14], [sflag:$0xD], $0x1800, $0x38;
	[tilespmem:$0x1A400] =	vst v63  }
0x5b: {  	_ =	swait.ge [sflag:s6], $0x1800  }
0x5c: {  	[sflag:s6] =	ssyncset.done $0x0  }
0x5d: {  	s3 =	rddreg [dreg:$0x1e];
	[sflag:s6] =	ssyncadd.s32 $0xFFFFE800  }
0x5e: {  	[spmem:s3] =	stream.linear.scatter [tilespmem:s14], [sflag:$0xD], $0x1800, $0x38;
	[tilespmem:$0x1A400] =	vst v63  }
0x5f: {  	_ =	swait.ge [sflag:s6], $0x1800  }
0x60: {  	[sflag:s6] =	ssyncset.done $0x0  }
0x61: {  	s7 =	rddreg [dreg:$0x1f];
	[sflag:s6] =	ssyncadd.s32 $0xFFFFE800  }
0x62: {  	[spmem:s7] =	stream.linear.scatter [tilespmem:s14], [sflag:$0xD], $0x1800, $0x38;
	[tilespmem:$0x1A400] =	vst v63  }
0x63: {  	_ =	swait.ge [sflag:s6], $0x1800  }
0x64: {  	[sflag:s6] =	ssyncset.done $0x0  }
0x65: {  	[sflag:s6] =	ssyncadd.s32 $0xFFFFE800  }
0x66: {  	[spmem:s13] =	stream.linear.scatter [tilespmem:s14], [sflag:$0xD], $0x1800, $0x38;
	[tilespmem:$0x1A400] =	vst v63  }
0x67: {  	_ =	swait.ge [sflag:s6], $0x1800  }
0x68: {  	s15 =	sld [smem:$0x7F0]  }
0x69: {  	[sflag:s6] =	ssyncset.done $0x0  }
0x6a: {  	[sflag:s6] =	ssyncadd.s32 $0xFFFFE800  }
0x6b: {  	[spmem:s15] =	stream.linear.scatter [tilespmem:s14], [sflag:$0xD], $0x1800, $0x38;
	[tilespmem:$0x1A400] =	vst v63  }
0x6c: {  	_ =	swait.ge [sflag:s6], $0x1800  }
0x6d: {  	[sflag:s6] =	ssyncset.done $0x0  }
0x6e: {  	[sflag:s6] =	ssyncadd.s32 $0xFFFFE800  }
0x6f: {  	[spmem:s16] =	stream.linear.scatter [tilespmem:s14], [sflag:$0xD], $0x1800, $0x38;
	[tilespmem:$0x1A400] =	vst v63  }
0x70: {  	_ =	swait.ge [sflag:s6], $0x1800  }
0x71: {  	s16 =	sld [smem:$0x7F1]  }
0x72: {  	[sflag:s6] =	ssyncset.done $0x0  }
0x73: {  	[sflag:s6] =	ssyncadd.s32 $0xFFFFE800  }
0x74: {  	[spmem:s16] =	stream.linear.scatter [tilespmem:s14], [sflag:$0xD], $0x1800, $0x38;
	[tilespmem:$0x1A400] =	vst v63  }
0x75: {  	_ =	swait.ge [sflag:s6], $0x1800  }
0x76: {  	s30 =	sld [smem:$0x7F2]  }
0x77: {  	[sflag:s6] =	ssyncset.done $0x0  }
0x78: {  	[sflag:s6] =	ssyncadd.s32 $0xFFFFE800  }
0x79: {  	[spmem:s30] =	stream.linear.scatter [tilespmem:s14], [sflag:$0xD], $0x1800, $0x38;
	[tilespmem:$0x1A400] =	vst v63  }
0x7a: {  	_ =	swait.ge [sflag:s6], $0x1800  }
0x7b: {  	[sflag:s6] =	ssyncset.done $0x0  }
0x7c: {  	[sflag:s6] =	ssyncadd.s32 $0xFFFFE800  }
0x7d: {  	[spmem:s19] =	stream.linear.scatter [tilespmem:s14], [sflag:$0xD], $0x1800, $0x38;
	[tilespmem:$0x1A400] =	vst v63  }
0x7e: {  	_ =	swait.ge [sflag:s6], $0x1800  }
0x7f: {  	s3 =	sld [smem:$0x7F3]  }
0x80: {  	[sflag:s6] =	ssyncset.done $0x0  }
0x81: {  	[sflag:s6] =	ssyncadd.s32 $0xFFFFE800  }
0x82: {  	[spmem:s3] =	stream.linear.scatter [tilespmem:s14], [sflag:$0xD], $0x1800, $0x38;
	[tilespmem:$0x1A400] =	vst v63  }
0x83: {  	_ =	swait.ge [sflag:s6], $0x1800  }
0x84: {  	s7 =	sld [smem:$0x7F4]  }
0x85: {  	[sflag:s6] =	ssyncset.done $0x0  }
0x86: {  	[sflag:s6] =	ssyncadd.s32 $0xFFFFE800  }
0x87: {  	[spmem:s7] =	stream.linear.scatter [tilespmem:s14], [sflag:$0xD], $0x800, $0x38;
	[tilespmem:$0x1A400] =	vst v63  }
0x88: {  	_ =	swait.ge [sflag:s6], $0x800  }
0x89: {  	[sflag:s6] =	ssyncset.done $0x0  }
0x8a: {  	[sflag:s6] =	ssyncadd.s32 $0xFFFFF800  }
0x8b: {  	[bflag:$0x0] =	sbarrier.arrive $0xFFFF  }
0x8c: {  	s3 =	sld [smem:$0x7F5];
	_ =	sdelay $0x1  }
0x8d: {  	s13 =	simm.s32 $0x0;
	s15 =	sld [smem:$0x7F6]  }
0x8e: {  	[tilespmem:s13], [sflag:$0x1] =	stream.linear.gather [hbm4b:s3+s13], $0x30, $0x38;
	[tilespmem:$0x1A400] =	vst v63  }
0x8f: {  	s16 =	simm.s32 $0x200;
	s19 =	sld [smem:$0x7F7]  }
0x90: {  	[tilespmem:s16], [sflag:$0x1] =	stream.linear.gather [hbm4b:s15+s13], $0x30, $0x38;
	[tilespmem:$0x1A400] =	vst v63  }
0x91: {  	s30 =	sld [smem:$0x7F8]  }
0x92: {  	[tilespmem:s17], [sflag:$0x2] =	stream.linear.gather [hbm4b:s19+s13], $0x30, $0x38;
	[tilespmem:$0x1A400] =	vst v63  }
0x93: {  	s6 =	simm.s32 $0x1  }
0x94: {  	[tilespmem:s18], [sflag:$0x2] =	stream.linear.gather [hbm4b:s30+s13], $0x30, $0x38;
	[tilespmem:$0x1A400] =	vst v63  }
0x95: {  	_ =	swait.ge [sflag:s6], $0x30  }
0x96: {  	[sflag:s6] =	ssyncset.done $0x0  }
0x97: {  	[sflag:s6] =	ssyncadd.s32 $0xFFFFFFD0  }
0x98: {  	_ =	swait.ge [sflag:s6], $0x30  }
0x99: {  	p1 =	por $0x1, $0x1;
	[sflag:s6] =	ssyncset.done $0x0  }
0x9a: {  	s0 =	simm.s32 @!p1 $0xB;
	[sflag:s6] =	ssyncadd.s32 $0xFFFFFFD0  }
0x9b: {  	[tilespmem:s14], [sflag:$0x5] =	stream.indirect.gather [hbm4b:s20+s8], $0x80, s13, s8, $0xb8;
	[tilespmem:$0x1A400] =	vst v63  }
0x9c: {  	_ =	swait.ge @!p1 [sflag:s0], $0x1800  }
0x9d: {  	s3 =	rddreg [dreg:$0x9]  }
0x9e: {  	s6 =	simm.s32 @!p1 $0x100;
	[sflag:s0] =	ssyncset.done @!p1 $0x0;
	s7 =	rddreg [dreg:$0x8]  }
0x9f: {  	[sflag:s0] =	ssyncadd.s32 @!p1 $0xFFFFE800;
	s0 =	simm.s32 @!p1 $0x0;
	s3 =	sadd.s32 @!p1 $0x0, s3  }
0xa0: {  	[tilespmem:s6], [sflag:$0x3] =	stream.linear.gather @!p1 [hbm4b:s3+s0], $0x30, $0x38;
	[tilespmem:$0x1A400] =	vst v63  }
0xa1: {  	p0 =	por $0x0, $0x0;
	s3 =	sadd.s32 @!p1 $0x0, s7;
	s6 =	simm.s32 @!p1 $0x300  }
0xa2: {  	[tilespmem:s6], [sflag:$0x3] =	stream.linear.gather @!p1 [hbm4b:s3+s0], $0x30, $0x38;
	[tilespmem:$0x1A400] =	vst v63  }
0xa3: {  	s7 =	rddreg [dreg:$0x3];
	s0 =	simm.s32 @!p0 $0x0;
	s3 =	simm.s32 @!p0 $0x100  }
0xa4: {  	[tilespmem:s3], [sflag:$0x3] =	stream.linear.gather @!p0 [hbm4b:s7+s0], $0x30, $0x38;
	[tilespmem:$0x1A400] =	vst v63  }
0xa5: {  	s6 =	rddreg [dreg:$0x4];
	s3 =	simm.s32 @!p0 $0x300  }
0xa6: {  	[tilespmem:s3], [sflag:$0x3] =	stream.linear.gather @!p0 [hbm4b:s6+s0], $0x30, $0x38;
	[tilespmem:$0x1A400] =	vst v63  }
0xa7: {  	_ =	swait.ge [sflag:s9], $0x30  }
0xa8: {  	[sflag:s9] =	ssyncset.done $0x0  }
0xa9: {  	[sflag:s9] =	ssyncadd.s32 $0xFFFFFFD0  }
0xaa: {  	_ =	swait.ge [sflag:s9], $0x30  }
0xab: {  	[sflag:s9] =	ssyncset.done $0x0  }
0xac: {  	[sflag:s9] =	ssyncadd.s32 $0xFFFFFFD0  }
0xad: {  	[tilespmem:s10], [sflag:$0x6] =	stream.indirect.gather [hbm4b:s20+s8], $0x80, s17, s8, $0xb8;
	[tilespmem:$0x1A400] =	vst v63  }
0xae: {  	_ =	swait.ge [sflag:s11], $0x1800  }
0xaf: {  	p0 =	por $0x1, $0x1;
	[sflag:s11] =	ssyncset.done $0x0  }
0xb0: {  	s0 =	simm.s32 @!p0 $0xC;
	[sflag:s11] =	ssyncadd.s32 $0xFFFFE800  }
0xb1: {  	[spmem:s1] =	stream.indirect.scatter.add.f32 [tilespmem:s14], [sflag:$0x9], $0x80, s16, s8, $0xb8;
	[tilespmem:$0x1A400] =	vst v63  }
0xb2: {  	_ =	swait.ge @!p0 [sflag:s0], $0x1800  }
0xb3: {  	s13 =	sld [smem:$0x7FA];
	_ =	sdelay $0x2  }
0xb4: {  	s3 =	rddreg [dreg:$0x5];
	s6 =	sadd.s32 @!p0 $0xFFFFFFD0, s13  }
0xb5: {  	s6 =	smov.u32 @p0 s3  }
0xb6: {  	[sflag:s0] =	ssyncset.done @!p0 $0x0;
	s3 =	sshrl.u32 s6, $0x3  }
0xb7: {  	[sflag:s0] =	ssyncadd.s32 @!p0 $0xFFFFE800;
	s7 =	sadd.s32 s4, s3  }
0xb8: {  	[tilespmem:s12], [sflag:$0x4] =	stream.linear.gather [hbm4b:s7+s2], $0x30, $0x38;
	[tilespmem:$0x1A400] =	vst v63  }
0xb9: {  	s15 =	sadd.s32 s5, s3  }
0xba: {  	[tilespmem:s21], [sflag:$0x4] =	stream.linear.gather [hbm4b:s15+s2], $0x30, $0x38;
	[tilespmem:$0x1A400] =	vst v63  }
0xbb: {  	_ =	swait.ge [sflag:s22], $0x30  }
0xbc: {  	[sflag:s22] =	ssyncset.done $0x0  }
0xbd: {  	[sflag:s22] =	ssyncadd.s32 $0xFFFFFFD0  }
0xbe: {  	_ =	swait.ge [sflag:s22], $0x30  }
0xbf: {  	[sflag:s22] =	ssyncset.done $0x0  }
0xc0: {  	s19 =	rddreg [dreg:$0xa];
	[sflag:s22] =	ssyncadd.s32 $0xFFFFFFD0  }
0xc1: {  	[tilespmem:s23], [sflag:$0x7] =	stream.indirect.gather [hbm4b:s20+s8], $0x80, s19, s8, $0xb8;
	[tilespmem:$0x1A400] =	vst v63  }
0xc2: {  	_ =	swait.ge [sflag:s24], $0x1800  }
0xc3: {  	p0 =	por $0x0, $0x0;
	[sflag:s24] =	ssyncset.done $0x0  }
0xc4: {  	s0 =	simm.s32 @!p0 $0x9;
	[sflag:s24] =	ssyncadd.s32 $0xFFFFE800  }
0xc5: {  	[spmem:s1] =	stream.indirect.scatter.add.f32 [tilespmem:s10], [sflag:$0xA], $0x80, s18, s8, $0xb8;
	[tilespmem:$0x1A400] =	vst v63  }
0xc6: {  	_ =	swait.ge @!p0 [sflag:s0], $0x1800  }
0xc7: {  	s3 =	sshrl.u32 @!p0 s13, $0x3;
	[sflag:s0] =	ssyncset.done @!p0 $0x0  }
0xc8: {  	s6 =	sadd.s32 @!p0 s4, s3;
	[sflag:s0] =	ssyncadd.s32 @!p0 $0xFFFFE800;
	s0 =	simm.s32 @!p0 $0x0  }
0xc9: {  	[tilespmem:s0], [sflag:$0x1] =	stream.linear.gather @!p0 [hbm4b:s6+s0], $0x30, $0x38;
	[tilespmem:$0x1A400] =	vst v63  }
0xca: {  	s3 =	sadd.s32 @!p0 s5, s3;
	s6 =	simm.s32 @!p0 $0x200  }
0xcb: {  	[tilespmem:s6], [sflag:$0x1] =	stream.linear.gather @!p0 [hbm4b:s3+s0], $0x30, $0x38;
	[tilespmem:$0x1A400] =	vst v63  }
0xcc: {  	_ =	swait.ge [sflag:s25], $0x30  }
0xcd: {  	[sflag:s25] =	ssyncset.done $0x0  }
0xce: {  	[sflag:s25] =	ssyncadd.s32 $0xFFFFFFD0  }
0xcf: {  	_ =	swait.ge [sflag:s25], $0x30  }
0xd0: {  	[sflag:s25] =	ssyncset.done $0x0  }
0xd1: {  	[sflag:s25] =	ssyncadd.s32 $0xFFFFFFD0  }
0xd2: {  	[tilespmem:s26], [sflag:$0x8] =	stream.indirect.gather [hbm4b:s20+s8], $0x80, s12, s8, $0xb8;
	[tilespmem:$0x1A400] =	vst v63  }
0xd3: {  	_ =	swait.ge [sflag:s28], $0x1800  }
0xd4: {  	[sflag:s28] =	ssyncset.done $0x0  }
0xd5: {  	s6 =	simm.s32 @!p0 $0xA;
	s30 =	rddreg [dreg:$0xb];
	[sflag:s28] =	ssyncadd.s32 $0xFFFFE800  }
0xd6: {  	[spmem:s1] =	stream.indirect.scatter.add.f32 [tilespmem:s23], [sflag:$0xB], $0x80, s30, s8, $0xb8;
	[tilespmem:$0x1A400] =	vst v63  }
0xd7: {  	_ =	swait.ge @!p0 [sflag:s6], $0x1800  }
0xd8: {  	s3 =	rddreg [dreg:$0x7]  }
0xd9: {  	[sflag:s6] =	ssyncset.done @!p0 $0x0;
	s7 =	rddreg [dreg:$0x6]  }
0xda: {  	[sflag:s6] =	ssyncadd.s32 @!p0 $0xFFFFE800;
	s3 =	sadd.s32 @!p0 $0x0, s3;
	s6 =	simm.s32 @!p0 $0x80  }
0xdb: {  	[tilespmem:s6], [sflag:$0x2] =	stream.linear.gather @!p0 [hbm4b:s3+s0], $0x30, $0x38;
	[tilespmem:$0x1A400] =	vst v63  }
0xdc: {  	s3 =	simm.s32 @!p0 $0x280;
	s6 =	sadd.s32 @!p0 $0x0, s7;
	s7 =	simm.s32 @!p0 $0x1  }
0xdd: {  	[tilespmem:s3], [sflag:$0x2] =	stream.linear.gather @!p0 [hbm4b:s6+s0], $0x30, $0x38;
	[tilespmem:$0x1A400] =	vst v63  }
0xde: {  	_ =	swait.ge @!p0 [sflag:s7], $0x30  }
0xdf: {  	[sflag:s7] =	ssyncset.done @!p0 $0x0  }
0xe0: {  	[sflag:s7] =	ssyncadd.s32 @!p0 $0xFFFFFFD0  }
0xe1: {  	_ =	swait.ge @!p0 [sflag:s7], $0x30  }
0xe2: {  	[sflag:s7] =	ssyncset.done @!p0 $0x0  }
0xe3: {  	s3 =	simm.s32 @!p0 $0x30;
	s6 =	simm.s32 @!p0 $0x400;
	[sflag:s7] =	ssyncadd.s32 @!p0 $0xFFFFFFD0  }
0xe4: {  	[tilespmem:s6], [sflag:$0x5] =	stream.indirect.gather @!p0 [hbm4b:s20+s3], $0x80, s0, s3, $0xb8;
	[tilespmem:$0x1A400] =	vst v63  }
0xe5: {  	s31 =	simm.s32 $0x18;
	p1 =	por $0x0, $0x0;
	s3 =	simm.s32 $0x30  }
0xe6: {  	s6 =	simm.s32 $0x0;
	s0 =	sadd.s32 $0xC0, s13;
	_ =	swait.ge [sflag:s29], $0x1800  }
.LBB2_4:
0xe7: {  	[sflag:s29] =	ssyncset.done $0x0  }
0xe8: {  	s13 =	simm.s32 @!p1 $0xB;
	[sflag:s29] =	ssyncadd.s32 $0xFFFFE800  }
0xe9: {  	[spmem:s1] =	stream.indirect.scatter.add.f32 [tilespmem:s26], [sflag:$0xC], $0x80, s21, s8, $0xb8;
	[tilespmem:$0x1A400] =	vst v63  }
0xea: {  	_ =	swait.ge @!p1 [sflag:s13], $0x1800  }
0xeb: {  	s19 =	rddreg [dreg:$0x9]  }
0xec: {  	s30 =	simm.s32 @!p1 $0x100;
	[sflag:s13] =	ssyncset.done @!p1 $0x0;
	s15 =	rddreg [dreg:$0x8]  }
0xed: {  	[sflag:s13] =	ssyncadd.s32 @!p1 $0xFFFFE800;
	s13 =	simm.s32 @!p1 $0x0;
	s19 =	sadd.s32 @!p1 s31, s19  }
0xee: {  	[tilespmem:s30], [sflag:$0x3] =	stream.linear.gather @!p1 [hbm4b:s19+s13], $0x30, $0x38;
	[tilespmem:$0x1A400] =	vst v63  }
0xef: {  	p2 =	sne.s32 s31, $0x0;
	s15 =	sadd.s32 @!p1 s31, s15;
	s19 =	simm.s32 @!p1 $0x300  }
0xf0: {  	[tilespmem:s19], [sflag:$0x3] =	stream.linear.gather @!p1 [hbm4b:s15+s13], $0x30, $0x38;
	[tilespmem:$0x1A400] =	vst v63  }
0xf1: {  	s30 =	rddreg [dreg:$0x3];
	s13 =	simm.s32 @!p2 $0x0;
	s15 =	simm.s32 @!p2 $0x100  }
0xf2: {  	[tilespmem:s15], [sflag:$0x3] =	stream.linear.gather @!p2 [hbm4b:s30+s13], $0x30, $0x38;
	[tilespmem:$0x1A400] =	vst v63  }
0xf3: {  	s19 =	rddreg [dreg:$0x4];
	s15 =	simm.s32 @!p2 $0x300  }
0xf4: {  	[tilespmem:s15], [sflag:$0x3] =	stream.linear.gather @!p2 [hbm4b:s19+s13], $0x30, $0x38;
	[tilespmem:$0x1A400] =	vst v63  }
0xf5: {  	_ =	swait.ge [sflag:s9], $0x30  }
0xf6: {  	[sflag:s9] =	ssyncset.done $0x0  }
0xf7: {  	[sflag:s9] =	ssyncadd.s32 $0xFFFFFFD0  }
0xf8: {  	_ =	swait.ge [sflag:s9], $0x30  }
0xf9: {  	[sflag:s9] =	ssyncset.done $0x0  }
0xfa: {  	[sflag:s9] =	ssyncadd.s32 $0xFFFFFFD0  }
0xfb: {  	[tilespmem:s10], [sflag:$0x6] =	stream.indirect.gather [hbm4b:s20+s8], $0x80, s17, s8, $0xb8;
	[tilespmem:$0x1A400] =	vst v63  }
0xfc: {  	_ =	swait.ge [sflag:s11], $0x1800  }
0xfd: {  	p1 =	seq.s32 s31, $0x0;
	[sflag:s11] =	ssyncset.done $0x0  }
0xfe: {  	s13 =	simm.s32 @!p1 $0xC;
	[sflag:s11] =	ssyncadd.s32 $0xFFFFE800  }
0xff: {  	[spmem:s1] =	stream.indirect.scatter.add.f32 [tilespmem:s14], [sflag:$0x9], $0x80, s16, s8, $0xb8;
	[tilespmem:$0x1A400] =	vst v63  }
0x100: {  	_ =	swait.ge @!p1 [sflag:s13], $0x1800  }
0x101: {  	[sflag:s13] =	ssyncset.done @!p1 $0x0  }
0x102: {  	s15 =	rddreg [dreg:$0x5];
	[sflag:s13] =	ssyncadd.s32 @!p1 $0xFFFFE800;
	s13 =	sadd.s32 @!p1 $0xFFFFFFD0, s0  }
0x103: {  	s13 =	smov.u32 @p1 s15  }
0x104: {  	s13 =	sshrl.u32 s13, $0x3  }
0x105: {  	s16 =	sadd.s32 s4, s13  }
0x106: {  	[tilespmem:s12], [sflag:$0x4] =	stream.linear.gather [hbm4b:s16+s2], $0x30, $0x38;
	[tilespmem:$0x1A400] =	vst v63  }
0x107: {  	s13 =	sadd.s32 s5, s13  }
0x108: {  	[tilespmem:s21], [sflag:$0x4] =	stream.linear.gather [hbm4b:s13+s2], $0x30, $0x38;
	[tilespmem:$0x1A400] =	vst v63  }
0x109: {  	_ =	swait.ge [sflag:s22], $0x30  }
0x10a: {  	[sflag:s22] =	ssyncset.done $0x0  }
0x10b: {  	[sflag:s22] =	ssyncadd.s32 $0xFFFFFFD0  }
0x10c: {  	_ =	swait.ge [sflag:s22], $0x30  }
0x10d: {  	[sflag:s22] =	ssyncset.done $0x0  }
0x10e: {  	s19 =	rddreg [dreg:$0xa];
	[sflag:s22] =	ssyncadd.s32 $0xFFFFFFD0  }
0x10f: {  	[tilespmem:s23], [sflag:$0x7] =	stream.indirect.gather [hbm4b:s20+s8], $0x80, s19, s8, $0xb8;
	[tilespmem:$0x1A400] =	vst v63  }
0x110: {  	_ =	swait.ge [sflag:s24], $0x1800  }
0x111: {  	p1 =	seq.s32 s31, $0x4E0;
	[sflag:s24] =	ssyncset.done $0x0  }
0x112: {  	s13 =	simm.s32 @!p1 $0x9;
	[sflag:s24] =	ssyncadd.s32 $0xFFFFE800  }
0x113: {  	[spmem:s1] =	stream.indirect.scatter.add.f32 [tilespmem:s10], [sflag:$0xA], $0x80, s18, s8, $0xb8;
	[tilespmem:$0x1A400] =	vst v63  }
0x114: {  	_ =	swait.ge @!p1 [sflag:s13], $0x1800  }
0x115: {  	s15 =	sshrl.u32 @!p1 s0, $0x3;
	[sflag:s13] =	ssyncset.done @!p1 $0x0  }
0x116: {  	s19 =	sadd.s32 @!p1 s4, s15;
	[sflag:s13] =	ssyncadd.s32 @!p1 $0xFFFFE800;
	s13 =	simm.s32 @!p1 $0x0  }
0x117: {  	[tilespmem:s13], [sflag:$0x1] =	stream.linear.gather @!p1 [hbm4b:s19+s13], $0x30, $0x38;
	[tilespmem:$0x1A400] =	vst v63  }
0x118: {  	s30 =	simm.s32 @!p1 $0x200;
	s15 =	sadd.s32 @!p1 s5, s15  }
0x119: {  	[tilespmem:s30], [sflag:$0x1] =	stream.linear.gather @!p1 [hbm4b:s15+s13], $0x30, $0x38;
	[tilespmem:$0x1A400] =	vst v63  }
0x11a: {  	_ =	swait.ge [sflag:s25], $0x30  }
0x11b: {  	[sflag:s25] =	ssyncset.done $0x0  }
0x11c: {  	[sflag:s25] =	ssyncadd.s32 $0xFFFFFFD0  }
0x11d: {  	_ =	swait.ge [sflag:s25], $0x30  }
0x11e: {  	[sflag:s25] =	ssyncset.done $0x0  }
0x11f: {  	[sflag:s25] =	ssyncadd.s32 $0xFFFFFFD0  }
0x120: {  	[tilespmem:s26], [sflag:$0x8] =	stream.indirect.gather [hbm4b:s20+s8], $0x80, s12, s8, $0xb8;
	[tilespmem:$0x1A400] =	vst v63  }
0x121: {  	_ =	swait.ge [sflag:s28], $0x1800  }
0x122: {  	[sflag:s28] =	ssyncset.done $0x0  }
0x123: {  	s19 =	simm.s32 @!p1 $0xA;
	s30 =	rddreg [dreg:$0xb];
	[sflag:s28] =	ssyncadd.s32 $0xFFFFE800  }
0x124: {  	[spmem:s1] =	stream.indirect.scatter.add.f32 [tilespmem:s23], [sflag:$0xB], $0x80, s30, s8, $0xb8;
	[tilespmem:$0x1A400] =	vst v63  }
0x125: {  	_ =	swait.ge @!p1 [sflag:s19], $0x1800  }
0x126: {  	s15 =	rddreg [dreg:$0x7]  }
0x127: {  	[sflag:s19] =	ssyncset.done @!p1 $0x0;
	s30 =	rddreg [dreg:$0x6]  }
0x128: {  	[sflag:s19] =	ssyncadd.s32 @!p1 $0xFFFFE800;
	s15 =	sadd.s32 @!p1 s31, s15;
	s19 =	simm.s32 @!p1 $0x80  }
0x129: {  	[tilespmem:s19], [sflag:$0x2] =	stream.linear.gather @!p1 [hbm4b:s15+s13], $0x30, $0x38;
	[tilespmem:$0x1A400] =	vst v63  }
0x12a: {  	s16 =	simm.s32 @!p1 $0x280;
	s15 =	sadd.s32 @!p1 s31, s30;
	s19 =	simm.s32 @!p1 $0x1  }
0x12b: {  	[tilespmem:s16], [sflag:$0x2] =	stream.linear.gather @!p1 [hbm4b:s15+s13], $0x30, $0x38;
	[tilespmem:$0x1A400] =	vst v63  }
0x12c: {  	_ =	swait.ge @!p1 [sflag:s19], $0x30  }
0x12d: {  	s7 =	smov.u32 s3;
	s3 =	sadd.s32 $0x18, s3;
	[sflag:s19] =	ssyncset.done @!p1 $0x0  }
0x12e: {  	p0 =	sne.s32 s3, $0x4F8;
	[sflag:s19] =	ssyncadd.s32 @!p1 $0xFFFFFFD0  }
.Ltmp1:
0x12f: {  	s6 =	sadd.s32 $0x4, s6;
	_ =	swait.ge @!p1 [sflag:s19], $0x30;
	(pc) =	sbr.rel @p0 .LBB2_4-.Ltmp1, $4  }
0x130: {  	s0 =	sadd.s32 $0xC0, s0;
	s31 =	smov.u32 s7;
	[sflag:s19] =	ssyncset.done @!p1 $0x0  }
0x131: {  	s7 =	simm.s32 @!p1 $0x30;
	s15 =	simm.s32 @!p1 $0x400;
	[sflag:s19] =	ssyncadd.s32 @!p1 $0xFFFFFFD0  }
0x132: {  	[tilespmem:s15], [sflag:$0x5] =	stream.indirect.gather @!p1 [hbm4b:s20+s7], $0x80, s13, s7, $0xb8;
	[tilespmem:$0x1A400] =	vst v63  }
0x133: {  	s16 =	simm.s32 $0x200;
	p1 =	sgt.u32 s6, $0xCF;
	_ =	swait.ge [sflag:s29], $0x1800  }
0x134: {  	[sflag:s29] =	ssyncset.done $0x0  }
0x135: {  	s3 =	simm.s32 @!p1 $0xB;
	[sflag:s29] =	ssyncadd.s32 $0xFFFFE800  }
0x136: {  	[spmem:s1] =	stream.indirect.scatter.add.f32 [tilespmem:s26], [sflag:$0xC], $0x80, s21, s8, $0xb8;
	[tilespmem:$0x1A400] =	vst v63  }
0x137: {  	_ =	swait.ge @!p1 [sflag:s3], $0x1800  }
0x138: {  	s6 =	rddreg [dreg:$0x9]  }
0x139: {  	s7 =	simm.s32 @!p1 $0x100;
	[sflag:s3] =	ssyncset.done @!p1 $0x0;
	s13 =	rddreg [dreg:$0x8]  }
0x13a: {  	[sflag:s3] =	ssyncadd.s32 @!p1 $0xFFFFE800;
	s3 =	simm.s32 @!p1 $0x0;
	s6 =	sadd.s32 @!p1 s31, s6  }
0x13b: {  	[tilespmem:s7], [sflag:$0x3] =	stream.linear.gather @!p1 [hbm4b:s6+s3], $0x30, $0x38;
	[tilespmem:$0x1A400] =	vst v63  }
0x13c: {  	p0 =	sne.s32 s31, $0x0;
	s6 =	sadd.s32 @!p1 s31, s13;
	s7 =	simm.s32 @!p1 $0x300  }
0x13d: {  	[tilespmem:s7], [sflag:$0x3] =	stream.linear.gather @!p1 [hbm4b:s6+s3], $0x30, $0x38;
	[tilespmem:$0x1A400] =	vst v63  }
0x13e: {  	s13 =	rddreg [dreg:$0x3];
	s3 =	simm.s32 @!p0 $0x0;
	s6 =	simm.s32 @!p0 $0x100  }
0x13f: {  	[tilespmem:s6], [sflag:$0x3] =	stream.linear.gather @!p0 [hbm4b:s13+s3], $0x30, $0x38;
	[tilespmem:$0x1A400] =	vst v63  }
0x140: {  	s7 =	rddreg [dreg:$0x4];
	s6 =	simm.s32 @!p0 $0x300  }
0x141: {  	[tilespmem:s6], [sflag:$0x3] =	stream.linear.gather @!p0 [hbm4b:s7+s3], $0x30, $0x38;
	[tilespmem:$0x1A400] =	vst v63  }
0x142: {  	_ =	swait.ge [sflag:s9], $0x30  }
0x143: {  	[sflag:s9] =	ssyncset.done $0x0  }
0x144: {  	[sflag:s9] =	ssyncadd.s32 $0xFFFFFFD0  }
0x145: {  	_ =	swait.ge [sflag:s9], $0x30  }
0x146: {  	[sflag:s9] =	ssyncset.done $0x0  }
0x147: {  	[sflag:s9] =	ssyncadd.s32 $0xFFFFFFD0  }
0x148: {  	[tilespmem:s10], [sflag:$0x6] =	stream.indirect.gather [hbm4b:s20+s8], $0x80, s17, s8, $0xb8;
	[tilespmem:$0x1A400] =	vst v63  }
0x149: {  	_ =	swait.ge [sflag:s11], $0x1800  }
0x14a: {  	p0 =	seq.s32 s31, $0x0;
	[sflag:s11] =	ssyncset.done $0x0  }
0x14b: {  	s3 =	simm.s32 @!p0 $0xC;
	[sflag:s11] =	ssyncadd.s32 $0xFFFFE800  }
0x14c: {  	[spmem:s1] =	stream.indirect.scatter.add.f32 [tilespmem:s14], [sflag:$0x9], $0x80, s16, s8, $0xb8;
	[tilespmem:$0x1A400] =	vst v63  }
0x14d: {  	_ =	swait.ge @!p0 [sflag:s3], $0x1800  }
0x14e: {  	s7 =	sadd.s32 @!p0 $0xFFFFFFD0, s0;
	s6 =	rddreg [dreg:$0x5]  }
0x14f: {  	s7 =	smov.u32 @p0 s6  }
0x150: {  	[sflag:s3] =	ssyncset.done @!p0 $0x0;
	s6 =	sshrl.u32 s7, $0x3  }
0x151: {  	[sflag:s3] =	ssyncadd.s32 @!p0 $0xFFFFE800;
	s19 =	sadd.s32 s4, s6  }
0x152: {  	[tilespmem:s12], [sflag:$0x4] =	stream.linear.gather [hbm4b:s19+s2], $0x30, $0x38;
	[tilespmem:$0x1A400] =	vst v63  }
0x153: {  	s7 =	sadd.s32 s5, s6  }
0x154: {  	[tilespmem:s21], [sflag:$0x4] =	stream.linear.gather [hbm4b:s7+s2], $0x30, $0x38;
	[tilespmem:$0x1A400] =	vst v63  }
0x155: {  	_ =	swait.ge [sflag:s22], $0x30  }
0x156: {  	[sflag:s22] =	ssyncset.done $0x0  }
0x157: {  	[sflag:s22] =	ssyncadd.s32 $0xFFFFFFD0  }
0x158: {  	_ =	swait.ge [sflag:s22], $0x30  }
0x159: {  	[sflag:s22] =	ssyncset.done $0x0  }
0x15a: {  	s13 =	rddreg [dreg:$0xa];
	[sflag:s22] =	ssyncadd.s32 $0xFFFFFFD0  }
0x15b: {  	[tilespmem:s23], [sflag:$0x7] =	stream.indirect.gather [hbm4b:s20+s8], $0x80, s13, s8, $0xb8;
	[tilespmem:$0x1A400] =	vst v63  }
0x15c: {  	_ =	swait.ge [sflag:s24], $0x1800  }
0x15d: {  	p0 =	seq.s32 s31, $0x4E0;
	[sflag:s24] =	ssyncset.done $0x0  }
0x15e: {  	s3 =	simm.s32 @!p0 $0x9;
	[sflag:s24] =	ssyncadd.s32 $0xFFFFE800  }
0x15f: {  	[spmem:s1] =	stream.indirect.scatter.add.f32 [tilespmem:s10], [sflag:$0xA], $0x80, s18, s8, $0xb8;
	[tilespmem:$0x1A400] =	vst v63  }
0x160: {  	_ =	swait.ge @!p0 [sflag:s3], $0x1800  }
0x161: {  	s0 =	sshrl.u32 @!p0 s0, $0x3;
	[sflag:s3] =	ssyncset.done @!p0 $0x0  }
0x162: {  	s6 =	sadd.s32 @!p0 s4, s0;
	[sflag:s3] =	ssyncadd.s32 @!p0 $0xFFFFE800;
	s3 =	simm.s32 @!p0 $0x0  }
0x163: {  	[tilespmem:s3], [sflag:$0x1] =	stream.linear.gather @!p0 [hbm4b:s6+s3], $0x30, $0x38;
	[tilespmem:$0x1A400] =	vst v63  }
0x164: {  	s0 =	sadd.s32 @!p0 s5, s0;
	s6 =	simm.s32 @!p0 $0x200  }
0x165: {  	[tilespmem:s6], [sflag:$0x1] =	stream.linear.gather @!p0 [hbm4b:s0+s3], $0x30, $0x38;
	[tilespmem:$0x1A400] =	vst v63  }
0x166: {  	_ =	swait.ge [sflag:s25], $0x30  }
0x167: {  	[sflag:s25] =	ssyncset.done $0x0  }
0x168: {  	[sflag:s25] =	ssyncadd.s32 $0xFFFFFFD0  }
0x169: {  	_ =	swait.ge [sflag:s25], $0x30  }
0x16a: {  	[sflag:s25] =	ssyncset.done $0x0  }
0x16b: {  	[sflag:s25] =	ssyncadd.s32 $0xFFFFFFD0  }
0x16c: {  	[tilespmem:s26], [sflag:$0x8] =	stream.indirect.gather [hbm4b:s20+s8], $0x80, s12, s8, $0xb8;
	[tilespmem:$0x1A400] =	vst v63  }
0x16d: {  	_ =	swait.ge [sflag:s28], $0x1800  }
0x16e: {  	[sflag:s28] =	ssyncset.done $0x0  }
0x16f: {  	s6 =	simm.s32 @!p0 $0xA;
	s15 =	rddreg [dreg:$0xb];
	[sflag:s28] =	ssyncadd.s32 $0xFFFFE800  }
0x170: {  	[spmem:s1] =	stream.indirect.scatter.add.f32 [tilespmem:s23], [sflag:$0xB], $0x80, s15, s8, $0xb8;
	[tilespmem:$0x1A400] =	vst v63  }
0x171: {  	_ =	swait.ge @!p0 [sflag:s6], $0x1800  }
0x172: {  	s0 =	rddreg [dreg:$0x7]  }
0x173: {  	[sflag:s6] =	ssyncset.done @!p0 $0x0;
	s7 =	rddreg [dreg:$0x6]  }
0x174: {  	[sflag:s6] =	ssyncadd.s32 @!p0 $0xFFFFE800;
	s0 =	sadd.s32 @!p0 s31, s0;
	s6 =	simm.s32 @!p0 $0x80  }
0x175: {  	[tilespmem:s6], [sflag:$0x2] =	stream.linear.gather @!p0 [hbm4b:s0+s3], $0x30, $0x38;
	[tilespmem:$0x1A400] =	vst v63  }
0x176: {  	s0 =	sadd.s32 @!p0 s31, s7;
	s6 =	simm.s32 @!p0 $0x280  }
0x177: {  	[tilespmem:s6], [sflag:$0x2] =	stream.linear.gather @!p0 [hbm4b:s0+s3], $0x30, $0x38;
	[tilespmem:$0x1A400] =	vst v63  }
0x178: {  	s0 =	simm.s32 @!p0 $0x1  }
0x179: {  	_ =	swait.ge @!p0 [sflag:s0], $0x30  }
0x17a: {  	[sflag:s0] =	ssyncset.done @!p0 $0x0  }
0x17b: {  	[sflag:s0] =	ssyncadd.s32 @!p0 $0xFFFFFFD0  }
0x17c: {  	_ =	swait.ge @!p0 [sflag:s0], $0x30  }
0x17d: {  	[sflag:s0] =	ssyncset.done @!p0 $0x0  }
0x17e: {  	s6 =	simm.s32 @!p0 $0x30;
	[sflag:s0] =	ssyncadd.s32 @!p0 $0xFFFFFFD0;
	s0 =	simm.s32 @!p0 $0x400  }
0x17f: {  	[tilespmem:s0], [sflag:$0x5] =	stream.indirect.gather @!p0 [hbm4b:s20+s6], $0x80, s3, s6, $0xb8;
	[tilespmem:$0x1A400] =	vst v63  }
0x180: {  	_ =	swait.ge [sflag:s29], $0x1800  }
0x181: {  	[sflag:s29] =	ssyncset.done $0x0  }
0x182: {  	s16 =	simm.s32 $0x9;
	[sflag:s29] =	ssyncadd.s32 $0xFFFFE800  }
0x183: {  	[spmem:s1] =	stream.indirect.scatter.add.f32 [tilespmem:s26], [sflag:$0xC], $0x80, s21, s8, $0xb8;
	[tilespmem:$0x1A400] =	vst v63  }
0x184: {  	_ =	swait.ge [sflag:s16], $0x1800  }
0x185: {  	[sflag:s16] =	ssyncset.done $0x0  }
0x186: {  	s19 =	simm.s32 $0xA;
	[sflag:s16] =	ssyncadd.s32 $0xFFFFE800  }
0x187: {  	_ =	swait.ge [sflag:s19], $0x1800  }
0x188: {  	[sflag:s19] =	ssyncset.done $0x0  }
0x189: {  	s3 =	simm.s32 $0xB;
	[sflag:s19] =	ssyncadd.s32 $0xFFFFE800  }
0x18a: {  	_ =	swait.ge [sflag:s3], $0x1800  }
0x18b: {  	[sflag:s3] =	ssyncset.done $0x0  }
0x18c: {  	s6 =	simm.s32 $0xC;
	[sflag:s3] =	ssyncadd.s32 $0xFFFFE800  }
0x18d: {  	_ =	swait.ge [sflag:s6], $0x1800  }
0x18e: {  	[sflag:s6] =	ssyncset.done $0x0  }
0x18f: {  	[sflag:s6] =	ssyncadd.s32 $0xFFFFE800  }
0x190: {  	[bflag:$0x0] =	sbarrier.arrive $0xFFFF  }
0x191: {  	s6 =	simm.s32 $0xD;
	s15 =	rddreg [dreg:$0x1a]  }
0x192: {  	[tilespmem:s14], [sflag:$0xD] =	stream.linear.gather [spmem:s15], $0x1800, $0x38;
	[tilespmem:$0x1A400] =	vst v63  }
0x193: {  	_ =	swait.ge [sflag:s6], $0x1800  }
0x194: {  	[sflag:s6] =	ssyncset.done $0x0  }
0x195: {  	s7 =	rddreg [dreg:$0xc];
	[sflag:s6] =	ssyncadd.s32 $0xFFFFE800  }
0x196: {  	[hbm4b:s7+s2] =	stream.linear.scatter [tilespmem:s14], [sflag:$0xD], $0x1800, $0x38;
	[tilespmem:$0x1A400] =	vst v63  }
0x197: {  	_ =	swait.ge [sflag:s6], $0x1800  }
0x198: {  	[sflag:s6] =	ssyncset.done $0x0  }
0x199: {  	s30 =	rddreg [dreg:$0x1b];
	[sflag:s6] =	ssyncadd.s32 $0xFFFFE800  }
0x19a: {  	[tilespmem:s14], [sflag:$0xD] =	stream.linear.gather [spmem:s30], $0x1800, $0x38;
	[tilespmem:$0x1A400] =	vst v63  }
0x19b: {  	_ =	swait.ge [sflag:s6], $0x1800  }
0x19c: {  	[sflag:s6] =	ssyncset.done $0x0  }
0x19d: {  	s13 =	rddreg [dreg:$0xd];
	[sflag:s6] =	ssyncadd.s32 $0xFFFFE800  }
0x19e: {  	[hbm4b:s13+s2] =	stream.linear.scatter [tilespmem:s14], [sflag:$0xD], $0x1800, $0x38;
	[tilespmem:$0x1A400] =	vst v63  }
0x19f: {  	_ =	swait.ge [sflag:s6], $0x1800  }
0x1a0: {  	[sflag:s6] =	ssyncset.done $0x0  }
0x1a1: {  	s31 =	rddreg [dreg:$0x1c];
	[sflag:s6] =	ssyncadd.s32 $0xFFFFE800  }
0x1a2: {  	[tilespmem:s14], [sflag:$0xD] =	stream.linear.gather [spmem:s31], $0x1800, $0x38;
	[tilespmem:$0x1A400] =	vst v63  }
0x1a3: {  	_ =	swait.ge [sflag:s6], $0x1800  }
0x1a4: {  	[sflag:s6] =	ssyncset.done $0x0  }
0x1a5: {  	s16 =	rddreg [dreg:$0xe];
	[sflag:s6] =	ssyncadd.s32 $0xFFFFE800  }
0x1a6: {  	[hbm4b:s16+s2] =	stream.linear.scatter [tilespmem:s14], [sflag:$0xD], $0x1800, $0x38;
	[tilespmem:$0x1A400] =	vst v63  }
0x1a7: {  	_ =	swait.ge [sflag:s6], $0x1800  }
0x1a8: {  	[sflag:s6] =	ssyncset.done $0x0  }
0x1a9: {  	s19 =	rddreg [dreg:$0x1d];
	[sflag:s6] =	ssyncadd.s32 $0xFFFFE800  }
0x1aa: {  	[tilespmem:s14], [sflag:$0xD] =	stream.linear.gather [spmem:s19], $0x1800, $0x38;
	[tilespmem:$0x1A400] =	vst v63  }
0x1ab: {  	_ =	swait.ge [sflag:s6], $0x1800  }
0x1ac: {  	[sflag:s6] =	ssyncset.done $0x0  }
0x1ad: {  	s3 =	rddreg [dreg:$0xf];
	[sflag:s6] =	ssyncadd.s32 $0xFFFFE800  }
0x1ae: {  	[hbm4b:s3+s2] =	stream.linear.scatter [tilespmem:s14], [sflag:$0xD], $0x1800, $0x38;
	[tilespmem:$0x1A400] =	vst v63  }
0x1af: {  	_ =	swait.ge [sflag:s6], $0x1800  }
0x1b0: {  	[sflag:s6] =	ssyncset.done $0x0  }
0x1b1: {  	s7 =	rddreg [dreg:$0x1e];
	[sflag:s6] =	ssyncadd.s32 $0xFFFFE800  }
0x1b2: {  	[tilespmem:s14], [sflag:$0xD] =	stream.linear.gather [spmem:s7], $0x1800, $0x38;
	[tilespmem:$0x1A400] =	vst v63  }
0x1b3: {  	_ =	swait.ge [sflag:s6], $0x1800  }
0x1b4: {  	[sflag:s6] =	ssyncset.done $0x0  }
0x1b5: {  	s13 =	rddreg [dreg:$0x10];
	[sflag:s6] =	ssyncadd.s32 $0xFFFFE800  }
0x1b6: {  	[hbm4b:s13+s2] =	stream.linear.scatter [tilespmem:s14], [sflag:$0xD], $0x1800, $0x38;
	[tilespmem:$0x1A400] =	vst v63  }
0x1b7: {  	_ =	swait.ge [sflag:s6], $0x1800  }
0x1b8: {  	[sflag:s6] =	ssyncset.done $0x0  }
0x1b9: {  	s16 =	rddreg [dreg:$0x1f];
	[sflag:s6] =	ssyncadd.s32 $0xFFFFE800  }
0x1ba: {  	[tilespmem:s14], [sflag:$0xD] =	stream.linear.gather [spmem:s16], $0x1800, $0x38;
	[tilespmem:$0x1A400] =	vst v63  }
0x1bb: {  	_ =	swait.ge [sflag:s6], $0x1800  }
0x1bc: {  	[sflag:s6] =	ssyncset.done $0x0  }
0x1bd: {  	s19 =	rddreg [dreg:$0x11];
	[sflag:s6] =	ssyncadd.s32 $0xFFFFE800  }
0x1be: {  	[hbm4b:s19+s2] =	stream.linear.scatter [tilespmem:s14], [sflag:$0xD], $0x1800, $0x38;
	[tilespmem:$0x1A400] =	vst v63  }
0x1bf: {  	_ =	swait.ge [sflag:s6], $0x1800  }
0x1c0: {  	s13 =	sld [smem:$0x7FB]  }
0x1c1: {  	[sflag:s6] =	ssyncset.done $0x0  }
0x1c2: {  	[sflag:s6] =	ssyncadd.s32 $0xFFFFE800  }
0x1c3: {  	[tilespmem:s14], [sflag:$0xD] =	stream.linear.gather [spmem:s13], $0x1800, $0x38;
	[tilespmem:$0x1A400] =	vst v63  }
0x1c4: {  	_ =	swait.ge [sflag:s6], $0x1800  }
0x1c5: {  	[sflag:s6] =	ssyncset.done $0x0  }
0x1c6: {  	s3 =	rddreg [dreg:$0x12];
	[sflag:s6] =	ssyncadd.s32 $0xFFFFE800  }
0x1c7: {  	[hbm4b:s3+s2] =	stream.linear.scatter [tilespmem:s14], [sflag:$0xD], $0x1800, $0x38;
	[tilespmem:$0x1A400] =	vst v63  }
0x1c8: {  	_ =	swait.ge [sflag:s6], $0x1800  }
0x1c9: {  	s7 =	sld [smem:$0x7F0]  }
0x1ca: {  	[sflag:s6] =	ssyncset.done $0x0  }
0x1cb: {  	[sflag:s6] =	ssyncadd.s32 $0xFFFFE800  }
0x1cc: {  	[tilespmem:s14], [sflag:$0xD] =	stream.linear.gather [spmem:s7], $0x1800, $0x38;
	[tilespmem:$0x1A400] =	vst v63  }
0x1cd: {  	_ =	swait.ge [sflag:s6], $0x1800  }
0x1ce: {  	[sflag:s6] =	ssyncset.done $0x0  }
0x1cf: {  	s16 =	rddreg [dreg:$0x13];
	[sflag:s6] =	ssyncadd.s32 $0xFFFFE800  }
0x1d0: {  	[hbm4b:s16+s2] =	stream.linear.scatter [tilespmem:s14], [sflag:$0xD], $0x1800, $0x38;
	[tilespmem:$0x1A400] =	vst v63  }
0x1d1: {  	_ =	swait.ge [sflag:s6], $0x1800  }
0x1d2: {  	s16 =	sld [smem:$0x7FC]  }
0x1d3: {  	[sflag:s6] =	ssyncset.done $0x0  }
0x1d4: {  	[sflag:s6] =	ssyncadd.s32 $0xFFFFE800  }
0x1d5: {  	[tilespmem:s14], [sflag:$0xD] =	stream.linear.gather [spmem:s16], $0x1800, $0x38;
	[tilespmem:$0x1A400] =	vst v63  }
0x1d6: {  	_ =	swait.ge [sflag:s6], $0x1800  }
0x1d7: {  	[sflag:s6] =	ssyncset.done $0x0  }
0x1d8: {  	s19 =	rddreg [dreg:$0x14];
	[sflag:s6] =	ssyncadd.s32 $0xFFFFE800  }
0x1d9: {  	[hbm4b:s19+s2] =	stream.linear.scatter [tilespmem:s14], [sflag:$0xD], $0x1800, $0x38;
	[tilespmem:$0x1A400] =	vst v63  }
0x1da: {  	_ =	swait.ge [sflag:s6], $0x1800  }
0x1db: {  	s3 =	sld [smem:$0x7F1]  }
0x1dc: {  	[sflag:s6] =	ssyncset.done $0x0  }
0x1dd: {  	[sflag:s6] =	ssyncadd.s32 $0xFFFFE800  }
0x1de: {  	[tilespmem:s14], [sflag:$0xD] =	stream.linear.gather [spmem:s3], $0x1800, $0x38;
	[tilespmem:$0x1A400] =	vst v63  }
0x1df: {  	_ =	swait.ge [sflag:s6], $0x1800  }
0x1e0: {  	[sflag:s6] =	ssyncset.done $0x0  }
0x1e1: {  	s7 =	rddreg [dreg:$0x15];
	[sflag:s6] =	ssyncadd.s32 $0xFFFFE800  }
0x1e2: {  	[hbm4b:s7+s2] =	stream.linear.scatter [tilespmem:s14], [sflag:$0xD], $0x1800, $0x38;
	[tilespmem:$0x1A400] =	vst v63  }
0x1e3: {  	_ =	swait.ge [sflag:s6], $0x1800  }
0x1e4: {  	s19 =	sld [smem:$0x7F2]  }
0x1e5: {  	[sflag:s6] =	ssyncset.done $0x0  }
0x1e6: {  	[sflag:s6] =	ssyncadd.s32 $0xFFFFE800  }
0x1e7: {  	[tilespmem:s14], [sflag:$0xD] =	stream.linear.gather [spmem:s19], $0x1800, $0x38;
	[tilespmem:$0x1A400] =	vst v63  }
0x1e8: {  	_ =	swait.ge [sflag:s6], $0x1800  }
0x1e9: {  	[sflag:s6] =	ssyncset.done $0x0  }
0x1ea: {  	s3 =	rddreg [dreg:$0x16];
	[sflag:s6] =	ssyncadd.s32 $0xFFFFE800  }
0x1eb: {  	[hbm4b:s3+s2] =	stream.linear.scatter [tilespmem:s14], [sflag:$0xD], $0x1800, $0x38;
	[tilespmem:$0x1A400] =	vst v63  }
0x1ec: {  	_ =	swait.ge [sflag:s6], $0x1800  }
0x1ed: {  	s19 =	sld [smem:$0x7FD]  }
0x1ee: {  	[sflag:s6] =	ssyncset.done $0x0  }
0x1ef: {  	[sflag:s6] =	ssyncadd.s32 $0xFFFFE800  }
0x1f0: {  	[tilespmem:s14], [sflag:$0xD] =	stream.linear.gather [spmem:s19], $0x1800, $0x38;
	[tilespmem:$0x1A400] =	vst v63  }
0x1f1: {  	_ =	swait.ge [sflag:s6], $0x1800  }
0x1f2: {  	[sflag:s6] =	ssyncset.done $0x0  }
0x1f3: {  	s7 =	rddreg [dreg:$0x17];
	[sflag:s6] =	ssyncadd.s32 $0xFFFFE800  }
0x1f4: {  	[hbm4b:s7+s2] =	stream.linear.scatter [tilespmem:s14], [sflag:$0xD], $0x1800, $0x38;
	[tilespmem:$0x1A400] =	vst v63  }
0x1f5: {  	_ =	swait.ge [sflag:s6], $0x1800  }
0x1f6: {  	s3 =	sld [smem:$0x7F3]  }
0x1f7: {  	[sflag:s6] =	ssyncset.done $0x0  }
0x1f8: {  	[sflag:s6] =	ssyncadd.s32 $0xFFFFE800  }
0x1f9: {  	[tilespmem:s14], [sflag:$0xD] =	stream.linear.gather [spmem:s3], $0x1800, $0x38;
	[tilespmem:$0x1A400] =	vst v63  }
0x1fa: {  	_ =	swait.ge [sflag:s6], $0x1800  }
0x1fb: {  	[sflag:s6] =	ssyncset.done $0x0  }
0x1fc: {  	s7 =	rddreg [dreg:$0x18];
	[sflag:s6] =	ssyncadd.s32 $0xFFFFE800  }
0x1fd: {  	[hbm4b:s7+s2] =	stream.linear.scatter [tilespmem:s14], [sflag:$0xD], $0x1800, $0x38;
	[tilespmem:$0x1A400] =	vst v63  }
0x1fe: {  	_ =	swait.ge [sflag:s6], $0x1800  }
0x1ff: {  	s3 =	sld [smem:$0x7F4]  }
0x200: {  	[sflag:s6] =	ssyncset.done $0x0  }
0x201: {  	[sflag:s6] =	ssyncadd.s32 $0xFFFFE800  }
0x202: {  	[tilespmem:s14], [sflag:$0xD] =	stream.linear.gather [spmem:s3], $0x800, $0x38;
	[tilespmem:$0x1A400] =	vst v63  }
0x203: {  	_ =	swait.ge [sflag:s6], $0x800  }
0x204: {  	[sflag:s6] =	ssyncset.done $0x0  }
0x205: {  	s7 =	rddreg [dreg:$0x19];
	[sflag:s6] =	ssyncadd.s32 $0xFFFFF800  }
0x206: {  	[hbm4b:s7+s2] =	stream.linear.scatter [tilespmem:s14], [sflag:$0xD], $0x800, $0x38;
	[tilespmem:$0x1A400] =	vst v63  }
0x207: {  	_ =	swait.ge [sflag:s6], $0x800  }
0x208: {  	s0 =	sld [smem:$0x7EF]  }
0x209: {  	s7 =	sld [smem:$0x7F9];
	_ =	sdelay $0x1  }
0x20a: {  	s3 =	sadd.s32 $0x1, s0  }
0x20b: {  	p0 =	sne.s32 s3, s7  }
.Ltmp2:
0x20c: {  	_ = 	snop;
	(pc) =	sbr.rel @p0 .LBB2_1-.Ltmp2, $3  }
0x20d: {  	_ =	sdelay $0x1  }
0x20e: {  	[sflag:s6] =	ssyncset.done $0x0  }
0x20f: {  	[sflag:s6] =	ssyncadd.s32 $0xFFFFF800  }
0x210: {  	_ =	sfence.sel $0x180000  }
0x211: {  	[bflag:$0x0] =	sbarrier.arrive $0xFFFF  }
0x212: {  	_ =	strace $0x9000004A  }
0x213: {  	s0 =	stileid.u32;
	[bflag:$0x2] =	sbarrier.arrive $0xFFFF  }
0x214: {  	p0 =	sne.s32 s0, $0x0;
	s0 =	rddreg [dreg:$0x2]  }
0x215: {  	s0 =	sadd.s32 @!p0 $0x100000, s0  }
0x216: {  	[sflag:s0] =	ssyncadd.tile.s32 @!p0 $0x1;
	_ =	shalt  }
.Lfunc_end2:
_tile_overlayer_lowered:
.L_overlay_start_2:
0x217: {  	(tag) =	ssettag $0x2  }
0x218: {  	s0 =	rddreg [dreg:$0x0];
	s2 =	stileid.u32  }
0x219: {  	s1 =	rddreg [dreg:$0x1];
	p0 =	sne.s32 s2, $0x0  }
0x21a: {  	s3 =	rddreg [dreg:$0x2];
	[bflag:$0x3] =	sbarrier.arrive $0xFFFF;
	s2 =	simm.s32 @!p0 $0x1C0D  }
0x21b: {  	[timem:s3], [sflag:s2] =	dma.local @!p0 [hbm:s0], s1  }
0x21c: {  	s0 =	simm.s32 @!p0 $0xD  }
0x21d: {  	_ =	swait.ge @!p0 [sflag:s0], s1  }
0x21e: {  	s1 =	ssub.s32 @!p0 $0x0, s1;
	[sflag:s0] =	ssyncset.done @!p0 $0x0  }
0x21f: {  	[sflag:s0] =	ssyncadd.s32 @!p0 s1  }
0x220: {  	[bflag:$0x3] =	sbarrier.arrive $0xFFFF  }
0x221: {  	_ =	shalt  }

// kernel: kernel.14.cloned.1.call-start
scs
__scs_entry_jumppad:
0x0: {  	(pc) =	sbr.rel $0x88, $3  }
0x1: {  	(tag) =	ssettag $0x0;
	lr =	simm.s32 $0x1  }
0x2: {  	[smem:$0x3F98] =	sst lr;
	_ =	strace $0xD0000000  }
0x3: {  	_ = 	snop  }
0x4: {  	_ = 	snop  }
0x5: {  	_ = 	snop  }
0x6: {  	_ = 	snop  }
0x7: {  	_ = 	snop  }
__scs_overlays_trampoline_lowered:
0x8: {  	[smem:$0x3FA7] =	sst s0  }
0x9: {  	[smem:$0x3FA8] =	sst s1  }
0xa: {  	[smem:$0x3FA9] =	sst s2  }
0xb: {  	[smem:$0x3FAA] =	sst s3  }
0xc: {  	[smem:$0x3FAB] =	sst s4  }
0xd: {  	[smem:$0x3FAC] =	sst s5  }
0xe: {  	[smem:$0x3FAD] =	sst s6  }
0xf: {  	[smem:$0x3FAE] =	sst s7  }
0x10: {  	[smem:$0x3FAF] =	sst s8  }
0x11: {  	[smem:$0x3FB0] =	sst s9;
	s0 =	simm.s32 @!p0 $0x0  }
0x12: {  	s1 =	sld [smem:$0x3F96];
	s0 =	simm.s32 @p0 $0x1  }
0x13: {  	[smem:$0x3FB1] =	sst s0;
	s0 =	simm.s32 @!p1 $0x0  }
0x14: {  	s2 =	sld [smem:$0x3F95];
	s0 =	simm.s32 @p1 $0x1  }
0x15: {  	[smem:$0x3FB2] =	sst s0;
	s0 =	simm.s32 @!p2 $0x0  }
0x16: {  	s3 =	sld [smem:$0x3FDB];
	s0 =	simm.s32 @p2 $0x1  }
0x17: {  	s4 =	simm.s32 $0x1BF5;
	[smem:$0x3FB4] =	sst s0  }
0x18: {  	s0 =	sld [smem:$0x3F97];
	_ =	swait.ge [sflag:s4], $0x0  }
0x19: {  	s7 =	sld [smem:$0x3F98]  }
0x1a: {  	s8 =	sadd.s32 $0xFFFFE003, lr  }
0x1b: {  	s9 =	sadd.s32 $0xFFFFFEF7, lr;
	s5 =	simm.s32 $0xFFFFFFFF;
	p2 =	slt.u32 s8, $0xFFFFF086  }
0x1c: {  	p1 =	slt.u32 s9, $0xF7A;
	s5 =	simm.s32 @!p2 $0x0  }
0x1d: {  	s5 =	simm.s32 @p1 $0x1;
	p0 =	seq.s32 s7, s2  }
0x1e: {  	s7 =	smul.u32 @!p0 $0xF7A, s2;
	p2 =	seq.s32 @!p0 s5, $0x0  }
0x1f: {  	s9 =	smul.u32 $0xF7A, s1;
	s8 =	simm.s32 @!p0 $0x1BF5;
	p2 =	por !p2, p0  }
0x20: {  	[sflag:s8] =	ssyncset.s32 @!p0 $0xFFFFF086;
	s6 =	sadd.s32 @!p0 s3, s7;
	s7 =	simm.s32 @!p0 $0x108  }
0x21: {  	s3 =	sadd.s32 s3, s9;
	s6 =	sadd.s32 @!p0 $0x88, s6;
	s7 =	simm.s32 @p2 $0x1082  }
0x22: {  	[simem:s7], [sflag:s8] =	dma.local @!p0 [hbm:s6], $0xF7A  }
0x23: {  	s9 =	sor.u32 $0xD0000000, s2;
	s6 =	simm.s32 $0x108;
	_ =	swait.ge @!p0 [sflag:s8], $0x0  }
0x24: {  	s3 =	sadd.s32 $0x88, s3;
	s6 =	simm.s32 @!p1 $0x1082;
	[sflag:s4] =	ssyncset.s32 $0xFFFFF086  }
0x25: {  	[simem:s6], [sflag:s4] =	dma.local [hbm:s3], $0xF7A  }
0x26: {  	[smem:$0x3F98] =	sst s1;
	(tag) =	ssettag s2;
	_ =	strace s9  }
0x27: {  	s1 =	sld [smem:$0x3FA8]  }
0x28: {  	s2 =	sld [smem:$0x3FA9]  }
0x29: {  	s4 =	sld [smem:$0x3FAB]  }
0x2a: {  	p0 =	seq.s32 s5, $0x0;
	s5 =	sld [smem:$0x3FAC]  }
0x2b: {  	s6 =	sld [smem:$0x3FAD]  }
0x2c: {  	s7 =	sld [smem:$0x3FAE]  }
0x2d: {  	s3 =	simm.s32 $0x108;
	s8 =	sld [smem:$0x3FAF]  }
0x2e: {  	s3 =	simm.s32 @!p0 $0x1082;
	s9 =	sld [smem:$0x3FB0]  }
0x2f: {  	lr =	sadd.s32 s0, s3;
	s0 =	sld [smem:$0x3FA7]  }
0x30: {  	s3 =	sld [smem:$0x3FAA]  }
0x31: {  	[smem:$0x3FB3] =	sst s10  }
0x32: {  	s10 =	sld [smem:$0x3FB1];
	_ =	sdelay $0x3  }
0x33: {  	p0 =	seq.s32 s10, $0x1;
	s10 =	sld [smem:$0x3FB3];
	_ =	sdelay $0x3  }
0x34: {  	[smem:$0x3FB3] =	sst s10  }
0x35: {  	s10 =	sld [smem:$0x3FB2];
	_ =	sdelay $0x3  }
0x36: {  	p1 =	seq.s32 s10, $0x1;
	s10 =	sld [smem:$0x3FB3];
	_ =	sdelay $0x3  }
0x37: {  	[smem:$0x3FB3] =	sst s10  }
0x38: {  	s10 =	sld [smem:$0x3FB4]  }
0x39: {  	_ = 	snop;
	(pc) =	sbr.ind lr, $3  }
0x3a: {  	_ = 	snop  }
0x3b: {  	_ = 	snop  }
0x3c: {  	p2 =	seq.s32 s10, $0x1;
	s10 =	sld [smem:$0x3FB3]  }
0x3d: {  	_ =	shalt  }
0x3e: {  	_ =	shalt  }
0x3f: {  	_ =	shalt  }
0x40: {  	_ =	shalt  }
0x41: {  	_ =	shalt  }
0x42: {  	_ =	shalt  }
0x43: {  	_ =	shalt  }
0x44: {  	_ =	shalt  }
0x45: {  	_ =	shalt  }
0x46: {  	_ =	shalt  }
0x47: {  	_ =	shalt  }
0x48: {  	_ =	shalt  }
0x49: {  	_ =	shalt  }
0x4a: {  	_ =	shalt  }
0x4b: {  	_ =	shalt  }
0x4c: {  	_ =	shalt  }
0x4d: {  	_ =	shalt  }
0x4e: {  	_ =	shalt  }
0x4f: {  	_ =	shalt  }
0x50: {  	_ =	shalt  }
0x51: {  	_ =	shalt  }
0x52: {  	_ =	shalt  }
0x53: {  	_ =	shalt  }
0x54: {  	_ =	shalt  }
0x55: {  	_ =	shalt  }
0x56: {  	_ =	shalt  }
0x57: {  	_ =	shalt  }
0x58: {  	_ =	shalt  }
0x59: {  	_ =	shalt  }
0x5a: {  	_ =	shalt  }
0x5b: {  	_ =	shalt  }
0x5c: {  	_ =	shalt  }
0x5d: {  	_ =	shalt  }
0x5e: {  	_ =	shalt  }
0x5f: {  	_ =	shalt  }
0x60: {  	_ =	shalt  }
0x61: {  	_ =	shalt  }
0x62: {  	_ =	shalt  }
0x63: {  	_ =	shalt  }
0x64: {  	_ =	shalt  }
0x65: {  	_ =	shalt  }
0x66: {  	_ =	shalt  }
0x67: {  	_ =	shalt  }
0x68: {  	_ =	shalt  }
0x69: {  	_ =	shalt  }
0x6a: {  	_ =	shalt  }
0x6b: {  	_ =	shalt  }
0x6c: {  	_ =	shalt  }
0x6d: {  	_ =	shalt  }
0x6e: {  	_ =	shalt  }
0x6f: {  	_ =	shalt  }
0x70: {  	_ =	shalt  }
0x71: {  	_ =	shalt  }
0x72: {  	_ =	shalt  }
0x73: {  	_ =	shalt  }
0x74: {  	_ =	shalt  }
0x75: {  	_ =	shalt  }
0x76: {  	_ =	shalt  }
0x77: {  	_ =	shalt  }
0x78: {  	_ =	shalt  }
0x79: {  	_ =	shalt  }
0x7a: {  	_ =	shalt  }
0x7b: {  	_ =	shalt  }
0x7c: {  	_ =	shalt  }
0x7d: {  	_ =	shalt  }
0x7e: {  	_ =	shalt  }
0x7f: {  	_ =	shalt  }
0x80: {  	_ =	shalt  }
0x81: {  	_ =	shalt  }
0x82: {  	_ =	shalt  }
0x83: {  	_ =	shalt  }
0x84: {  	_ =	shalt  }
0x85: {  	_ =	shalt  }
0x86: {  	_ =	shalt  }
0x87: {  	_ =	shalt  }
.Lfunc_end0:
.L_simem_size_0:
called_computation.2_lowered:
.L_overlay_start_0:
0x88: {  	s2 =	sld [smem:$0x3FD9]  }
0x89: {  	s3 =	sld [smem:$0x3FFE];
	_ =	sdelay $0x1  }
0x8a: {  	s1 =	srdreg.scid  }
0x8b: {  	s0 =	sand.u32 $0x1, s1  }
0x8c: {  	s16 =	sshll.u32 s0, $0xA;
	s2 =	sadd.s32 s3, s2  }
0x8d: {  	s2 =	sadd.s32 s2, s16  }
0x8e: {  	[smem:$0x3FBF] =	sst s2  }
0x8f: {  	_ = 	snop  }
0x90: {  	(tm) =	ssettm $0x1  }
0x91: {  	s17 =	sld [smem:$0x3FFB];
	_ =	sdelay $0x3  }
0x92: {  	_ =	strace s17  }
0x93: {  	s2 =	sld [smem:$0x3FFC];
	_ =	sdelay $0x3  }
0x94: {  	_ =	strace s2  }
0x95: {  	s2 =	sld [smem:$0x3FFD];
	_ =	sdelay $0x3  }
0x96: {  	_ =	strace s2  }
0x97: {  	_ =	strace $0x8FFFFFFF  }
0x98: {  	s18 =	sld [smem:$0x3FDB];
	_ =	sdelay $0x1  }
0x99: {  	s19 =	simm.s32 $_scs_section_size  }
0x9a: {  	s4 =	simm.s32 $_size__tile_overlayer_lowered;
	s5 =	simm.s32 $_tile_overlayer_lowered  }
0x9b: {  	s22 =	simm.s32 $0x1BFF;
	s21 =	sshll.u32 s5, $0x1;
	s2 =	sadd.s32 s19, s18  }
0x9c: {  	s6 =	simm.s32 $0x0;
	s20 =	sshll.u32 s4, $0x1;
	s4 =	sadd.s32 s21, s2  }
0x9d: {  	[timem:s6], [sflag:s22] =	dma.local [hbm:s4], s20  }
0x9e: {  	_ =	swait.ge [sflag:s22], s20  }
0x9f: {  	s3 =	ssub.s32 $0x0, s20;
	[sflag:s22] =	ssyncset.done $0x0  }
0xa0: {  	[sflag:s22] =	ssyncadd.s32 s3;
	_ =	sdelay $0x1  }
0xa1: {  	s23 =	simm.s32 $0x1B8B  }
0xa2: {  	_ =	swait.ge [sflag:s23], $0x1  }
0xa3: {  	[sflag:s23] =	ssyncset.done $0x0  }
0xa4: {  	s25 =	simm.s32 $0x1B8E;
	s24 =	sld [smem:$0x3FFE];
	[sflag:s23] =	ssyncadd.s32 $0xFFFFFFFF  }
0xa5: {  	s26 =	simm.s32 $execute0_lowered;
	[smem:$0x3FD2] =	sst s25  }
0xa6: {  	s4 =	sshll.u32 s26, $0x1;
	_ =	strace $0x8000004C;
	[dreg:$0x1] =	wrdreg $0xFFFFFFFF  }
0xa7: {  	s28 =	simm.s32 $_size_execute0_lowered;
	s2 =	sadd.s32 s2, s4;
	[dreg:$0x0] =	wrdreg $0x0  }
0xa8: {  	s4 =	sshll.u32 s28, $0x1;
	[dreg:$0x2] =	wrdreg s2  }
0xa9: {  	[dreg:$0x3] =	wrdreg s4  }
0xaa: {  	[dreg:$0x4] =	wrdreg $0xC0  }
0xab: {  	_ =	task [dreg:s6], $0x5FFFF  }
0xac: {  	[dreg:$0x1] =	wrdreg $0xFFFFFFFF  }
0xad: {  	[dreg:$0x0] =	wrdreg $0x60  }
0xae: {  	[dreg:$0x2] =	wrdreg s24  }
0xaf: {  	[dreg:$0x3] =	wrdreg $0x64000  }
0xb0: {  	[dreg:$0x4] =	wrdreg $0x9  }
0xb1: {  	_ =	task.clear_ibuf [dreg:s6], $0x5FFFF;
	_ =	strace $0x9000004C  }
0xb2: {  	s29 =	simm.s32 $0x9;
	_ =	strace $0x8000004E  }
0xb3: {  	_ =	swait.ge [sflag:s29], $0x1  }
0xb4: {  	[sflag:s29] =	ssyncadd.s32 $0xFFFFFFFF  }
0xb5: {  	_ =	strace $0x9000004E  }
0xb6: {  	_ =	sfence  }
0xb7: {  	s30 =	sld [smem:$0x0];
	_ =	sdelay $0x2  }
0xb8: {  	s31 =	sshll.u32 s1, $0xD;
	s1 =	sshrl.u32 s1, $0x2  }
0xb9: {  	s3 =	sand.u32 $0x4000, s31;
	s1 =	sadd.s32 s1, s30  }
0xba: {  	s0 =	sor.u32 s3, s0;
	s1 =	sshll.u32 s1, $0x11  }
0xbb: {  	s0 =	sor.u32 s1, s0  }
0xbc: {  	s0 =	sadd.s32 $0x8F2B, s0  }
0xbd: {  	[sflag:s0] =	ssyncadd.remote.s32 $0x1  }
0xbe: {  	_ =	sfence.sel $0xFFFF  }
0xbf: {  	[dreg:$0x0] =	wrdreg $0xFFFFFFFF;
	(pc) =	sbr.abs _section_cstart, $3  }
0xc0: {  	[dreg:$0x1] =	wrdreg $0xFFFFFFFF  }
0xc1: {  	_ =	task.clear_ibuf [dreg:s6], $0x2FFFF;
	_ =	strace $0x9FFFFFFF  }
0xc2: {  	(tm) =	ssettm $0x7FFFFFFF  }
0xc3: {  	_ =	shalt  }
tec
execute0_lowered:
.L_overlay_start_1:
0x0: {  	(tag) =	ssettag $0x1  }
0x1: {  	s3 =	rddreg [dreg:$0x0]  }
0x2: {  	s1 =	rddreg [dreg:$0x1];
	s2 =	simm.s32 $0x0  }
0x3: {  	s0 =	srdreg.scid;
	s26 =	stileid.u32;
	s28 =	simm.s32 $0x7  }
0x4: {  	s29 =	simm.s32 $0x8;
	[smem:$0x7FF] =	sst s2;
	s4 =	sadd.s32 $0x16E00, s3  }
0x5: {  	s19 =	sand.u32 $0x1, s0;
	s5 =	sadd.s32 $0xCE00, s3;
	s20 =	smul.u32 $0x14000, s26  }
0x6: {  	s15 =	sadd.s32 $0x98E00, s3;
	s22 =	smul.u32 $0x27C0, s26;
	_ =	strace $0x8000004D  }
0x7: {  	s0 =	ssub.s32 $0x2, s19;
	s7 =	sshll.u32 s19, $0x4;
	s24 =	smul.u32 $0x27C00, s19  }
0x8: {  	s6 =	sshrl.u32 s0, $0x1;
	s23 =	sor.u32 s26, s7;
	s8 =	sor.u32 $0x1800, s20  }
0x9: {  	s9 =	sor.u32 $0x3000, s20;
	s10 =	sadd.s32 $0x4800, s20;
	s11 =	sadd.s32 $0x6000, s20  }
0xa: {  	s12 =	sadd.s32 $0x7800, s20;
	s13 =	sadd.s32 $0x9000, s20;
	s14 =	sadd.s32 $0xA800, s20  }
0xb: {  	s16 =	sadd.s32 $0xC000, s20;
	s17 =	sadd.s32 $0xD800, s20;
	s0 =	ssub.s32 s0, s6  }
0xc: {  	s18 =	smul.u32 $0x27C0, s23;
	s7 =	sadd.s32 s22, s24;
	s30 =	sadd.s32 s8, s1  }
0xd: {  	s31 =	sadd.s32 s9, s1;
	s22 =	sadd.s32 $0xF0, s7;
	[dreg:$0x1b] =	wrdreg s30  }
0xe: {  	s0 =	smax.u32 s0, $0x1;
	[dreg:$0x1c] =	wrdreg s31;
	s6 =	sshrl.u32 s18, $0x3  }
0xf: {  	s25 =	sadd.s32 $0x90, s18;
	[smem:$0x7F9] =	sst s0;
	s21 =	sadd.s32 $0xC, s6  }
0x10: {  	s18 =	sadd.s32 $0xF000, s20;
	[dreg:$0x5] =	wrdreg s25;
	s23 =	sadd.s32 s4, s21  }
0x11: {  	s21 =	sadd.s32 s5, s21;
	[dreg:$0x3] =	wrdreg s23;
	s23 =	sshrl.u32 s22, $0x3  }
0x12: {  	s25 =	sadd.s32 $0x60, s7;
	[dreg:$0x4] =	wrdreg s21;
	s24 =	sadd.s32 s23, s5  }
0x13: {  	s21 =	sadd.s32 s23, s4;
	s23 =	sshrl.u32 s25, $0x3;
	[dreg:$0x6] =	wrdreg s24  }
0x14: {  	s22 =	smul.u32 $0x140000, s19;
	[dreg:$0x7] =	wrdreg s21;
	s24 =	sadd.s32 s23, s5  }
0x15: {  	s19 =	sadd.s32 $0x10800, s20;
	s23 =	sadd.s32 s23, s4;
	[dreg:$0x8] =	wrdreg s24  }
0x16: {  	s25 =	sadd.s32 s20, s22;
	[dreg:$0x9] =	wrdreg s23;
	s23 =	sadd.s32 $0x12000, s20  }
0x17: {  	s21 =	sshrl.u32 s25, $0x3;
	s24 =	sadd.s32 $0x13800, s20;
	s25 =	sadd.s32 s22, s8  }
0x18: {  	s8 =	simm.s32 $0x30;
	s21 =	sadd.s32 s15, s21;
	s20 =	sshrl.u32 s25, $0x3  }
0x19: {  	s25 =	sadd.s32 s22, s10;
	s10 =	sadd.s32 s10, s1;
	[dreg:$0xc] =	wrdreg s21  }
0x1a: {  	s21 =	sadd.s32 s22, s9;
	s20 =	sadd.s32 s15, s20;
	s25 =	sshrl.u32 s25, $0x3  }
0x1b: {  	[dreg:$0x1d] =	wrdreg s10;
	s9 =	simm.s32 $0x2;
	s21 =	sshrl.u32 s21, $0x3  }
0x1c: {  	s10 =	simm.s32 $0x1C00;
	[dreg:$0xd] =	wrdreg s20;
	s20 =	sadd.s32 s15, s21  }
0x1d: {  	s21 =	sadd.s32 s15, s25;
	s25 =	sadd.s32 s22, s11;
	[dreg:$0xe] =	wrdreg s20  }
0x1e: {  	s11 =	sadd.s32 s11, s1;
	[dreg:$0xf] =	wrdreg s21;
	s20 =	sshrl.u32 s25, $0x3  }
0x1f: {  	s21 =	sadd.s32 s22, s12;
	s25 =	sadd.s32 s22, s13;
	[dreg:$0x1e] =	wrdreg s11  }
0x20: {  	s12 =	sadd.s32 s12, s1;
	s13 =	sadd.s32 s13, s1;
	s11 =	simm.s32 $0x5  }
0x21: {  	s20 =	sadd.s32 s15, s20;
	s21 =	sshrl.u32 s21, $0x3;
	[dreg:$0x1f] =	wrdreg s12  }
0x22: {  	s25 =	sshrl.u32 s25, $0x3;
	s12 =	simm.s32 $0x180;
	[smem:$0x7FB] =	sst s13  }
0x23: {  	[dreg:$0x10] =	wrdreg s20;
	s20 =	sadd.s32 s15, s21;
	s21 =	sadd.s32 s15, s25  }
0x24: {  	s25 =	sadd.s32 s22, s14;
	s14 =	sadd.s32 s14, s1;
	[dreg:$0x11] =	wrdreg s20  }
0x25: {  	[dreg:$0x12] =	wrdreg s21;
	s20 =	sshrl.u32 s25, $0x3;
	s21 =	sadd.s32 s22, s16  }
0x26: {  	s25 =	sadd.s32 s22, s17;
	[smem:$0x7F0] =	sst s14;
	s17 =	sadd.s32 s17, s1  }
0x27: {  	s16 =	sadd.s32 s16, s1;
	s14 =	simm.s32 $0x400;
	[smem:$0x7F1] =	sst s17  }
0x28: {  	s20 =	sadd.s32 s15, s20;
	s21 =	sshrl.u32 s21, $0x3;
	[smem:$0x7FC] =	sst s16  }
0x29: {  	s25 =	sshrl.u32 s25, $0x3;
	[dreg:$0x13] =	wrdreg s20;
	s20 =	sadd.s32 s15, s21  }
0x2a: {  	s17 =	simm.s32 $0x80;
	s21 =	sadd.s32 s15, s25;
	[dreg:$0x14] =	wrdreg s20  }
0x2b: {  	s25 =	sadd.s32 s22, s18;
	s18 =	sadd.s32 s18, s1;
	[dreg:$0x15] =	wrdreg s21  }
0x2c: {  	s20 =	sshrl.u32 s25, $0x3;
	s21 =	sadd.s32 s22, s19;
	s25 =	sadd.s32 s22, s23  }
0x2d: {  	[smem:$0x7F2] =	sst s18;
	s19 =	sadd.s32 s19, s1;
	s18 =	simm.s32 $0x280  }
0x2e: {  	s20 =	sadd.s32 s15, s20;
	s21 =	sshrl.u32 s21, $0x3;
	[smem:$0x7FD] =	sst s19  }
0x2f: {  	s25 =	sshrl.u32 s25, $0x3;
	[dreg:$0x16] =	wrdreg s20;
	s20 =	sadd.s32 s15, s21  }
0x30: {  	s21 =	sadd.s32 s15, s25;
	s25 =	sadd.s32 s22, s24;
	[dreg:$0x17] =	wrdreg s20  }
0x31: {  	s22 =	sadd.s32 s24, s1;
	s24 =	sadd.s32 s4, s6;
	[dreg:$0x18] =	wrdreg s21  }
0x32: {  	s20 =	sshrl.u32 s25, $0x3;
	s21 =	smul.u32 $0x50000, s26;
	[smem:$0x7F4] =	sst s22  }
0x33: {  	s26 =	simm.s32 $0x100;
	s25 =	simm.s32 $0x300;
	[smem:$0x7F5] =	sst s24  }
0x34: {  	s22 =	simm.s32 $0x3;
	s24 =	simm.s32 $0x6;
	[dreg:$0xa] =	wrdreg s26  }
0x35: {  	s15 =	sadd.s32 s15, s20;
	[dreg:$0xb] =	wrdreg s25;
	s20 =	sadd.s32 $0x70E00, s3  }
0x36: {  	[dreg:$0x19] =	wrdreg s15;
	s26 =	sshrl.u32 s21, $0x2;
	s21 =	sadd.s32 s23, s1  }
0x37: {  	s23 =	sor.u32 $0x6, s6;
	s6 =	sadd.s32 s5, s6;
	[smem:$0x7F3] =	sst s21  }
0x38: {  	s15 =	sadd.s32 s26, s1;
	[smem:$0x7F6] =	sst s6;
	s25 =	sadd.s32 s4, s23  }
0x39: {  	s3 =	sadd.s32 s5, s23;
	s26 =	sadd.s32 $0xC0, s7;
	[smem:$0x7F7] =	sst s25  }
0x3a: {  	s6 =	simm.s32 $0xD;
	s21 =	simm.s32 $0x380;
	[smem:$0x7F8] =	sst s3  }
0x3b: {  	s23 =	simm.s32 $0x3400;
	[smem:$0x7FA] =	sst s26;
	s25 =	simm.s32 $0x4  }
0x3c: {  	v0 =	vimm.f32 $0.0e+00;
	s26 =	simm.s32 $0x4C00;
	s3 =	simm.s32 $0x0;
	[dreg:$0x1a] =	wrdreg s15  }
.LBB2_1:
0x3d: {  	[smem:$0x7EF] =	sst s3;
	s0 =	simm.s32 $0x0;
	s3 =	simm.s32 $0x200  }
.LBB2_2:
0x3e: {  	p0 =	sne.s32 s3, $0x5E00;
	[tilespmem:s0+$0x470] =	vst v0  }
0x3f: {  	[tilespmem:s0+$0x400] =	vst v0  }
0x40: {  	[tilespmem:s0+$0x410] =	vst v0  }
.Ltmp0:
0x41: {  	[tilespmem:s0+$0x420] =	vst v0;
	(pc) =	sbr.rel @p0 .LBB2_2-.Ltmp0, $4  }
0x42: {  	[tilespmem:s0+$0x430] =	vst v0  }
0x43: {  	[tilespmem:s0+$0x440] =	vst v0  }
0x44: {  	[tilespmem:s0+$0x450] =	vst v0  }
0x45: {  	[tilespmem:s0+$0x460] =	vst v0;
	s0 =	sshra.s32 s3, $0x2;
	s3 =	sadd.s32 $0x200, s3  }
0x46: {  	[tilespmem:s0+$0x470] =	vst v0  }
0x47: {  	[tilespmem:s0+$0x400] =	vst v0  }
0x48: {  	[tilespmem:s0+$0x410] =	vst v0  }
0x49: {  	[tilespmem:s0+$0x420] =	vst v0  }
0x4a: {  	[tilespmem:s0+$0x430] =	vst v0  }
0x4b: {  	[tilespmem:s0+$0x440] =	vst v0  }
0x4c: {  	[tilespmem:s0+$0x450] =	vst v0  }
0x4d: {  	[tilespmem:s0+$0x460] =	vst v0  }
0x4e: {  	[spmem:s15] =	stream.linear.scatter [tilespmem:s14], [sflag:$0xD], $0x1800, $0x38;
	[tilespmem:$0x1A400] =	vst v63  }
0x4f: {  	_ =	swait.ge [sflag:s6], $0x1800  }
0x50: {  	[sflag:s6] =	ssyncset.done $0x0  }
0x51: {  	[sflag:s6] =	ssyncadd.s32 $0xFFFFE800  }
0x52: {  	[spmem:s30] =	stream.linear.scatter [tilespmem:s14], [sflag:$0xD], $0x1800, $0x38;
	[tilespmem:$0x1A400] =	vst v63  }
0x53: {  	_ =	swait.ge [sflag:s6], $0x1800  }
0x54: {  	[sflag:s6] =	ssyncset.done $0x0  }
0x55: {  	[sflag:s6] =	ssyncadd.s32 $0xFFFFE800  }
0x56: {  	[spmem:s31] =	stream.linear.scatter [tilespmem:s14], [sflag:$0xD], $0x1800, $0x38;
	[tilespmem:$0x1A400] =	vst v63  }
0x57: {  	_ =	swait.ge [sflag:s6], $0x1800  }
0x58: {  	[sflag:s6] =	ssyncset.done $0x0  }
0x59: {  	s30 =	rddreg [dreg:$0x1d];
	[sflag:s6] =	ssyncadd.s32 $0xFFFFE800  }
0x5a: {  	[spmem:s30] =	stream.linear.scatter [tilespmem:s14], [sflag:$0xD], $0x1800, $0x38;
	[tilespmem:$0x1A400] =	vst v63  }
0x5b: {  	_ =	swait.ge [sflag:s6], $0x1800  }
0x5c: {  	[sflag:s6] =	ssyncset.done $0x0  }
0x5d: {  	s3 =	rddreg [dreg:$0x1e];
	[sflag:s6] =	ssyncadd.s32 $0xFFFFE800  }
0x5e: {  	[spmem:s3] =	stream.linear.scatter [tilespmem:s14], [sflag:$0xD], $0x1800, $0x38;
	[tilespmem:$0x1A400] =	vst v63  }
0x5f: {  	_ =	swait.ge [sflag:s6], $0x1800  }
0x60: {  	[sflag:s6] =	ssyncset.done $0x0  }
0x61: {  	s7 =	rddreg [dreg:$0x1f];
	[sflag:s6] =	ssyncadd.s32 $0xFFFFE800  }
0x62: {  	[spmem:s7] =	stream.linear.scatter [tilespmem:s14], [sflag:$0xD], $0x1800, $0x38;
	[tilespmem:$0x1A400] =	vst v63  }
0x63: {  	_ =	swait.ge [sflag:s6], $0x1800  }
0x64: {  	[sflag:s6] =	ssyncset.done $0x0  }
0x65: {  	[sflag:s6] =	ssyncadd.s32 $0xFFFFE800  }
0x66: {  	[spmem:s13] =	stream.linear.scatter [tilespmem:s14], [sflag:$0xD], $0x1800, $0x38;
	[tilespmem:$0x1A400] =	vst v63  }
0x67: {  	_ =	swait.ge [sflag:s6], $0x1800  }
0x68: {  	s15 =	sld [smem:$0x7F0]  }
0x69: {  	[sflag:s6] =	ssyncset.done $0x0  }
0x6a: {  	[sflag:s6] =	ssyncadd.s32 $0xFFFFE800  }
0x6b: {  	[spmem:s15] =	stream.linear.scatter [tilespmem:s14], [sflag:$0xD], $0x1800, $0x38;
	[tilespmem:$0x1A400] =	vst v63  }
0x6c: {  	_ =	swait.ge [sflag:s6], $0x1800  }
0x6d: {  	[sflag:s6] =	ssyncset.done $0x0  }
0x6e: {  	[sflag:s6] =	ssyncadd.s32 $0xFFFFE800  }
0x6f: {  	[spmem:s16] =	stream.linear.scatter [tilespmem:s14], [sflag:$0xD], $0x1800, $0x38;
	[tilespmem:$0x1A400] =	vst v63  }
0x70: {  	_ =	swait.ge [sflag:s6], $0x1800  }
0x71: {  	s16 =	sld [smem:$0x7F1]  }
0x72: {  	[sflag:s6] =	ssyncset.done $0x0  }
0x73: {  	[sflag:s6] =	ssyncadd.s32 $0xFFFFE800  }
0x74: {  	[spmem:s16] =	stream.linear.scatter [tilespmem:s14], [sflag:$0xD], $0x1800, $0x38;
	[tilespmem:$0x1A400] =	vst v63  }
0x75: {  	_ =	swait.ge [sflag:s6], $0x1800  }
0x76: {  	s30 =	sld [smem:$0x7F2]  }
0x77: {  	[sflag:s6] =	ssyncset.done $0x0  }
0x78: {  	[sflag:s6] =	ssyncadd.s32 $0xFFFFE800  }
0x79: {  	[spmem:s30] =	stream.linear.scatter [tilespmem:s14], [sflag:$0xD], $0x1800, $0x38;
	[tilespmem:$0x1A400] =	vst v63  }
0x7a: {  	_ =	swait.ge [sflag:s6], $0x1800  }
0x7b: {  	[sflag:s6] =	ssyncset.done $0x0  }
0x7c: {  	[sflag:s6] =	ssyncadd.s32 $0xFFFFE800  }
0x7d: {  	[spmem:s19] =	stream.linear.scatter [tilespmem:s14], [sflag:$0xD], $0x1800, $0x38;
	[tilespmem:$0x1A400] =	vst v63  }
0x7e: {  	_ =	swait.ge [sflag:s6], $0x1800  }
0x7f: {  	s3 =	sld [smem:$0x7F3]  }
0x80: {  	[sflag:s6] =	ssyncset.done $0x0  }
0x81: {  	[sflag:s6] =	ssyncadd.s32 $0xFFFFE800  }
0x82: {  	[spmem:s3] =	stream.linear.scatter [tilespmem:s14], [sflag:$0xD], $0x1800, $0x38;
	[tilespmem:$0x1A400] =	vst v63  }
0x83: {  	_ =	swait.ge [sflag:s6], $0x1800  }
0x84: {  	s7 =	sld [smem:$0x7F4]  }
0x85: {  	[sflag:s6] =	ssyncset.done $0x0  }
0x86: {  	[sflag:s6] =	ssyncadd.s32 $0xFFFFE800  }
0x87: {  	[spmem:s7] =	stream.linear.scatter [tilespmem:s14], [sflag:$0xD], $0x800, $0x38;
	[tilespmem:$0x1A400] =	vst v63  }
0x88: {  	_ =	swait.ge [sflag:s6], $0x800  }
0x89: {  	[sflag:s6] =	ssyncset.done $0x0  }
0x8a: {  	[sflag:s6] =	ssyncadd.s32 $0xFFFFF800  }
0x8b: {  	[bflag:$0x0] =	sbarrier.arrive $0xFFFF  }
0x8c: {  	s3 =	sld [smem:$0x7F5];
	_ =	sdelay $0x1  }
0x8d: {  	s13 =	simm.s32 $0x0;
	s15 =	sld [smem:$0x7F6]  }
0x8e: {  	[tilespmem:s13], [sflag:$0x1] =	stream.linear.gather [hbm4b:s3+s13], $0x30, $0x38;
	[tilespmem:$0x1A400] =	vst v63  }
0x8f: {  	s16 =	simm.s32 $0x200;
	s19 =	sld [smem:$0x7F7]  }
0x90: {  	[tilespmem:s16], [sflag:$0x1] =	stream.linear.gather [hbm4b:s15+s13], $0x30, $0x38;
	[tilespmem:$0x1A400] =	vst v63  }
0x91: {  	s30 =	sld [smem:$0x7F8]  }
0x92: {  	[tilespmem:s17], [sflag:$0x2] =	stream.linear.gather [hbm4b:s19+s13], $0x30, $0x38;
	[tilespmem:$0x1A400] =	vst v63  }
0x93: {  	s6 =	simm.s32 $0x1  }
0x94: {  	[tilespmem:s18], [sflag:$0x2] =	stream.linear.gather [hbm4b:s30+s13], $0x30, $0x38;
	[tilespmem:$0x1A400] =	vst v63  }
0x95: {  	_ =	swait.ge [sflag:s6], $0x30  }
0x96: {  	[sflag:s6] =	ssyncset.done $0x0  }
0x97: {  	[sflag:s6] =	ssyncadd.s32 $0xFFFFFFD0  }
0x98: {  	_ =	swait.ge [sflag:s6], $0x30  }
0x99: {  	p1 =	por $0x1, $0x1;
	[sflag:s6] =	ssyncset.done $0x0  }
0x9a: {  	s0 =	simm.s32 @!p1 $0xB;
	[sflag:s6] =	ssyncadd.s32 $0xFFFFFFD0  }
0x9b: {  	[tilespmem:s14], [sflag:$0x5] =	stream.indirect.gather [hbm4b:s20+s8], $0x80, s13, s8, $0xb8;
	[tilespmem:$0x1A400] =	vst v63  }
0x9c: {  	_ =	swait.ge @!p1 [sflag:s0], $0x1800  }
0x9d: {  	s3 =	rddreg [dreg:$0x9]  }
0x9e: {  	s6 =	simm.s32 @!p1 $0x100;
	[sflag:s0] =	ssyncset.done @!p1 $0x0;
	s7 =	rddreg [dreg:$0x8]  }
0x9f: {  	[sflag:s0] =	ssyncadd.s32 @!p1 $0xFFFFE800;
	s0 =	simm.s32 @!p1 $0x0;
	s3 =	sadd.s32 @!p1 $0x0, s3  }
0xa0: {  	[tilespmem:s6], [sflag:$0x3] =	stream.linear.gather @!p1 [hbm4b:s3+s0], $0x30, $0x38;
	[tilespmem:$0x1A400] =	vst v63  }
0xa1: {  	p0 =	por $0x0, $0x0;
	s3 =	sadd.s32 @!p1 $0x0, s7;
	s6 =	simm.s32 @!p1 $0x300  }
0xa2: {  	[tilespmem:s6], [sflag:$0x3] =	stream.linear.gather @!p1 [hbm4b:s3+s0], $0x30, $0x38;
	[tilespmem:$0x1A400] =	vst v63  }
0xa3: {  	s7 =	rddreg [dreg:$0x3];
	s0 =	simm.s32 @!p0 $0x0;
	s3 =	simm.s32 @!p0 $0x100  }
0xa4: {  	[tilespmem:s3], [sflag:$0x3] =	stream.linear.gather @!p0 [hbm4b:s7+s0], $0x30, $0x38;
	[tilespmem:$0x1A400] =	vst v63  }
0xa5: {  	s6 =	rddreg [dreg:$0x4];
	s3 =	simm.s32 @!p0 $0x300  }
0xa6: {  	[tilespmem:s3], [sflag:$0x3] =	stream.linear.gather @!p0 [hbm4b:s6+s0], $0x30, $0x38;
	[tilespmem:$0x1A400] =	vst v63  }
0xa7: {  	_ =	swait.ge [sflag:s9], $0x30  }
0xa8: {  	[sflag:s9] =	ssyncset.done $0x0  }
0xa9: {  	[sflag:s9] =	ssyncadd.s32 $0xFFFFFFD0  }
0xaa: {  	_ =	swait.ge [sflag:s9], $0x30  }
0xab: {  	[sflag:s9] =	ssyncset.done $0x0  }
0xac: {  	[sflag:s9] =	ssyncadd.s32 $0xFFFFFFD0  }
0xad: {  	[tilespmem:s10], [sflag:$0x6] =	stream.indirect.gather [hbm4b:s20+s8], $0x80, s17, s8, $0xb8;
	[tilespmem:$0x1A400] =	vst v63  }
0xae: {  	_ =	swait.ge [sflag:s11], $0x1800  }
0xaf: {  	p0 =	por $0x1, $0x1;
	[sflag:s11] =	ssyncset.done $0x0  }
0xb0: {  	s0 =	simm.s32 @!p0 $0xC;
	[sflag:s11] =	ssyncadd.s32 $0xFFFFE800  }
0xb1: {  	[spmem:s1] =	stream.indirect.scatter.add.f32 [tilespmem:s14], [sflag:$0x9], $0x80, s16, s8, $0xb8;
	[tilespmem:$0x1A400] =	vst v63  }
0xb2: {  	_ =	swait.ge @!p0 [sflag:s0], $0x1800  }
0xb3: {  	s13 =	sld [smem:$0x7FA];
	_ =	sdelay $0x2  }
0xb4: {  	s3 =	rddreg [dreg:$0x5];
	s6 =	sadd.s32 @!p0 $0xFFFFFFD0, s13  }
0xb5: {  	s6 =	smov.u32 @p0 s3  }
0xb6: {  	[sflag:s0] =	ssyncset.done @!p0 $0x0;
	s3 =	sshrl.u32 s6, $0x3  }
0xb7: {  	[sflag:s0] =	ssyncadd.s32 @!p0 $0xFFFFE800;
	s7 =	sadd.s32 s4, s3  }
0xb8: {  	[tilespmem:s12], [sflag:$0x4] =	stream.linear.gather [hbm4b:s7+s2], $0x30, $0x38;
	[tilespmem:$0x1A400] =	vst v63  }
0xb9: {  	s15 =	sadd.s32 s5, s3  }
0xba: {  	[tilespmem:s21], [sflag:$0x4] =	stream.linear.gather [hbm4b:s15+s2], $0x30, $0x38;
	[tilespmem:$0x1A400] =	vst v63  }
0xbb: {  	_ =	swait.ge [sflag:s22], $0x30  }
0xbc: {  	[sflag:s22] =	ssyncset.done $0x0  }
0xbd: {  	[sflag:s22] =	ssyncadd.s32 $0xFFFFFFD0  }
0xbe: {  	_ =	swait.ge [sflag:s22], $0x30  }
0xbf: {  	[sflag:s22] =	ssyncset.done $0x0  }
0xc0: {  	s19 =	rddreg [dreg:$0xa];
	[sflag:s22] =	ssyncadd.s32 $0xFFFFFFD0  }
0xc1: {  	[tilespmem:s23], [sflag:$0x7] =	stream.indirect.gather [hbm4b:s20+s8], $0x80, s19, s8, $0xb8;
	[tilespmem:$0x1A400] =	vst v63  }
0xc2: {  	_ =	swait.ge [sflag:s24], $0x1800  }
0xc3: {  	p0 =	por $0x0, $0x0;
	[sflag:s24] =	ssyncset.done $0x0  }
0xc4: {  	s0 =	simm.s32 @!p0 $0x9;
	[sflag:s24] =	ssyncadd.s32 $0xFFFFE800  }
0xc5: {  	[spmem:s1] =	stream.indirect.scatter.add.f32 [tilespmem:s10], [sflag:$0xA], $0x80, s18, s8, $0xb8;
	[tilespmem:$0x1A400] =	vst v63  }
0xc6: {  	_ =	swait.ge @!p0 [sflag:s0], $0x1800  }
0xc7: {  	s3 =	sshrl.u32 @!p0 s13, $0x3;
	[sflag:s0] =	ssyncset.done @!p0 $0x0  }
0xc8: {  	s6 =	sadd.s32 @!p0 s4, s3;
	[sflag:s0] =	ssyncadd.s32 @!p0 $0xFFFFE800;
	s0 =	simm.s32 @!p0 $0x0  }
0xc9: {  	[tilespmem:s0], [sflag:$0x1] =	stream.linear.gather @!p0 [hbm4b:s6+s0], $0x30, $0x38;
	[tilespmem:$0x1A400] =	vst v63  }
0xca: {  	s3 =	sadd.s32 @!p0 s5, s3;
	s6 =	simm.s32 @!p0 $0x200  }
0xcb: {  	[tilespmem:s6], [sflag:$0x1] =	stream.linear.gather @!p0 [hbm4b:s3+s0], $0x30, $0x38;
	[tilespmem:$0x1A400] =	vst v63  }
0xcc: {  	_ =	swait.ge [sflag:s25], $0x30  }
0xcd: {  	[sflag:s25] =	ssyncset.done $0x0  }
0xce: {  	[sflag:s25] =	ssyncadd.s32 $0xFFFFFFD0  }
0xcf: {  	_ =	swait.ge [sflag:s25], $0x30  }
0xd0: {  	[sflag:s25] =	ssyncset.done $0x0  }
0xd1: {  	[sflag:s25] =	ssyncadd.s32 $0xFFFFFFD0  }
0xd2: {  	[tilespmem:s26], [sflag:$0x8] =	stream.indirect.gather [hbm4b:s20+s8], $0x80, s12, s8, $0xb8;
	[tilespmem:$0x1A400] =	vst v63  }
0xd3: {  	_ =	swait.ge [sflag:s28], $0x1800  }
0xd4: {  	[sflag:s28] =	ssyncset.done $0x0  }
0xd5: {  	s6 =	simm.s32 @!p0 $0xA;
	s30 =	rddreg [dreg:$0xb];
	[sflag:s28] =	ssyncadd.s32 $0xFFFFE800  }
0xd6: {  	[spmem:s1] =	stream.indirect.scatter.add.f32 [tilespmem:s23], [sflag:$0xB], $0x80, s30, s8, $0xb8;
	[tilespmem:$0x1A400] =	vst v63  }
0xd7: {  	_ =	swait.ge @!p0 [sflag:s6], $0x1800  }
0xd8: {  	s3 =	rddreg [dreg:$0x7]  }
0xd9: {  	[sflag:s6] =	ssyncset.done @!p0 $0x0;
	s7 =	rddreg [dreg:$0x6]  }
0xda: {  	[sflag:s6] =	ssyncadd.s32 @!p0 $0xFFFFE800;
	s3 =	sadd.s32 @!p0 $0x0, s3;
	s6 =	simm.s32 @!p0 $0x80  }
0xdb: {  	[tilespmem:s6], [sflag:$0x2] =	stream.linear.gather @!p0 [hbm4b:s3+s0], $0x30, $0x38;
	[tilespmem:$0x1A400] =	vst v63  }
0xdc: {  	s3 =	simm.s32 @!p0 $0x280;
	s6 =	sadd.s32 @!p0 $0x0, s7;
	s7 =	simm.s32 @!p0 $0x1  }
0xdd: {  	[tilespmem:s3], [sflag:$0x2] =	stream.linear.gather @!p0 [hbm4b:s6+s0], $0x30, $0x38;
	[tilespmem:$0x1A400] =	vst v63  }
0xde: {  	_ =	swait.ge @!p0 [sflag:s7], $0x30  }
0xdf: {  	[sflag:s7] =	ssyncset.done @!p0 $0x0  }
0xe0: {  	[sflag:s7] =	ssyncadd.s32 @!p0 $0xFFFFFFD0  }
0xe1: {  	_ =	swait.ge @!p0 [sflag:s7], $0x30  }
0xe2: {  	[sflag:s7] =	ssyncset.done @!p0 $0x0  }
0xe3: {  	s3 =	simm.s32 @!p0 $0x30;
	s6 =	simm.s32 @!p0 $0x400;
	[sflag:s7] =	ssyncadd.s32 @!p0 $0xFFFFFFD0  }
0xe4: {  	[tilespmem:s6], [sflag:$0x5] =	stream.indirect.gather @!p0 [hbm4b:s20+s3], $0x80, s0, s3, $0xb8;
	[tilespmem:$0x1A400] =	vst v63  }
0xe5: {  	s31 =	simm.s32 $0x18;
	p1 =	por $0x0, $0x0;
	s3 =	simm.s32 $0x30  }
0xe6: {  	s6 =	simm.s32 $0x0;
	s0 =	sadd.s32 $0xC0, s13;
	_ =	swait.ge [sflag:s29], $0x1800  }
.LBB2_4:
0xe7: {  	[sflag:s29] =	ssyncset.done $0x0  }
0xe8: {  	s13 =	simm.s32 @!p1 $0xB;
	[sflag:s29] =	ssyncadd.s32 $0xFFFFE800  }
0xe9: {  	[spmem:s1] =	stream.indirect.scatter.add.f32 [tilespmem:s26], [sflag:$0xC], $0x80, s21, s8, $0xb8;
	[tilespmem:$0x1A400] =	vst v63  }
0xea: {  	_ =	swait.ge @!p1 [sflag:s13], $0x1800  }
0xeb: {  	s19 =	rddreg [dreg:$0x9]  }
0xec: {  	s30 =	simm.s32 @!p1 $0x100;
	[sflag:s13] =	ssyncset.done @!p1 $0x0;
	s15 =	rddreg [dreg:$0x8]  }
0xed: {  	[sflag:s13] =	ssyncadd.s32 @!p1 $0xFFFFE800;
	s13 =	simm.s32 @!p1 $0x0;
	s19 =	sadd.s32 @!p1 s31, s19  }
0xee: {  	[tilespmem:s30], [sflag:$0x3] =	stream.linear.gather @!p1 [hbm4b:s19+s13], $0x30, $0x38;
	[tilespmem:$0x1A400] =	vst v63  }
0xef: {  	p2 =	sne.s32 s31, $0x0;
	s15 =	sadd.s32 @!p1 s31, s15;
	s19 =	simm.s32 @!p1 $0x300  }
0xf0: {  	[tilespmem:s19], [sflag:$0x3] =	stream.linear.gather @!p1 [hbm4b:s15+s13], $0x30, $0x38;
	[tilespmem:$0x1A400] =	vst v63  }
0xf1: {  	s30 =	rddreg [dreg:$0x3];
	s13 =	simm.s32 @!p2 $0x0;
	s15 =	simm.s32 @!p2 $0x100  }
0xf2: {  	[tilespmem:s15], [sflag:$0x3] =	stream.linear.gather @!p2 [hbm4b:s30+s13], $0x30, $0x38;
	[tilespmem:$0x1A400] =	vst v63  }
0xf3: {  	s19 =	rddreg [dreg:$0x4];
	s15 =	simm.s32 @!p2 $0x300  }
0xf4: {  	[tilespmem:s15], [sflag:$0x3] =	stream.linear.gather @!p2 [hbm4b:s19+s13], $0x30, $0x38;
	[tilespmem:$0x1A400] =	vst v63  }
0xf5: {  	_ =	swait.ge [sflag:s9], $0x30  }
0xf6: {  	[sflag:s9] =	ssyncset.done $0x0  }
0xf7: {  	[sflag:s9] =	ssyncadd.s32 $0xFFFFFFD0  }
0xf8: {  	_ =	swait.ge [sflag:s9], $0x30  }
0xf9: {  	[sflag:s9] =	ssyncset.done $0x0  }
0xfa: {  	[sflag:s9] =	ssyncadd.s32 $0xFFFFFFD0  }
0xfb: {  	[tilespmem:s10], [sflag:$0x6] =	stream.indirect.gather [hbm4b:s20+s8], $0x80, s17, s8, $0xb8;
	[tilespmem:$0x1A400] =	vst v63  }
0xfc: {  	_ =	swait.ge [sflag:s11], $0x1800  }
0xfd: {  	p1 =	seq.s32 s31, $0x0;
	[sflag:s11] =	ssyncset.done $0x0  }
0xfe: {  	s13 =	simm.s32 @!p1 $0xC;
	[sflag:s11] =	ssyncadd.s32 $0xFFFFE800  }
0xff: {  	[spmem:s1] =	stream.indirect.scatter.add.f32 [tilespmem:s14], [sflag:$0x9], $0x80, s16, s8, $0xb8;
	[tilespmem:$0x1A400] =	vst v63  }
0x100: {  	_ =	swait.ge @!p1 [sflag:s13], $0x1800  }
0x101: {  	[sflag:s13] =	ssyncset.done @!p1 $0x0  }
0x102: {  	s15 =	rddreg [dreg:$0x5];
	[sflag:s13] =	ssyncadd.s32 @!p1 $0xFFFFE800;
	s13 =	sadd.s32 @!p1 $0xFFFFFFD0, s0  }
0x103: {  	s13 =	smov.u32 @p1 s15  }
0x104: {  	s13 =	sshrl.u32 s13, $0x3  }
0x105: {  	s16 =	sadd.s32 s4, s13  }
0x106: {  	[tilespmem:s12], [sflag:$0x4] =	stream.linear.gather [hbm4b:s16+s2], $0x30, $0x38;
	[tilespmem:$0x1A400] =	vst v63  }
0x107: {  	s13 =	sadd.s32 s5, s13  }
0x108: {  	[tilespmem:s21], [sflag:$0x4] =	stream.linear.gather [hbm4b:s13+s2], $0x30, $0x38;
	[tilespmem:$0x1A400] =	vst v63  }
0x109: {  	_ =	swait.ge [sflag:s22], $0x30  }
0x10a: {  	[sflag:s22] =	ssyncset.done $0x0  }
0x10b: {  	[sflag:s22] =	ssyncadd.s32 $0xFFFFFFD0  }
0x10c: {  	_ =	swait.ge [sflag:s22], $0x30  }
0x10d: {  	[sflag:s22] =	ssyncset.done $0x0  }
0x10e: {  	s19 =	rddreg [dreg:$0xa];
	[sflag:s22] =	ssyncadd.s32 $0xFFFFFFD0  }
0x10f: {  	[tilespmem:s23], [sflag:$0x7] =	stream.indirect.gather [hbm4b:s20+s8], $0x80, s19, s8, $0xb8;
	[tilespmem:$0x1A400] =	vst v63  }
0x110: {  	_ =	swait.ge [sflag:s24], $0x1800  }
0x111: {  	p1 =	seq.s32 s31, $0x4E0;
	[sflag:s24] =	ssyncset.done $0x0  }
0x112: {  	s13 =	simm.s32 @!p1 $0x9;
	[sflag:s24] =	ssyncadd.s32 $0xFFFFE800  }
0x113: {  	[spmem:s1] =	stream.indirect.scatter.add.f32 [tilespmem:s10], [sflag:$0xA], $0x80, s18, s8, $0xb8;
	[tilespmem:$0x1A400] =	vst v63  }
0x114: {  	_ =	swait.ge @!p1 [sflag:s13], $0x1800  }
0x115: {  	s15 =	sshrl.u32 @!p1 s0, $0x3;
	[sflag:s13] =	ssyncset.done @!p1 $0x0  }
0x116: {  	s19 =	sadd.s32 @!p1 s4, s15;
	[sflag:s13] =	ssyncadd.s32 @!p1 $0xFFFFE800;
	s13 =	simm.s32 @!p1 $0x0  }
0x117: {  	[tilespmem:s13], [sflag:$0x1] =	stream.linear.gather @!p1 [hbm4b:s19+s13], $0x30, $0x38;
	[tilespmem:$0x1A400] =	vst v63  }
0x118: {  	s30 =	simm.s32 @!p1 $0x200;
	s15 =	sadd.s32 @!p1 s5, s15  }
0x119: {  	[tilespmem:s30], [sflag:$0x1] =	stream.linear.gather @!p1 [hbm4b:s15+s13], $0x30, $0x38;
	[tilespmem:$0x1A400] =	vst v63  }
0x11a: {  	_ =	swait.ge [sflag:s25], $0x30  }
0x11b: {  	[sflag:s25] =	ssyncset.done $0x0  }
0x11c: {  	[sflag:s25] =	ssyncadd.s32 $0xFFFFFFD0  }
0x11d: {  	_ =	swait.ge [sflag:s25], $0x30  }
0x11e: {  	[sflag:s25] =	ssyncset.done $0x0  }
0x11f: {  	[sflag:s25] =	ssyncadd.s32 $0xFFFFFFD0  }
0x120: {  	[tilespmem:s26], [sflag:$0x8] =	stream.indirect.gather [hbm4b:s20+s8], $0x80, s12, s8, $0xb8;
	[tilespmem:$0x1A400] =	vst v63  }
0x121: {  	_ =	swait.ge [sflag:s28], $0x1800  }
0x122: {  	[sflag:s28] =	ssyncset.done $0x0  }
0x123: {  	s19 =	simm.s32 @!p1 $0xA;
	s30 =	rddreg [dreg:$0xb];
	[sflag:s28] =	ssyncadd.s32 $0xFFFFE800  }
0x124: {  	[spmem:s1] =	stream.indirect.scatter.add.f32 [tilespmem:s23], [sflag:$0xB], $0x80, s30, s8, $0xb8;
	[tilespmem:$0x1A400] =	vst v63  }
0x125: {  	_ =	swait.ge @!p1 [sflag:s19], $0x1800  }
0x126: {  	s15 =	rddreg [dreg:$0x7]  }
0x127: {  	[sflag:s19] =	ssyncset.done @!p1 $0x0;
	s30 =	rddreg [dreg:$0x6]  }
0x128: {  	[sflag:s19] =	ssyncadd.s32 @!p1 $0xFFFFE800;
	s15 =	sadd.s32 @!p1 s31, s15;
	s19 =	simm.s32 @!p1 $0x80  }
0x129: {  	[tilespmem:s19], [sflag:$0x2] =	stream.linear.gather @!p1 [hbm4b:s15+s13], $0x30, $0x38;
	[tilespmem:$0x1A400] =	vst v63  }
0x12a: {  	s16 =	simm.s32 @!p1 $0x280;
	s15 =	sadd.s32 @!p1 s31, s30;
	s19 =	simm.s32 @!p1 $0x1  }
0x12b: {  	[tilespmem:s16], [sflag:$0x2] =	stream.linear.gather @!p1 [hbm4b:s15+s13], $0x30, $0x38;
	[tilespmem:$0x1A400] =	vst v63  }
0x12c: {  	_ =	swait.ge @!p1 [sflag:s19], $0x30  }
0x12d: {  	s7 =	smov.u32 s3;
	s3 =	sadd.s32 $0x18, s3;
	[sflag:s19] =	ssyncset.done @!p1 $0x0  }
0x12e: {  	p0 =	sne.s32 s3, $0x4F8;
	[sflag:s19] =	ssyncadd.s32 @!p1 $0xFFFFFFD0  }
.Ltmp1:
0x12f: {  	s6 =	sadd.s32 $0x4, s6;
	_ =	swait.ge @!p1 [sflag:s19], $0x30;
	(pc) =	sbr.rel @p0 .LBB2_4-.Ltmp1, $4  }
0x130: {  	s0 =	sadd.s32 $0xC0, s0;
	s31 =	smov.u32 s7;
	[sflag:s19] =	ssyncset.done @!p1 $0x0  }
0x131: {  	s7 =	simm.s32 @!p1 $0x30;
	s15 =	simm.s32 @!p1 $0x400;
	[sflag:s19] =	ssyncadd.s32 @!p1 $0xFFFFFFD0  }
0x132: {  	[tilespmem:s15], [sflag:$0x5] =	stream.indirect.gather @!p1 [hbm4b:s20+s7], $0x80, s13, s7, $0xb8;
	[tilespmem:$0x1A400] =	vst v63  }
0x133: {  	s16 =	simm.s32 $0x200;
	p1 =	sgt.u32 s6, $0xCF;
	_ =	swait.ge [sflag:s29], $0x1800  }
0x134: {  	[sflag:s29] =	ssyncset.done $0x0  }
0x135: {  	s3 =	simm.s32 @!p1 $0xB;
	[sflag:s29] =	ssyncadd.s32 $0xFFFFE800  }
0x136: {  	[spmem:s1] =	stream.indirect.scatter.add.f32 [tilespmem:s26], [sflag:$0xC], $0x80, s21, s8, $0xb8;
	[tilespmem:$0x1A400] =	vst v63  }
0x137: {  	_ =	swait.ge @!p1 [sflag:s3], $0x1800  }
0x138: {  	s6 =	rddreg [dreg:$0x9]  }
0x139: {  	s7 =	simm.s32 @!p1 $0x100;
	[sflag:s3] =	ssyncset.done @!p1 $0x0;
	s13 =	rddreg [dreg:$0x8]  }
0x13a: {  	[sflag:s3] =	ssyncadd.s32 @!p1 $0xFFFFE800;
	s3 =	simm.s32 @!p1 $0x0;
	s6 =	sadd.s32 @!p1 s31, s6  }
0x13b: {  	[tilespmem:s7], [sflag:$0x3] =	stream.linear.gather @!p1 [hbm4b:s6+s3], $0x30, $0x38;
	[tilespmem:$0x1A400] =	vst v63  }
0x13c: {  	p0 =	sne.s32 s31, $0x0;
	s6 =	sadd.s32 @!p1 s31, s13;
	s7 =	simm.s32 @!p1 $0x300  }
0x13d: {  	[tilespmem:s7], [sflag:$0x3] =	stream.linear.gather @!p1 [hbm4b:s6+s3], $0x30, $0x38;
	[tilespmem:$0x1A400] =	vst v63  }
0x13e: {  	s13 =	rddreg [dreg:$0x3];
	s3 =	simm.s32 @!p0 $0x0;
	s6 =	simm.s32 @!p0 $0x100  }
0x13f: {  	[tilespmem:s6], [sflag:$0x3] =	stream.linear.gather @!p0 [hbm4b:s13+s3], $0x30, $0x38;
	[tilespmem:$0x1A400] =	vst v63  }
0x140: {  	s7 =	rddreg [dreg:$0x4];
	s6 =	simm.s32 @!p0 $0x300  }
0x141: {  	[tilespmem:s6], [sflag:$0x3] =	stream.linear.gather @!p0 [hbm4b:s7+s3], $0x30, $0x38;
	[tilespmem:$0x1A400] =	vst v63  }
0x142: {  	_ =	swait.ge [sflag:s9], $0x30  }
0x143: {  	[sflag:s9] =	ssyncset.done $0x0  }
0x144: {  	[sflag:s9] =	ssyncadd.s32 $0xFFFFFFD0  }
0x145: {  	_ =	swait.ge [sflag:s9], $0x30  }
0x146: {  	[sflag:s9] =	ssyncset.done $0x0  }
0x147: {  	[sflag:s9] =	ssyncadd.s32 $0xFFFFFFD0  }
0x148: {  	[tilespmem:s10], [sflag:$0x6] =	stream.indirect.gather [hbm4b:s20+s8], $0x80, s17, s8, $0xb8;
	[tilespmem:$0x1A400] =	vst v63  }
0x149: {  	_ =	swait.ge [sflag:s11], $0x1800  }
0x14a: {  	p0 =	seq.s32 s31, $0x0;
	[sflag:s11] =	ssyncset.done $0x0  }
0x14b: {  	s3 =	simm.s32 @!p0 $0xC;
	[sflag:s11] =	ssyncadd.s32 $0xFFFFE800  }
0x14c: {  	[spmem:s1] =	stream.indirect.scatter.add.f32 [tilespmem:s14], [sflag:$0x9], $0x80, s16, s8, $0xb8;
	[tilespmem:$0x1A400] =	vst v63  }
0x14d: {  	_ =	swait.ge @!p0 [sflag:s3], $0x1800  }
0x14e: {  	s7 =	sadd.s32 @!p0 $0xFFFFFFD0, s0;
	s6 =	rddreg [dreg:$0x5]  }
0x14f: {  	s7 =	smov.u32 @p0 s6  }
0x150: {  	[sflag:s3] =	ssyncset.done @!p0 $0x0;
	s6 =	sshrl.u32 s7, $0x3  }
0x151: {  	[sflag:s3] =	ssyncadd.s32 @!p0 $0xFFFFE800;
	s19 =	sadd.s32 s4, s6  }
0x152: {  	[tilespmem:s12], [sflag:$0x4] =	stream.linear.gather [hbm4b:s19+s2], $0x30, $0x38;
	[tilespmem:$0x1A400] =	vst v63  }
0x153: {  	s7 =	sadd.s32 s5, s6  }
0x154: {  	[tilespmem:s21], [sflag:$0x4] =	stream.linear.gather [hbm4b:s7+s2], $0x30, $0x38;
	[tilespmem:$0x1A400] =	vst v63  }
0x155: {  	_ =	swait.ge [sflag:s22], $0x30  }
0x156: {  	[sflag:s22] =	ssyncset.done $0x0  }
0x157: {  	[sflag:s22] =	ssyncadd.s32 $0xFFFFFFD0  }
0x158: {  	_ =	swait.ge [sflag:s22], $0x30  }
0x159: {  	[sflag:s22] =	ssyncset.done $0x0  }
0x15a: {  	s13 =	rddreg [dreg:$0xa];
	[sflag:s22] =	ssyncadd.s32 $0xFFFFFFD0  }
0x15b: {  	[tilespmem:s23], [sflag:$0x7] =	stream.indirect.gather [hbm4b:s20+s8], $0x80, s13, s8, $0xb8;
	[tilespmem:$0x1A400] =	vst v63  }
0x15c: {  	_ =	swait.ge [sflag:s24], $0x1800  }
0x15d: {  	p0 =	seq.s32 s31, $0x4E0;
	[sflag:s24] =	ssyncset.done $0x0  }
0x15e: {  	s3 =	simm.s32 @!p0 $0x9;
	[sflag:s24] =	ssyncadd.s32 $0xFFFFE800  }
0x15f: {  	[spmem:s1] =	stream.indirect.scatter.add.f32 [tilespmem:s10], [sflag:$0xA], $0x80, s18, s8, $0xb8;
	[tilespmem:$0x1A400] =	vst v63  }
0x160: {  	_ =	swait.ge @!p0 [sflag:s3], $0x1800  }
0x161: {  	s0 =	sshrl.u32 @!p0 s0, $0x3;
	[sflag:s3] =	ssyncset.done @!p0 $0x0  }
0x162: {  	s6 =	sadd.s32 @!p0 s4, s0;
	[sflag:s3] =	ssyncadd.s32 @!p0 $0xFFFFE800;
	s3 =	simm.s32 @!p0 $0x0  }
0x163: {  	[tilespmem:s3], [sflag:$0x1] =	stream.linear.gather @!p0 [hbm4b:s6+s3], $0x30, $0x38;
	[tilespmem:$0x1A400] =	vst v63  }
0x164: {  	s0 =	sadd.s32 @!p0 s5, s0;
	s6 =	simm.s32 @!p0 $0x200  }
0x165: {  	[tilespmem:s6], [sflag:$0x1] =	stream.linear.gather @!p0 [hbm4b:s0+s3], $0x30, $0x38;
	[tilespmem:$0x1A400] =	vst v63  }
0x166: {  	_ =	swait.ge [sflag:s25], $0x30  }
0x167: {  	[sflag:s25] =	ssyncset.done $0x0  }
0x168: {  	[sflag:s25] =	ssyncadd.s32 $0xFFFFFFD0  }
0x169: {  	_ =	swait.ge [sflag:s25], $0x30  }
0x16a: {  	[sflag:s25] =	ssyncset.done $0x0  }
0x16b: {  	[sflag:s25] =	ssyncadd.s32 $0xFFFFFFD0  }
0x16c: {  	[tilespmem:s26], [sflag:$0x8] =	stream.indirect.gather [hbm4b:s20+s8], $0x80, s12, s8, $0xb8;
	[tilespmem:$0x1A400] =	vst v63  }
0x16d: {  	_ =	swait.ge [sflag:s28], $0x1800  }
0x16e: {  	[sflag:s28] =	ssyncset.done $0x0  }
0x16f: {  	s6 =	simm.s32 @!p0 $0xA;
	s15 =	rddreg [dreg:$0xb];
	[sflag:s28] =	ssyncadd.s32 $0xFFFFE800  }
0x170: {  	[spmem:s1] =	stream.indirect.scatter.add.f32 [tilespmem:s23], [sflag:$0xB], $0x80, s15, s8, $0xb8;
	[tilespmem:$0x1A400] =	vst v63  }
0x171: {  	_ =	swait.ge @!p0 [sflag:s6], $0x1800  }
0x172: {  	s0 =	rddreg [dreg:$0x7]  }
0x173: {  	[sflag:s6] =	ssyncset.done @!p0 $0x0;
	s7 =	rddreg [dreg:$0x6]  }
0x174: {  	[sflag:s6] =	ssyncadd.s32 @!p0 $0xFFFFE800;
	s0 =	sadd.s32 @!p0 s31, s0;
	s6 =	simm.s32 @!p0 $0x80  }
0x175: {  	[tilespmem:s6], [sflag:$0x2] =	stream.linear.gather @!p0 [hbm4b:s0+s3], $0x30, $0x38;
	[tilespmem:$0x1A400] =	vst v63  }
0x176: {  	s0 =	sadd.s32 @!p0 s31, s7;
	s6 =	simm.s32 @!p0 $0x280  }
0x177: {  	[tilespmem:s6], [sflag:$0x2] =	stream.linear.gather @!p0 [hbm4b:s0+s3], $0x30, $0x38;
	[tilespmem:$0x1A400] =	vst v63  }
0x178: {  	s0 =	simm.s32 @!p0 $0x1  }
0x179: {  	_ =	swait.ge @!p0 [sflag:s0], $0x30  }
0x17a: {  	[sflag:s0] =	ssyncset.done @!p0 $0x0  }
0x17b: {  	[sflag:s0] =	ssyncadd.s32 @!p0 $0xFFFFFFD0  }
0x17c: {  	_ =	swait.ge @!p0 [sflag:s0], $0x30  }
0x17d: {  	[sflag:s0] =	ssyncset.done @!p0 $0x0  }
0x17e: {  	s6 =	simm.s32 @!p0 $0x30;
	[sflag:s0] =	ssyncadd.s32 @!p0 $0xFFFFFFD0;
	s0 =	simm.s32 @!p0 $0x400  }
0x17f: {  	[tilespmem:s0], [sflag:$0x5] =	stream.indirect.gather @!p0 [hbm4b:s20+s6], $0x80, s3, s6, $0xb8;
	[tilespmem:$0x1A400] =	vst v63  }
0x180: {  	_ =	swait.ge [sflag:s29], $0x1800  }
0x181: {  	[sflag:s29] =	ssyncset.done $0x0  }
0x182: {  	s16 =	simm.s32 $0x9;
	[sflag:s29] =	ssyncadd.s32 $0xFFFFE800  }
0x183: {  	[spmem:s1] =	stream.indirect.scatter.add.f32 [tilespmem:s26], [sflag:$0xC], $0x80, s21, s8, $0xb8;
	[tilespmem:$0x1A400] =	vst v63  }
0x184: {  	_ =	swait.ge [sflag:s16], $0x1800  }
0x185: {  	[sflag:s16] =	ssyncset.done $0x0  }
0x186: {  	s19 =	simm.s32 $0xA;
	[sflag:s16] =	ssyncadd.s32 $0xFFFFE800  }
0x187: {  	_ =	swait.ge [sflag:s19], $0x1800  }
0x188: {  	[sflag:s19] =	ssyncset.done $0x0  }
0x189: {  	s3 =	simm.s32 $0xB;
	[sflag:s19] =	ssyncadd.s32 $0xFFFFE800  }
0x18a: {  	_ =	swait.ge [sflag:s3], $0x1800  }
0x18b: {  	[sflag:s3] =	ssyncset.done $0x0  }
0x18c: {  	s6 =	simm.s32 $0xC;
	[sflag:s3] =	ssyncadd.s32 $0xFFFFE800  }
0x18d: {  	_ =	swait.ge [sflag:s6], $0x1800  }
0x18e: {  	[sflag:s6] =	ssyncset.done $0x0  }
0x18f: {  	[sflag:s6] =	ssyncadd.s32 $0xFFFFE800  }
0x190: {  	[bflag:$0x0] =	sbarrier.arrive $0xFFFF  }
0x191: {  	s6 =	simm.s32 $0xD;
	s15 =	rddreg [dreg:$0x1a]  }
0x192: {  	[tilespmem:s14], [sflag:$0xD] =	stream.linear.gather [spmem:s15], $0x1800, $0x38;
	[tilespmem:$0x1A400] =	vst v63  }
0x193: {  	_ =	swait.ge [sflag:s6], $0x1800  }
0x194: {  	[sflag:s6] =	ssyncset.done $0x0  }
0x195: {  	s7 =	rddreg [dreg:$0xc];
	[sflag:s6] =	ssyncadd.s32 $0xFFFFE800  }
0x196: {  	[hbm4b:s7+s2] =	stream.linear.scatter [tilespmem:s14], [sflag:$0xD], $0x1800, $0x38;
	[tilespmem:$0x1A400] =	vst v63  }
0x197: {  	_ =	swait.ge [sflag:s6], $0x1800  }
0x198: {  	[sflag:s6] =	ssyncset.done $0x0  }
0x199: {  	s30 =	rddreg [dreg:$0x1b];
	[sflag:s6] =	ssyncadd.s32 $0xFFFFE800  }
0x19a: {  	[tilespmem:s14], [sflag:$0xD] =	stream.linear.gather [spmem:s30], $0x1800, $0x38;
	[tilespmem:$0x1A400] =	vst v63  }
0x19b: {  	_ =	swait.ge [sflag:s6], $0x1800  }
0x19c: {  	[sflag:s6] =	ssyncset.done $0x0  }
0x19d: {  	s13 =	rddreg [dreg:$0xd];
	[sflag:s6] =	ssyncadd.s32 $0xFFFFE800  }
0x19e: {  	[hbm4b:s13+s2] =	stream.linear.scatter [tilespmem:s14], [sflag:$0xD], $0x1800, $0x38;
	[tilespmem:$0x1A400] =	vst v63  }
0x19f: {  	_ =	swait.ge [sflag:s6], $0x1800  }
0x1a0: {  	[sflag:s6] =	ssyncset.done $0x0  }
0x1a1: {  	s31 =	rddreg [dreg:$0x1c];
	[sflag:s6] =	ssyncadd.s32 $0xFFFFE800  }
0x1a2: {  	[tilespmem:s14], [sflag:$0xD] =	stream.linear.gather [spmem:s31], $0x1800, $0x38;
	[tilespmem:$0x1A400] =	vst v63  }
0x1a3: {  	_ =	swait.ge [sflag:s6], $0x1800  }
0x1a4: {  	[sflag:s6] =	ssyncset.done $0x0  }
0x1a5: {  	s16 =	rddreg [dreg:$0xe];
	[sflag:s6] =	ssyncadd.s32 $0xFFFFE800  }
0x1a6: {  	[hbm4b:s16+s2] =	stream.linear.scatter [tilespmem:s14], [sflag:$0xD], $0x1800, $0x38;
	[tilespmem:$0x1A400] =	vst v63  }
0x1a7: {  	_ =	swait.ge [sflag:s6], $0x1800  }
0x1a8: {  	[sflag:s6] =	ssyncset.done $0x0  }
0x1a9: {  	s19 =	rddreg [dreg:$0x1d];
	[sflag:s6] =	ssyncadd.s32 $0xFFFFE800  }
0x1aa: {  	[tilespmem:s14], [sflag:$0xD] =	stream.linear.gather [spmem:s19], $0x1800, $0x38;
	[tilespmem:$0x1A400] =	vst v63  }
0x1ab: {  	_ =	swait.ge [sflag:s6], $0x1800  }
0x1ac: {  	[sflag:s6] =	ssyncset.done $0x0  }
0x1ad: {  	s3 =	rddreg [dreg:$0xf];
	[sflag:s6] =	ssyncadd.s32 $0xFFFFE800  }
0x1ae: {  	[hbm4b:s3+s2] =	stream.linear.scatter [tilespmem:s14], [sflag:$0xD], $0x1800, $0x38;
	[tilespmem:$0x1A400] =	vst v63  }
0x1af: {  	_ =	swait.ge [sflag:s6], $0x1800  }
0x1b0: {  	[sflag:s6] =	ssyncset.done $0x0  }
0x1b1: {  	s7 =	rddreg [dreg:$0x1e];
	[sflag:s6] =	ssyncadd.s32 $0xFFFFE800  }
0x1b2: {  	[tilespmem:s14], [sflag:$0xD] =	stream.linear.gather [spmem:s7], $0x1800, $0x38;
	[tilespmem:$0x1A400] =	vst v63  }
0x1b3: {  	_ =	swait.ge [sflag:s6], $0x1800  }
0x1b4: {  	[sflag:s6] =	ssyncset.done $0x0  }
0x1b5: {  	s13 =	rddreg [dreg:$0x10];
	[sflag:s6] =	ssyncadd.s32 $0xFFFFE800  }
0x1b6: {  	[hbm4b:s13+s2] =	stream.linear.scatter [tilespmem:s14], [sflag:$0xD], $0x1800, $0x38;
	[tilespmem:$0x1A400] =	vst v63  }
0x1b7: {  	_ =	swait.ge [sflag:s6], $0x1800  }
0x1b8: {  	[sflag:s6] =	ssyncset.done $0x0  }
0x1b9: {  	s16 =	rddreg [dreg:$0x1f];
	[sflag:s6] =	ssyncadd.s32 $0xFFFFE800  }
0x1ba: {  	[tilespmem:s14], [sflag:$0xD] =	stream.linear.gather [spmem:s16], $0x1800, $0x38;
	[tilespmem:$0x1A400] =	vst v63  }
0x1bb: {  	_ =	swait.ge [sflag:s6], $0x1800  }
0x1bc: {  	[sflag:s6] =	ssyncset.done $0x0  }
0x1bd: {  	s19 =	rddreg [dreg:$0x11];
	[sflag:s6] =	ssyncadd.s32 $0xFFFFE800  }
0x1be: {  	[hbm4b:s19+s2] =	stream.linear.scatter [tilespmem:s14], [sflag:$0xD], $0x1800, $0x38;
	[tilespmem:$0x1A400] =	vst v63  }
0x1bf: {  	_ =	swait.ge [sflag:s6], $0x1800  }
0x1c0: {  	s13 =	sld [smem:$0x7FB]  }
0x1c1: {  	[sflag:s6] =	ssyncset.done $0x0  }
0x1c2: {  	[sflag:s6] =	ssyncadd.s32 $0xFFFFE800  }
0x1c3: {  	[tilespmem:s14], [sflag:$0xD] =	stream.linear.gather [spmem:s13], $0x1800, $0x38;
	[tilespmem:$0x1A400] =	vst v63  }
0x1c4: {  	_ =	swait.ge [sflag:s6], $0x1800  }
0x1c5: {  	[sflag:s6] =	ssyncset.done $0x0  }
0x1c6: {  	s3 =	rddreg [dreg:$0x12];
	[sflag:s6] =	ssyncadd.s32 $0xFFFFE800  }
0x1c7: {  	[hbm4b:s3+s2] =	stream.linear.scatter [tilespmem:s14], [sflag:$0xD], $0x1800, $0x38;
	[tilespmem:$0x1A400] =	vst v63  }
0x1c8: {  	_ =	swait.ge [sflag:s6], $0x1800  }
0x1c9: {  	s7 =	sld [smem:$0x7F0]  }
0x1ca: {  	[sflag:s6] =	ssyncset.done $0x0  }
0x1cb: {  	[sflag:s6] =	ssyncadd.s32 $0xFFFFE800  }
0x1cc: {  	[tilespmem:s14], [sflag:$0xD] =	stream.linear.gather [spmem:s7], $0x1800, $0x38;
	[tilespmem:$0x1A400] =	vst v63  }
0x1cd: {  	_ =	swait.ge [sflag:s6], $0x1800  }
0x1ce: {  	[sflag:s6] =	ssyncset.done $0x0  }
0x1cf: {  	s16 =	rddreg [dreg:$0x13];
	[sflag:s6] =	ssyncadd.s32 $0xFFFFE800  }
0x1d0: {  	[hbm4b:s16+s2] =	stream.linear.scatter [tilespmem:s14], [sflag:$0xD], $0x1800, $0x38;
	[tilespmem:$0x1A400] =	vst v63  }
0x1d1: {  	_ =	swait.ge [sflag:s6], $0x1800  }
0x1d2: {  	s16 =	sld [smem:$0x7FC]  }
0x1d3: {  	[sflag:s6] =	ssyncset.done $0x0  }
0x1d4: {  	[sflag:s6] =	ssyncadd.s32 $0xFFFFE800  }
0x1d5: {  	[tilespmem:s14], [sflag:$0xD] =	stream.linear.gather [spmem:s16], $0x1800, $0x38;
	[tilespmem:$0x1A400] =	vst v63  }
0x1d6: {  	_ =	swait.ge [sflag:s6], $0x1800  }
0x1d7: {  	[sflag:s6] =	ssyncset.done $0x0  }
0x1d8: {  	s19 =	rddreg [dreg:$0x14];
	[sflag:s6] =	ssyncadd.s32 $0xFFFFE800  }
0x1d9: {  	[hbm4b:s19+s2] =	stream.linear.scatter [tilespmem:s14], [sflag:$0xD], $0x1800, $0x38;
	[tilespmem:$0x1A400] =	vst v63  }
0x1da: {  	_ =	swait.ge [sflag:s6], $0x1800  }
0x1db: {  	s3 =	sld [smem:$0x7F1]  }
0x1dc: {  	[sflag:s6] =	ssyncset.done $0x0  }
0x1dd: {  	[sflag:s6] =	ssyncadd.s32 $0xFFFFE800  }
0x1de: {  	[tilespmem:s14], [sflag:$0xD] =	stream.linear.gather [spmem:s3], $0x1800, $0x38;
	[tilespmem:$0x1A400] =	vst v63  }
0x1df: {  	_ =	swait.ge [sflag:s6], $0x1800  }
0x1e0: {  	[sflag:s6] =	ssyncset.done $0x0  }
0x1e1: {  	s7 =	rddreg [dreg:$0x15];
	[sflag:s6] =	ssyncadd.s32 $0xFFFFE800  }
0x1e2: {  	[hbm4b:s7+s2] =	stream.linear.scatter [tilespmem:s14], [sflag:$0xD], $0x1800, $0x38;
	[tilespmem:$0x1A400] =	vst v63  }
0x1e3: {  	_ =	swait.ge [sflag:s6], $0x1800  }
0x1e4: {  	s19 =	sld [smem:$0x7F2]  }
0x1e5: {  	[sflag:s6] =	ssyncset.done $0x0  }
0x1e6: {  	[sflag:s6] =	ssyncadd.s32 $0xFFFFE800  }
0x1e7: {  	[tilespmem:s14], [sflag:$0xD] =	stream.linear.gather [spmem:s19], $0x1800, $0x38;
	[tilespmem:$0x1A400] =	vst v63  }
0x1e8: {  	_ =	swait.ge [sflag:s6], $0x1800  }
0x1e9: {  	[sflag:s6] =	ssyncset.done $0x0  }
0x1ea: {  	s3 =	rddreg [dreg:$0x16];
	[sflag:s6] =	ssyncadd.s32 $0xFFFFE800  }
0x1eb: {  	[hbm4b:s3+s2] =	stream.linear.scatter [tilespmem:s14], [sflag:$0xD], $0x1800, $0x38;
	[tilespmem:$0x1A400] =	vst v63  }
0x1ec: {  	_ =	swait.ge [sflag:s6], $0x1800  }
0x1ed: {  	s19 =	sld [smem:$0x7FD]  }
0x1ee: {  	[sflag:s6] =	ssyncset.done $0x0  }
0x1ef: {  	[sflag:s6] =	ssyncadd.s32 $0xFFFFE800  }
0x1f0: {  	[tilespmem:s14], [sflag:$0xD] =	stream.linear.gather [spmem:s19], $0x1800, $0x38;
	[tilespmem:$0x1A400] =	vst v63  }
0x1f1: {  	_ =	swait.ge [sflag:s6], $0x1800  }
0x1f2: {  	[sflag:s6] =	ssyncset.done $0x0  }
0x1f3: {  	s7 =	rddreg [dreg:$0x17];
	[sflag:s6] =	ssyncadd.s32 $0xFFFFE800  }
0x1f4: {  	[hbm4b:s7+s2] =	stream.linear.scatter [tilespmem:s14], [sflag:$0xD], $0x1800, $0x38;
	[tilespmem:$0x1A400] =	vst v63  }
0x1f5: {  	_ =	swait.ge [sflag:s6], $0x1800  }
0x1f6: {  	s3 =	sld [smem:$0x7F3]  }
0x1f7: {  	[sflag:s6] =	ssyncset.done $0x0  }
0x1f8: {  	[sflag:s6] =	ssyncadd.s32 $0xFFFFE800  }
0x1f9: {  	[tilespmem:s14], [sflag:$0xD] =	stream.linear.gather [spmem:s3], $0x1800, $0x38;
	[tilespmem:$0x1A400] =	vst v63  }
0x1fa: {  	_ =	swait.ge [sflag:s6], $0x1800  }
0x1fb: {  	[sflag:s6] =	ssyncset.done $0x0  }
0x1fc: {  	s7 =	rddreg [dreg:$0x18];
	[sflag:s6] =	ssyncadd.s32 $0xFFFFE800  }
0x1fd: {  	[hbm4b:s7+s2] =	stream.linear.scatter [tilespmem:s14], [sflag:$0xD], $0x1800, $0x38;
	[tilespmem:$0x1A400] =	vst v63  }
0x1fe: {  	_ =	swait.ge [sflag:s6], $0x1800  }
0x1ff: {  	s3 =	sld [smem:$0x7F4]  }
0x200: {  	[sflag:s6] =	ssyncset.done $0x0  }
0x201: {  	[sflag:s6] =	ssyncadd.s32 $0xFFFFE800  }
0x202: {  	[tilespmem:s14], [sflag:$0xD] =	stream.linear.gather [spmem:s3], $0x800, $0x38;
	[tilespmem:$0x1A400] =	vst v63  }
0x203: {  	_ =	swait.ge [sflag:s6], $0x800  }
0x204: {  	[sflag:s6] =	ssyncset.done $0x0  }
0x205: {  	s7 =	rddreg [dreg:$0x19];
	[sflag:s6] =	ssyncadd.s32 $0xFFFFF800  }
0x206: {  	[hbm4b:s7+s2] =	stream.linear.scatter [tilespmem:s14], [sflag:$0xD], $0x800, $0x38;
	[tilespmem:$0x1A400] =	vst v63  }
0x207: {  	_ =	swait.ge [sflag:s6], $0x800  }
0x208: {  	s0 =	sld [smem:$0x7EF]  }
0x209: {  	s7 =	sld [smem:$0x7F9];
	_ =	sdelay $0x1  }
0x20a: {  	s3 =	sadd.s32 $0x1, s0  }
0x20b: {  	p0 =	sne.s32 s3, s7  }
.Ltmp2:
0x20c: {  	_ = 	snop;
	(pc) =	sbr.rel @p0 .LBB2_1-.Ltmp2, $3  }
0x20d: {  	_ =	sdelay $0x1  }
0x20e: {  	[sflag:s6] =	ssyncset.done $0x0  }
0x20f: {  	[sflag:s6] =	ssyncadd.s32 $0xFFFFF800  }
0x210: {  	_ =	sfence.sel $0x180000  }
0x211: {  	[bflag:$0x0] =	sbarrier.arrive $0xFFFF  }
0x212: {  	_ =	strace $0x9000004D  }
0x213: {  	s0 =	stileid.u32;
	[bflag:$0x2] =	sbarrier.arrive $0xFFFF  }
0x214: {  	p0 =	sne.s32 s0, $0x0;
	s0 =	rddreg [dreg:$0x2]  }
0x215: {  	s0 =	sadd.s32 @!p0 $0x100000, s0  }
0x216: {  	[sflag:s0] =	ssyncadd.tile.s32 @!p0 $0x1;
	_ =	shalt  }
.Lfunc_end2:
_tile_overlayer_lowered:
.L_overlay_start_2:
0x217: {  	(tag) =	ssettag $0x2  }
0x218: {  	s0 =	rddreg [dreg:$0x0];
	s2 =	stileid.u32  }
0x219: {  	s1 =	rddreg [dreg:$0x1];
	p0 =	sne.s32 s2, $0x0  }
0x21a: {  	s3 =	rddreg [dreg:$0x2];
	[bflag:$0x3] =	sbarrier.arrive $0xFFFF;
	s2 =	simm.s32 @!p0 $0x1C0D  }
0x21b: {  	[timem:s3], [sflag:s2] =	dma.local @!p0 [hbm:s0], s1  }
0x21c: {  	s0 =	simm.s32 @!p0 $0xD  }
0x21d: {  	_ =	swait.ge @!p0 [sflag:s0], s1  }
0x21e: {  	s1 =	ssub.s32 @!p0 $0x0, s1;
	[sflag:s0] =	ssyncset.done @!p0 $0x0  }
0x21f: {  	[sflag:s0] =	ssyncadd.s32 @!p0 s1  }
0x220: {  	[bflag:$0x3] =	sbarrier.arrive $0xFFFF  }
0x221: {  	_ =	shalt  }

// kernel: kernel.8.cloned.1.call-start
scs
__scs_entry_jumppad:
0x0: {  	(pc) =	sbr.rel $0x88, $3  }
0x1: {  	(tag) =	ssettag $0x0;
	lr =	simm.s32 $0x1  }
0x2: {  	[smem:$0x3F98] =	sst lr;
	_ =	strace $0xD0000000  }
0x3: {  	_ = 	snop  }
0x4: {  	_ = 	snop  }
0x5: {  	_ = 	snop  }
0x6: {  	_ = 	snop  }
0x7: {  	_ = 	snop  }
__scs_overlays_trampoline_lowered:
0x8: {  	[smem:$0x3FA7] =	sst s0  }
0x9: {  	[smem:$0x3FA8] =	sst s1  }
0xa: {  	[smem:$0x3FA9] =	sst s2  }
0xb: {  	[smem:$0x3FAA] =	sst s3  }
0xc: {  	[smem:$0x3FAB] =	sst s4  }
0xd: {  	[smem:$0x3FAC] =	sst s5  }
0xe: {  	[smem:$0x3FAD] =	sst s6  }
0xf: {  	[smem:$0x3FAE] =	sst s7  }
0x10: {  	[smem:$0x3FAF] =	sst s8  }
0x11: {  	[smem:$0x3FB0] =	sst s9;
	s0 =	simm.s32 @!p0 $0x0  }
0x12: {  	s1 =	sld [smem:$0x3F96];
	s0 =	simm.s32 @p0 $0x1  }
0x13: {  	[smem:$0x3FB1] =	sst s0;
	s0 =	simm.s32 @!p1 $0x0  }
0x14: {  	s2 =	sld [smem:$0x3F95];
	s0 =	simm.s32 @p1 $0x1  }
0x15: {  	[smem:$0x3FB2] =	sst s0;
	s0 =	simm.s32 @!p2 $0x0  }
0x16: {  	s3 =	sld [smem:$0x3FDB];
	s0 =	simm.s32 @p2 $0x1  }
0x17: {  	s4 =	simm.s32 $0x1BF5;
	[smem:$0x3FB4] =	sst s0  }
0x18: {  	s0 =	sld [smem:$0x3F97];
	_ =	swait.ge [sflag:s4], $0x0  }
0x19: {  	s7 =	sld [smem:$0x3F98]  }
0x1a: {  	s8 =	sadd.s32 $0xFFFFE003, lr  }
0x1b: {  	s9 =	sadd.s32 $0xFFFFFEF7, lr;
	s5 =	simm.s32 $0xFFFFFFFF;
	p2 =	slt.u32 s8, $0xFFFFF086  }
0x1c: {  	p1 =	slt.u32 s9, $0xF7A;
	s5 =	simm.s32 @!p2 $0x0  }
0x1d: {  	s5 =	simm.s32 @p1 $0x1;
	p0 =	seq.s32 s7, s2  }
0x1e: {  	s7 =	smul.u32 @!p0 $0xF7A, s2;
	p2 =	seq.s32 @!p0 s5, $0x0  }
0x1f: {  	s9 =	smul.u32 $0xF7A, s1;
	s8 =	simm.s32 @!p0 $0x1BF5;
	p2 =	por !p2, p0  }
0x20: {  	[sflag:s8] =	ssyncset.s32 @!p0 $0xFFFFF086;
	s6 =	sadd.s32 @!p0 s3, s7;
	s7 =	simm.s32 @!p0 $0x108  }
0x21: {  	s3 =	sadd.s32 s3, s9;
	s6 =	sadd.s32 @!p0 $0x88, s6;
	s7 =	simm.s32 @p2 $0x1082  }
0x22: {  	[simem:s7], [sflag:s8] =	dma.local @!p0 [hbm:s6], $0xF7A  }
0x23: {  	s9 =	sor.u32 $0xD0000000, s2;
	s6 =	simm.s32 $0x108;
	_ =	swait.ge @!p0 [sflag:s8], $0x0  }
0x24: {  	s3 =	sadd.s32 $0x88, s3;
	s6 =	simm.s32 @!p1 $0x1082;
	[sflag:s4] =	ssyncset.s32 $0xFFFFF086  }
0x25: {  	[simem:s6], [sflag:s4] =	dma.local [hbm:s3], $0xF7A  }
0x26: {  	[smem:$0x3F98] =	sst s1;
	(tag) =	ssettag s2;
	_ =	strace s9  }
0x27: {  	s1 =	sld [smem:$0x3FA8]  }
0x28: {  	s2 =	sld [smem:$0x3FA9]  }
0x29: {  	s4 =	sld [smem:$0x3FAB]  }
0x2a: {  	p0 =	seq.s32 s5, $0x0;
	s5 =	sld [smem:$0x3FAC]  }
0x2b: {  	s6 =	sld [smem:$0x3FAD]  }
0x2c: {  	s7 =	sld [smem:$0x3FAE]  }
0x2d: {  	s3 =	simm.s32 $0x108;
	s8 =	sld [smem:$0x3FAF]  }
0x2e: {  	s3 =	simm.s32 @!p0 $0x1082;
	s9 =	sld [smem:$0x3FB0]  }
0x2f: {  	lr =	sadd.s32 s0, s3;
	s0 =	sld [smem:$0x3FA7]  }
0x30: {  	s3 =	sld [smem:$0x3FAA]  }
0x31: {  	[smem:$0x3FB3] =	sst s10  }
0x32: {  	s10 =	sld [smem:$0x3FB1];
	_ =	sdelay $0x3  }
0x33: {  	p0 =	seq.s32 s10, $0x1;
	s10 =	sld [smem:$0x3FB3];
	_ =	sdelay $0x3  }
0x34: {  	[smem:$0x3FB3] =	sst s10  }
0x35: {  	s10 =	sld [smem:$0x3FB2];
	_ =	sdelay $0x3  }
0x36: {  	p1 =	seq.s32 s10, $0x1;
	s10 =	sld [smem:$0x3FB3];
	_ =	sdelay $0x3  }
0x37: {  	[smem:$0x3FB3] =	sst s10  }
0x38: {  	s10 =	sld [smem:$0x3FB4]  }
0x39: {  	_ = 	snop;
	(pc) =	sbr.ind lr, $3  }
0x3a: {  	_ = 	snop  }
0x3b: {  	_ = 	snop  }
0x3c: {  	p2 =	seq.s32 s10, $0x1;
	s10 =	sld [smem:$0x3FB3]  }
0x3d: {  	_ =	shalt  }
0x3e: {  	_ =	shalt  }
0x3f: {  	_ =	shalt  }
0x40: {  	_ =	shalt  }
0x41: {  	_ =	shalt  }
0x42: {  	_ =	shalt  }
0x43: {  	_ =	shalt  }
0x44: {  	_ =	shalt  }
0x45: {  	_ =	shalt  }
0x46: {  	_ =	shalt  }
0x47: {  	_ =	shalt  }
0x48: {  	_ =	shalt  }
0x49: {  	_ =	shalt  }
0x4a: {  	_ =	shalt  }
0x4b: {  	_ =	shalt  }
0x4c: {  	_ =	shalt  }
0x4d: {  	_ =	shalt  }
0x4e: {  	_ =	shalt  }
0x4f: {  	_ =	shalt  }
0x50: {  	_ =	shalt  }
0x51: {  	_ =	shalt  }
0x52: {  	_ =	shalt  }
0x53: {  	_ =	shalt  }
0x54: {  	_ =	shalt  }
0x55: {  	_ =	shalt  }
0x56: {  	_ =	shalt  }
0x57: {  	_ =	shalt  }
0x58: {  	_ =	shalt  }
0x59: {  	_ =	shalt  }
0x5a: {  	_ =	shalt  }
0x5b: {  	_ =	shalt  }
0x5c: {  	_ =	shalt  }
0x5d: {  	_ =	shalt  }
0x5e: {  	_ =	shalt  }
0x5f: {  	_ =	shalt  }
0x60: {  	_ =	shalt  }
0x61: {  	_ =	shalt  }
0x62: {  	_ =	shalt  }
0x63: {  	_ =	shalt  }
0x64: {  	_ =	shalt  }
0x65: {  	_ =	shalt  }
0x66: {  	_ =	shalt  }
0x67: {  	_ =	shalt  }
0x68: {  	_ =	shalt  }
0x69: {  	_ =	shalt  }
0x6a: {  	_ =	shalt  }
0x6b: {  	_ =	shalt  }
0x6c: {  	_ =	shalt  }
0x6d: {  	_ =	shalt  }
0x6e: {  	_ =	shalt  }
0x6f: {  	_ =	shalt  }
0x70: {  	_ =	shalt  }
0x71: {  	_ =	shalt  }
0x72: {  	_ =	shalt  }
0x73: {  	_ =	shalt  }
0x74: {  	_ =	shalt  }
0x75: {  	_ =	shalt  }
0x76: {  	_ =	shalt  }
0x77: {  	_ =	shalt  }
0x78: {  	_ =	shalt  }
0x79: {  	_ =	shalt  }
0x7a: {  	_ =	shalt  }
0x7b: {  	_ =	shalt  }
0x7c: {  	_ =	shalt  }
0x7d: {  	_ =	shalt  }
0x7e: {  	_ =	shalt  }
0x7f: {  	_ =	shalt  }
0x80: {  	_ =	shalt  }
0x81: {  	_ =	shalt  }
0x82: {  	_ =	shalt  }
0x83: {  	_ =	shalt  }
0x84: {  	_ =	shalt  }
0x85: {  	_ =	shalt  }
0x86: {  	_ =	shalt  }
0x87: {  	_ =	shalt  }
.Lfunc_end0:
.L_simem_size_0:
called_computation_lowered:
.L_overlay_start_0:
0x88: {  	s2 =	sld [smem:$0x3FD9]  }
0x89: {  	s3 =	sld [smem:$0x3FFE];
	_ =	sdelay $0x1  }
0x8a: {  	s1 =	srdreg.scid  }
0x8b: {  	s0 =	sand.u32 $0x1, s1  }
0x8c: {  	s17 =	sshll.u32 s0, $0xA;
	s2 =	sadd.s32 s3, s2  }
0x8d: {  	s2 =	sadd.s32 s2, s17  }
0x8e: {  	[smem:$0x3FBF] =	sst s2  }
0x8f: {  	_ = 	snop  }
0x90: {  	s2 =	sld [smem:$0x3FD0];
	(tm) =	ssettm $0x1  }
0x91: {  	s18 =	sld [smem:$0x3FFB];
	_ =	sdelay $0x3  }
0x92: {  	_ =	strace s18  }
0x93: {  	s3 =	sld [smem:$0x3FFC];
	_ =	sdelay $0x3  }
0x94: {  	_ =	strace s3  }
0x95: {  	s3 =	sld [smem:$0x3FFD];
	_ =	sdelay $0x3  }
0x96: {  	_ =	strace s3  }
0x97: {  	_ =	strace $0x8FFFFFFF  }
0x98: {  	s19 =	sld [smem:$0x3FDB];
	_ =	sdelay $0x1  }
0x99: {  	s4 =	simm.s32 $_scs_section_size  }
0x9a: {  	s5 =	simm.s32 $_size__tile_overlayer_lowered;
	s6 =	simm.s32 $_tile_overlayer_lowered  }
0x9b: {  	s22 =	simm.s32 $0x1BFF;
	s21 =	sshll.u32 s6, $0x1;
	s3 =	sadd.s32 s4, s19  }
0x9c: {  	s7 =	simm.s32 $0x0;
	s20 =	sshll.u32 s5, $0x1;
	s5 =	sadd.s32 s21, s3  }
0x9d: {  	[timem:s7], [sflag:s22] =	dma.local [hbm:s5], s20  }
0x9e: {  	_ =	swait.ge [sflag:s22], s20  }
0x9f: {  	s4 =	ssub.s32 $0x0, s20;
	[sflag:s22] =	ssyncset.done $0x0  }
0xa0: {  	[sflag:s22] =	ssyncadd.s32 s4;
	_ =	sdelay $0x1  }
0xa1: {  	s23 =	simm.s32 $0x1B8B  }
0xa2: {  	_ =	swait.ge [sflag:s23], $0x1  }
0xa3: {  	[sflag:s23] =	ssyncset.done $0x0  }
0xa4: {  	s25 =	simm.s32 $0x1B8E;
	s24 =	sld [smem:$0x3FFE];
	[sflag:s23] =	ssyncadd.s32 $0xFFFFFFFF  }
0xa5: {  	s26 =	simm.s32 $execute0_lowered;
	[smem:$0x3FD2] =	sst s25  }
0xa6: {  	s5 =	sshll.u32 s26, $0x1;
	_ =	strace $0x80000046;
	[dreg:$0x1] =	wrdreg $0xFFFFFFFF  }
0xa7: {  	s28 =	simm.s32 $_size_execute0_lowered;
	s3 =	sadd.s32 s3, s5;
	[dreg:$0x0] =	wrdreg $0x0  }
0xa8: {  	s5 =	sshll.u32 s28, $0x1;
	[dreg:$0x2] =	wrdreg s3  }
0xa9: {  	[dreg:$0x3] =	wrdreg s5  }
0xaa: {  	[dreg:$0x4] =	wrdreg $0xC0  }
0xab: {  	_ =	task [dreg:s7], $0x5FFFF  }
0xac: {  	[dreg:$0x1] =	wrdreg $0xFFFFFFFF  }
0xad: {  	[dreg:$0x0] =	wrdreg $0x60  }
0xae: {  	[dreg:$0x2] =	wrdreg s24  }
0xaf: {  	[dreg:$0x3] =	wrdreg s2  }
0xb0: {  	[dreg:$0x4] =	wrdreg $0x4F000  }
0xb1: {  	[dreg:$0x5] =	wrdreg $0x9  }
0xb2: {  	_ =	task.clear_ibuf [dreg:s7], $0x6FFFF;
	_ =	strace $0x90000046  }
0xb3: {  	s29 =	simm.s32 $0x9;
	_ =	strace $0x80000048  }
0xb4: {  	_ =	swait.ge [sflag:s29], $0x1  }
0xb5: {  	[sflag:s29] =	ssyncadd.s32 $0xFFFFFFFF  }
0xb6: {  	_ =	strace $0x90000048  }
0xb7: {  	_ =	sfence  }
0xb8: {  	s30 =	sld [smem:$0x0];
	_ =	sdelay $0x2  }
0xb9: {  	s31 =	sshll.u32 s1, $0xD;
	s1 =	sshrl.u32 s1, $0x2  }
0xba: {  	s3 =	sand.u32 $0x4000, s31;
	s1 =	sadd.s32 s1, s30  }
0xbb: {  	s0 =	sor.u32 s3, s0;
	s1 =	sshll.u32 s1, $0x11  }
0xbc: {  	s0 =	sor.u32 s1, s0  }
0xbd: {  	s0 =	sadd.s32 $0x8F2B, s0  }
0xbe: {  	[sflag:s0] =	ssyncadd.remote.s32 $0x1  }
0xbf: {  	_ =	sfence.sel $0xFFFF  }
0xc0: {  	[dreg:$0x0] =	wrdreg $0xFFFFFFFF;
	(pc) =	sbr.abs _section_cstart, $3  }
0xc1: {  	[dreg:$0x1] =	wrdreg $0xFFFFFFFF  }
0xc2: {  	_ =	task.clear_ibuf [dreg:s7], $0x2FFFF;
	_ =	strace $0x9FFFFFFF  }
0xc3: {  	(tm) =	ssettm $0x7FFFFFFF  }
tec
execute0_lowered:
.L_overlay_start_1:
0x0: {  	(tag) =	ssettag $0x1  }
0x1: {  	s0 =	rddreg [dreg:$0x0]  }
0x2: {  	s2 =	rddreg [dreg:$0x1]  }
0x3: {  	s1 =	rddreg [dreg:$0x2];
	s3 =	srdreg.scid  }
0x4: {  	s14 =	stileid.u32;
	s16 =	simm.s32 $0x300;
	s17 =	simm.s32 $0x2  }
0x5: {  	s29 =	simm.s32 $0x200;
	s18 =	simm.s32 $0x1B00;
	s30 =	simm.s32 $0x280  }
0x6: {  	s19 =	simm.s32 $0x4;
	s31 =	simm.s32 $0x100;
	s28 =	simm.s32 $0x0  }
0x7: {  	s6 =	sand.u32 $0x1, s3;
	s3 =	simm.s32 $0x0;
	s11 =	sshll.u32 s14, $0xA  }
0x8: {  	s12 =	smul.u32 $0x2760, s14;
	p0 =	sgt.u32 s14, $0x9;
	s4 =	sshll.u32 s6, $0x4  }
0x9: {  	[smem:$0x7FF] =	sst s3;
	s20 =	ssub.s32 $0x2, s6;
	s9 =	smul.u32 $0x2800, s6  }
0xa: {  	s10 =	smul.u32 $0x27600, s6;
	_ =	strace $0x80000047;
	[dreg:$0x7] =	wrdreg s29  }
0xb: {  	s5 =	sor.u32 s14, s4;
	s4 =	sadd.s32 $0x3000, s0;
	[dreg:$0x8] =	wrdreg s30  }
0xc: {  	s8 =	sshrl.u32 s20, $0x1;
	s14 =	simm.s32 $0x30;
	[dreg:$0x9] =	wrdreg s31  }
0xd: {  	s7 =	smul.u32 $0x2760, s5;
	s5 =	sadd.s32 $0x2800, s0;
	s0 =	ssub.s32 s20, s8  }
0xe: {  	s9 =	sadd.s32 s11, s9;
	s23 =	sadd.s32 s12, s10;
	s20 =	simm.s32 $0x3  }
0xf: {  	s9 =	sshrl.u32 s9, $0x3;
	s10 =	sadd.s32 $0xC0, s23;
	s12 =	sadd.s32 $0x60, s23  }
0x10: {  	s0 =	smax.u32 s0, $0x1;
	s7 =	sshrl.u32 s7, $0x3;
	s2 =	sadd.s32 s2, s9  }
0x11: {  	s24 =	sshrl.u32 s10, $0x3;
	[dreg:$0xd] =	wrdreg s0;
	s26 =	sshrl.u32 s12, $0x3  }
0x12: {  	s0 =	sadd.s32 $0x90, s23;
	s12 =	simm.s32 $0x80;
	s23 =	simm.s32 $0x6  }
0x13: {  	s21 =	sadd.s32 s4, s7;
	s7 =	sadd.s32 s11, s1;
	[dreg:$0xc] =	wrdreg s2  }
0x14: {  	s25 =	sadd.s32 s24, s4;
	s2 =	sadd.s32 s26, s4;
	[dreg:$0xa] =	wrdreg s21  }
0x15: {  	s24 =	simm.s32 $0x7;
	s26 =	simm.s32 $0x9;
	[dreg:$0x5] =	wrdreg s25  }
0x16: {  	s22 =	sadd.s32 $0x6, s21;
	s13 =	sadd.s32 $0xC, s21;
	[dreg:$0x6] =	wrdreg s2  }
0x17: {  	s21 =	simm.s32 $0x3300;
	s25 =	simm.s32 $0x8;
	[dreg:$0xb] =	wrdreg s22  }
0x18: {  	v0 =	vimm.f32 $0.0e+00;
	[dreg:$0x4] =	wrdreg s13;
	s13 =	simm.s32 $0x1;
	s22 =	simm.s32 $0x5  }
.LBB2_1:
0x19: {  	[tilespmem:$0x4B00] =	vst v0  }
0x1a: {  	[tilespmem:$0x4B10] =	vst v0  }
0x1b: {  	[tilespmem:$0x4B20] =	vst v0  }
0x1c: {  	[tilespmem:$0x4B30] =	vst v0  }
0x1d: {  	[tilespmem:$0x4B40] =	vst v0  }
0x1e: {  	[tilespmem:$0x4B50] =	vst v0  }
0x1f: {  	[tilespmem:$0x4B60] =	vst v0  }
0x20: {  	[tilespmem:$0x4B70] =	vst v0  }
0x21: {  	[tilespmem:$0x4B80] =	vst v0  }
0x22: {  	[tilespmem:$0x4B90] =	vst v0  }
0x23: {  	[tilespmem:$0x4BA0] =	vst v0  }
0x24: {  	[tilespmem:$0x4BB0] =	vst v0  }
0x25: {  	[tilespmem:$0x4BC0] =	vst v0  }
0x26: {  	[tilespmem:$0x4BD0] =	vst v0  }
0x27: {  	[tilespmem:$0x4BE0] =	vst v0  }
0x28: {  	[tilespmem:$0x4BF0] =	vst v0  }
0x29: {  	[tilespmem:$0x4C00] =	vst v0  }
0x2a: {  	[tilespmem:$0x4C10] =	vst v0  }
0x2b: {  	[tilespmem:$0x4C20] =	vst v0  }
0x2c: {  	[tilespmem:$0x4C30] =	vst v0  }
0x2d: {  	[tilespmem:$0x4C40] =	vst v0  }
0x2e: {  	[tilespmem:$0x4C50] =	vst v0  }
0x2f: {  	[tilespmem:$0x4C60] =	vst v0  }
0x30: {  	[tilespmem:$0x4C70] =	vst v0  }
0x31: {  	[tilespmem:$0x4C80] =	vst v0  }
0x32: {  	[tilespmem:$0x4C90] =	vst v0  }
0x33: {  	[tilespmem:$0x4CA0] =	vst v0  }
0x34: {  	[tilespmem:$0x4CB0] =	vst v0  }
0x35: {  	[tilespmem:$0x4CC0] =	vst v0  }
0x36: {  	[tilespmem:$0x4CD0] =	vst v0  }
0x37: {  	[tilespmem:$0x4CE0] =	vst v0  }
0x38: {  	[tilespmem:$0x4CF0] =	vst v0  }
0x39: {  	[tilespmem:$0x4D00] =	vst v0  }
0x3a: {  	[tilespmem:$0x4D10] =	vst v0  }
0x3b: {  	[tilespmem:$0x4D20] =	vst v0  }
0x3c: {  	[tilespmem:$0x4D30] =	vst v0  }
0x3d: {  	[tilespmem:$0x4D40] =	vst v0  }
0x3e: {  	[tilespmem:$0x4D50] =	vst v0  }
0x3f: {  	[tilespmem:$0x4D60] =	vst v0  }
0x40: {  	[tilespmem:$0x4D70] =	vst v0  }
0x41: {  	[tilespmem:$0x4D80] =	vst v0  }
0x42: {  	[tilespmem:$0x4D90] =	vst v0  }
0x43: {  	[tilespmem:$0x4DA0] =	vst v0  }
0x44: {  	[tilespmem:$0x4DB0] =	vst v0  }
0x45: {  	[tilespmem:$0x4DC0] =	vst v0  }
0x46: {  	[tilespmem:$0x4DD0] =	vst v0  }
0x47: {  	[tilespmem:$0x4DE0] =	vst v0  }
0x48: {  	[tilespmem:$0x4DF0] =	vst v0  }
0x49: {  	[tilespmem:$0x4E00] =	vst v0  }
0x4a: {  	[tilespmem:$0x4E10] =	vst v0  }
0x4b: {  	[tilespmem:$0x4E20] =	vst v0  }
0x4c: {  	[tilespmem:$0x4E30] =	vst v0  }
0x4d: {  	[tilespmem:$0x4E40] =	vst v0  }
0x4e: {  	[tilespmem:$0x4E50] =	vst v0  }
0x4f: {  	[tilespmem:$0x4E60] =	vst v0  }
0x50: {  	[tilespmem:$0x4E70] =	vst v0  }
0x51: {  	[tilespmem:$0x4E80] =	vst v0  }
0x52: {  	[tilespmem:$0x4E90] =	vst v0  }
0x53: {  	[tilespmem:$0x4EA0] =	vst v0  }
0x54: {  	[tilespmem:$0x4EB0] =	vst v0  }
0x55: {  	[tilespmem:$0x4EC0] =	vst v0  }
0x56: {  	[tilespmem:$0x4ED0] =	vst v0  }
0x57: {  	[tilespmem:$0x4EE0] =	vst v0  }
0x58: {  	[tilespmem:$0x4EF0] =	vst v0;
	s2 =	simm.s32 @!p0 $0x4B00  }
0x59: {  	[spmem:s7] =	stream.linear.scatter @!p0 [tilespmem:s2], [sflag:$0xA], $0x400, $0x38;
	[tilespmem:$0x5180] =	vst v63  }
0x5a: {  	s2 =	simm.s32 @!p0 $0xA  }
0x5b: {  	_ =	swait.ge @!p0 [sflag:s2], $0x400  }
0x5c: {  	[sflag:s2] =	ssyncset.done @!p0 $0x0  }
0x5d: {  	[sflag:s2] =	ssyncadd.s32 @!p0 $0xFFFFFC00  }
0x5e: {  	[bflag:$0x0] =	sbarrier.arrive $0xFFFF  }
0x5f: {  	s9 =	rddreg [dreg:$0xa]  }
0x60: {  	[tilespmem:s3], [sflag:$0x1] =	stream.linear.gather [hbm4b:s9+s3], $0x30, $0x38;
	[tilespmem:$0x5180] =	vst v63  }
0x61: {  	s10 =	rddreg [dreg:$0xb]  }
0x62: {  	[tilespmem:s12], [sflag:$0x2] =	stream.linear.gather [hbm4b:s10+s3], $0x30, $0x38;
	[tilespmem:$0x5180] =	vst v63  }
0x63: {  	_ =	swait.ge [sflag:s13], $0x30  }
0x64: {  	[sflag:s13] =	ssyncset.done $0x0  }
0x65: {  	[sflag:s13] =	ssyncadd.s32 $0xFFFFFFD0  }
0x66: {  	v1 =	vld [tilespmem:$0x0];
	_ =	sdelay $0x1  }
0x67: {  	v2 =	vld [tilespmem:$0x10];
	_ =	sdelay $0x1  }
0x68: {  	v3 =	vld [tilespmem:$0x20]  }
0x69: {  	v4 =	vand.u32 $0x7F, v1  }
0x6a: {  	v1 =	vshrl.u32 v1, $0x7;
	[tilespmem:$0x180] =	vst v4  }
0x6b: {  	[tilespmem:$0x0] =	vst v1;
	v1 =	vand.u32 $0x7F, v2  }
0x6c: {  	[tilespmem:$0x190] =	vst v1;
	v1 =	vshrl.u32 v2, $0x7  }
0x6d: {  	[tilespmem:$0x10] =	vst v1;
	v1 =	vand.u32 $0x7F, v3  }
0x6e: {  	p1 =	por $0x1, $0x1;
	[tilespmem:$0x1A0] =	vst v1;
	v1 =	vshrl.u32 v3, $0x7  }
0x6f: {  	s11 =	simm.s32 $0x180;
	s2 =	simm.s32 @!p1 $0x9;
	[tilespmem:$0x20] =	vst v1  }
0x70: {  	[tilespmem:s16], [sflag:$0x4] =	stream.indirect.gather [hbm4b:s5+s14], $0x80, s11, s14, $0xb8;
	[tilespmem:$0x5180] =	vst v63  }
0x71: {  	p2 =	por $0x0, $0x0;
	_ =	swait.ge @!p1 [sflag:s2], $0x1800  }
0x72: {  	s29 =	simm.s32 @!p1 $0x0;
	s11 =	rddreg [dreg:$0x6];
	[sflag:s2] =	ssyncset.done @!p1 $0x0  }
0x73: {  	s30 =	simm.s32 @!p1 $0x100;
	[sflag:s2] =	ssyncadd.s32 @!p1 $0xFFFFE800;
	s2 =	sadd.s32 @!p1 $0x0, s11  }
0x74: {  	[tilespmem:s30], [sflag:$0x3] =	stream.linear.gather @!p1 [hbm4b:s2+s29], $0x30, $0x38;
	[tilespmem:$0x5180] =	vst v63  }
0x75: {  	s11 =	rddreg [dreg:$0x4];
	s2 =	simm.s32 @!p2 $0x0;
	s29 =	simm.s32 @!p2 $0x100  }
0x76: {  	[tilespmem:s29], [sflag:$0x3] =	stream.linear.gather @!p2 [hbm4b:s11+s2], $0x30, $0x38;
	[tilespmem:$0x5180] =	vst v63  }
0x77: {  	_ =	swait.ge [sflag:s17], $0x30  }
0x78: {  	[sflag:s17] =	ssyncset.done $0x0  }
0x79: {  	[sflag:s17] =	ssyncadd.s32 $0xFFFFFFD0  }
0x7a: {  	v1 =	vld [tilespmem:$0x90]  }
0x7b: {  	v3 =	vld [tilespmem:$0x80];
	_ =	sdelay $0x1  }
0x7c: {  	v2 =	vld [tilespmem:$0xA0];
	_ =	sdelay $0x1  }
0x7d: {  	v4 =	vand.u32 $0x7F, v1  }
0x7e: {  	v5 =	vand.u32 $0x7F, v3;
	[tilespmem:$0x210] =	vst v4  }
0x7f: {  	v1 =	vshrl.u32 v1, $0x7;
	[tilespmem:$0x200] =	vst v5  }
0x80: {  	v4 =	vshrl.u32 v2, $0x7;
	[tilespmem:$0x90] =	vst v1  }
0x81: {  	v2 =	vand.u32 $0x7F, v2;
	[tilespmem:$0xA0] =	vst v4  }
0x82: {  	[tilespmem:$0x220] =	vst v2;
	v2 =	vshrl.u32 v3, $0x7  }
0x83: {  	s15 =	rddreg [dreg:$0x7];
	[tilespmem:$0x80] =	vst v2  }
0x84: {  	[tilespmem:s18], [sflag:$0x5] =	stream.indirect.gather [hbm4b:s5+s14], $0x80, s15, s14, $0xb8;
	[tilespmem:$0x5180] =	vst v63  }
0x85: {  	_ =	swait.ge [sflag:s19], $0x1800  }
0x86: {  	p1 =	por $0x0, $0x0;
	[sflag:s19] =	ssyncset.done $0x0  }
0x87: {  	s2 =	simm.s32 @!p1 $0x7;
	[sflag:s19] =	ssyncadd.s32 $0xFFFFE800  }
0x88: {  	[spmem:s1] =	stream.indirect.scatter.add.f32 [tilespmem:s16], [sflag:$0x7], $0x80, s3, s14, $0xb8;
	[tilespmem:$0x5180] =	vst v63  }
0x89: {  	_ =	swait.ge @!p1 [sflag:s2], $0x1800  }
0x8a: {  	s11 =	sshrl.u32 @!p1 s0, $0x3;
	[sflag:s2] =	ssyncset.done @!p1 $0x0  }
0x8b: {  	s11 =	sadd.s32 @!p1 s4, s11;
	[sflag:s2] =	ssyncadd.s32 @!p1 $0xFFFFE800;
	s2 =	simm.s32 @!p1 $0x0  }
0x8c: {  	[tilespmem:s2], [sflag:$0x1] =	stream.linear.gather @!p1 [hbm4b:s11+s2], $0x30, $0x38;
	[tilespmem:$0x5180] =	vst v63  }
0x8d: {  	_ =	swait.ge [sflag:s20], $0x30  }
0x8e: {  	[sflag:s20] =	ssyncset.done $0x0  }
0x8f: {  	[sflag:s20] =	ssyncadd.s32 $0xFFFFFFD0  }
0x90: {  	v3 =	vld [tilespmem:$0x120];
	_ =	sdelay $0x3  }
0x91: {  	s31 =	simm.s32 $0x12;
	v2 =	vld [tilespmem:$0x100]  }
0x92: {  	s30 =	simm.s32 $0xFFFFFFFF;
	s29 =	simm.s32 $0x0;
	s11 =	smov.u32 s0;
	v1 =	vld [tilespmem:$0x110];
	v4 =	vand.u32 $0x7F, v3;
	v3 =	vshrl.u32 v3, $0x7  }
.LBB2_2:
0x93: {  	_ =	sdelay $0x1  }
0x94: {  	[tilespmem:$0x2A0] =	vst v4  }
0x95: {  	[tilespmem:$0x120] =	vst v3;
	v5 =	vand.u32 $0x7F, v2  }
0x96: {  	v4 =	vand.u32 $0x7F, v1;
	v1 =	vshrl.u32 v1, $0x7;
	[tilespmem:$0x280] =	vst v5  }
0x97: {  	v2 =	vshrl.u32 v2, $0x7;
	[tilespmem:$0x110] =	vst v1  }
0x98: {  	[tilespmem:$0x100] =	vst v2  }
0x99: {  	s8 =	rddreg [dreg:$0x8];
	[tilespmem:$0x290] =	vst v4  }
0x9a: {  	[tilespmem:s21], [sflag:$0x6] =	stream.indirect.gather [hbm4b:s5+s14], $0x80, s8, s14, $0xb8;
	[tilespmem:$0x5180] =	vst v63  }
0x9b: {  	_ =	swait.ge [sflag:s22], $0x1800  }
0x9c: {  	[sflag:s22] =	ssyncset.done $0x0  }
0x9d: {  	s8 =	simm.s32 @!p1 $0x8;
	[sflag:s22] =	ssyncadd.s32 $0xFFFFE800  }
0x9e: {  	[spmem:s1] =	stream.indirect.scatter.add.f32 [tilespmem:s18], [sflag:$0x8], $0x80, s12, s14, $0xb8;
	[tilespmem:$0x5180] =	vst v63  }
0x9f: {  	_ =	swait.ge @!p1 [sflag:s8], $0x1800  }
0xa0: {  	[sflag:s8] =	ssyncset.done @!p1 $0x0  }
0xa1: {  	s9 =	rddreg [dreg:$0x5];
	[sflag:s8] =	ssyncadd.s32 @!p1 $0xFFFFE800  }
0xa2: {  	s8 =	simm.s32 @!p1 $0x1;
	s9 =	sadd.s32 @!p1 s29, s9;
	s29 =	simm.s32 @!p1 $0x80  }
0xa3: {  	[tilespmem:s29], [sflag:$0x2] =	stream.linear.gather @!p1 [hbm4b:s9+s2], $0x30, $0x38;
	[tilespmem:$0x5180] =	vst v63  }
0xa4: {  	_ =	swait.ge @!p1 [sflag:s8], $0x30  }
0xa5: {  	[sflag:s8] =	ssyncset.done @!p1 $0x0  }
0xa6: {  	[sflag:s8] =	ssyncadd.s32 @!p1 $0xFFFFFFD0  }
0xa7: {  	v1 =	vld @!p1 [tilespmem:$0x0];
	_ =	sdelay $0x1  }
0xa8: {  	v3 =	vld @!p1 [tilespmem:$0x20]  }
0xa9: {  	v2 =	vld @!p1 [tilespmem:$0x10];
	_ =	sdelay $0x1  }
0xaa: {  	v4 =	vand.u32 @!p1 $0x7F, v1  }
0xab: {  	v1 =	vshrl.u32 @!p1 v1, $0x7;
	[tilespmem:$0x180] =	vst @!p1 v4  }
0xac: {  	[tilespmem:$0x0] =	vst @!p1 v1;
	v1 =	vand.u32 @!p1 $0x7F, v3  }
0xad: {  	v4 =	vand.u32 @!p1 $0x7F, v2;
	[tilespmem:$0x1A0] =	vst @!p1 v1  }
0xae: {  	v3 =	vshrl.u32 @!p1 v3, $0x7;
	[tilespmem:$0x190] =	vst @!p1 v4  }
0xaf: {  	v2 =	vshrl.u32 @!p1 v2, $0x7;
	[tilespmem:$0x20] =	vst @!p1 v3  }
0xb0: {  	s6 =	simm.s32 @!p1 $0x30;
	s2 =	simm.s32 @!p1 $0x180;
	s8 =	simm.s32 @!p1 $0x300;
	[tilespmem:$0x10] =	vst @!p1 v2  }
0xb1: {  	[tilespmem:s8], [sflag:$0x4] =	stream.indirect.gather @!p1 [hbm4b:s5+s6], $0x80, s2, s6, $0xb8;
	[tilespmem:$0x5180] =	vst v63  }
0xb2: {  	s30 =	sadd.s32 $0x3, s30;
	_ =	swait.ge [sflag:s23], $0x1800  }
0xb3: {  	s15 =	smov.u32 s31;
	p3 =	sgt.u32 s30, $0xCE;
	[sflag:s23] =	ssyncset.done $0x0  }
0xb4: {  	s10 =	simm.s32 @!p3 $0x9;
	s8 =	rddreg [dreg:$0x9];
	[sflag:s23] =	ssyncadd.s32 $0xFFFFE800  }
0xb5: {  	[spmem:s1] =	stream.indirect.scatter.add.f32 [tilespmem:s21], [sflag:$0x9], $0x80, s8, s14, $0xb8;
	[tilespmem:$0x5180] =	vst v63  }
0xb6: {  	s29 =	smov.u32 s15;
	s9 =	simm.s32 @!p3 $0x0;
	_ =	swait.ge @!p3 [sflag:s10], $0x1800  }
0xb7: {  	s15 =	simm.s32 @!p3 $0x100;
	[sflag:s10] =	ssyncset.done @!p3 $0x0;
	s2 =	rddreg [dreg:$0x6]  }
0xb8: {  	p1 =	sne.s32 s29, $0x0;
	[sflag:s10] =	ssyncadd.s32 @!p3 $0xFFFFE800;
	s2 =	sadd.s32 @!p3 s29, s2  }
0xb9: {  	[tilespmem:s15], [sflag:$0x3] =	stream.linear.gather @!p3 [hbm4b:s2+s9], $0x30, $0x38;
	[tilespmem:$0x5180] =	vst v63  }
0xba: {  	s8 =	simm.s32 @!p1 $0x100;
	s6 =	rddreg [dreg:$0x4];
	s2 =	simm.s32 @!p1 $0x0  }
0xbb: {  	[tilespmem:s8], [sflag:$0x3] =	stream.linear.gather @!p1 [hbm4b:s6+s2], $0x30, $0x38;
	[tilespmem:$0x5180] =	vst v63  }
0xbc: {  	_ =	swait.ge [sflag:s17], $0x30  }
0xbd: {  	[sflag:s17] =	ssyncset.done $0x0  }
0xbe: {  	[sflag:s17] =	ssyncadd.s32 $0xFFFFFFD0  }
0xbf: {  	v1 =	vld [tilespmem:$0x90]  }
0xc0: {  	v3 =	vld [tilespmem:$0x80];
	_ =	sdelay $0x2  }
0xc1: {  	v2 =	vld [tilespmem:$0xA0]  }
0xc2: {  	v4 =	vand.u32 $0x7F, v1  }
0xc3: {  	v5 =	vand.u32 $0x7F, v3;
	[tilespmem:$0x210] =	vst v4  }
0xc4: {  	v1 =	vshrl.u32 v1, $0x7;
	[tilespmem:$0x200] =	vst v5  }
0xc5: {  	v3 =	vshrl.u32 v3, $0x7;
	[tilespmem:$0x90] =	vst v1  }
0xc6: {  	v4 =	vand.u32 $0x7F, v2;
	v2 =	vshrl.u32 v2, $0x7;
	[tilespmem:$0x80] =	vst v3  }
0xc7: {  	[tilespmem:$0xA0] =	vst v2  }
0xc8: {  	s15 =	rddreg [dreg:$0x7];
	[tilespmem:$0x220] =	vst v4  }
0xc9: {  	[tilespmem:s18], [sflag:$0x5] =	stream.indirect.gather [hbm4b:s5+s14], $0x80, s15, s14, $0xb8;
	[tilespmem:$0x5180] =	vst v63  }
0xca: {  	_ =	swait.ge [sflag:s19], $0x1800  }
0xcb: {  	p1 =	seq.s32 s29, $0x4DA;
	[sflag:s19] =	ssyncset.done $0x0  }
0xcc: {  	s2 =	simm.s32 @!p1 $0x7;
	[sflag:s19] =	ssyncadd.s32 $0xFFFFE800  }
0xcd: {  	[spmem:s1] =	stream.indirect.scatter.add.f32 [tilespmem:s16], [sflag:$0x7], $0x80, s3, s14, $0xb8;
	[tilespmem:$0x5180] =	vst v63  }
0xce: {  	s11 =	sadd.s32 $0x90, s11;
	_ =	swait.ge @!p1 [sflag:s2], $0x1800  }
0xcf: {  	s6 =	sshrl.u32 @!p1 s11, $0x3;
	[sflag:s2] =	ssyncset.done @!p1 $0x0  }
0xd0: {  	s6 =	sadd.s32 @!p1 s4, s6;
	[sflag:s2] =	ssyncadd.s32 @!p1 $0xFFFFE800;
	s2 =	simm.s32 @!p1 $0x0  }
0xd1: {  	[tilespmem:s2], [sflag:$0x1] =	stream.linear.gather @!p1 [hbm4b:s6+s2], $0x30, $0x38;
	[tilespmem:$0x5180] =	vst v63  }
0xd2: {  	_ =	swait.ge [sflag:s20], $0x30  }
0xd3: {  	[sflag:s20] =	ssyncset.done $0x0  }
0xd4: {  	s31 =	sadd.s32 $0x12, s31;
	[sflag:s20] =	ssyncadd.s32 $0xFFFFFFD0  }
0xd5: {  	p2 =	sne.s32 s31, $0x4EC;
	v3 =	vld [tilespmem:$0x120]  }
.Ltmp0:
0xd6: {  	_ = 	snop;
	(pc) =	sbr.rel @p2 .LBB2_2-.Ltmp0, $3  }
0xd7: {  	_ =	sdelay $0x1  }
0xd8: {  	v2 =	vld [tilespmem:$0x100]  }
0xd9: {  	v1 =	vld [tilespmem:$0x110];
	v4 =	vand.u32 $0x7F, v3;
	v3 =	vshrl.u32 v3, $0x7  }
0xda: {  	_ =	sdelay $0x1  }
0xdb: {  	[tilespmem:$0x2A0] =	vst v4  }
0xdc: {  	[tilespmem:$0x120] =	vst v3;
	v63 =	vand.u32 $0x7F, v2  }
0xdd: {  	v2 =	vshrl.u32 v2, $0x7;
	[tilespmem:$0x280] =	vst v63  }
0xde: {  	v3 =	vshrl.u32 v1, $0x7;
	[tilespmem:$0x100] =	vst v2  }
0xdf: {  	v1 =	vand.u32 $0x7F, v1;
	[tilespmem:$0x110] =	vst v3  }
0xe0: {  	s6 =	rddreg [dreg:$0x8];
	[tilespmem:$0x290] =	vst v1  }
0xe1: {  	[tilespmem:s21], [sflag:$0x6] =	stream.indirect.gather [hbm4b:s5+s14], $0x80, s6, s14, $0xb8;
	[tilespmem:$0x5180] =	vst v63  }
0xe2: {  	_ =	swait.ge [sflag:s22], $0x1800  }
0xe3: {  	[sflag:s22] =	ssyncset.done $0x0  }
0xe4: {  	s6 =	simm.s32 @!p1 $0x8;
	[sflag:s22] =	ssyncadd.s32 $0xFFFFE800  }
0xe5: {  	[spmem:s1] =	stream.indirect.scatter.add.f32 [tilespmem:s18], [sflag:$0x8], $0x80, s12, s14, $0xb8;
	[tilespmem:$0x5180] =	vst v63  }
0xe6: {  	_ =	swait.ge @!p1 [sflag:s6], $0x1800  }
0xe7: {  	s9 =	simm.s32 @!p1 $0x80;
	s8 =	rddreg [dreg:$0x5];
	[sflag:s6] =	ssyncset.done @!p1 $0x0  }
0xe8: {  	[sflag:s6] =	ssyncadd.s32 @!p1 $0xFFFFE800;
	s6 =	simm.s32 @!p1 $0x1;
	s8 =	sadd.s32 @!p1 s29, s8  }
0xe9: {  	[tilespmem:s9], [sflag:$0x2] =	stream.linear.gather @!p1 [hbm4b:s8+s2], $0x30, $0x38;
	[tilespmem:$0x5180] =	vst v63  }
0xea: {  	_ =	swait.ge @!p1 [sflag:s6], $0x30  }
0xeb: {  	[sflag:s6] =	ssyncset.done @!p1 $0x0  }
0xec: {  	[sflag:s6] =	ssyncadd.s32 @!p1 $0xFFFFFFD0  }
0xed: {  	v1 =	vld @!p1 [tilespmem:$0x0];
	_ =	sdelay $0x1  }
0xee: {  	v2 =	vld @!p1 [tilespmem:$0x20]  }
0xef: {  	v3 =	vld @!p1 [tilespmem:$0x10];
	_ =	sdelay $0x1  }
0xf0: {  	v4 =	vand.u32 @!p1 $0x7F, v1  }
0xf1: {  	v1 =	vshrl.u32 @!p1 v1, $0x7;
	[tilespmem:$0x180] =	vst @!p1 v4  }
0xf2: {  	[tilespmem:$0x0] =	vst @!p1 v1;
	v1 =	vand.u32 @!p1 $0x7F, v2  }
0xf3: {  	v4 =	vand.u32 @!p1 $0x7F, v3;
	[tilespmem:$0x1A0] =	vst @!p1 v1  }
0xf4: {  	v1 =	vshrl.u32 @!p1 v2, $0x7;
	[tilespmem:$0x190] =	vst @!p1 v4  }
0xf5: {  	v2 =	vshrl.u32 @!p1 v3, $0x7;
	[tilespmem:$0x20] =	vst @!p1 v1  }
0xf6: {  	s2 =	simm.s32 @!p1 $0x180;
	s8 =	simm.s32 @!p1 $0x30;
	s6 =	simm.s32 @!p1 $0x300;
	[tilespmem:$0x10] =	vst @!p1 v2  }
0xf7: {  	[tilespmem:s6], [sflag:$0x4] =	stream.indirect.gather @!p1 [hbm4b:s5+s8], $0x80, s2, s8, $0xb8;
	[tilespmem:$0x5180] =	vst v63  }
0xf8: {  	_ =	swait.ge [sflag:s23], $0x1800  }
0xf9: {  	[sflag:s23] =	ssyncset.done $0x0  }
0xfa: {  	s30 =	rddreg [dreg:$0x9];
	[sflag:s23] =	ssyncadd.s32 $0xFFFFE800  }
0xfb: {  	[spmem:s1] =	stream.indirect.scatter.add.f32 [tilespmem:s21], [sflag:$0x9], $0x80, s30, s14, $0xb8;
	[tilespmem:$0x5180] =	vst v63  }
0xfc: {  	_ =	swait.ge [sflag:s24], $0x1800  }
0xfd: {  	[sflag:s24] =	ssyncset.done $0x0  }
0xfe: {  	[sflag:s24] =	ssyncadd.s32 $0xFFFFE800  }
0xff: {  	_ =	swait.ge [sflag:s25], $0x1800  }
0x100: {  	[sflag:s25] =	ssyncset.done $0x0  }
0x101: {  	[sflag:s25] =	ssyncadd.s32 $0xFFFFE800  }
0x102: {  	_ =	swait.ge [sflag:s26], $0x1800  }
0x103: {  	[sflag:s26] =	ssyncset.done $0x0  }
0x104: {  	[sflag:s26] =	ssyncadd.s32 $0xFFFFE800  }
0x105: {  	s2 =	simm.s32 @!p0 $0x4B00;
	s6 =	simm.s32 @!p0 $0xA;
	[bflag:$0x0] =	sbarrier.arrive $0xFFFF  }
0x106: {  	[tilespmem:s2], [sflag:$0xA] =	stream.linear.gather @!p0 [spmem:s7], $0x400, $0x38;
	[tilespmem:$0x5180] =	vst v63  }
0x107: {  	_ =	swait.ge @!p0 [sflag:s6], $0x400  }
0x108: {  	[sflag:s6] =	ssyncset.done @!p0 $0x0  }
0x109: {  	s8 =	simm.s32 @!p0 $0x0;
	s9 =	rddreg [dreg:$0xc];
	[sflag:s6] =	ssyncadd.s32 @!p0 $0xFFFFFC00  }
0x10a: {  	[hbm4b:s9+s8] =	stream.linear.scatter @!p0 [tilespmem:s2], [sflag:$0xA], $0x400, $0x38;
	[tilespmem:$0x5180] =	vst v63  }
0x10b: {  	_ =	swait.ge @!p0 [sflag:s6], $0x400  }
0x10c: {  	s28 =	sadd.s32 $0x1, s28;
	s31 =	rddreg [dreg:$0xd]  }
0x10d: {  	p1 =	sne.s32 s28, s31  }
.Ltmp1:
0x10e: {  	_ = 	snop;
	(pc) =	sbr.rel @p1 .LBB2_1-.Ltmp1, $3  }
0x10f: {  	_ =	sdelay $0x1  }
0x110: {  	[sflag:s6] =	ssyncset.done @!p0 $0x0  }
0x111: {  	[sflag:s6] =	ssyncadd.s32 @!p0 $0xFFFFFC00  }
0x112: {  	_ =	sfence.sel $0x180000  }
0x113: {  	[bflag:$0x0] =	sbarrier.arrive $0xFFFF  }
0x114: {  	_ =	strace $0x90000047  }
0x115: {  	s0 =	stileid.u32;
	[bflag:$0x2] =	sbarrier.arrive $0xFFFF  }
0x116: {  	p0 =	sne.s32 s0, $0x0;
	s0 =	rddreg [dreg:$0x3]  }
0x117: {  	s0 =	sadd.s32 @!p0 $0x100000, s0  }
0x118: {  	[sflag:s0] =	ssyncadd.tile.s32 @!p0 $0x1;
	_ =	shalt  }
.Lfunc_end2:
_tile_overlayer_lowered:
.L_overlay_start_2:
0x119: {  	(tag) =	ssettag $0x2  }
0x11a: {  	s0 =	rddreg [dreg:$0x0];
	s2 =	stileid.u32  }
0x11b: {  	s1 =	rddreg [dreg:$0x1];
	p0 =	sne.s32 s2, $0x0  }
0x11c: {  	s3 =	rddreg [dreg:$0x2];
	[bflag:$0x3] =	sbarrier.arrive $0xFFFF;
	s2 =	simm.s32 @!p0 $0x1C0A  }
0x11d: {  	[timem:s3], [sflag:s2] =	dma.local @!p0 [hbm:s0], s1  }
0x11e: {  	s0 =	simm.s32 @!p0 $0xA  }
0x11f: {  	_ =	swait.ge @!p0 [sflag:s0], s1  }
0x120: {  	s1 =	ssub.s32 @!p0 $0x0, s1;
	[sflag:s0] =	ssyncset.done @!p0 $0x0  }
0x121: {  	[sflag:s0] =	ssyncadd.s32 @!p0 s1  }
0x122: {  	[bflag:$0x3] =	sbarrier.arrive $0xFFFF  }
0x123: {  	_ =	shalt  }

</sc_bundles>
